<compile_context>
chip_gen: v7x
topology: tpu7x:2x2x1
jax: 0.10.2.dev20260603
libtpu: 0.0.44.dev20260713+nightly
codegen_flags: <defaults>
</compile_context>

<pallas_src>
import functools

import jax
import jax.numpy as jnp
from jax import lax
from jax.experimental import pallas as pl
from jax.experimental.pallas import tpu as pltpu
from jax.experimental.pallas import tpu_sc as plsc

N = 10000
R = 200
D = 200
HD = 100
HP = 112
NVH = HP // 16
E = 160000
NC, NS = 2, 16
ETT = E // NS
ECH = 2000
CK = 16
B = 1024
BT = B // (NC * NS)

_mesh = plsc.VectorSubcoreMesh(core_axis_name="c", subcore_axis_name="s")
_sc_params = pltpu.CompilerParams(use_tc_tiling_on_sc=False, needs_layout_passes=False)


@functools.partial(
    pl.kernel,
    out_type=jax.ShapeDtypeStruct((NC, N, HP), jnp.float32),
    mesh=_mesh,
    compiler_params=_sc_params,
    scratch_types=[
        pltpu.VMEM_SHARED((N, HP), jnp.float32),
        pltpu.VMEM((R, HP), jnp.int32),
        pltpu.VMEM((ECH,), jnp.int32),
        pltpu.VMEM((ECH,), jnp.int32),
        pltpu.VMEM((ECH,), jnp.int32),
        pltpu.VMEM((ECH,), jnp.float32),
        [pltpu.VMEM((CK, HP), jnp.float32)] * 4,
        [pltpu.VMEM((CK, HP), jnp.float32)] * 4,
        [pltpu.SemaphoreType.DMA] * 4,
        [pltpu.SemaphoreType.DMA] * 4,
    ],
)
def _edge_pass(feat_hbm, src_hbm, dst_hbm, rel_hbm, norm_hbm, wds_hbm,
               zero_hbm, out_hbm,
               agg_sh, wds_v, src_v, dst_v, rel_v, norm_v, hbufs, mbufs,
               gsems, ssems):
    cid = lax.axis_index("c")
    sid = lax.axis_index("s")
    ra, rb = 632, 520

    @pl.when(sid < NS - 1)
    def _():
        pltpu.sync_copy(zero_hbm, agg_sh.at[pl.ds(sid * ra, ra)])

    @pl.when(sid == NS - 1)
    def _():
        pltpu.sync_copy(zero_hbm.at[pl.ds(0, rb)], agg_sh.at[pl.ds((NS - 1) * ra, rb)])

    pltpu.sync_copy(wds_hbm.at[cid], wds_v)
    plsc.subcore_barrier()

    lane = lax.iota(jnp.int32, 16)
    zeros16 = jnp.zeros((16,), jnp.float32)
    ebase = sid * ETT

    for j in range(CK):
        for mb in mbufs:
            mb[j, pl.ds(96, 16)] = zeros16

    def compute_chunk(hb, mbuf, ssem, eoff):
        d16 = dst_v[pl.ds(eoff, CK)]
        r16 = rel_v[pl.ds(eoff, CK)]
        n16 = norm_v[pl.ds(eoff, CK)]

        @plsc.parallel_loop(0, HD // 2, unroll=5)
        def col_body(p):
            col0 = jnp.full((16,), 0, jnp.int32) + 2 * p
            col1 = col0 + 1
            h0 = plsc.load_gather(hb, [lane, col0])
            h1 = plsc.load_gather(hb, [lane, col1])
            w0p = plsc.load_gather(wds_v, [r16, col0])
            w1p = plsc.load_gather(wds_v, [r16, col1])
            wd0 = plsc.bitcast(w0p << 16, jnp.float32)
            ws0 = plsc.bitcast(w0p & jnp.int32(-65536), jnp.float32)
            wd1 = plsc.bitcast(w1p << 16, jnp.float32)
            ws1 = plsc.bitcast(w1p & jnp.int32(-65536), jnp.float32)
            m0 = (h0 * wd0 + h1 * ws0) * n16
            m1 = (h1 * wd1 + h0 * ws1) * n16
            plsc.store_scatter(mbuf, [lane, col0], m0)
            plsc.store_scatter(mbuf, [lane, col1], m1)
        pltpu.async_copy(mbuf, agg_sh.at[d16], ssem, add=True)

    def compute_pair(hA, hB, mA, mB, ssA, ssB, ea, eb):
        d16a = dst_v[pl.ds(ea, CK)]
        r16a = rel_v[pl.ds(ea, CK)]
        n16a = norm_v[pl.ds(ea, CK)]
        d16b = dst_v[pl.ds(eb, CK)]
        r16b = rel_v[pl.ds(eb, CK)]
        n16b = norm_v[pl.ds(eb, CK)]

        @plsc.parallel_loop(0, HD // 2, unroll=2)
        def col_body(p):
            col0 = jnp.full((16,), 0, jnp.int32) + 2 * p
            col1 = col0 + 1
            a0 = plsc.load_gather(hA, [lane, col0])
            a1 = plsc.load_gather(hA, [lane, col1])
            b0 = plsc.load_gather(hB, [lane, col0])
            b1 = plsc.load_gather(hB, [lane, col1])
            wa0 = plsc.load_gather(wds_v, [r16a, col0])
            wa1 = plsc.load_gather(wds_v, [r16a, col1])
            wb0 = plsc.load_gather(wds_v, [r16b, col0])
            wb1 = plsc.load_gather(wds_v, [r16b, col1])
            ma0 = (a0 * plsc.bitcast(wa0 << 16, jnp.float32)
                   + a1 * plsc.bitcast(wa0 & jnp.int32(-65536), jnp.float32)) * n16a
            ma1 = (a1 * plsc.bitcast(wa1 << 16, jnp.float32)
                   + a0 * plsc.bitcast(wa1 & jnp.int32(-65536), jnp.float32)) * n16a
            mb0 = (b0 * plsc.bitcast(wb0 << 16, jnp.float32)
                   + b1 * plsc.bitcast(wb0 & jnp.int32(-65536), jnp.float32)) * n16b
            mb1 = (b1 * plsc.bitcast(wb1 << 16, jnp.float32)
                   + b0 * plsc.bitcast(wb1 & jnp.int32(-65536), jnp.float32)) * n16b
            plsc.store_scatter(mA, [lane, col0], ma0)
            plsc.store_scatter(mA, [lane, col1], ma1)
            plsc.store_scatter(mB, [lane, col0], mb0)
            plsc.store_scatter(mB, [lane, col1], mb1)

        pltpu.async_copy(mA, agg_sh.at[d16a], ssA, add=True)
        pltpu.async_copy(mB, agg_sh.at[d16b], ssB, add=True)

    def wait_scatter(mbuf, ssem, eoff):
        d16 = dst_v[pl.ds(eoff, CK)]
        pltpu.make_async_copy(mbuf, agg_sh.at[d16], ssem).wait()

    def start_gather(eoff, hb, sem):
        s16 = src_v[pl.ds(eoff, CK)]
        pltpu.async_copy(feat_hbm.at[cid].at[s16], hb, sem)

    def wait_gather(eoff, hb, sem):
        s16 = src_v[pl.ds(eoff, CK)]
        pltpu.make_async_copy(feat_hbm.at[cid].at[s16], hb, sem).wait()

    def stage_body(gi, carry):
        goff = ebase + gi * ECH
        pltpu.sync_copy(src_hbm.at[pl.ds(goff, ECH)], src_v)
        pltpu.sync_copy(dst_hbm.at[pl.ds(goff, ECH)], dst_v)
        pltpu.sync_copy(rel_hbm.at[pl.ds(goff, ECH)], rel_v)
        pltpu.sync_copy(norm_hbm.at[pl.ds(goff, ECH)], norm_v)

        start_gather(0, hbufs[0], gsems[0])
        start_gather(CK, hbufs[1], gsems[1])

        def quad_body(kk, c2):
            e0 = (4 * kk) * CK

            @pl.when(kk > 0)
            def _():
                wait_scatter(mbufs[0], ssems[0], e0 - 4 * CK)
                wait_scatter(mbufs[1], ssems[1], e0 - 3 * CK)

            wait_gather(e0, hbufs[0], gsems[0])
            wait_gather(e0 + CK, hbufs[1], gsems[1])
            start_gather(e0 + 2 * CK, hbufs[2], gsems[2])
            start_gather(e0 + 3 * CK, hbufs[3], gsems[3])
            compute_pair(hbufs[0], hbufs[1], mbufs[0], mbufs[1],
                         ssems[0], ssems[1], e0, e0 + CK)

            @pl.when(kk > 0)
            def _():
                wait_scatter(mbufs[2], ssems[2], e0 - 2 * CK)
                wait_scatter(mbufs[3], ssems[3], e0 - CK)

            wait_gather(e0 + 2 * CK, hbufs[2], gsems[2])
            wait_gather(e0 + 3 * CK, hbufs[3], gsems[3])
            start_gather(e0 + 4 * CK, hbufs[0], gsems[0])

            @pl.when(kk < (ECH // CK - 1) // 4 - 1)
            def _():
                start_gather(e0 + 5 * CK, hbufs[1], gsems[1])

            compute_pair(hbufs[2], hbufs[3], mbufs[2], mbufs[3],
                         ssems[2], ssems[3], e0 + 2 * CK, e0 + 3 * CK)
            return c2

        nquads = (ECH // CK - 1) // 4
        lax.fori_loop(0, nquads, quad_body, 0)
        elast = (ECH // CK - 1) * CK
        wait_scatter(mbufs[0], ssems[0], elast - 4 * CK)
        wait_gather(elast, hbufs[0], gsems[0])
        compute_chunk(hbufs[0], mbufs[0], ssems[0], elast)
        wait_scatter(mbufs[0], ssems[0], elast)
        wait_scatter(mbufs[1], ssems[1], elast - 3 * CK)
        wait_scatter(mbufs[2], ssems[2], elast - 2 * CK)
        wait_scatter(mbufs[3], ssems[3], elast - CK)
        return carry

    lax.fori_loop(0, ETT // ECH, stage_body, 0)
    plsc.subcore_barrier()

    @pl.when(sid < NS - 1)
    def _():
        pltpu.sync_copy(agg_sh.at[pl.ds(sid * ra, ra)],
                        out_hbm.at[cid, pl.ds(sid * ra, ra)])

    @pl.when(sid == NS - 1)
    def _():
        pltpu.sync_copy(agg_sh.at[pl.ds((NS - 1) * ra, rb)],
                        out_hbm.at[cid, pl.ds((NS - 1) * ra, rb)])


def _combine_body(apply_act, agg_ref, feat_ref, w_ref, bias_ref, out_ref):
    x = jnp.concatenate([feat_ref[0], feat_ref[1]], axis=1)
    y = jnp.dot(x, w_ref[...], preferred_element_type=jnp.float32,
                precision=lax.Precision.HIGHEST)
    y = y + bias_ref[...]
    y = y + jnp.concatenate([agg_ref[0], agg_ref[1]], axis=1)
    if apply_act:
        y = jnp.maximum(y, 0.0)
    out_ref[0] = y[:, :HP]
    out_ref[1] = y[:, HP:]


def _combine(agg, feat, loop_w, bias, apply_act):
    rb = 1000
    grid = (N // rb,)
    return pl.pallas_call(
        functools.partial(_combine_body, apply_act),
        grid=grid,
        in_specs=[
            pl.BlockSpec((NC, rb, HP), lambda i: (0, i, 0)),
            pl.BlockSpec((NC, rb, HP), lambda i: (0, i, 0)),
            pl.BlockSpec((2 * HP, 2 * HP), lambda i: (0, 0)),
            pl.BlockSpec((1, 2 * HP), lambda i: (0, 0)),
        ],
        out_specs=pl.BlockSpec((NC, rb, HP), lambda i: (0, i, 0)),
        out_shape=jax.ShapeDtypeStruct((NC, N, HP), jnp.float32),
    )(agg, feat, loop_w, bias)


@functools.partial(
    pl.kernel,
    out_type=jax.ShapeDtypeStruct((B,), jnp.float32),
    mesh=_mesh,
    compiler_params=_sc_params,
    scratch_types=[
        pltpu.VMEM((BT,), jnp.int32),
        pltpu.VMEM((BT,), jnp.int32),
        pltpu.VMEM((BT,), jnp.int32),
        pltpu.VMEM((16, HP), jnp.float32),
        pltpu.VMEM((16, HP), jnp.float32),
        pltpu.VMEM((16, HP), jnp.float32),
        pltpu.VMEM((BT,), jnp.float32),
    ],
)
def _distmult(emb_hbm, relemb_hbm, h_hbm, r_hbm, t_hbm, out_hbm,
              hi_v, ri_v, ti_v, hb, rbuf, tb, acc_v):
    cid = lax.axis_index("c")
    sid = lax.axis_index("s")
    wid = cid * NS + sid
    base = wid * BT
    pltpu.sync_copy(h_hbm.at[pl.ds(base, BT)], hi_v)
    pltpu.sync_copy(r_hbm.at[pl.ds(base, BT)], ri_v)
    pltpu.sync_copy(t_hbm.at[pl.ds(base, BT)], ti_v)
    lane = lax.iota(jnp.int32, 16)
    for c in range(BT // 16):
        i16 = hi_v[pl.ds(c * 16, 16)]
        r16 = ri_v[pl.ds(c * 16, 16)]
        t16 = ti_v[pl.ds(c * 16, 16)]
        acc = jnp.zeros((16,), jnp.float32)
        for half in range(2):
            pltpu.sync_copy(emb_hbm.at[half].at[i16], hb)
            pltpu.sync_copy(relemb_hbm.at[half].at[r16], rbuf)
            pltpu.sync_copy(emb_hbm.at[half].at[t16], tb)

            def dbody(d, a):
                col = jnp.full((16,), 0, jnp.int32) + d
                hd = plsc.load_gather(hb, [lane, col])
                rd = plsc.load_gather(rbuf, [lane, col])
                td = plsc.load_gather(tb, [lane, col])
                return a + hd * rd * td

            acc = lax.fori_loop(0, HD, dbody, acc)
            plsc.subcore_barrier()
        acc_v[pl.ds(c * 16, 16)] = acc
    pltpu.sync_copy(acc_v, out_hbm.at[pl.ds(base, BT)])


def _split_rows(x):
    r = x.shape[0]
    return jnp.pad(x.reshape(r, 2, HD), ((0, 0), (0, 0), (0, HP - HD))
                   ).transpose(1, 0, 2)


def _bdd_tables(w):
    wd = jnp.stack([w[:, :, 0, 0], w[:, :, 1, 1]], axis=-1).reshape(R, D)
    ws = jnp.stack([w[:, :, 1, 0], w[:, :, 0, 1]], axis=-1).reshape(R, D)
    wd_s, ws_s = _split_rows(wd), _split_rows(ws)
    wd_b = lax.bitcast_convert_type(wd_s.astype(jnp.bfloat16), jnp.uint16
                                    ).astype(jnp.uint32)
    ws_b = lax.bitcast_convert_type(ws_s.astype(jnp.bfloat16), jnp.uint16
                                    ).astype(jnp.uint32)
    return lax.bitcast_convert_type((ws_b << 16) | wd_b, jnp.int32)


def kernel(edge_index, ent, rel, norm, triples, ent_table, rel_emb,
           w0, loop_w0, bias0, w1, loop_w1, bias1):
    f32 = jnp.float32
    feat0 = _split_rows(ent_table.astype(f32))
    relemb_p = _split_rows(rel_emb.astype(f32))
    wds0 = _bdd_tables(w0.astype(f32))
    wds1 = _bdd_tables(w1.astype(f32))

    def split_w(lw):
        return jnp.pad(lw.reshape(2, HD, 2, HD),
                       ((0, 0), (0, HP - HD), (0, 0), (0, HP - HD))
                       ).reshape(2 * HP, 2 * HP)

    lw0 = split_w(loop_w0.astype(f32))
    lw1 = split_w(loop_w1.astype(f32))
    b0 = jnp.pad(bias0.astype(f32).reshape(2, HD), ((0, 0), (0, HP - HD))
                 ).reshape(1, 2 * HP)
    b1 = jnp.pad(bias1.astype(f32).reshape(2, HD), ((0, 0), (0, HP - HD))
                 ).reshape(1, 2 * HP)

    srcp = edge_index[0].astype(jnp.int32)
    dstp = edge_index[1].astype(jnp.int32)
    relp = rel.astype(jnp.int32)
    normp = norm.reshape(E).astype(f32)
    zrows = jnp.zeros((632, HP), f32)

    agg0 = _edge_pass(feat0, srcp, dstp, relp, normp, wds0, zrows)
    emb1 = _combine(agg0, feat0, lw0, b0, True)
    agg1 = _edge_pass(emb1, srcp, dstp, relp, normp, wds1, zrows)
    emb2 = _combine(agg1, emb1, lw1, b1, False)

    score = _distmult(emb2, relemb_p,
                      triples[:, 0].astype(jnp.int32),
                      triples[:, 1].astype(jnp.int32),
                      triples[:, 2].astype(jnp.int32))
    return score.reshape(B, 1)

# --- scband reference (transcript-rebuilt; emitter-appended) ---
"""Pipeline reference for scband-rgcn-51891794870645 (READ-ONLY COPY).

The authoritative reference and input builder live on the scoring server;
editing this copy changes nothing except your own understanding.
"""

import jax, jax.numpy as jnp
import numpy as np

ENT_TOT = 10000
REL_TOT = 200
DIM = 200
NUM_BASES = 100
SUB = DIM // NUM_BASES  # 2
E = 160000
B = 1024


def setup_inputs(seed: int = 0) -> dict:
    key = jax.random.key(seed)
    ks = jax.random.split(key, 12)
    edge_index = jax.random.randint(ks[0], (2, E), 0, ENT_TOT)
    ent = jnp.arange(ENT_TOT)
    rel = jax.random.randint(ks[1], (E,), 0, REL_TOT)
    norm = jax.random.uniform(ks[2], (E, 1), dtype=jnp.float32)
    triples = jax.random.randint(ks[3], (B, 3), 0, REL_TOT)
    ent_table = jax.random.normal(ks[4], (ENT_TOT, DIM), dtype=jnp.float32) * 0.02
    rel_emb = jax.random.normal(ks[5], (REL_TOT, DIM), dtype=jnp.float32) * 0.02
    w0 = jax.random.normal(ks[6], (REL_TOT, NUM_BASES, SUB, SUB), dtype=jnp.float32) * 0.1
    loop_w0 = jax.random.normal(ks[7], (DIM, DIM), dtype=jnp.float32) * 0.05
    bias0 = jnp.zeros((DIM,), dtype=jnp.float32)
    w1 = jax.random.normal(ks[8], (REL_TOT, NUM_BASES, SUB, SUB), dtype=jnp.float32) * 0.1
    loop_w1 = jax.random.normal(ks[9], (DIM, DIM), dtype=jnp.float32) * 0.05
    bias1 = jnp.zeros((DIM,), dtype=jnp.float32)
    return {"edge_index": edge_index, "ent": ent, "rel": rel, "norm": norm,
            "triples": triples, "ent_table": ent_table, "rel_emb": rel_emb,
            "w0": w0, "loop_w0": loop_w0, "bias0": bias0,
            "w1": w1, "loop_w1": loop_w1, "bias1": bias1}


def _relgraphconv_bdd(feat, src, dst, etypes, norm, w, loop_w, bias, apply_act):
    # DGL RelGraphConv with regularizer='bdd', num_bases=100, self_loop=True
    Eg = src.shape[0]
    h_src = feat[src].reshape(Eg, NUM_BASES, 1, SUB)          # gather per edge
    w_e = w[etypes]                                            # (E, num_bases, sub, sub)
    msg = jnp.matmul(h_src, w_e).reshape(Eg, DIM)              # block-diag transform
    msg = msg * norm                                           # edge norm
    agg = jax.ops.segment_sum(msg, dst, num_segments=feat.shape[0])  # scatter-add
    out = agg + bias + feat @ loop_w                           # bias + self loop
    if apply_act:
        out = jax.nn.relu(out)
    # dropout is identity in eval mode
    return out


def reference(edge_index, ent, rel, norm, triples, ent_table, rel_emb,
              w0, loop_w0, bias0, w1, loop_w1, bias1):
    src = edge_index[0]
    dst = edge_index[1]
    emb = ent_table[ent]                                       # nn.Embedding lookup
    emb = _relgraphconv_bdd(emb, src, dst, rel, norm, w0, loop_w0, bias0, True)
    emb = _relgraphconv_bdd(emb, src, dst, rel, norm, w1, loop_w1, bias1, False)
    # tri2emb, mode='single'
    head = emb[triples[:, 0]][:, None, :]
    rela = rel_emb[triples[:, 1]][:, None, :]
    tail = emb[triples[:, 2]][:, None, :]
    score = (head * rela * tail).sum(axis=-1)                  # DistMult, (B, 1)
    return score

if __name__ == "__main__":
    import jax
    _d = setup_inputs()
    print(jax.jit(kernel)(*tuple(_d.values())))

</pallas_src>

<mosaic_0001>
#map = affine_map<(d0, d1) -> (0, 0, 0)>
#map1 = affine_map<(d0, d1) -> (0)>
#map2 = affine_map<(d0, d1) -> (0, 0)>
module attributes {stable_mosaic.version = 14 : i64} {
  func.func @_edge_pass(%arg0: i32, %arg1: i32, %arg2: memref<2x10000x112xf32, #tpu.memory_space<hbm>>, %arg3: memref<160000xi32, #tpu.memory_space<hbm>>, %arg4: memref<160000xi32, #tpu.memory_space<hbm>>, %arg5: memref<160000xi32, #tpu.memory_space<hbm>>, %arg6: memref<160000xf32, #tpu.memory_space<hbm>>, %arg7: memref<2x200x112xi32, #tpu.memory_space<hbm>>, %arg8: memref<632x112xf32, #tpu.memory_space<hbm>>, %arg9: memref<2x10000x112xf32, #tpu.memory_space<hbm>>, %arg10: memref<10000x112xf32, #tpu.memory_space<vmem_shared>>, %arg11: memref<200x112xi32, #tpu.memory_space<vmem>>, %arg12: memref<2000xi32, #tpu.memory_space<vmem>>, %arg13: memref<2000xi32, #tpu.memory_space<vmem>>, %arg14: memref<2000xi32, #tpu.memory_space<vmem>>, %arg15: memref<2000xf32, #tpu.memory_space<vmem>>, %arg16: memref<16x112xf32, #tpu.memory_space<vmem>>, %arg17: memref<16x112xf32, #tpu.memory_space<vmem>>, %arg18: memref<16x112xf32, #tpu.memory_space<vmem>>, %arg19: memref<16x112xf32, #tpu.memory_space<vmem>>, %arg20: memref<16x112xf32, #tpu.memory_space<vmem>>, %arg21: memref<16x112xf32, #tpu.memory_space<vmem>>, %arg22: memref<16x112xf32, #tpu.memory_space<vmem>>, %arg23: memref<16x112xf32, #tpu.memory_space<vmem>>, %arg24: memref<!tpu.dma_semaphore, #tpu.memory_space<semaphore_mem>>, %arg25: memref<!tpu.dma_semaphore, #tpu.memory_space<semaphore_mem>>, %arg26: memref<!tpu.dma_semaphore, #tpu.memory_space<semaphore_mem>>, %arg27: memref<!tpu.dma_semaphore, #tpu.memory_space<semaphore_mem>>, %arg28: memref<!tpu.dma_semaphore, #tpu.memory_space<semaphore_mem>>, %arg29: memref<!tpu.dma_semaphore, #tpu.memory_space<semaphore_mem>>, %arg30: memref<!tpu.dma_semaphore, #tpu.memory_space<semaphore_mem>>, %arg31: memref<!tpu.dma_semaphore, #tpu.memory_space<semaphore_mem>>) attributes {dimension_semantics = [#tpu.dimension_semantics<core_parallel>, #tpu.dimension_semantics<subcore_parallel>], iteration_bounds = array<i64: 2, 16>, scalar_prefetch = 0 : i64, scratch_operands = 22 : i64, tpu.core_type = #tpu.core_type<sc_vector_subcore>, window_params = [{transform_indices = #map}, {transform_indices = #map1}, {transform_indices = #map1}, {transform_indices = #map1}, {transform_indices = #map1}, {transform_indices = #map}, {transform_indices = #map2}, {transform_indices = #map}]} {
    %lt3A = arith.constant 15 : i32
    %lt3A_0 = arith.cmpi slt, %arg1, %lt3A : i32
    %convert_element_type3A = arith.extui %lt3A_0 : i1 to i32
    %cond3A = arith.constant 0 : i32
    %cond3A_1 = arith.cmpi ne, %convert_element_type3A, %cond3A : i32
    scf.if %cond3A_1 {
      %mul3A_279 = arith.constant 632 : i32
      %mul3A_280 = arith.muli %arg1, %mul3A_279 : i32
      "tpu.region"() ({
        %run_scoped3A = tpu.sem_alloc : memref<!tpu.dma_semaphore, #tpu.memory_space<semaphore_mem>>
        %dma_start3A = arith.constant 0 : i32
        %dma_start3A_281 = tpu.memref_slice %arg10[%mul3A_280, %dma_start3A] : memref<10000x112xf32, #tpu.memory_space<vmem_shared>> -> memref<632x112xf32, #tpu.memory_space<vmem_shared>>
        tpu.enqueue_dma source(%arg8 : memref<632x112xf32, #tpu.memory_space<hbm>>) target(%dma_start3A_281 : memref<632x112xf32, #tpu.memory_space<vmem_shared>>) target_semaphore(%run_scoped3A : memref<!tpu.dma_semaphore, #tpu.memory_space<semaphore_mem>>)
        %dma_wait3A = arith.constant 0 : i32
        %dma_wait3A_282 = tpu.memref_slice %arg10[%mul3A_280, %dma_wait3A] : memref<10000x112xf32, #tpu.memory_space<vmem_shared>> -> memref<632x112xf32, #tpu.memory_space<vmem_shared>>
        tpu.wait_dma2 semaphore(%run_scoped3A : memref<!tpu.dma_semaphore, #tpu.memory_space<semaphore_mem>>) src(%arg8 : memref<632x112xf32, #tpu.memory_space<hbm>>) dst(%dma_wait3A_282 : memref<632x112xf32, #tpu.memory_space<vmem_shared>>)
        tpu.yield
      }) : () -> ()
    } else {
    }
    %eq3A = arith.constant 15 : i32
    %eq3A_2 = arith.cmpi eq, %arg1, %eq3A : i32
    %convert_element_type3A_3 = arith.extui %eq3A_2 : i1 to i32
    %cond3A_4 = arith.constant 0 : i32
    %cond3A_5 = arith.cmpi ne, %convert_element_type3A_3, %cond3A_4 : i32
    scf.if %cond3A_5 {
      "tpu.region"() ({
        %run_scoped3A = tpu.sem_alloc : memref<!tpu.dma_semaphore, #tpu.memory_space<semaphore_mem>>
        %dma_start3A = arith.constant 9480 : i32
        %dma_start3A_279 = arith.constant 0 : i32
        %dma_start3A_280 = tpu.memref_slice %arg10[%dma_start3A, %dma_start3A_279] : memref<10000x112xf32, #tpu.memory_space<vmem_shared>> -> memref<520x112xf32, #tpu.memory_space<vmem_shared>>
        %dma_start3A_281 = arith.constant 0 : i32
        %dma_start3A_282 = arith.constant 0 : i32
        %dma_start3A_283 = tpu.memref_slice %arg8[%dma_start3A_281, %dma_start3A_282] : memref<632x112xf32, #tpu.memory_space<hbm>> -> memref<520x112xf32, #tpu.memory_space<hbm>>
        tpu.enqueue_dma source(%dma_start3A_283 : memref<520x112xf32, #tpu.memory_space<hbm>>) target(%dma_start3A_280 : memref<520x112xf32, #tpu.memory_space<vmem_shared>>) target_semaphore(%run_scoped3A : memref<!tpu.dma_semaphore, #tpu.memory_space<semaphore_mem>>)
        %dma_wait3A = arith.constant 9480 : i32
        %dma_wait3A_284 = arith.constant 0 : i32
        %dma_wait3A_285 = tpu.memref_slice %arg10[%dma_wait3A, %dma_wait3A_284] : memref<10000x112xf32, #tpu.memory_space<vmem_shared>> -> memref<520x112xf32, #tpu.memory_space<vmem_shared>>
        %dma_wait3A_286 = arith.constant 0 : i32
        %dma_wait3A_287 = arith.constant 0 : i32
        %dma_wait3A_288 = tpu.memref_slice %arg8[%dma_wait3A_286, %dma_wait3A_287] : memref<632x112xf32, #tpu.memory_space<hbm>> -> memref<520x112xf32, #tpu.memory_space<hbm>>
        tpu.wait_dma2 semaphore(%run_scoped3A : memref<!tpu.dma_semaphore, #tpu.memory_space<semaphore_mem>>) src(%dma_wait3A_288 : memref<520x112xf32, #tpu.memory_space<hbm>>) dst(%dma_wait3A_285 : memref<520x112xf32, #tpu.memory_space<vmem_shared>>)
        tpu.yield
      }) : () -> ()
    } else {
    }
    "tpu.region"() ({
      %run_scoped3A = tpu.sem_alloc : memref<!tpu.dma_semaphore, #tpu.memory_space<semaphore_mem>>
      %dma_start3A = arith.constant 0 : i32
      %dma_start3A_279 = arith.constant 0 : i32
      %dma_start3A_280 = tpu.memref_slice %arg7[%arg0, %dma_start3A, %dma_start3A_279] : memref<2x200x112xi32, #tpu.memory_space<hbm>> -> memref<1x200x112xi32, #tpu.memory_space<hbm>>
      %dma_start3A_281 = tpu.memref_squeeze %dma_start3A_280 : memref<1x200x112xi32, #tpu.memory_space<hbm>> -> memref<200x112xi32, #tpu.memory_space<hbm>>
      %dma_start3A_282 = arith.constant 0 : i32
      %dma_start3A_283 = arith.constant 0 : i32
      %dma_start3A_284 = tpu.memref_slice %arg7[%arg0, %dma_start3A_282, %dma_start3A_283] : memref<2x200x112xi32, #tpu.memory_space<hbm>> -> memref<1x200x112xi32, #tpu.memory_space<hbm>>
      %dma_start3A_285 = tpu.memref_squeeze %dma_start3A_284 : memref<1x200x112xi32, #tpu.memory_space<hbm>> -> memref<200x112xi32, #tpu.memory_space<hbm>>
      tpu.enqueue_dma source(%dma_start3A_285 : memref<200x112xi32, #tpu.memory_space<hbm>>) target(%arg11 : memref<200x112xi32, #tpu.memory_space<vmem>>) target_semaphore(%run_scoped3A : memref<!tpu.dma_semaphore, #tpu.memory_space<semaphore_mem>>)
      %dma_wait3A = arith.constant 0 : i32
      %dma_wait3A_286 = arith.constant 0 : i32
      %dma_wait3A_287 = tpu.memref_slice %arg7[%arg0, %dma_wait3A, %dma_wait3A_286] : memref<2x200x112xi32, #tpu.memory_space<hbm>> -> memref<1x200x112xi32, #tpu.memory_space<hbm>>
      %dma_wait3A_288 = tpu.memref_squeeze %dma_wait3A_287 : memref<1x200x112xi32, #tpu.memory_space<hbm>> -> memref<200x112xi32, #tpu.memory_space<hbm>>
      %dma_wait3A_289 = arith.constant 0 : i32
      %dma_wait3A_290 = arith.constant 0 : i32
      %dma_wait3A_291 = tpu.memref_slice %arg7[%arg0, %dma_wait3A_289, %dma_wait3A_290] : memref<2x200x112xi32, #tpu.memory_space<hbm>> -> memref<1x200x112xi32, #tpu.memory_space<hbm>>
      %dma_wait3A_292 = tpu.memref_squeeze %dma_wait3A_291 : memref<1x200x112xi32, #tpu.memory_space<hbm>> -> memref<200x112xi32, #tpu.memory_space<hbm>>
      tpu.wait_dma2 semaphore(%run_scoped3A : memref<!tpu.dma_semaphore, #tpu.memory_space<semaphore_mem>>) src(%dma_wait3A_292 : memref<200x112xi32, #tpu.memory_space<hbm>>) dst(%arg11 : memref<200x112xi32, #tpu.memory_space<vmem>>)
      tpu.yield
    }) : () -> ()
    %barrier3A = arith.constant 0 : index
    tpu.barrier barrier_id(%barrier3A)
    %iota3A = tpu.iota {dimensions = array<i32: 0>} : vector<16xi32>
    %broadcast_in_dim3A = arith.constant 0.000000e+00 : f32
    %broadcast_in_dim3A_6 = vector.broadcast %broadcast_in_dim3A : f32 to vector<16xf32>
    %mul3A = arith.constant 10000 : i32
    %mul3A_7 = arith.muli %arg1, %mul3A : i32
    %swap3A = arith.constant 0 : i32
    %swap3A_8 = arith.index_cast %swap3A : i32 to index
    %swap3A_9 = arith.constant 96 : index
    %swap3A_10 = tpu.vector_load %arg20[%swap3A_8, %swap3A_9] {strides = array<i32>} : memref<16x112xf32, #tpu.memory_space<vmem>>, vector<16xf32>,
    tpu.vector_store %arg20[%swap3A_8, %swap3A_9], %broadcast_in_dim3A_6 {strides = array<i32>} : memref<16x112xf32, #tpu.memory_space<vmem>>, vector<16xf32>,
    %swap3A_11 = arith.constant 0 : i32
    %swap3A_12 = arith.index_cast %swap3A_11 : i32 to index
    %swap3A_13 = arith.constant 96 : index
    %swap3A_14 = tpu.vector_load %arg21[%swap3A_12, %swap3A_13] {strides = array<i32>} : memref<16x112xf32, #tpu.memory_space<vmem>>, vector<16xf32>,
    tpu.vector_store %arg21[%swap3A_12, %swap3A_13], %broadcast_in_dim3A_6 {strides = array<i32>} : memref<16x112xf32, #tpu.memory_space<vmem>>, vector<16xf32>,
    %swap3A_15 = arith.constant 0 : i32
    %swap3A_16 = arith.index_cast %swap3A_15 : i32 to index
    %swap3A_17 = arith.constant 96 : index
    %swap3A_18 = tpu.vector_load %arg22[%swap3A_16, %swap3A_17] {strides = array<i32>} : memref<16x112xf32, #tpu.memory_space<vmem>>, vector<16xf32>,
    tpu.vector_store %arg22[%swap3A_16, %swap3A_17], %broadcast_in_dim3A_6 {strides = array<i32>} : memref<16x112xf32, #tpu.memory_space<vmem>>, vector<16xf32>,
    %swap3A_19 = arith.constant 0 : i32
    %swap3A_20 = arith.index_cast %swap3A_19 : i32 to index
    %swap3A_21 = arith.constant 96 : index
    %swap3A_22 = tpu.vector_load %arg23[%swap3A_20, %swap3A_21] {strides = array<i32>} : memref<16x112xf32, #tpu.memory_space<vmem>>, vector<16xf32>,
    tpu.vector_store %arg23[%swap3A_20, %swap3A_21], %broadcast_in_dim3A_6 {strides = array<i32>} : memref<16x112xf32, #tpu.memory_space<vmem>>, vector<16xf32>,
    %swap3A_23 = arith.constant 1 : i32
    %swap3A_24 = arith.index_cast %swap3A_23 : i32 to index
    %swap3A_25 = arith.constant 96 : index
    %swap3A_26 = tpu.vector_load %arg20[%swap3A_24, %swap3A_25] {strides = array<i32>} : memref<16x112xf32, #tpu.memory_space<vmem>>, vector<16xf32>,
    tpu.vector_store %arg20[%swap3A_24, %swap3A_25], %broadcast_in_dim3A_6 {strides = array<i32>} : memref<16x112xf32, #tpu.memory_space<vmem>>, vector<16xf32>,
    %swap3A_27 = arith.constant 1 : i32
    %swap3A_28 = arith.index_cast %swap3A_27 : i32 to index
    %swap3A_29 = arith.constant 96 : index
    %swap3A_30 = tpu.vector_load %arg21[%swap3A_28, %swap3A_29] {strides = array<i32>} : memref<16x112xf32, #tpu.memory_space<vmem>>, vector<16xf32>,
    tpu.vector_store %arg21[%swap3A_28, %swap3A_29], %broadcast_in_dim3A_6 {strides = array<i32>} : memref<16x112xf32, #tpu.memory_space<vmem>>, vector<16xf32>,
    %swap3A_31 = arith.constant 1 : i32
    %swap3A_32 = arith.index_cast %swap3A_31 : i32 to index
    %swap3A_33 = arith.constant 96 : index
    %swap3A_34 = tpu.vector_load %arg22[%swap3A_32, %swap3A_33] {strides = array<i32>} : memref<16x112xf32, #tpu.memory_space<vmem>>, vector<16xf32>,
    tpu.vector_store %arg22[%swap3A_32, %swap3A_33], %broadcast_in_dim3A_6 {strides = array<i32>} : memref<16x112xf32, #tpu.memory_space<vmem>>, vector<16xf32>,
    %swap3A_35 = arith.constant 1 : i32
    %swap3A_36 = arith.index_cast %swap3A_35 : i32 to index
    %swap3A_37 = arith.constant 96 : index
    %swap3A_38 = tpu.vector_load %arg23[%swap3A_36, %swap3A_37] {strides = array<i32>} : memref<16x112xf32, #tpu.memory_space<vmem>>, vector<16xf32>,
    tpu.vector_store %arg23[%swap3A_36, %swap3A_37], %broadcast_in_dim3A_6 {strides = array<i32>} : memref<16x112xf32, #tpu.memory_space<vmem>>, vector<16xf32>,
    %swap3A_39 = arith.constant 2 : i32
    %swap3A_40 = arith.index_cast %swap3A_39 : i32 to index
    %swap3A_41 = arith.constant 96 : index
    %swap3A_42 = tpu.vector_load %arg20[%swap3A_40, %swap3A_41] {strides = array<i32>} : memref<16x112xf32, #tpu.memory_space<vmem>>, vector<16xf32>,
    tpu.vector_store %arg20[%swap3A_40, %swap3A_41], %broadcast_in_dim3A_6 {strides = array<i32>} : memref<16x112xf32, #tpu.memory_space<vmem>>, vector<16xf32>,
    %swap3A_43 = arith.constant 2 : i32
    %swap3A_44 = arith.index_cast %swap3A_43 : i32 to index
    %swap3A_45 = arith.constant 96 : index
    %swap3A_46 = tpu.vector_load %arg21[%swap3A_44, %swap3A_45] {strides = array<i32>} : memref<16x112xf32, #tpu.memory_space<vmem>>, vector<16xf32>,
    tpu.vector_store %arg21[%swap3A_44, %swap3A_45], %broadcast_in_dim3A_6 {strides = array<i32>} : memref<16x112xf32, #tpu.memory_space<vmem>>, vector<16xf32>,
    %swap3A_47 = arith.constant 2 : i32
    %swap3A_48 = arith.index_cast %swap3A_47 : i32 to index
    %swap3A_49 = arith.constant 96 : index
    %swap3A_50 = tpu.vector_load %arg22[%swap3A_48, %swap3A_49] {strides = array<i32>} : memref<16x112xf32, #tpu.memory_space<vmem>>, vector<16xf32>,
    tpu.vector_store %arg22[%swap3A_48, %swap3A_49], %broadcast_in_dim3A_6 {strides = array<i32>} : memref<16x112xf32, #tpu.memory_space<vmem>>, vector<16xf32>,
    %swap3A_51 = arith.constant 2 : i32
    %swap3A_52 = arith.index_cast %swap3A_51 : i32 to index
    %swap3A_53 = arith.constant 96 : index
    %swap3A_54 = tpu.vector_load %arg23[%swap3A_52, %swap3A_53] {strides = array<i32>} : memref<16x112xf32, #tpu.memory_space<vmem>>, vector<16xf32>,
    tpu.vector_store %arg23[%swap3A_52, %swap3A_53], %broadcast_in_dim3A_6 {strides = array<i32>} : memref<16x112xf32, #tpu.memory_space<vmem>>, vector<16xf32>,
    %swap3A_55 = arith.constant 3 : i32
    %swap3A_56 = arith.index_cast %swap3A_55 : i32 to index
    %swap3A_57 = arith.constant 96 : index
    %swap3A_58 = tpu.vector_load %arg20[%swap3A_56, %swap3A_57] {strides = array<i32>} : memref<16x112xf32, #tpu.memory_space<vmem>>, vector<16xf32>,
    tpu.vector_store %arg20[%swap3A_56, %swap3A_57], %broadcast_in_dim3A_6 {strides = array<i32>} : memref<16x112xf32, #tpu.memory_space<vmem>>, vector<16xf32>,
    %swap3A_59 = arith.constant 3 : i32
    %swap3A_60 = arith.index_cast %swap3A_59 : i32 to index
    %swap3A_61 = arith.constant 96 : index
    %swap3A_62 = tpu.vector_load %arg21[%swap3A_60, %swap3A_61] {strides = array<i32>} : memref<16x112xf32, #tpu.memory_space<vmem>>, vector<16xf32>,
    tpu.vector_store %arg21[%swap3A_60, %swap3A_61], %broadcast_in_dim3A_6 {strides = array<i32>} : memref<16x112xf32, #tpu.memory_space<vmem>>, vector<16xf32>,
    %swap3A_63 = arith.constant 3 : i32
    %swap3A_64 = arith.index_cast %swap3A_63 : i32 to index
    %swap3A_65 = arith.constant 96 : index
    %swap3A_66 = tpu.vector_load %arg22[%swap3A_64, %swap3A_65] {strides = array<i32>} : memref<16x112xf32, #tpu.memory_space<vmem>>, vector<16xf32>,
    tpu.vector_store %arg22[%swap3A_64, %swap3A_65], %broadcast_in_dim3A_6 {strides = array<i32>} : memref<16x112xf32, #tpu.memory_space<vmem>>, vector<16xf32>,
    %swap3A_67 = arith.constant 3 : i32
    %swap3A_68 = arith.index_cast %swap3A_67 : i32 to index
    %swap3A_69 = arith.constant 96 : index
    %swap3A_70 = tpu.vector_load %arg23[%swap3A_68, %swap3A_69] {strides = array<i32>} : memref<16x112xf32, #tpu.memory_space<vmem>>, vector<16xf32>,
    tpu.vector_store %arg23[%swap3A_68, %swap3A_69], %broadcast_in_dim3A_6 {strides = array<i32>} : memref<16x112xf32, #tpu.memory_space<vmem>>, vector<16xf32>,
    %swap3A_71 = arith.constant 4 : i32
    %swap3A_72 = arith.index_cast %swap3A_71 : i32 to index
    %swap3A_73 = arith.constant 96 : index
    %swap3A_74 = tpu.vector_load %arg20[%swap3A_72, %swap3A_73] {strides = array<i32>} : memref<16x112xf32, #tpu.memory_space<vmem>>, vector<16xf32>,
    tpu.vector_store %arg20[%swap3A_72, %swap3A_73], %broadcast_in_dim3A_6 {strides = array<i32>} : memref<16x112xf32, #tpu.memory_space<vmem>>, vector<16xf32>,
    %swap3A_75 = arith.constant 4 : i32
    %swap3A_76 = arith.index_cast %swap3A_75 : i32 to index
    %swap3A_77 = arith.constant 96 : index
    %swap3A_78 = tpu.vector_load %arg21[%swap3A_76, %swap3A_77] {strides = array<i32>} : memref<16x112xf32, #tpu.memory_space<vmem>>, vector<16xf32>,
    tpu.vector_store %arg21[%swap3A_76, %swap3A_77], %broadcast_in_dim3A_6 {strides = array<i32>} : memref<16x112xf32, #tpu.memory_space<vmem>>, vector<16xf32>,
    %swap3A_79 = arith.constant 4 : i32
    %swap3A_80 = arith.index_cast %swap3A_79 : i32 to index
    %swap3A_81 = arith.constant 96 : index
    %swap3A_82 = tpu.vector_load %arg22[%swap3A_80, %swap3A_81] {strides = array<i32>} : memref<16x112xf32, #tpu.memory_space<vmem>>, vector<16xf32>,
    tpu.vector_store %arg22[%swap3A_80, %swap3A_81], %broadcast_in_dim3A_6 {strides = array<i32>} : memref<16x112xf32, #tpu.memory_space<vmem>>, vector<16xf32>,
    %swap3A_83 = arith.constant 4 : i32
    %swap3A_84 = arith.index_cast %swap3A_83 : i32 to index
    %swap3A_85 = arith.constant 96 : index
    %swap3A_86 = tpu.vector_load %arg23[%swap3A_84, %swap3A_85] {strides = array<i32>} : memref<16x112xf32, #tpu.memory_space<vmem>>, vector<16xf32>,
    tpu.vector_store %arg23[%swap3A_84, %swap3A_85], %broadcast_in_dim3A_6 {strides = array<i32>} : memref<16x112xf32, #tpu.memory_space<vmem>>, vector<16xf32>,
    %swap3A_87 = arith.constant 5 : i32
    %swap3A_88 = arith.index_cast %swap3A_87 : i32 to index
    %swap3A_89 = arith.constant 96 : index
    %swap3A_90 = tpu.vector_load %arg20[%swap3A_88, %swap3A_89] {strides = array<i32>} : memref<16x112xf32, #tpu.memory_space<vmem>>, vector<16xf32>,
    tpu.vector_store %arg20[%swap3A_88, %swap3A_89], %broadcast_in_dim3A_6 {strides = array<i32>} : memref<16x112xf32, #tpu.memory_space<vmem>>, vector<16xf32>,
    %swap3A_91 = arith.constant 5 : i32
    %swap3A_92 = arith.index_cast %swap3A_91 : i32 to index
    %swap3A_93 = arith.constant 96 : index
    %swap3A_94 = tpu.vector_load %arg21[%swap3A_92, %swap3A_93] {strides = array<i32>} : memref<16x112xf32, #tpu.memory_space<vmem>>, vector<16xf32>,
    tpu.vector_store %arg21[%swap3A_92, %swap3A_93], %broadcast_in_dim3A_6 {strides = array<i32>} : memref<16x112xf32, #tpu.memory_space<vmem>>, vector<16xf32>,
    %swap3A_95 = arith.constant 5 : i32
    %swap3A_96 = arith.index_cast %swap3A_95 : i32 to index
    %swap3A_97 = arith.constant 96 : index
    %swap3A_98 = tpu.vector_load %arg22[%swap3A_96, %swap3A_97] {strides = array<i32>} : memref<16x112xf32, #tpu.memory_space<vmem>>, vector<16xf32>,
    tpu.vector_store %arg22[%swap3A_96, %swap3A_97], %broadcast_in_dim3A_6 {strides = array<i32>} : memref<16x112xf32, #tpu.memory_space<vmem>>, vector<16xf32>,
    %swap3A_99 = arith.constant 5 : i32
    %swap3A_100 = arith.index_cast %swap3A_99 : i32 to index
    %swap3A_101 = arith.constant 96 : index
    %swap3A_102 = tpu.vector_load %arg23[%swap3A_100, %swap3A_101] {strides = array<i32>} : memref<16x112xf32, #tpu.memory_space<vmem>>, vector<16xf32>,
    tpu.vector_store %arg23[%swap3A_100, %swap3A_101], %broadcast_in_dim3A_6 {strides = array<i32>} : memref<16x112xf32, #tpu.memory_space<vmem>>, vector<16xf32>,
    %swap3A_103 = arith.constant 6 : i32
    %swap3A_104 = arith.index_cast %swap3A_103 : i32 to index
    %swap3A_105 = arith.constant 96 : index
    %swap3A_106 = tpu.vector_load %arg20[%swap3A_104, %swap3A_105] {strides = array<i32>} : memref<16x112xf32, #tpu.memory_space<vmem>>, vector<16xf32>,
    tpu.vector_store %arg20[%swap3A_104, %swap3A_105], %broadcast_in_dim3A_6 {strides = array<i32>} : memref<16x112xf32, #tpu.memory_space<vmem>>, vector<16xf32>,
    %swap3A_107 = arith.constant 6 : i32
    %swap3A_108 = arith.index_cast %swap3A_107 : i32 to index
    %swap3A_109 = arith.constant 96 : index
    %swap3A_110 = tpu.vector_load %arg21[%swap3A_108, %swap3A_109] {strides = array<i32>} : memref<16x112xf32, #tpu.memory_space<vmem>>, vector<16xf32>,
    tpu.vector_store %arg21[%swap3A_108, %swap3A_109], %broadcast_in_dim3A_6 {strides = array<i32>} : memref<16x112xf32, #tpu.memory_space<vmem>>, vector<16xf32>,
    %swap3A_111 = arith.constant 6 : i32
    %swap3A_112 = arith.index_cast %swap3A_111 : i32 to index
    %swap3A_113 = arith.constant 96 : index
    %swap3A_114 = tpu.vector_load %arg22[%swap3A_112, %swap3A_113] {strides = array<i32>} : memref<16x112xf32, #tpu.memory_space<vmem>>, vector<16xf32>,
    tpu.vector_store %arg22[%swap3A_112, %swap3A_113], %broadcast_in_dim3A_6 {strides = array<i32>} : memref<16x112xf32, #tpu.memory_space<vmem>>, vector<16xf32>,
    %swap3A_115 = arith.constant 6 : i32
    %swap3A_116 = arith.index_cast %swap3A_115 : i32 to index
    %swap3A_117 = arith.constant 96 : index
    %swap3A_118 = tpu.vector_load %arg23[%swap3A_116, %swap3A_117] {strides = array<i32>} : memref<16x112xf32, #tpu.memory_space<vmem>>, vector<16xf32>,
    tpu.vector_store %arg23[%swap3A_116, %swap3A_117], %broadcast_in_dim3A_6 {strides = array<i32>} : memref<16x112xf32, #tpu.memory_space<vmem>>, vector<16xf32>,
    %swap3A_119 = arith.constant 7 : i32
    %swap3A_120 = arith.index_cast %swap3A_119 : i32 to index
    %swap3A_121 = arith.constant 96 : index
    %swap3A_122 = tpu.vector_load %arg20[%swap3A_120, %swap3A_121] {strides = array<i32>} : memref<16x112xf32, #tpu.memory_space<vmem>>, vector<16xf32>,
    tpu.vector_store %arg20[%swap3A_120, %swap3A_121], %broadcast_in_dim3A_6 {strides = array<i32>} : memref<16x112xf32, #tpu.memory_space<vmem>>, vector<16xf32>,
    %swap3A_123 = arith.constant 7 : i32
    %swap3A_124 = arith.index_cast %swap3A_123 : i32 to index
    %swap3A_125 = arith.constant 96 : index
    %swap3A_126 = tpu.vector_load %arg21[%swap3A_124, %swap3A_125] {strides = array<i32>} : memref<16x112xf32, #tpu.memory_space<vmem>>, vector<16xf32>,
    tpu.vector_store %arg21[%swap3A_124, %swap3A_125], %broadcast_in_dim3A_6 {strides = array<i32>} : memref<16x112xf32, #tpu.memory_space<vmem>>, vector<16xf32>,
    %swap3A_127 = arith.constant 7 : i32
    %swap3A_128 = arith.index_cast %swap3A_127 : i32 to index
    %swap3A_129 = arith.constant 96 : index
    %swap3A_130 = tpu.vector_load %arg22[%swap3A_128, %swap3A_129] {strides = array<i32>} : memref<16x112xf32, #tpu.memory_space<vmem>>, vector<16xf32>,
    tpu.vector_store %arg22[%swap3A_128, %swap3A_129], %broadcast_in_dim3A_6 {strides = array<i32>} : memref<16x112xf32, #tpu.memory_space<vmem>>, vector<16xf32>,
    %swap3A_131 = arith.constant 7 : i32
    %swap3A_132 = arith.index_cast %swap3A_131 : i32 to index
    %swap3A_133 = arith.constant 96 : index
    %swap3A_134 = tpu.vector_load %arg23[%swap3A_132, %swap3A_133] {strides = array<i32>} : memref<16x112xf32, #tpu.memory_space<vmem>>, vector<16xf32>,
    tpu.vector_store %arg23[%swap3A_132, %swap3A_133], %broadcast_in_dim3A_6 {strides = array<i32>} : memref<16x112xf32, #tpu.memory_space<vmem>>, vector<16xf32>,
    %swap3A_135 = arith.constant 8 : i32
    %swap3A_136 = arith.index_cast %swap3A_135 : i32 to index
    %swap3A_137 = arith.constant 96 : index
    %swap3A_138 = tpu.vector_load %arg20[%swap3A_136, %swap3A_137] {strides = array<i32>} : memref<16x112xf32, #tpu.memory_space<vmem>>, vector<16xf32>,
    tpu.vector_store %arg20[%swap3A_136, %swap3A_137], %broadcast_in_dim3A_6 {strides = array<i32>} : memref<16x112xf32, #tpu.memory_space<vmem>>, vector<16xf32>,
    %swap3A_139 = arith.constant 8 : i32
    %swap3A_140 = arith.index_cast %swap3A_139 : i32 to index
    %swap3A_141 = arith.constant 96 : index
    %swap3A_142 = tpu.vector_load %arg21[%swap3A_140, %swap3A_141] {strides = array<i32>} : memref<16x112xf32, #tpu.memory_space<vmem>>, vector<16xf32>,
    tpu.vector_store %arg21[%swap3A_140, %swap3A_141], %broadcast_in_dim3A_6 {strides = array<i32>} : memref<16x112xf32, #tpu.memory_space<vmem>>, vector<16xf32>,
    %swap3A_143 = arith.constant 8 : i32
    %swap3A_144 = arith.index_cast %swap3A_143 : i32 to index
    %swap3A_145 = arith.constant 96 : index
    %swap3A_146 = tpu.vector_load %arg22[%swap3A_144, %swap3A_145] {strides = array<i32>} : memref<16x112xf32, #tpu.memory_space<vmem>>, vector<16xf32>,
    tpu.vector_store %arg22[%swap3A_144, %swap3A_145], %broadcast_in_dim3A_6 {strides = array<i32>} : memref<16x112xf32, #tpu.memory_space<vmem>>, vector<16xf32>,
    %swap3A_147 = arith.constant 8 : i32
    %swap3A_148 = arith.index_cast %swap3A_147 : i32 to index
    %swap3A_149 = arith.constant 96 : index
    %swap3A_150 = tpu.vector_load %arg23[%swap3A_148, %swap3A_149] {strides = array<i32>} : memref<16x112xf32, #tpu.memory_space<vmem>>, vector<16xf32>,
    tpu.vector_store %arg23[%swap3A_148, %swap3A_149], %broadcast_in_dim3A_6 {strides = array<i32>} : memref<16x112xf32, #tpu.memory_space<vmem>>, vector<16xf32>,
    %swap3A_151 = arith.constant 9 : i32
    %swap3A_152 = arith.index_cast %swap3A_151 : i32 to index
    %swap3A_153 = arith.constant 96 : index
    %swap3A_154 = tpu.vector_load %arg20[%swap3A_152, %swap3A_153] {strides = array<i32>} : memref<16x112xf32, #tpu.memory_space<vmem>>, vector<16xf32>,
    tpu.vector_store %arg20[%swap3A_152, %swap3A_153], %broadcast_in_dim3A_6 {strides = array<i32>} : memref<16x112xf32, #tpu.memory_space<vmem>>, vector<16xf32>,
    %swap3A_155 = arith.constant 9 : i32
    %swap3A_156 = arith.index_cast %swap3A_155 : i32 to index
    %swap3A_157 = arith.constant 96 : index
    %swap3A_158 = tpu.vector_load %arg21[%swap3A_156, %swap3A_157] {strides = array<i32>} : memref<16x112xf32, #tpu.memory_space<vmem>>, vector<16xf32>,
    tpu.vector_store %arg21[%swap3A_156, %swap3A_157], %broadcast_in_dim3A_6 {strides = array<i32>} : memref<16x112xf32, #tpu.memory_space<vmem>>, vector<16xf32>,
    %swap3A_159 = arith.constant 9 : i32
    %swap3A_160 = arith.index_cast %swap3A_159 : i32 to index
    %swap3A_161 = arith.constant 96 : index
    %swap3A_162 = tpu.vector_load %arg22[%swap3A_160, %swap3A_161] {strides = array<i32>} : memref<16x112xf32, #tpu.memory_space<vmem>>, vector<16xf32>,
    tpu.vector_store %arg22[%swap3A_160, %swap3A_161], %broadcast_in_dim3A_6 {strides = array<i32>} : memref<16x112xf32, #tpu.memory_space<vmem>>, vector<16xf32>,
    %swap3A_163 = arith.constant 9 : i32
    %swap3A_164 = arith.index_cast %swap3A_163 : i32 to index
    %swap3A_165 = arith.constant 96 : index
    %swap3A_166 = tpu.vector_load %arg23[%swap3A_164, %swap3A_165] {strides = array<i32>} : memref<16x112xf32, #tpu.memory_space<vmem>>, vector<16xf32>,
    tpu.vector_store %arg23[%swap3A_164, %swap3A_165], %broadcast_in_dim3A_6 {strides = array<i32>} : memref<16x112xf32, #tpu.memory_space<vmem>>, vector<16xf32>,
    %swap3A_167 = arith.constant 10 : i32
    %swap3A_168 = arith.index_cast %swap3A_167 : i32 to index
    %swap3A_169 = arith.constant 96 : index
    %swap3A_170 = tpu.vector_load %arg20[%swap3A_168, %swap3A_169] {strides = array<i32>} : memref<16x112xf32, #tpu.memory_space<vmem>>, vector<16xf32>,
    tpu.vector_store %arg20[%swap3A_168, %swap3A_169], %broadcast_in_dim3A_6 {strides = array<i32>} : memref<16x112xf32, #tpu.memory_space<vmem>>, vector<16xf32>,
    %swap3A_171 = arith.constant 10 : i32
    %swap3A_172 = arith.index_cast %swap3A_171 : i32 to index
    %swap3A_173 = arith.constant 96 : index
    %swap3A_174 = tpu.vector_load %arg21[%swap3A_172, %swap3A_173] {strides = array<i32>} : memref<16x112xf32, #tpu.memory_space<vmem>>, vector<16xf32>,
    tpu.vector_store %arg21[%swap3A_172, %swap3A_173], %broadcast_in_dim3A_6 {strides = array<i32>} : memref<16x112xf32, #tpu.memory_space<vmem>>, vector<16xf32>,
    %swap3A_175 = arith.constant 10 : i32
    %swap3A_176 = arith.index_cast %swap3A_175 : i32 to index
    %swap3A_177 = arith.constant 96 : index
    %swap3A_178 = tpu.vector_load %arg22[%swap3A_176, %swap3A_177] {strides = array<i32>} : memref<16x112xf32, #tpu.memory_space<vmem>>, vector<16xf32>,
    tpu.vector_store %arg22[%swap3A_176, %swap3A_177], %broadcast_in_dim3A_6 {strides = array<i32>} : memref<16x112xf32, #tpu.memory_space<vmem>>, vector<16xf32>,
    %swap3A_179 = arith.constant 10 : i32
    %swap3A_180 = arith.index_cast %swap3A_179 : i32 to index
    %swap3A_181 = arith.constant 96 : index
    %swap3A_182 = tpu.vector_load %arg23[%swap3A_180, %swap3A_181] {strides = array<i32>} : memref<16x112xf32, #tpu.memory_space<vmem>>, vector<16xf32>,
    tpu.vector_store %arg23[%swap3A_180, %swap3A_181], %broadcast_in_dim3A_6 {strides = array<i32>} : memref<16x112xf32, #tpu.memory_space<vmem>>, vector<16xf32>,
    %swap3A_183 = arith.constant 11 : i32
    %swap3A_184 = arith.index_cast %swap3A_183 : i32 to index
    %swap3A_185 = arith.constant 96 : index
    %swap3A_186 = tpu.vector_load %arg20[%swap3A_184, %swap3A_185] {strides = array<i32>} : memref<16x112xf32, #tpu.memory_space<vmem>>, vector<16xf32>,
    tpu.vector_store %arg20[%swap3A_184, %swap3A_185], %broadcast_in_dim3A_6 {strides = array<i32>} : memref<16x112xf32, #tpu.memory_space<vmem>>, vector<16xf32>,
    %swap3A_187 = arith.constant 11 : i32
    %swap3A_188 = arith.index_cast %swap3A_187 : i32 to index
    %swap3A_189 = arith.constant 96 : index
    %swap3A_190 = tpu.vector_load %arg21[%swap3A_188, %swap3A_189] {strides = array<i32>} : memref<16x112xf32, #tpu.memory_space<vmem>>, vector<16xf32>,
    tpu.vector_store %arg21[%swap3A_188, %swap3A_189], %broadcast_in_dim3A_6 {strides = array<i32>} : memref<16x112xf32, #tpu.memory_space<vmem>>, vector<16xf32>,
    %swap3A_191 = arith.constant 11 : i32
    %swap3A_192 = arith.index_cast %swap3A_191 : i32 to index
    %swap3A_193 = arith.constant 96 : index
    %swap3A_194 = tpu.vector_load %arg22[%swap3A_192, %swap3A_193] {strides = array<i32>} : memref<16x112xf32, #tpu.memory_space<vmem>>, vector<16xf32>,
    tpu.vector_store %arg22[%swap3A_192, %swap3A_193], %broadcast_in_dim3A_6 {strides = array<i32>} : memref<16x112xf32, #tpu.memory_space<vmem>>, vector<16xf32>,
    %swap3A_195 = arith.constant 11 : i32
    %swap3A_196 = arith.index_cast %swap3A_195 : i32 to index
    %swap3A_197 = arith.constant 96 : index
    %swap3A_198 = tpu.vector_load %arg23[%swap3A_196, %swap3A_197] {strides = array<i32>} : memref<16x112xf32, #tpu.memory_space<vmem>>, vector<16xf32>,
    tpu.vector_store %arg23[%swap3A_196, %swap3A_197], %broadcast_in_dim3A_6 {strides = array<i32>} : memref<16x112xf32, #tpu.memory_space<vmem>>, vector<16xf32>,
    %swap3A_199 = arith.constant 12 : i32
    %swap3A_200 = arith.index_cast %swap3A_199 : i32 to index
    %swap3A_201 = arith.constant 96 : index
    %swap3A_202 = tpu.vector_load %arg20[%swap3A_200, %swap3A_201] {strides = array<i32>} : memref<16x112xf32, #tpu.memory_space<vmem>>, vector<16xf32>,
    tpu.vector_store %arg20[%swap3A_200, %swap3A_201], %broadcast_in_dim3A_6 {strides = array<i32>} : memref<16x112xf32, #tpu.memory_space<vmem>>, vector<16xf32>,
    %swap3A_203 = arith.constant 12 : i32
    %swap3A_204 = arith.index_cast %swap3A_203 : i32 to index
    %swap3A_205 = arith.constant 96 : index
    %swap3A_206 = tpu.vector_load %arg21[%swap3A_204, %swap3A_205] {strides = array<i32>} : memref<16x112xf32, #tpu.memory_space<vmem>>, vector<16xf32>,
    tpu.vector_store %arg21[%swap3A_204, %swap3A_205], %broadcast_in_dim3A_6 {strides = array<i32>} : memref<16x112xf32, #tpu.memory_space<vmem>>, vector<16xf32>,
    %swap3A_207 = arith.constant 12 : i32
    %swap3A_208 = arith.index_cast %swap3A_207 : i32 to index
    %swap3A_209 = arith.constant 96 : index
    %swap3A_210 = tpu.vector_load %arg22[%swap3A_208, %swap3A_209] {strides = array<i32>} : memref<16x112xf32, #tpu.memory_space<vmem>>, vector<16xf32>,
    tpu.vector_store %arg22[%swap3A_208, %swap3A_209], %broadcast_in_dim3A_6 {strides = array<i32>} : memref<16x112xf32, #tpu.memory_space<vmem>>, vector<16xf32>,
    %swap3A_211 = arith.constant 12 : i32
    %swap3A_212 = arith.index_cast %swap3A_211 : i32 to index
    %swap3A_213 = arith.constant 96 : index
    %swap3A_214 = tpu.vector_load %arg23[%swap3A_212, %swap3A_213] {strides = array<i32>} : memref<16x112xf32, #tpu.memory_space<vmem>>, vector<16xf32>,
    tpu.vector_store %arg23[%swap3A_212, %swap3A_213], %broadcast_in_dim3A_6 {strides = array<i32>} : memref<16x112xf32, #tpu.memory_space<vmem>>, vector<16xf32>,
    %swap3A_215 = arith.constant 13 : i32
    %swap3A_216 = arith.index_cast %swap3A_215 : i32 to index
    %swap3A_217 = arith.constant 96 : index
    %swap3A_218 = tpu.vector_load %arg20[%swap3A_216, %swap3A_217] {strides = array<i32>} : memref<16x112xf32, #tpu.memory_space<vmem>>, vector<16xf32>,
    tpu.vector_store %arg20[%swap3A_216, %swap3A_217], %broadcast_in_dim3A_6 {strides = array<i32>} : memref<16x112xf32, #tpu.memory_space<vmem>>, vector<16xf32>,
    %swap3A_219 = arith.constant 13 : i32
    %swap3A_220 = arith.index_cast %swap3A_219 : i32 to index
    %swap3A_221 = arith.constant 96 : index
    %swap3A_222 = tpu.vector_load %arg21[%swap3A_220, %swap3A_221] {strides = array<i32>} : memref<16x112xf32, #tpu.memory_space<vmem>>, vector<16xf32>,
    tpu.vector_store %arg21[%swap3A_220, %swap3A_221], %broadcast_in_dim3A_6 {strides = array<i32>} : memref<16x112xf32, #tpu.memory_space<vmem>>, vector<16xf32>,
    %swap3A_223 = arith.constant 13 : i32
    %swap3A_224 = arith.index_cast %swap3A_223 : i32 to index
    %swap3A_225 = arith.constant 96 : index
    %swap3A_226 = tpu.vector_load %arg22[%swap3A_224, %swap3A_225] {strides = array<i32>} : memref<16x112xf32, #tpu.memory_space<vmem>>, vector<16xf32>,
    tpu.vector_store %arg22[%swap3A_224, %swap3A_225], %broadcast_in_dim3A_6 {strides = array<i32>} : memref<16x112xf32, #tpu.memory_space<vmem>>, vector<16xf32>,
    %swap3A_227 = arith.constant 13 : i32
    %swap3A_228 = arith.index_cast %swap3A_227 : i32 to index
    %swap3A_229 = arith.constant 96 : index
    %swap3A_230 = tpu.vector_load %arg23[%swap3A_228, %swap3A_229] {strides = array<i32>} : memref<16x112xf32, #tpu.memory_space<vmem>>, vector<16xf32>,
    tpu.vector_store %arg23[%swap3A_228, %swap3A_229], %broadcast_in_dim3A_6 {strides = array<i32>} : memref<16x112xf32, #tpu.memory_space<vmem>>, vector<16xf32>,
    %swap3A_231 = arith.constant 14 : i32
    %swap3A_232 = arith.index_cast %swap3A_231 : i32 to index
    %swap3A_233 = arith.constant 96 : index
    %swap3A_234 = tpu.vector_load %arg20[%swap3A_232, %swap3A_233] {strides = array<i32>} : memref<16x112xf32, #tpu.memory_space<vmem>>, vector<16xf32>,
    tpu.vector_store %arg20[%swap3A_232, %swap3A_233], %broadcast_in_dim3A_6 {strides = array<i32>} : memref<16x112xf32, #tpu.memory_space<vmem>>, vector<16xf32>,
    %swap3A_235 = arith.constant 14 : i32
    %swap3A_236 = arith.index_cast %swap3A_235 : i32 to index
    %swap3A_237 = arith.constant 96 : index
    %swap3A_238 = tpu.vector_load %arg21[%swap3A_236, %swap3A_237] {strides = array<i32>} : memref<16x112xf32, #tpu.memory_space<vmem>>, vector<16xf32>,
    tpu.vector_store %arg21[%swap3A_236, %swap3A_237], %broadcast_in_dim3A_6 {strides = array<i32>} : memref<16x112xf32, #tpu.memory_space<vmem>>, vector<16xf32>,
    %swap3A_239 = arith.constant 14 : i32
    %swap3A_240 = arith.index_cast %swap3A_239 : i32 to index
    %swap3A_241 = arith.constant 96 : index
    %swap3A_242 = tpu.vector_load %arg22[%swap3A_240, %swap3A_241] {strides = array<i32>} : memref<16x112xf32, #tpu.memory_space<vmem>>, vector<16xf32>,
    tpu.vector_store %arg22[%swap3A_240, %swap3A_241], %broadcast_in_dim3A_6 {strides = array<i32>} : memref<16x112xf32, #tpu.memory_space<vmem>>, vector<16xf32>,
    %swap3A_243 = arith.constant 14 : i32
    %swap3A_244 = arith.index_cast %swap3A_243 : i32 to index
    %swap3A_245 = arith.constant 96 : index
    %swap3A_246 = tpu.vector_load %arg23[%swap3A_244, %swap3A_245] {strides = array<i32>} : memref<16x112xf32, #tpu.memory_space<vmem>>, vector<16xf32>,
    tpu.vector_store %arg23[%swap3A_244, %swap3A_245], %broadcast_in_dim3A_6 {strides = array<i32>} : memref<16x112xf32, #tpu.memory_space<vmem>>, vector<16xf32>,
    %swap3A_247 = arith.constant 15 : i32
    %swap3A_248 = arith.index_cast %swap3A_247 : i32 to index
    %swap3A_249 = arith.constant 96 : index
    %swap3A_250 = tpu.vector_load %arg20[%swap3A_248, %swap3A_249] {strides = array<i32>} : memref<16x112xf32, #tpu.memory_space<vmem>>, vector<16xf32>,
    tpu.vector_store %arg20[%swap3A_248, %swap3A_249], %broadcast_in_dim3A_6 {strides = array<i32>} : memref<16x112xf32, #tpu.memory_space<vmem>>, vector<16xf32>,
    %swap3A_251 = arith.constant 15 : i32
    %swap3A_252 = arith.index_cast %swap3A_251 : i32 to index
    %swap3A_253 = arith.constant 96 : index
    %swap3A_254 = tpu.vector_load %arg21[%swap3A_252, %swap3A_253] {strides = array<i32>} : memref<16x112xf32, #tpu.memory_space<vmem>>, vector<16xf32>,
    tpu.vector_store %arg21[%swap3A_252, %swap3A_253], %broadcast_in_dim3A_6 {strides = array<i32>} : memref<16x112xf32, #tpu.memory_space<vmem>>, vector<16xf32>,
    %swap3A_255 = arith.constant 15 : i32
    %swap3A_256 = arith.index_cast %swap3A_255 : i32 to index
    %swap3A_257 = arith.constant 96 : index
    %swap3A_258 = tpu.vector_load %arg22[%swap3A_256, %swap3A_257] {strides = array<i32>} : memref<16x112xf32, #tpu.memory_space<vmem>>, vector<16xf32>,
    tpu.vector_store %arg22[%swap3A_256, %swap3A_257], %broadcast_in_dim3A_6 {strides = array<i32>} : memref<16x112xf32, #tpu.memory_space<vmem>>, vector<16xf32>,
    %swap3A_259 = arith.constant 15 : i32
    %swap3A_260 = arith.index_cast %swap3A_259 : i32 to index
    %swap3A_261 = arith.constant 96 : index
    %swap3A_262 = tpu.vector_load %arg23[%swap3A_260, %swap3A_261] {strides = array<i32>} : memref<16x112xf32, #tpu.memory_space<vmem>>, vector<16xf32>,
    tpu.vector_store %arg23[%swap3A_260, %swap3A_261], %broadcast_in_dim3A_6 {strides = array<i32>} : memref<16x112xf32, #tpu.memory_space<vmem>>, vector<16xf32>,
    %scan3A = arith.constant 0 : i32
    %scan3A_263 = arith.constant 0 : i32
    %scan3A_264 = arith.constant 5 : i32
    %scan3A_265 = arith.addi %scan3A_263, %scan3A_264 : i32
    %scan3A_266 = arith.constant 1 : i32
    scf.for %scan3A_279 = %scan3A_263 to %scan3A_265 step %scan3A_266  : i32 {
      %mul3A_280 = arith.constant 2000 : i32
      %mul3A_281 = arith.muli %scan3A_279, %mul3A_280 : i32
      %add3A = arith.addi %mul3A_7, %mul3A_281 : i32
      "tpu.region"() ({
        %run_scoped3A = tpu.sem_alloc : memref<!tpu.dma_semaphore, #tpu.memory_space<semaphore_mem>>
        %dma_start3A_348 = tpu.memref_slice %arg3[%add3A] : memref<160000xi32, #tpu.memory_space<hbm>> -> memref<2000xi32, #tpu.memory_space<hbm>>
        %dma_start3A_349 = tpu.memref_slice %arg3[%add3A] : memref<160000xi32, #tpu.memory_space<hbm>> -> memref<2000xi32, #tpu.memory_space<hbm>>
        tpu.enqueue_dma source(%dma_start3A_349 : memref<2000xi32, #tpu.memory_space<hbm>>) target(%arg12 : memref<2000xi32, #tpu.memory_space<vmem>>) target_semaphore(%run_scoped3A : memref<!tpu.dma_semaphore, #tpu.memory_space<semaphore_mem>>)
        %dma_wait3A_350 = tpu.memref_slice %arg3[%add3A] : memref<160000xi32, #tpu.memory_space<hbm>> -> memref<2000xi32, #tpu.memory_space<hbm>>
        %dma_wait3A_351 = tpu.memref_slice %arg3[%add3A] : memref<160000xi32, #tpu.memory_space<hbm>> -> memref<2000xi32, #tpu.memory_space<hbm>>
        tpu.wait_dma2 semaphore(%run_scoped3A : memref<!tpu.dma_semaphore, #tpu.memory_space<semaphore_mem>>) src(%dma_wait3A_351 : memref<2000xi32, #tpu.memory_space<hbm>>) dst(%arg12 : memref<2000xi32, #tpu.memory_space<vmem>>)
        tpu.yield
      }) : () -> ()
      "tpu.region"() ({
        %run_scoped3A = tpu.sem_alloc : memref<!tpu.dma_semaphore, #tpu.memory_space<semaphore_mem>>
        %dma_start3A_348 = tpu.memref_slice %arg4[%add3A] : memref<160000xi32, #tpu.memory_space<hbm>> -> memref<2000xi32, #tpu.memory_space<hbm>>
        %dma_start3A_349 = tpu.memref_slice %arg4[%add3A] : memref<160000xi32, #tpu.memory_space<hbm>> -> memref<2000xi32, #tpu.memory_space<hbm>>
        tpu.enqueue_dma source(%dma_start3A_349 : memref<2000xi32, #tpu.memory_space<hbm>>) target(%arg13 : memref<2000xi32, #tpu.memory_space<vmem>>) target_semaphore(%run_scoped3A : memref<!tpu.dma_semaphore, #tpu.memory_space<semaphore_mem>>)
        %dma_wait3A_350 = tpu.memref_slice %arg4[%add3A] : memref<160000xi32, #tpu.memory_space<hbm>> -> memref<2000xi32, #tpu.memory_space<hbm>>
        %dma_wait3A_351 = tpu.memref_slice %arg4[%add3A] : memref<160000xi32, #tpu.memory_space<hbm>> -> memref<2000xi32, #tpu.memory_space<hbm>>
        tpu.wait_dma2 semaphore(%run_scoped3A : memref<!tpu.dma_semaphore, #tpu.memory_space<semaphore_mem>>) src(%dma_wait3A_351 : memref<2000xi32, #tpu.memory_space<hbm>>) dst(%arg13 : memref<2000xi32, #tpu.memory_space<vmem>>)
        tpu.yield
      }) : () -> ()
      "tpu.region"() ({
        %run_scoped3A = tpu.sem_alloc : memref<!tpu.dma_semaphore, #tpu.memory_space<semaphore_mem>>
        %dma_start3A_348 = tpu.memref_slice %arg5[%add3A] : memref<160000xi32, #tpu.memory_space<hbm>> -> memref<2000xi32, #tpu.memory_space<hbm>>
        %dma_start3A_349 = tpu.memref_slice %arg5[%add3A] : memref<160000xi32, #tpu.memory_space<hbm>> -> memref<2000xi32, #tpu.memory_space<hbm>>
        tpu.enqueue_dma source(%dma_start3A_349 : memref<2000xi32, #tpu.memory_space<hbm>>) target(%arg14 : memref<2000xi32, #tpu.memory_space<vmem>>) target_semaphore(%run_scoped3A : memref<!tpu.dma_semaphore, #tpu.memory_space<semaphore_mem>>)
        %dma_wait3A_350 = tpu.memref_slice %arg5[%add3A] : memref<160000xi32, #tpu.memory_space<hbm>> -> memref<2000xi32, #tpu.memory_space<hbm>>
        %dma_wait3A_351 = tpu.memref_slice %arg5[%add3A] : memref<160000xi32, #tpu.memory_space<hbm>> -> memref<2000xi32, #tpu.memory_space<hbm>>
        tpu.wait_dma2 semaphore(%run_scoped3A : memref<!tpu.dma_semaphore, #tpu.memory_space<semaphore_mem>>) src(%dma_wait3A_351 : memref<2000xi32, #tpu.memory_space<hbm>>) dst(%arg14 : memref<2000xi32, #tpu.memory_space<vmem>>)
        tpu.yield
      }) : () -> ()
      "tpu.region"() ({
        %run_scoped3A = tpu.sem_alloc : memref<!tpu.dma_semaphore, #tpu.memory_space<semaphore_mem>>
        %dma_start3A_348 = tpu.memref_slice %arg6[%add3A] : memref<160000xf32, #tpu.memory_space<hbm>> -> memref<2000xf32, #tpu.memory_space<hbm>>
        %dma_start3A_349 = tpu.memref_slice %arg6[%add3A] : memref<160000xf32, #tpu.memory_space<hbm>> -> memref<2000xf32, #tpu.memory_space<hbm>>
        tpu.enqueue_dma source(%dma_start3A_349 : memref<2000xf32, #tpu.memory_space<hbm>>) target(%arg15 : memref<2000xf32, #tpu.memory_space<vmem>>) target_semaphore(%run_scoped3A : memref<!tpu.dma_semaphore, #tpu.memory_space<semaphore_mem>>)
        %dma_wait3A_350 = tpu.memref_slice %arg6[%add3A] : memref<160000xf32, #tpu.memory_space<hbm>> -> memref<2000xf32, #tpu.memory_space<hbm>>
        %dma_wait3A_351 = tpu.memref_slice %arg6[%add3A] : memref<160000xf32, #tpu.memory_space<hbm>> -> memref<2000xf32, #tpu.memory_space<hbm>>
        tpu.wait_dma2 semaphore(%run_scoped3A : memref<!tpu.dma_semaphore, #tpu.memory_space<semaphore_mem>>) src(%dma_wait3A_351 : memref<2000xf32, #tpu.memory_space<hbm>>) dst(%arg15 : memref<2000xf32, #tpu.memory_space<vmem>>)
        tpu.yield
      }) : () -> ()
      %get3A = arith.constant 0 : index
      %get3A_282 = tpu.vector_load %arg12[%get3A] {strides = array<i32>} : memref<2000xi32, #tpu.memory_space<vmem>>, vector<16xi32>,
      %dma_start3A = arith.constant 0 : i32
      %dma_start3A_283 = arith.constant 0 : i32
      %dma_start3A_284 = tpu.memref_slice %arg2[%arg0, %dma_start3A, %dma_start3A_283] : memref<2x10000x112xf32, #tpu.memory_space<hbm>> -> memref<1x10000x112xf32, #tpu.memory_space<hbm>>
      %dma_start3A_285 = tpu.memref_squeeze %dma_start3A_284 : memref<1x10000x112xf32, #tpu.memory_space<hbm>> -> memref<10000x112xf32, #tpu.memory_space<hbm>>
      %dma_start3A_286 = arith.constant 0 : i32
      %dma_start3A_287 = arith.constant 0 : i32
      %dma_start3A_288 = tpu.memref_slice %dma_start3A_285[%dma_start3A_286, %dma_start3A_287] : memref<10000x112xf32, #tpu.memory_space<hbm>> -> memref<10000x112xf32, #tpu.memory_space<hbm>>
      tpu.enqueue_indirect_dma source(%dma_start3A_288 : memref<10000x112xf32, #tpu.memory_space<hbm>>) target(%arg16 : memref<16x112xf32, #tpu.memory_space<vmem>>) offsets(%get3A_282 : vector<16xi32>) semaphore(%arg24 : memref<!tpu.dma_semaphore, #tpu.memory_space<semaphore_mem>>)
      %get3A_289 = arith.constant 16 : index
      %get3A_290 = tpu.vector_load %arg12[%get3A_289] {strides = array<i32>} : memref<2000xi32, #tpu.memory_space<vmem>>, vector<16xi32>,
      %dma_start3A_291 = arith.constant 0 : i32
      %dma_start3A_292 = arith.constant 0 : i32
      %dma_start3A_293 = tpu.memref_slice %arg2[%arg0, %dma_start3A_291, %dma_start3A_292] : memref<2x10000x112xf32, #tpu.memory_space<hbm>> -> memref<1x10000x112xf32, #tpu.memory_space<hbm>>
      %dma_start3A_294 = tpu.memref_squeeze %dma_start3A_293 : memref<1x10000x112xf32, #tpu.memory_space<hbm>> -> memref<10000x112xf32, #tpu.memory_space<hbm>>
      %dma_start3A_295 = arith.constant 0 : i32
      %dma_start3A_296 = arith.constant 0 : i32
      %dma_start3A_297 = tpu.memref_slice %dma_start3A_294[%dma_start3A_295, %dma_start3A_296] : memref<10000x112xf32, #tpu.memory_space<hbm>> -> memref<10000x112xf32, #tpu.memory_space<hbm>>
      tpu.enqueue_indirect_dma source(%dma_start3A_297 : memref<10000x112xf32, #tpu.memory_space<hbm>>) target(%arg17 : memref<16x112xf32, #tpu.memory_space<vmem>>) offsets(%get3A_290 : vector<16xi32>) semaphore(%arg25 : memref<!tpu.dma_semaphore, #tpu.memory_space<semaphore_mem>>)
      %scan3A_298 = arith.constant 0 : i32
      %scan3A_299 = arith.constant 0 : i32
      %scan3A_300 = arith.constant 31 : i32
      %scan3A_301 = arith.addi %scan3A_299, %scan3A_300 : i32
      %scan3A_302 = arith.constant 1 : i32
      scf.for %scan3A_348 = %scan3A_299 to %scan3A_301 step %scan3A_302  : i32 {
        %mul3A_349 = arith.constant 4 : i32
        %mul3A_350 = arith.muli %mul3A_349, %scan3A_348 : i32
        %mul3A_351 = arith.constant 16 : i32
        %mul3A_352 = arith.muli %mul3A_350, %mul3A_351 : i32
        %gt3A = arith.constant 0 : i32
        %gt3A_353 = arith.cmpi sgt, %scan3A_348, %gt3A : i32
        %convert_element_type3A_354 = arith.extui %gt3A_353 : i1 to i32
        %cond3A_355 = arith.constant 0 : i32
        %cond3A_356 = arith.cmpi ne, %convert_element_type3A_354, %cond3A_355 : i32
        scf.if %cond3A_356 {
          %sub3A = arith.constant 64 : i32
          %sub3A_490 = arith.subi %mul3A_352, %sub3A : i32
          %get3A_491 = arith.index_cast %sub3A_490 : i32 to index
          %get3A_492 = tpu.vector_load %arg13[%get3A_491] {strides = array<i32>} : memref<2000xi32, #tpu.memory_space<vmem>>, vector<16xi32>,
          %dma_wait3A_493 = arith.constant 0 : i32
          %dma_wait3A_494 = arith.constant 0 : i32
          %dma_wait3A_495 = tpu.memref_slice %arg10[%dma_wait3A_493, %dma_wait3A_494] : memref<10000x112xf32, #tpu.memory_space<vmem_shared>> -> memref<10000x112xf32, #tpu.memory_space<vmem_shared>>
          tpu.wait_indirect_dma semaphore(%arg28 : memref<!tpu.dma_semaphore, #tpu.memory_space<semaphore_mem>>) src(%arg20 : memref<16x112xf32, #tpu.memory_space<vmem>>) dst(%dma_wait3A_495 : memref<10000x112xf32, #tpu.memory_space<vmem_shared>>)
          %sub3A_496 = arith.constant 48 : i32
          %sub3A_497 = arith.subi %mul3A_352, %sub3A_496 : i32
          %get3A_498 = arith.index_cast %sub3A_497 : i32 to index
          %get3A_499 = tpu.vector_load %arg13[%get3A_498] {strides = array<i32>} : memref<2000xi32, #tpu.memory_space<vmem>>, vector<16xi32>,
          %dma_wait3A_500 = arith.constant 0 : i32
          %dma_wait3A_501 = arith.constant 0 : i32
          %dma_wait3A_502 = tpu.memref_slice %arg10[%dma_wait3A_500, %dma_wait3A_501] : memref<10000x112xf32, #tpu.memory_space<vmem_shared>> -> memref<10000x112xf32, #tpu.memory_space<vmem_shared>>
          tpu.wait_indirect_dma semaphore(%arg29 : memref<!tpu.dma_semaphore, #tpu.memory_space<semaphore_mem>>) src(%arg21 : memref<16x112xf32, #tpu.memory_space<vmem>>) dst(%dma_wait3A_502 : memref<10000x112xf32, #tpu.memory_space<vmem_shared>>)
        } else {
        }
        %get3A_357 = arith.index_cast %mul3A_352 : i32 to index
        %get3A_358 = tpu.vector_load %arg12[%get3A_357] {strides = array<i32>} : memref<2000xi32, #tpu.memory_space<vmem>>, vector<16xi32>,
        %dma_wait3A_359 = arith.constant 0 : i32
        %dma_wait3A_360 = arith.constant 0 : i32
        %dma_wait3A_361 = tpu.memref_slice %arg2[%arg0, %dma_wait3A_359, %dma_wait3A_360] : memref<2x10000x112xf32, #tpu.memory_space<hbm>> -> memref<1x10000x112xf32, #tpu.memory_space<hbm>>
        %dma_wait3A_362 = tpu.memref_squeeze %dma_wait3A_361 : memref<1x10000x112xf32, #tpu.memory_space<hbm>> -> memref<10000x112xf32, #tpu.memory_space<hbm>>
        %dma_wait3A_363 = arith.constant 0 : i32
        %dma_wait3A_364 = arith.constant 0 : i32
        %dma_wait3A_365 = tpu.memref_slice %dma_wait3A_362[%dma_wait3A_363, %dma_wait3A_364] : memref<10000x112xf32, #tpu.memory_space<hbm>> -> memref<10000x112xf32, #tpu.memory_space<hbm>>
        tpu.wait_indirect_dma semaphore(%arg24 : memref<!tpu.dma_semaphore, #tpu.memory_space<semaphore_mem>>) src(%dma_wait3A_365 : memref<10000x112xf32, #tpu.memory_space<hbm>>) dst(%arg16 : memref<16x112xf32, #tpu.memory_space<vmem>>)
        %add3A_366 = arith.constant 16 : i32
        %add3A_367 = arith.addi %mul3A_352, %add3A_366 : i32
        %get3A_368 = arith.index_cast %add3A_367 : i32 to index
        %get3A_369 = tpu.vector_load %arg12[%get3A_368] {strides = array<i32>} : memref<2000xi32, #tpu.memory_space<vmem>>, vector<16xi32>,
        %dma_wait3A_370 = arith.constant 0 : i32
        %dma_wait3A_371 = arith.constant 0 : i32
        %dma_wait3A_372 = tpu.memref_slice %arg2[%arg0, %dma_wait3A_370, %dma_wait3A_371] : memref<2x10000x112xf32, #tpu.memory_space<hbm>> -> memref<1x10000x112xf32, #tpu.memory_space<hbm>>
        %dma_wait3A_373 = tpu.memref_squeeze %dma_wait3A_372 : memref<1x10000x112xf32, #tpu.memory_space<hbm>> -> memref<10000x112xf32, #tpu.memory_space<hbm>>
        %dma_wait3A_374 = arith.constant 0 : i32
        %dma_wait3A_375 = arith.constant 0 : i32
        %dma_wait3A_376 = tpu.memref_slice %dma_wait3A_373[%dma_wait3A_374, %dma_wait3A_375] : memref<10000x112xf32, #tpu.memory_space<hbm>> -> memref<10000x112xf32, #tpu.memory_space<hbm>>
        tpu.wait_indirect_dma semaphore(%arg25 : memref<!tpu.dma_semaphore, #tpu.memory_space<semaphore_mem>>) src(%dma_wait3A_376 : memref<10000x112xf32, #tpu.memory_space<hbm>>) dst(%arg17 : memref<16x112xf32, #tpu.memory_space<vmem>>)
        %add3A_377 = arith.constant 32 : i32
        %add3A_378 = arith.addi %mul3A_352, %add3A_377 : i32
        %get3A_379 = arith.index_cast %add3A_378 : i32 to index
        %get3A_380 = tpu.vector_load %arg12[%get3A_379] {strides = array<i32>} : memref<2000xi32, #tpu.memory_space<vmem>>, vector<16xi32>,
        %dma_start3A_381 = arith.constant 0 : i32
        %dma_start3A_382 = arith.constant 0 : i32
        %dma_start3A_383 = tpu.memref_slice %arg2[%arg0, %dma_start3A_381, %dma_start3A_382] : memref<2x10000x112xf32, #tpu.memory_space<hbm>> -> memref<1x10000x112xf32, #tpu.memory_space<hbm>>
        %dma_start3A_384 = tpu.memref_squeeze %dma_start3A_383 : memref<1x10000x112xf32, #tpu.memory_space<hbm>> -> memref<10000x112xf32, #tpu.memory_space<hbm>>
        %dma_start3A_385 = arith.constant 0 : i32
        %dma_start3A_386 = arith.constant 0 : i32
        %dma_start3A_387 = tpu.memref_slice %dma_start3A_384[%dma_start3A_385, %dma_start3A_386] : memref<10000x112xf32, #tpu.memory_space<hbm>> -> memref<10000x112xf32, #tpu.memory_space<hbm>>
        tpu.enqueue_indirect_dma source(%dma_start3A_387 : memref<10000x112xf32, #tpu.memory_space<hbm>>) target(%arg18 : memref<16x112xf32, #tpu.memory_space<vmem>>) offsets(%get3A_380 : vector<16xi32>) semaphore(%arg26 : memref<!tpu.dma_semaphore, #tpu.memory_space<semaphore_mem>>)
        %add3A_388 = arith.constant 48 : i32
        %add3A_389 = arith.addi %mul3A_352, %add3A_388 : i32
        %get3A_390 = arith.index_cast %add3A_389 : i32 to index
        %get3A_391 = tpu.vector_load %arg12[%get3A_390] {strides = array<i32>} : memref<2000xi32, #tpu.memory_space<vmem>>, vector<16xi32>,
        %dma_start3A_392 = arith.constant 0 : i32
        %dma_start3A_393 = arith.constant 0 : i32
        %dma_start3A_394 = tpu.memref_slice %arg2[%arg0, %dma_start3A_392, %dma_start3A_393] : memref<2x10000x112xf32, #tpu.memory_space<hbm>> -> memref<1x10000x112xf32, #tpu.memory_space<hbm>>
        %dma_start3A_395 = tpu.memref_squeeze %dma_start3A_394 : memref<1x10000x112xf32, #tpu.memory_space<hbm>> -> memref<10000x112xf32, #tpu.memory_space<hbm>>
        %dma_start3A_396 = arith.constant 0 : i32
        %dma_start3A_397 = arith.constant 0 : i32
        %dma_start3A_398 = tpu.memref_slice %dma_start3A_395[%dma_start3A_396, %dma_start3A_397] : memref<10000x112xf32, #tpu.memory_space<hbm>> -> memref<10000x112xf32, #tpu.memory_space<hbm>>
        tpu.enqueue_indirect_dma source(%dma_start3A_398 : memref<10000x112xf32, #tpu.memory_space<hbm>>) target(%arg19 : memref<16x112xf32, #tpu.memory_space<vmem>>) offsets(%get3A_391 : vector<16xi32>) semaphore(%arg27 : memref<!tpu.dma_semaphore, #tpu.memory_space<semaphore_mem>>)
        %add3A_399 = arith.constant 16 : i32
        %add3A_400 = arith.addi %mul3A_352, %add3A_399 : i32
        %get3A_401 = arith.index_cast %mul3A_352 : i32 to index
        %get3A_402 = tpu.vector_load %arg13[%get3A_401] {strides = array<i32>} : memref<2000xi32, #tpu.memory_space<vmem>>, vector<16xi32>,
        %get3A_403 = arith.index_cast %mul3A_352 : i32 to index
        %get3A_404 = tpu.vector_load %arg14[%get3A_403] {strides = array<i32>} : memref<2000xi32, #tpu.memory_space<vmem>>, vector<16xi32>,
        %get3A_405 = arith.index_cast %mul3A_352 : i32 to index
        %get3A_406 = tpu.vector_load %arg15[%get3A_405] {strides = array<i32>} : memref<2000xf32, #tpu.memory_space<vmem>>, vector<16xf32>,
        %get3A_407 = arith.index_cast %add3A_400 : i32 to index
        %get3A_408 = tpu.vector_load %arg13[%get3A_407] {strides = array<i32>} : memref<2000xi32, #tpu.memory_space<vmem>>, vector<16xi32>,
        %get3A_409 = arith.index_cast %add3A_400 : i32 to index
        %get3A_410 = tpu.vector_load %arg14[%get3A_409] {strides = array<i32>} : memref<2000xi32, #tpu.memory_space<vmem>>, vector<16xi32>,
        %get3A_411 = arith.index_cast %add3A_400 : i32 to index
        %get3A_412 = tpu.vector_load %arg15[%get3A_411] {strides = array<i32>} : memref<2000xf32, #tpu.memory_space<vmem>>, vector<16xf32>,
        %parallel_loop3A_413 = arith.constant 0 : i32
        %parallel_loop3A_414 = arith.constant 50 : i32
        %parallel_loop3A_415 = arith.constant 1 : i32
        scf.for %parallel_loop3A_490 = %parallel_loop3A_413 to %parallel_loop3A_414 step %parallel_loop3A_415  : i32 {
          %parallel_loop3A_491 = arith.constant 0 : i32
          %parallel_loop3A_492 = vector.broadcast %parallel_loop3A_491 : i32 to vector<16xi32>
          %parallel_loop3A_493 = arith.constant 2 : i32
          %parallel_loop3A_494 = arith.muli %parallel_loop3A_493, %parallel_loop3A_490 : i32
          %parallel_loop3A_495 = vector.broadcast %parallel_loop3A_494 : i32 to vector<16xi32>
          %parallel_loop3A_496 = arith.addi %parallel_loop3A_492, %parallel_loop3A_495 : vector<16xi32>
          %parallel_loop3A_497 = arith.constant 1 : i32
          %parallel_loop3A_498 = vector.broadcast %parallel_loop3A_497 : i32 to vector<16xi32>
          %parallel_loop3A_499 = arith.addi %parallel_loop3A_496, %parallel_loop3A_498 : vector<16xi32>
          %parallel_loop3A_500 = tpu.vector_load_idx %arg16[%iota3A, %parallel_loop3A_496] : memref<16x112xf32, #tpu.memory_space<vmem>>[vector<16xi32>, vector<16xi32>], vector<16xf32>,
          %parallel_loop3A_501 = tpu.vector_load_idx %arg16[%iota3A, %parallel_loop3A_499] : memref<16x112xf32, #tpu.memory_space<vmem>>[vector<16xi32>, vector<16xi32>], vector<16xf32>,
          %parallel_loop3A_502 = tpu.vector_load_idx %arg17[%iota3A, %parallel_loop3A_496] : memref<16x112xf32, #tpu.memory_space<vmem>>[vector<16xi32>, vector<16xi32>], vector<16xf32>,
          %parallel_loop3A_503 = tpu.vector_load_idx %arg17[%iota3A, %parallel_loop3A_499] : memref<16x112xf32, #tpu.memory_space<vmem>>[vector<16xi32>, vector<16xi32>], vector<16xf32>,
          %parallel_loop3A_504 = tpu.vector_load_idx %arg11[%get3A_404, %parallel_loop3A_496] : memref<200x112xi32, #tpu.memory_space<vmem>>[vector<16xi32>, vector<16xi32>], vector<16xi32>,
          %parallel_loop3A_505 = tpu.vector_load_idx %arg11[%get3A_404, %parallel_loop3A_499] : memref<200x112xi32, #tpu.memory_space<vmem>>[vector<16xi32>, vector<16xi32>], vector<16xi32>,
          %parallel_loop3A_506 = tpu.vector_load_idx %arg11[%get3A_410, %parallel_loop3A_496] : memref<200x112xi32, #tpu.memory_space<vmem>>[vector<16xi32>, vector<16xi32>], vector<16xi32>,
          %parallel_loop3A_507 = tpu.vector_load_idx %arg11[%get3A_410, %parallel_loop3A_499] : memref<200x112xi32, #tpu.memory_space<vmem>>[vector<16xi32>, vector<16xi32>], vector<16xi32>,
          %parallel_loop3A_508 = arith.constant 16 : i32
          %parallel_loop3A_509 = vector.broadcast %parallel_loop3A_508 : i32 to vector<16xi32>
          %parallel_loop3A_510 = arith.shli %parallel_loop3A_504, %parallel_loop3A_509 : vector<16xi32>
          %parallel_loop3A_511 = vector.bitcast %parallel_loop3A_510 : vector<16xi32> to vector<16xf32>
          %parallel_loop3A_512 = arith.mulf %parallel_loop3A_500, %parallel_loop3A_511 : vector<16xf32>
          %parallel_loop3A_513 = arith.constant -65536 : i32
          %parallel_loop3A_514 = vector.broadcast %parallel_loop3A_513 : i32 to vector<16xi32>
          %parallel_loop3A_515 = arith.andi %parallel_loop3A_504, %parallel_loop3A_514 : vector<16xi32>
          %parallel_loop3A_516 = vector.bitcast %parallel_loop3A_515 : vector<16xi32> to vector<16xf32>
          %parallel_loop3A_517 = arith.mulf %parallel_loop3A_501, %parallel_loop3A_516 : vector<16xf32>
          %parallel_loop3A_518 = arith.addf %parallel_loop3A_512, %parallel_loop3A_517 : vector<16xf32>
          %parallel_loop3A_519 = arith.mulf %parallel_loop3A_518, %get3A_406 : vector<16xf32>
          %parallel_loop3A_520 = arith.constant 16 : i32
          %parallel_loop3A_521 = vector.broadcast %parallel_loop3A_520 : i32 to vector<16xi32>
          %parallel_loop3A_522 = arith.shli %parallel_loop3A_505, %parallel_loop3A_521 : vector<16xi32>
          %parallel_loop3A_523 = vector.bitcast %parallel_loop3A_522 : vector<16xi32> to vector<16xf32>
          %parallel_loop3A_524 = arith.mulf %parallel_loop3A_501, %parallel_loop3A_523 : vector<16xf32>
          %parallel_loop3A_525 = arith.constant -65536 : i32
          %parallel_loop3A_526 = vector.broadcast %parallel_loop3A_525 : i32 to vector<16xi32>
          %parallel_loop3A_527 = arith.andi %parallel_loop3A_505, %parallel_loop3A_526 : vector<16xi32>
          %parallel_loop3A_528 = vector.bitcast %parallel_loop3A_527 : vector<16xi32> to vector<16xf32>
          %parallel_loop3A_529 = arith.mulf %parallel_loop3A_500, %parallel_loop3A_528 : vector<16xf32>
          %parallel_loop3A_530 = arith.addf %parallel_loop3A_524, %parallel_loop3A_529 : vector<16xf32>
          %parallel_loop3A_531 = arith.mulf %parallel_loop3A_530, %get3A_406 : vector<16xf32>
          %parallel_loop3A_532 = arith.constant 16 : i32
          %parallel_loop3A_533 = vector.broadcast %parallel_loop3A_532 : i32 to vector<16xi32>
          %parallel_loop3A_534 = arith.shli %parallel_loop3A_506, %parallel_loop3A_533 : vector<16xi32>
          %parallel_loop3A_535 = vector.bitcast %parallel_loop3A_534 : vector<16xi32> to vector<16xf32>
          %parallel_loop3A_536 = arith.mulf %parallel_loop3A_502, %parallel_loop3A_535 : vector<16xf32>
          %parallel_loop3A_537 = arith.constant -65536 : i32
          %parallel_loop3A_538 = vector.broadcast %parallel_loop3A_537 : i32 to vector<16xi32>
          %parallel_loop3A_539 = arith.andi %parallel_loop3A_506, %parallel_loop3A_538 : vector<16xi32>
          %parallel_loop3A_540 = vector.bitcast %parallel_loop3A_539 : vector<16xi32> to vector<16xf32>
          %parallel_loop3A_541 = arith.mulf %parallel_loop3A_503, %parallel_loop3A_540 : vector<16xf32>
          %parallel_loop3A_542 = arith.addf %parallel_loop3A_536, %parallel_loop3A_541 : vector<16xf32>
          %parallel_loop3A_543 = arith.mulf %parallel_loop3A_542, %get3A_412 : vector<16xf32>
          %parallel_loop3A_544 = arith.constant 16 : i32
          %parallel_loop3A_545 = vector.broadcast %parallel_loop3A_544 : i32 to vector<16xi32>
          %parallel_loop3A_546 = arith.shli %parallel_loop3A_507, %parallel_loop3A_545 : vector<16xi32>
          %parallel_loop3A_547 = vector.bitcast %parallel_loop3A_546 : vector<16xi32> to vector<16xf32>
          %parallel_loop3A_548 = arith.mulf %parallel_loop3A_503, %parallel_loop3A_547 : vector<16xf32>
          %parallel_loop3A_549 = arith.constant -65536 : i32
          %parallel_loop3A_550 = vector.broadcast %parallel_loop3A_549 : i32 to vector<16xi32>
          %parallel_loop3A_551 = arith.andi %parallel_loop3A_507, %parallel_loop3A_550 : vector<16xi32>
          %parallel_loop3A_552 = vector.bitcast %parallel_loop3A_551 : vector<16xi32> to vector<16xf32>
          %parallel_loop3A_553 = arith.mulf %parallel_loop3A_502, %parallel_loop3A_552 : vector<16xf32>
          %parallel_loop3A_554 = arith.addf %parallel_loop3A_548, %parallel_loop3A_553 : vector<16xf32>
          %parallel_loop3A_555 = arith.mulf %parallel_loop3A_554, %get3A_412 : vector<16xf32>
          tpu.vector_store_idx %arg20[%iota3A, %parallel_loop3A_496], %parallel_loop3A_519 : memref<16x112xf32, #tpu.memory_space<vmem>>[vector<16xi32>, vector<16xi32>], vector<16xf32>,
          tpu.vector_store_idx %arg20[%iota3A, %parallel_loop3A_499], %parallel_loop3A_531 : memref<16x112xf32, #tpu.memory_space<vmem>>[vector<16xi32>, vector<16xi32>], vector<16xf32>,
          tpu.vector_store_idx %arg21[%iota3A, %parallel_loop3A_496], %parallel_loop3A_543 : memref<16x112xf32, #tpu.memory_space<vmem>>[vector<16xi32>, vector<16xi32>], vector<16xf32>,
          tpu.vector_store_idx %arg21[%iota3A, %parallel_loop3A_499], %parallel_loop3A_555 : memref<16x112xf32, #tpu.memory_space<vmem>>[vector<16xi32>, vector<16xi32>], vector<16xf32>,
        } {sc.loop_unroll_factor = 2 : i64, sc.parallel_access}
        %dma_start3A_416 = arith.constant 0 : i32
        %dma_start3A_417 = arith.constant 0 : i32
        %dma_start3A_418 = tpu.memref_slice %arg10[%dma_start3A_416, %dma_start3A_417] : memref<10000x112xf32, #tpu.memory_space<vmem_shared>> -> memref<10000x112xf32, #tpu.memory_space<vmem_shared>>
        tpu.enqueue_indirect_dma source(%arg20 : memref<16x112xf32, #tpu.memory_space<vmem>>) target(%dma_start3A_418 : memref<10000x112xf32, #tpu.memory_space<vmem_shared>>) offsets(%get3A_402 : vector<16xi32>) semaphore(%arg28 : memref<!tpu.dma_semaphore, #tpu.memory_space<semaphore_mem>>) {add = true}
        %dma_start3A_419 = arith.constant 0 : i32
        %dma_start3A_420 = arith.constant 0 : i32
        %dma_start3A_421 = tpu.memref_slice %arg10[%dma_start3A_419, %dma_start3A_420] : memref<10000x112xf32, #tpu.memory_space<vmem_shared>> -> memref<10000x112xf32, #tpu.memory_space<vmem_shared>>
        tpu.enqueue_indirect_dma source(%arg21 : memref<16x112xf32, #tpu.memory_space<vmem>>) target(%dma_start3A_421 : memref<10000x112xf32, #tpu.memory_space<vmem_shared>>) offsets(%get3A_408 : vector<16xi32>) semaphore(%arg29 : memref<!tpu.dma_semaphore, #tpu.memory_space<semaphore_mem>>) {add = true}
        %gt3A_422 = arith.constant 0 : i32
        %gt3A_423 = arith.cmpi sgt, %scan3A_348, %gt3A_422 : i32
        %convert_element_type3A_424 = arith.extui %gt3A_423 : i1 to i32
        %cond3A_425 = arith.constant 0 : i32
        %cond3A_426 = arith.cmpi ne, %convert_element_type3A_424, %cond3A_425 : i32
        scf.if %cond3A_426 {
          %sub3A = arith.constant 32 : i32
          %sub3A_490 = arith.subi %mul3A_352, %sub3A : i32
          %get3A_491 = arith.index_cast %sub3A_490 : i32 to index
          %get3A_492 = tpu.vector_load %arg13[%get3A_491] {strides = array<i32>} : memref<2000xi32, #tpu.memory_space<vmem>>, vector<16xi32>,
          %dma_wait3A_493 = arith.constant 0 : i32
          %dma_wait3A_494 = arith.constant 0 : i32
          %dma_wait3A_495 = tpu.memref_slice %arg10[%dma_wait3A_493, %dma_wait3A_494] : memref<10000x112xf32, #tpu.memory_space<vmem_shared>> -> memref<10000x112xf32, #tpu.memory_space<vmem_shared>>
          tpu.wait_indirect_dma semaphore(%arg30 : memref<!tpu.dma_semaphore, #tpu.memory_space<semaphore_mem>>) src(%arg22 : memref<16x112xf32, #tpu.memory_space<vmem>>) dst(%dma_wait3A_495 : memref<10000x112xf32, #tpu.memory_space<vmem_shared>>)
          %sub3A_496 = arith.constant 16 : i32
          %sub3A_497 = arith.subi %mul3A_352, %sub3A_496 : i32
          %get3A_498 = arith.index_cast %sub3A_497 : i32 to index
          %get3A_499 = tpu.vector_load %arg13[%get3A_498] {strides = array<i32>} : memref<2000xi32, #tpu.memory_space<vmem>>, vector<16xi32>,
          %dma_wait3A_500 = arith.constant 0 : i32
          %dma_wait3A_501 = arith.constant 0 : i32
          %dma_wait3A_502 = tpu.memref_slice %arg10[%dma_wait3A_500, %dma_wait3A_501] : memref<10000x112xf32, #tpu.memory_space<vmem_shared>> -> memref<10000x112xf32, #tpu.memory_space<vmem_shared>>
          tpu.wait_indirect_dma semaphore(%arg31 : memref<!tpu.dma_semaphore, #tpu.memory_space<semaphore_mem>>) src(%arg23 : memref<16x112xf32, #tpu.memory_space<vmem>>) dst(%dma_wait3A_502 : memref<10000x112xf32, #tpu.memory_space<vmem_shared>>)
        } else {
        }
        %add3A_427 = arith.constant 32 : i32
        %add3A_428 = arith.addi %mul3A_352, %add3A_427 : i32
        %get3A_429 = arith.index_cast %add3A_428 : i32 to index
        %get3A_430 = tpu.vector_load %arg12[%get3A_429] {strides = array<i32>} : memref<2000xi32, #tpu.memory_space<vmem>>, vector<16xi32>,
        %dma_wait3A_431 = arith.constant 0 : i32
        %dma_wait3A_432 = arith.constant 0 : i32
        %dma_wait3A_433 = tpu.memref_slice %arg2[%arg0, %dma_wait3A_431, %dma_wait3A_432] : memref<2x10000x112xf32, #tpu.memory_space<hbm>> -> memref<1x10000x112xf32, #tpu.memory_space<hbm>>
        %dma_wait3A_434 = tpu.memref_squeeze %dma_wait3A_433 : memref<1x10000x112xf32, #tpu.memory_space<hbm>> -> memref<10000x112xf32, #tpu.memory_space<hbm>>
        %dma_wait3A_435 = arith.constant 0 : i32
        %dma_wait3A_436 = arith.constant 0 : i32
        %dma_wait3A_437 = tpu.memref_slice %dma_wait3A_434[%dma_wait3A_435, %dma_wait3A_436] : memref<10000x112xf32, #tpu.memory_space<hbm>> -> memref<10000x112xf32, #tpu.memory_space<hbm>>
        tpu.wait_indirect_dma semaphore(%arg26 : memref<!tpu.dma_semaphore, #tpu.memory_space<semaphore_mem>>) src(%dma_wait3A_437 : memref<10000x112xf32, #tpu.memory_space<hbm>>) dst(%arg18 : memref<16x112xf32, #tpu.memory_space<vmem>>)
        %add3A_438 = arith.constant 48 : i32
        %add3A_439 = arith.addi %mul3A_352, %add3A_438 : i32
        %get3A_440 = arith.index_cast %add3A_439 : i32 to index
        %get3A_441 = tpu.vector_load %arg12[%get3A_440] {strides = array<i32>} : memref<2000xi32, #tpu.memory_space<vmem>>, vector<16xi32>,
        %dma_wait3A_442 = arith.constant 0 : i32
        %dma_wait3A_443 = arith.constant 0 : i32
        %dma_wait3A_444 = tpu.memref_slice %arg2[%arg0, %dma_wait3A_442, %dma_wait3A_443] : memref<2x10000x112xf32, #tpu.memory_space<hbm>> -> memref<1x10000x112xf32, #tpu.memory_space<hbm>>
        %dma_wait3A_445 = tpu.memref_squeeze %dma_wait3A_444 : memref<1x10000x112xf32, #tpu.memory_space<hbm>> -> memref<10000x112xf32, #tpu.memory_space<hbm>>
        %dma_wait3A_446 = arith.constant 0 : i32
        %dma_wait3A_447 = arith.constant 0 : i32
        %dma_wait3A_448 = tpu.memref_slice %dma_wait3A_445[%dma_wait3A_446, %dma_wait3A_447] : memref<10000x112xf32, #tpu.memory_space<hbm>> -> memref<10000x112xf32, #tpu.memory_space<hbm>>
        tpu.wait_indirect_dma semaphore(%arg27 : memref<!tpu.dma_semaphore, #tpu.memory_space<semaphore_mem>>) src(%dma_wait3A_448 : memref<10000x112xf32, #tpu.memory_space<hbm>>) dst(%arg19 : memref<16x112xf32, #tpu.memory_space<vmem>>)
        %add3A_449 = arith.constant 64 : i32
        %add3A_450 = arith.addi %mul3A_352, %add3A_449 : i32
        %get3A_451 = arith.index_cast %add3A_450 : i32 to index
        %get3A_452 = tpu.vector_load %arg12[%get3A_451] {strides = array<i32>} : memref<2000xi32, #tpu.memory_space<vmem>>, vector<16xi32>,
        %dma_start3A_453 = arith.constant 0 : i32
        %dma_start3A_454 = arith.constant 0 : i32
        %dma_start3A_455 = tpu.memref_slice %arg2[%arg0, %dma_start3A_453, %dma_start3A_454] : memref<2x10000x112xf32, #tpu.memory_space<hbm>> -> memref<1x10000x112xf32, #tpu.memory_space<hbm>>
        %dma_start3A_456 = tpu.memref_squeeze %dma_start3A_455 : memref<1x10000x112xf32, #tpu.memory_space<hbm>> -> memref<10000x112xf32, #tpu.memory_space<hbm>>
        %dma_start3A_457 = arith.constant 0 : i32
        %dma_start3A_458 = arith.constant 0 : i32
        %dma_start3A_459 = tpu.memref_slice %dma_start3A_456[%dma_start3A_457, %dma_start3A_458] : memref<10000x112xf32, #tpu.memory_space<hbm>> -> memref<10000x112xf32, #tpu.memory_space<hbm>>
        tpu.enqueue_indirect_dma source(%dma_start3A_459 : memref<10000x112xf32, #tpu.memory_space<hbm>>) target(%arg16 : memref<16x112xf32, #tpu.memory_space<vmem>>) offsets(%get3A_452 : vector<16xi32>) semaphore(%arg24 : memref<!tpu.dma_semaphore, #tpu.memory_space<semaphore_mem>>)
        %lt3A_460 = arith.constant 30 : i32
        %lt3A_461 = arith.cmpi slt, %scan3A_348, %lt3A_460 : i32
        %convert_element_type3A_462 = arith.extui %lt3A_461 : i1 to i32
        %cond3A_463 = arith.constant 0 : i32
        %cond3A_464 = arith.cmpi ne, %convert_element_type3A_462, %cond3A_463 : i32
        scf.if %cond3A_464 {
          %add3A_490 = arith.constant 80 : i32
          %add3A_491 = arith.addi %mul3A_352, %add3A_490 : i32
          %get3A_492 = arith.index_cast %add3A_491 : i32 to index
          %get3A_493 = tpu.vector_load %arg12[%get3A_492] {strides = array<i32>} : memref<2000xi32, #tpu.memory_space<vmem>>, vector<16xi32>,
          %dma_start3A_494 = arith.constant 0 : i32
          %dma_start3A_495 = arith.constant 0 : i32
          %dma_start3A_496 = tpu.memref_slice %arg2[%arg0, %dma_start3A_494, %dma_start3A_495] : memref<2x10000x112xf32, #tpu.memory_space<hbm>> -> memref<1x10000x112xf32, #tpu.memory_space<hbm>>
          %dma_start3A_497 = tpu.memref_squeeze %dma_start3A_496 : memref<1x10000x112xf32, #tpu.memory_space<hbm>> -> memref<10000x112xf32, #tpu.memory_space<hbm>>
          %dma_start3A_498 = arith.constant 0 : i32
          %dma_start3A_499 = arith.constant 0 : i32
          %dma_start3A_500 = tpu.memref_slice %dma_start3A_497[%dma_start3A_498, %dma_start3A_499] : memref<10000x112xf32, #tpu.memory_space<hbm>> -> memref<10000x112xf32, #tpu.memory_space<hbm>>
          tpu.enqueue_indirect_dma source(%dma_start3A_500 : memref<10000x112xf32, #tpu.memory_space<hbm>>) target(%arg17 : memref<16x112xf32, #tpu.memory_space<vmem>>) offsets(%get3A_493 : vector<16xi32>) semaphore(%arg25 : memref<!tpu.dma_semaphore, #tpu.memory_space<semaphore_mem>>)
        } else {
        }
        %add3A_465 = arith.constant 32 : i32
        %add3A_466 = arith.addi %mul3A_352, %add3A_465 : i32
        %add3A_467 = arith.constant 48 : i32
        %add3A_468 = arith.addi %mul3A_352, %add3A_467 : i32
        %get3A_469 = arith.index_cast %add3A_466 : i32 to index
        %get3A_470 = tpu.vector_load %arg13[%get3A_469] {strides = array<i32>} : memref<2000xi32, #tpu.memory_space<vmem>>, vector<16xi32>,
        %get3A_471 = arith.index_cast %add3A_466 : i32 to index
        %get3A_472 = tpu.vector_load %arg14[%get3A_471] {strides = array<i32>} : memref<2000xi32, #tpu.memory_space<vmem>>, vector<16xi32>,
        %get3A_473 = arith.index_cast %add3A_466 : i32 to index
        %get3A_474 = tpu.vector_load %arg15[%get3A_473] {strides = array<i32>} : memref<2000xf32, #tpu.memory_space<vmem>>, vector<16xf32>,
        %get3A_475 = arith.index_cast %add3A_468 : i32 to index
        %get3A_476 = tpu.vector_load %arg13[%get3A_475] {strides = array<i32>} : memref<2000xi32, #tpu.memory_space<vmem>>, vector<16xi32>,
        %get3A_477 = arith.index_cast %add3A_468 : i32 to index
        %get3A_478 = tpu.vector_load %arg14[%get3A_477] {strides = array<i32>} : memref<2000xi32, #tpu.memory_space<vmem>>, vector<16xi32>,
        %get3A_479 = arith.index_cast %add3A_468 : i32 to index
        %get3A_480 = tpu.vector_load %arg15[%get3A_479] {strides = array<i32>} : memref<2000xf32, #tpu.memory_space<vmem>>, vector<16xf32>,
        %parallel_loop3A_481 = arith.constant 0 : i32
        %parallel_loop3A_482 = arith.constant 50 : i32
        %parallel_loop3A_483 = arith.constant 1 : i32
        scf.for %parallel_loop3A_490 = %parallel_loop3A_481 to %parallel_loop3A_482 step %parallel_loop3A_483  : i32 {
          %parallel_loop3A_491 = arith.constant 0 : i32
          %parallel_loop3A_492 = vector.broadcast %parallel_loop3A_491 : i32 to vector<16xi32>
          %parallel_loop3A_493 = arith.constant 2 : i32
          %parallel_loop3A_494 = arith.muli %parallel_loop3A_493, %parallel_loop3A_490 : i32
          %parallel_loop3A_495 = vector.broadcast %parallel_loop3A_494 : i32 to vector<16xi32>
          %parallel_loop3A_496 = arith.addi %parallel_loop3A_492, %parallel_loop3A_495 : vector<16xi32>
          %parallel_loop3A_497 = arith.constant 1 : i32
          %parallel_loop3A_498 = vector.broadcast %parallel_loop3A_497 : i32 to vector<16xi32>
          %parallel_loop3A_499 = arith.addi %parallel_loop3A_496, %parallel_loop3A_498 : vector<16xi32>
          %parallel_loop3A_500 = tpu.vector_load_idx %arg18[%iota3A, %parallel_loop3A_496] : memref<16x112xf32, #tpu.memory_space<vmem>>[vector<16xi32>, vector<16xi32>], vector<16xf32>,
          %parallel_loop3A_501 = tpu.vector_load_idx %arg18[%iota3A, %parallel_loop3A_499] : memref<16x112xf32, #tpu.memory_space<vmem>>[vector<16xi32>, vector<16xi32>], vector<16xf32>,
          %parallel_loop3A_502 = tpu.vector_load_idx %arg19[%iota3A, %parallel_loop3A_496] : memref<16x112xf32, #tpu.memory_space<vmem>>[vector<16xi32>, vector<16xi32>], vector<16xf32>,
          %parallel_loop3A_503 = tpu.vector_load_idx %arg19[%iota3A, %parallel_loop3A_499] : memref<16x112xf32, #tpu.memory_space<vmem>>[vector<16xi32>, vector<16xi32>], vector<16xf32>,
          %parallel_loop3A_504 = tpu.vector_load_idx %arg11[%get3A_472, %parallel_loop3A_496] : memref<200x112xi32, #tpu.memory_space<vmem>>[vector<16xi32>, vector<16xi32>], vector<16xi32>,
          %parallel_loop3A_505 = tpu.vector_load_idx %arg11[%get3A_472, %parallel_loop3A_499] : memref<200x112xi32, #tpu.memory_space<vmem>>[vector<16xi32>, vector<16xi32>], vector<16xi32>,
          %parallel_loop3A_506 = tpu.vector_load_idx %arg11[%get3A_478, %parallel_loop3A_496] : memref<200x112xi32, #tpu.memory_space<vmem>>[vector<16xi32>, vector<16xi32>], vector<16xi32>,
          %parallel_loop3A_507 = tpu.vector_load_idx %arg11[%get3A_478, %parallel_loop3A_499] : memref<200x112xi32, #tpu.memory_space<vmem>>[vector<16xi32>, vector<16xi32>], vector<16xi32>,
          %parallel_loop3A_508 = arith.constant 16 : i32
          %parallel_loop3A_509 = vector.broadcast %parallel_loop3A_508 : i32 to vector<16xi32>
          %parallel_loop3A_510 = arith.shli %parallel_loop3A_504, %parallel_loop3A_509 : vector<16xi32>
          %parallel_loop3A_511 = vector.bitcast %parallel_loop3A_510 : vector<16xi32> to vector<16xf32>
          %parallel_loop3A_512 = arith.mulf %parallel_loop3A_500, %parallel_loop3A_511 : vector<16xf32>
          %parallel_loop3A_513 = arith.constant -65536 : i32
          %parallel_loop3A_514 = vector.broadcast %parallel_loop3A_513 : i32 to vector<16xi32>
          %parallel_loop3A_515 = arith.andi %parallel_loop3A_504, %parallel_loop3A_514 : vector<16xi32>
          %parallel_loop3A_516 = vector.bitcast %parallel_loop3A_515 : vector<16xi32> to vector<16xf32>
          %parallel_loop3A_517 = arith.mulf %parallel_loop3A_501, %parallel_loop3A_516 : vector<16xf32>
          %parallel_loop3A_518 = arith.addf %parallel_loop3A_512, %parallel_loop3A_517 : vector<16xf32>
          %parallel_loop3A_519 = arith.mulf %parallel_loop3A_518, %get3A_474 : vector<16xf32>
          %parallel_loop3A_520 = arith.constant 16 : i32
          %parallel_loop3A_521 = vector.broadcast %parallel_loop3A_520 : i32 to vector<16xi32>
          %parallel_loop3A_522 = arith.shli %parallel_loop3A_505, %parallel_loop3A_521 : vector<16xi32>
          %parallel_loop3A_523 = vector.bitcast %parallel_loop3A_522 : vector<16xi32> to vector<16xf32>
          %parallel_loop3A_524 = arith.mulf %parallel_loop3A_501, %parallel_loop3A_523 : vector<16xf32>
          %parallel_loop3A_525 = arith.constant -65536 : i32
          %parallel_loop3A_526 = vector.broadcast %parallel_loop3A_525 : i32 to vector<16xi32>
          %parallel_loop3A_527 = arith.andi %parallel_loop3A_505, %parallel_loop3A_526 : vector<16xi32>
          %parallel_loop3A_528 = vector.bitcast %parallel_loop3A_527 : vector<16xi32> to vector<16xf32>
          %parallel_loop3A_529 = arith.mulf %parallel_loop3A_500, %parallel_loop3A_528 : vector<16xf32>
          %parallel_loop3A_530 = arith.addf %parallel_loop3A_524, %parallel_loop3A_529 : vector<16xf32>
          %parallel_loop3A_531 = arith.mulf %parallel_loop3A_530, %get3A_474 : vector<16xf32>
          %parallel_loop3A_532 = arith.constant 16 : i32
          %parallel_loop3A_533 = vector.broadcast %parallel_loop3A_532 : i32 to vector<16xi32>
          %parallel_loop3A_534 = arith.shli %parallel_loop3A_506, %parallel_loop3A_533 : vector<16xi32>
          %parallel_loop3A_535 = vector.bitcast %parallel_loop3A_534 : vector<16xi32> to vector<16xf32>
          %parallel_loop3A_536 = arith.mulf %parallel_loop3A_502, %parallel_loop3A_535 : vector<16xf32>
          %parallel_loop3A_537 = arith.constant -65536 : i32
          %parallel_loop3A_538 = vector.broadcast %parallel_loop3A_537 : i32 to vector<16xi32>
          %parallel_loop3A_539 = arith.andi %parallel_loop3A_506, %parallel_loop3A_538 : vector<16xi32>
          %parallel_loop3A_540 = vector.bitcast %parallel_loop3A_539 : vector<16xi32> to vector<16xf32>
          %parallel_loop3A_541 = arith.mulf %parallel_loop3A_503, %parallel_loop3A_540 : vector<16xf32>
          %parallel_loop3A_542 = arith.addf %parallel_loop3A_536, %parallel_loop3A_541 : vector<16xf32>
          %parallel_loop3A_543 = arith.mulf %parallel_loop3A_542, %get3A_480 : vector<16xf32>
          %parallel_loop3A_544 = arith.constant 16 : i32
          %parallel_loop3A_545 = vector.broadcast %parallel_loop3A_544 : i32 to vector<16xi32>
          %parallel_loop3A_546 = arith.shli %parallel_loop3A_507, %parallel_loop3A_545 : vector<16xi32>
          %parallel_loop3A_547 = vector.bitcast %parallel_loop3A_546 : vector<16xi32> to vector<16xf32>
          %parallel_loop3A_548 = arith.mulf %parallel_loop3A_503, %parallel_loop3A_547 : vector<16xf32>
          %parallel_loop3A_549 = arith.constant -65536 : i32
          %parallel_loop3A_550 = vector.broadcast %parallel_loop3A_549 : i32 to vector<16xi32>
          %parallel_loop3A_551 = arith.andi %parallel_loop3A_507, %parallel_loop3A_550 : vector<16xi32>
          %parallel_loop3A_552 = vector.bitcast %parallel_loop3A_551 : vector<16xi32> to vector<16xf32>
          %parallel_loop3A_553 = arith.mulf %parallel_loop3A_502, %parallel_loop3A_552 : vector<16xf32>
          %parallel_loop3A_554 = arith.addf %parallel_loop3A_548, %parallel_loop3A_553 : vector<16xf32>
          %parallel_loop3A_555 = arith.mulf %parallel_loop3A_554, %get3A_480 : vector<16xf32>
          tpu.vector_store_idx %arg22[%iota3A, %parallel_loop3A_496], %parallel_loop3A_519 : memref<16x112xf32, #tpu.memory_space<vmem>>[vector<16xi32>, vector<16xi32>], vector<16xf32>,
          tpu.vector_store_idx %arg22[%iota3A, %parallel_loop3A_499], %parallel_loop3A_531 : memref<16x112xf32, #tpu.memory_space<vmem>>[vector<16xi32>, vector<16xi32>], vector<16xf32>,
          tpu.vector_store_idx %arg23[%iota3A, %parallel_loop3A_496], %parallel_loop3A_543 : memref<16x112xf32, #tpu.memory_space<vmem>>[vector<16xi32>, vector<16xi32>], vector<16xf32>,
          tpu.vector_store_idx %arg23[%iota3A, %parallel_loop3A_499], %parallel_loop3A_555 : memref<16x112xf32, #tpu.memory_space<vmem>>[vector<16xi32>, vector<16xi32>], vector<16xf32>,
        } {sc.loop_unroll_factor = 2 : i64, sc.parallel_access}
        %dma_start3A_484 = arith.constant 0 : i32
        %dma_start3A_485 = arith.constant 0 : i32
        %dma_start3A_486 = tpu.memref_slice %arg10[%dma_start3A_484, %dma_start3A_485] : memref<10000x112xf32, #tpu.memory_space<vmem_shared>> -> memref<10000x112xf32, #tpu.memory_space<vmem_shared>>
        tpu.enqueue_indirect_dma source(%arg22 : memref<16x112xf32, #tpu.memory_space<vmem>>) target(%dma_start3A_486 : memref<10000x112xf32, #tpu.memory_space<vmem_shared>>) offsets(%get3A_470 : vector<16xi32>) semaphore(%arg30 : memref<!tpu.dma_semaphore, #tpu.memory_space<semaphore_mem>>) {add = true}
        %dma_start3A_487 = arith.constant 0 : i32
        %dma_start3A_488 = arith.constant 0 : i32
        %dma_start3A_489 = tpu.memref_slice %arg10[%dma_start3A_487, %dma_start3A_488] : memref<10000x112xf32, #tpu.memory_space<vmem_shared>> -> memref<10000x112xf32, #tpu.memory_space<vmem_shared>>
        tpu.enqueue_indirect_dma source(%arg23 : memref<16x112xf32, #tpu.memory_space<vmem>>) target(%dma_start3A_489 : memref<10000x112xf32, #tpu.memory_space<vmem_shared>>) offsets(%get3A_476 : vector<16xi32>) semaphore(%arg31 : memref<!tpu.dma_semaphore, #tpu.memory_space<semaphore_mem>>) {add = true}
      }
      %scan3A_303 = arith.constant 31 : i32
      %get3A_304 = arith.constant 1920 : index
      %get3A_305 = tpu.vector_load %arg13[%get3A_304] {strides = array<i32>} : memref<2000xi32, #tpu.memory_space<vmem>>, vector<16xi32>,
      %dma_wait3A = arith.constant 0 : i32
      %dma_wait3A_306 = arith.constant 0 : i32
      %dma_wait3A_307 = tpu.memref_slice %arg10[%dma_wait3A, %dma_wait3A_306] : memref<10000x112xf32, #tpu.memory_space<vmem_shared>> -> memref<10000x112xf32, #tpu.memory_space<vmem_shared>>
      tpu.wait_indirect_dma semaphore(%arg28 : memref<!tpu.dma_semaphore, #tpu.memory_space<semaphore_mem>>) src(%arg20 : memref<16x112xf32, #tpu.memory_space<vmem>>) dst(%dma_wait3A_307 : memref<10000x112xf32, #tpu.memory_space<vmem_shared>>)
      %get3A_308 = arith.constant 1984 : index
      %get3A_309 = tpu.vector_load %arg12[%get3A_308] {strides = array<i32>} : memref<2000xi32, #tpu.memory_space<vmem>>, vector<16xi32>,
      %dma_wait3A_310 = arith.constant 0 : i32
      %dma_wait3A_311 = arith.constant 0 : i32
      %dma_wait3A_312 = tpu.memref_slice %arg2[%arg0, %dma_wait3A_310, %dma_wait3A_311] : memref<2x10000x112xf32, #tpu.memory_space<hbm>> -> memref<1x10000x112xf32, #tpu.memory_space<hbm>>
      %dma_wait3A_313 = tpu.memref_squeeze %dma_wait3A_312 : memref<1x10000x112xf32, #tpu.memory_space<hbm>> -> memref<10000x112xf32, #tpu.memory_space<hbm>>
      %dma_wait3A_314 = arith.constant 0 : i32
      %dma_wait3A_315 = arith.constant 0 : i32
      %dma_wait3A_316 = tpu.memref_slice %dma_wait3A_313[%dma_wait3A_314, %dma_wait3A_315] : memref<10000x112xf32, #tpu.memory_space<hbm>> -> memref<10000x112xf32, #tpu.memory_space<hbm>>
      tpu.wait_indirect_dma semaphore(%arg24 : memref<!tpu.dma_semaphore, #tpu.memory_space<semaphore_mem>>) src(%dma_wait3A_316 : memref<10000x112xf32, #tpu.memory_space<hbm>>) dst(%arg16 : memref<16x112xf32, #tpu.memory_space<vmem>>)
      %get3A_317 = arith.constant 1984 : index
      %get3A_318 = tpu.vector_load %arg13[%get3A_317] {strides = array<i32>} : memref<2000xi32, #tpu.memory_space<vmem>>, vector<16xi32>,
      %get3A_319 = arith.constant 1984 : index
      %get3A_320 = tpu.vector_load %arg14[%get3A_319] {strides = array<i32>} : memref<2000xi32, #tpu.memory_space<vmem>>, vector<16xi32>,
      %get3A_321 = arith.constant 1984 : index
      %get3A_322 = tpu.vector_load %arg15[%get3A_321] {strides = array<i32>} : memref<2000xf32, #tpu.memory_space<vmem>>, vector<16xf32>,
      %parallel_loop3A = arith.constant 0 : i32
      %parallel_loop3A_323 = arith.constant 50 : i32
      %parallel_loop3A_324 = arith.constant 1 : i32
      scf.for %parallel_loop3A_348 = %parallel_loop3A to %parallel_loop3A_323 step %parallel_loop3A_324  : i32 {
        %parallel_loop3A_349 = arith.constant 0 : i32
        %parallel_loop3A_350 = vector.broadcast %parallel_loop3A_349 : i32 to vector<16xi32>
        %parallel_loop3A_351 = arith.constant 2 : i32
        %parallel_loop3A_352 = arith.muli %parallel_loop3A_351, %parallel_loop3A_348 : i32
        %parallel_loop3A_353 = vector.broadcast %parallel_loop3A_352 : i32 to vector<16xi32>
        %parallel_loop3A_354 = arith.addi %parallel_loop3A_350, %parallel_loop3A_353 : vector<16xi32>
        %parallel_loop3A_355 = arith.constant 1 : i32
        %parallel_loop3A_356 = vector.broadcast %parallel_loop3A_355 : i32 to vector<16xi32>
        %parallel_loop3A_357 = arith.addi %parallel_loop3A_354, %parallel_loop3A_356 : vector<16xi32>
        %parallel_loop3A_358 = tpu.vector_load_idx %arg16[%iota3A, %parallel_loop3A_354] : memref<16x112xf32, #tpu.memory_space<vmem>>[vector<16xi32>, vector<16xi32>], vector<16xf32>,
        %parallel_loop3A_359 = tpu.vector_load_idx %arg16[%iota3A, %parallel_loop3A_357] : memref<16x112xf32, #tpu.memory_space<vmem>>[vector<16xi32>, vector<16xi32>], vector<16xf32>,
        %parallel_loop3A_360 = tpu.vector_load_idx %arg11[%get3A_320, %parallel_loop3A_354] : memref<200x112xi32, #tpu.memory_space<vmem>>[vector<16xi32>, vector<16xi32>], vector<16xi32>,
        %parallel_loop3A_361 = tpu.vector_load_idx %arg11[%get3A_320, %parallel_loop3A_357] : memref<200x112xi32, #tpu.memory_space<vmem>>[vector<16xi32>, vector<16xi32>], vector<16xi32>,
        %parallel_loop3A_362 = arith.constant 16 : i32
        %parallel_loop3A_363 = vector.broadcast %parallel_loop3A_362 : i32 to vector<16xi32>
        %parallel_loop3A_364 = arith.shli %parallel_loop3A_360, %parallel_loop3A_363 : vector<16xi32>
        %parallel_loop3A_365 = vector.bitcast %parallel_loop3A_364 : vector<16xi32> to vector<16xf32>
        %parallel_loop3A_366 = arith.constant -65536 : i32
        %parallel_loop3A_367 = vector.broadcast %parallel_loop3A_366 : i32 to vector<16xi32>
        %parallel_loop3A_368 = arith.andi %parallel_loop3A_360, %parallel_loop3A_367 : vector<16xi32>
        %parallel_loop3A_369 = vector.bitcast %parallel_loop3A_368 : vector<16xi32> to vector<16xf32>
        %parallel_loop3A_370 = arith.constant 16 : i32
        %parallel_loop3A_371 = vector.broadcast %parallel_loop3A_370 : i32 to vector<16xi32>
        %parallel_loop3A_372 = arith.shli %parallel_loop3A_361, %parallel_loop3A_371 : vector<16xi32>
        %parallel_loop3A_373 = vector.bitcast %parallel_loop3A_372 : vector<16xi32> to vector<16xf32>
        %parallel_loop3A_374 = arith.constant -65536 : i32
        %parallel_loop3A_375 = vector.broadcast %parallel_loop3A_374 : i32 to vector<16xi32>
        %parallel_loop3A_376 = arith.andi %parallel_loop3A_361, %parallel_loop3A_375 : vector<16xi32>
        %parallel_loop3A_377 = vector.bitcast %parallel_loop3A_376 : vector<16xi32> to vector<16xf32>
        %parallel_loop3A_378 = arith.mulf %parallel_loop3A_358, %parallel_loop3A_365 : vector<16xf32>
        %parallel_loop3A_379 = arith.mulf %parallel_loop3A_359, %parallel_loop3A_369 : vector<16xf32>
        %parallel_loop3A_380 = arith.addf %parallel_loop3A_378, %parallel_loop3A_379 : vector<16xf32>
        %parallel_loop3A_381 = arith.mulf %parallel_loop3A_380, %get3A_322 : vector<16xf32>
        %parallel_loop3A_382 = arith.mulf %parallel_loop3A_359, %parallel_loop3A_373 : vector<16xf32>
        %parallel_loop3A_383 = arith.mulf %parallel_loop3A_358, %parallel_loop3A_377 : vector<16xf32>
        %parallel_loop3A_384 = arith.addf %parallel_loop3A_382, %parallel_loop3A_383 : vector<16xf32>
        %parallel_loop3A_385 = arith.mulf %parallel_loop3A_384, %get3A_322 : vector<16xf32>
        tpu.vector_store_idx %arg20[%iota3A, %parallel_loop3A_354], %parallel_loop3A_381 : memref<16x112xf32, #tpu.memory_space<vmem>>[vector<16xi32>, vector<16xi32>], vector<16xf32>,
        tpu.vector_store_idx %arg20[%iota3A, %parallel_loop3A_357], %parallel_loop3A_385 : memref<16x112xf32, #tpu.memory_space<vmem>>[vector<16xi32>, vector<16xi32>], vector<16xf32>,
      } {sc.loop_unroll_factor = 5 : i64, sc.parallel_access}
      %dma_start3A_325 = arith.constant 0 : i32
      %dma_start3A_326 = arith.constant 0 : i32
      %dma_start3A_327 = tpu.memref_slice %arg10[%dma_start3A_325, %dma_start3A_326] : memref<10000x112xf32, #tpu.memory_space<vmem_shared>> -> memref<10000x112xf32, #tpu.memory_space<vmem_shared>>
      tpu.enqueue_indirect_dma source(%arg20 : memref<16x112xf32, #tpu.memory_space<vmem>>) target(%dma_start3A_327 : memref<10000x112xf32, #tpu.memory_space<vmem_shared>>) offsets(%get3A_318 : vector<16xi32>) semaphore(%arg28 : memref<!tpu.dma_semaphore, #tpu.memory_space<semaphore_mem>>) {add = true}
      %get3A_328 = arith.constant 1984 : index
      %get3A_329 = tpu.vector_load %arg13[%get3A_328] {strides = array<i32>} : memref<2000xi32, #tpu.memory_space<vmem>>, vector<16xi32>,
      %dma_wait3A_330 = arith.constant 0 : i32
      %dma_wait3A_331 = arith.constant 0 : i32
      %dma_wait3A_332 = tpu.memref_slice %arg10[%dma_wait3A_330, %dma_wait3A_331] : memref<10000x112xf32, #tpu.memory_space<vmem_shared>> -> memref<10000x112xf32, #tpu.memory_space<vmem_shared>>
      tpu.wait_indirect_dma semaphore(%arg28 : memref<!tpu.dma_semaphore, #tpu.memory_space<semaphore_mem>>) src(%arg20 : memref<16x112xf32, #tpu.memory_space<vmem>>) dst(%dma_wait3A_332 : memref<10000x112xf32, #tpu.memory_space<vmem_shared>>)
      %get3A_333 = arith.constant 1936 : index
      %get3A_334 = tpu.vector_load %arg13[%get3A_333] {strides = array<i32>} : memref<2000xi32, #tpu.memory_space<vmem>>, vector<16xi32>,
      %dma_wait3A_335 = arith.constant 0 : i32
      %dma_wait3A_336 = arith.constant 0 : i32
      %dma_wait3A_337 = tpu.memref_slice %arg10[%dma_wait3A_335, %dma_wait3A_336] : memref<10000x112xf32, #tpu.memory_space<vmem_shared>> -> memref<10000x112xf32, #tpu.memory_space<vmem_shared>>
      tpu.wait_indirect_dma semaphore(%arg29 : memref<!tpu.dma_semaphore, #tpu.memory_space<semaphore_mem>>) src(%arg21 : memref<16x112xf32, #tpu.memory_space<vmem>>) dst(%dma_wait3A_337 : memref<10000x112xf32, #tpu.memory_space<vmem_shared>>)
      %get3A_338 = arith.constant 1952 : index
      %get3A_339 = tpu.vector_load %arg13[%get3A_338] {strides = array<i32>} : memref<2000xi32, #tpu.memory_space<vmem>>, vector<16xi32>,
      %dma_wait3A_340 = arith.constant 0 : i32
      %dma_wait3A_341 = arith.constant 0 : i32
      %dma_wait3A_342 = tpu.memref_slice %arg10[%dma_wait3A_340, %dma_wait3A_341] : memref<10000x112xf32, #tpu.memory_space<vmem_shared>> -> memref<10000x112xf32, #tpu.memory_space<vmem_shared>>
      tpu.wait_indirect_dma semaphore(%arg30 : memref<!tpu.dma_semaphore, #tpu.memory_space<semaphore_mem>>) src(%arg22 : memref<16x112xf32, #tpu.memory_space<vmem>>) dst(%dma_wait3A_342 : memref<10000x112xf32, #tpu.memory_space<vmem_shared>>)
      %get3A_343 = arith.constant 1968 : index
      %get3A_344 = tpu.vector_load %arg13[%get3A_343] {strides = array<i32>} : memref<2000xi32, #tpu.memory_space<vmem>>, vector<16xi32>,
      %dma_wait3A_345 = arith.constant 0 : i32
      %dma_wait3A_346 = arith.constant 0 : i32
      %dma_wait3A_347 = tpu.memref_slice %arg10[%dma_wait3A_345, %dma_wait3A_346] : memref<10000x112xf32, #tpu.memory_space<vmem_shared>> -> memref<10000x112xf32, #tpu.memory_space<vmem_shared>>
      tpu.wait_indirect_dma semaphore(%arg31 : memref<!tpu.dma_semaphore, #tpu.memory_space<semaphore_mem>>) src(%arg23 : memref<16x112xf32, #tpu.memory_space<vmem>>) dst(%dma_wait3A_347 : memref<10000x112xf32, #tpu.memory_space<vmem_shared>>)
    }
    %scan3A_267 = arith.constant 5 : i32
    %barrier3A_268 = arith.constant 0 : index
    tpu.barrier barrier_id(%barrier3A_268)
    %lt3A_269 = arith.constant 15 : i32
    %lt3A_270 = arith.cmpi slt, %arg1, %lt3A_269 : i32
    %convert_element_type3A_271 = arith.extui %lt3A_270 : i1 to i32
    %cond3A_272 = arith.constant 0 : i32
    %cond3A_273 = arith.cmpi ne, %convert_element_type3A_271, %cond3A_272 : i32
    scf.if %cond3A_273 {
      %mul3A_279 = arith.constant 632 : i32
      %mul3A_280 = arith.muli %arg1, %mul3A_279 : i32
      %mul3A_281 = arith.constant 632 : i32
      %mul3A_282 = arith.muli %arg1, %mul3A_281 : i32
      "tpu.region"() ({
        %run_scoped3A = tpu.sem_alloc : memref<!tpu.dma_semaphore, #tpu.memory_space<semaphore_mem>>
        %dma_start3A = arith.constant 0 : i32
        %dma_start3A_283 = tpu.memref_slice %arg9[%arg0, %mul3A_282, %dma_start3A] : memref<2x10000x112xf32, #tpu.memory_space<hbm>> -> memref<1x632x112xf32, #tpu.memory_space<hbm>>
        %dma_start3A_284 = tpu.memref_squeeze %dma_start3A_283 : memref<1x632x112xf32, #tpu.memory_space<hbm>> -> memref<632x112xf32, #tpu.memory_space<hbm>>
        %dma_start3A_285 = arith.constant 0 : i32
        %dma_start3A_286 = tpu.memref_slice %arg10[%mul3A_280, %dma_start3A_285] : memref<10000x112xf32, #tpu.memory_space<vmem_shared>> -> memref<632x112xf32, #tpu.memory_space<vmem_shared>>
        tpu.enqueue_dma source(%dma_start3A_286 : memref<632x112xf32, #tpu.memory_space<vmem_shared>>) target(%dma_start3A_284 : memref<632x112xf32, #tpu.memory_space<hbm>>) target_semaphore(%run_scoped3A : memref<!tpu.dma_semaphore, #tpu.memory_space<semaphore_mem>>)
        %dma_wait3A = arith.constant 0 : i32
        %dma_wait3A_287 = tpu.memref_slice %arg9[%arg0, %mul3A_282, %dma_wait3A] : memref<2x10000x112xf32, #tpu.memory_space<hbm>> -> memref<1x632x112xf32, #tpu.memory_space<hbm>>
        %dma_wait3A_288 = tpu.memref_squeeze %dma_wait3A_287 : memref<1x632x112xf32, #tpu.memory_space<hbm>> -> memref<632x112xf32, #tpu.memory_space<hbm>>
        %dma_wait3A_289 = arith.constant 0 : i32
        %dma_wait3A_290 = tpu.memref_slice %arg10[%mul3A_280, %dma_wait3A_289] : memref<10000x112xf32, #tpu.memory_space<vmem_shared>> -> memref<632x112xf32, #tpu.memory_space<vmem_shared>>
        tpu.wait_dma2 semaphore(%run_scoped3A : memref<!tpu.dma_semaphore, #tpu.memory_space<semaphore_mem>>) src(%dma_wait3A_290 : memref<632x112xf32, #tpu.memory_space<vmem_shared>>) dst(%dma_wait3A_288 : memref<632x112xf32, #tpu.memory_space<hbm>>)
        tpu.yield
      }) : () -> ()
    } else {
    }
    %eq3A_274 = arith.constant 15 : i32
    %eq3A_275 = arith.cmpi eq, %arg1, %eq3A_274 : i32
    %convert_element_type3A_276 = arith.extui %eq3A_275 : i1 to i32
    %cond3A_277 = arith.constant 0 : i32
    %cond3A_278 = arith.cmpi ne, %convert_element_type3A_276, %cond3A_277 : i32
    scf.if %cond3A_278 {
      "tpu.region"() ({
        %run_scoped3A = tpu.sem_alloc : memref<!tpu.dma_semaphore, #tpu.memory_space<semaphore_mem>>
        %dma_start3A = arith.constant 9480 : i32
        %dma_start3A_279 = arith.constant 0 : i32
        %dma_start3A_280 = tpu.memref_slice %arg9[%arg0, %dma_start3A, %dma_start3A_279] : memref<2x10000x112xf32, #tpu.memory_space<hbm>> -> memref<1x520x112xf32, #tpu.memory_space<hbm>>
        %dma_start3A_281 = tpu.memref_squeeze %dma_start3A_280 : memref<1x520x112xf32, #tpu.memory_space<hbm>> -> memref<520x112xf32, #tpu.memory_space<hbm>>
        %dma_start3A_282 = arith.constant 9480 : i32
        %dma_start3A_283 = arith.constant 0 : i32
        %dma_start3A_284 = tpu.memref_slice %arg10[%dma_start3A_282, %dma_start3A_283] : memref<10000x112xf32, #tpu.memory_space<vmem_shared>> -> memref<520x112xf32, #tpu.memory_space<vmem_shared>>
        tpu.enqueue_dma source(%dma_start3A_284 : memref<520x112xf32, #tpu.memory_space<vmem_shared>>) target(%dma_start3A_281 : memref<520x112xf32, #tpu.memory_space<hbm>>) target_semaphore(%run_scoped3A : memref<!tpu.dma_semaphore, #tpu.memory_space<semaphore_mem>>)
        %dma_wait3A = arith.constant 9480 : i32
        %dma_wait3A_285 = arith.constant 0 : i32
        %dma_wait3A_286 = tpu.memref_slice %arg9[%arg0, %dma_wait3A, %dma_wait3A_285] : memref<2x10000x112xf32, #tpu.memory_space<hbm>> -> memref<1x520x112xf32, #tpu.memory_space<hbm>>
        %dma_wait3A_287 = tpu.memref_squeeze %dma_wait3A_286 : memref<1x520x112xf32, #tpu.memory_space<hbm>> -> memref<520x112xf32, #tpu.memory_space<hbm>>
        %dma_wait3A_288 = arith.constant 9480 : i32
        %dma_wait3A_289 = arith.constant 0 : i32
        %dma_wait3A_290 = tpu.memref_slice %arg10[%dma_wait3A_288, %dma_wait3A_289] : memref<10000x112xf32, #tpu.memory_space<vmem_shared>> -> memref<520x112xf32, #tpu.memory_space<vmem_shared>>
        tpu.wait_dma2 semaphore(%run_scoped3A : memref<!tpu.dma_semaphore, #tpu.memory_space<semaphore_mem>>) src(%dma_wait3A_290 : memref<520x112xf32, #tpu.memory_space<vmem_shared>>) dst(%dma_wait3A_287 : memref<520x112xf32, #tpu.memory_space<hbm>>)
        tpu.yield
      }) : () -> ()
    } else {
    }
    return
  }
}

#map = affine_map<(d0, d1) -> (0, 0, 0)>
#map1 = affine_map<(d0, d1) -> (0)>
module attributes {stable_mosaic.version = 14 : i64} {
  func.func @_distmult(%arg0: i32, %arg1: i32, %arg2: memref<2x10000x112xf32, #tpu.memory_space<hbm>>, %arg3: memref<2x200x112xf32, #tpu.memory_space<hbm>>, %arg4: memref<1024xi32, #tpu.memory_space<hbm>>, %arg5: memref<1024xi32, #tpu.memory_space<hbm>>, %arg6: memref<1024xi32, #tpu.memory_space<hbm>>, %arg7: memref<1024xf32, #tpu.memory_space<hbm>>, %arg8: memref<32xi32, #tpu.memory_space<vmem>>, %arg9: memref<32xi32, #tpu.memory_space<vmem>>, %arg10: memref<32xi32, #tpu.memory_space<vmem>>, %arg11: memref<16x112xf32, #tpu.memory_space<vmem>>, %arg12: memref<16x112xf32, #tpu.memory_space<vmem>>, %arg13: memref<16x112xf32, #tpu.memory_space<vmem>>, %arg14: memref<32xf32, #tpu.memory_space<vmem>>) attributes {dimension_semantics = [#tpu.dimension_semantics<core_parallel>, #tpu.dimension_semantics<subcore_parallel>], iteration_bounds = array<i64: 2, 16>, scalar_prefetch = 0 : i64, scratch_operands = 7 : i64, tpu.core_type = #tpu.core_type<sc_vector_subcore>, window_params = [{transform_indices = #map}, {transform_indices = #map}, {transform_indices = #map1}, {transform_indices = #map1}, {transform_indices = #map1}, {transform_indices = #map1}]} {
    %mul3A = arith.constant 16 : i32
    %mul3A_0 = arith.muli %arg0, %mul3A : i32
    %add3A = arith.addi %mul3A_0, %arg1 : i32
    %mul3A_1 = arith.constant 32 : i32
    %mul3A_2 = arith.muli %add3A, %mul3A_1 : i32
    "tpu.region"() ({
      %run_scoped3A_57 = tpu.sem_alloc : memref<!tpu.dma_semaphore, #tpu.memory_space<semaphore_mem>>
      %dma_start3A = tpu.memref_slice %arg4[%mul3A_2] : memref<1024xi32, #tpu.memory_space<hbm>> -> memref<32xi32, #tpu.memory_space<hbm>>
      %dma_start3A_58 = tpu.memref_slice %arg4[%mul3A_2] : memref<1024xi32, #tpu.memory_space<hbm>> -> memref<32xi32, #tpu.memory_space<hbm>>
      tpu.enqueue_dma source(%dma_start3A_58 : memref<32xi32, #tpu.memory_space<hbm>>) target(%arg8 : memref<32xi32, #tpu.memory_space<vmem>>) target_semaphore(%run_scoped3A_57 : memref<!tpu.dma_semaphore, #tpu.memory_space<semaphore_mem>>)
      %dma_wait3A = tpu.memref_slice %arg4[%mul3A_2] : memref<1024xi32, #tpu.memory_space<hbm>> -> memref<32xi32, #tpu.memory_space<hbm>>
      %dma_wait3A_59 = tpu.memref_slice %arg4[%mul3A_2] : memref<1024xi32, #tpu.memory_space<hbm>> -> memref<32xi32, #tpu.memory_space<hbm>>
      tpu.wait_dma2 semaphore(%run_scoped3A_57 : memref<!tpu.dma_semaphore, #tpu.memory_space<semaphore_mem>>) src(%dma_wait3A_59 : memref<32xi32, #tpu.memory_space<hbm>>) dst(%arg8 : memref<32xi32, #tpu.memory_space<vmem>>)
      tpu.yield
    }) : () -> ()
    "tpu.region"() ({
      %run_scoped3A_57 = tpu.sem_alloc : memref<!tpu.dma_semaphore, #tpu.memory_space<semaphore_mem>>
      %dma_start3A = tpu.memref_slice %arg5[%mul3A_2] : memref<1024xi32, #tpu.memory_space<hbm>> -> memref<32xi32, #tpu.memory_space<hbm>>
      %dma_start3A_58 = tpu.memref_slice %arg5[%mul3A_2] : memref<1024xi32, #tpu.memory_space<hbm>> -> memref<32xi32, #tpu.memory_space<hbm>>
      tpu.enqueue_dma source(%dma_start3A_58 : memref<32xi32, #tpu.memory_space<hbm>>) target(%arg9 : memref<32xi32, #tpu.memory_space<vmem>>) target_semaphore(%run_scoped3A_57 : memref<!tpu.dma_semaphore, #tpu.memory_space<semaphore_mem>>)
      %dma_wait3A = tpu.memref_slice %arg5[%mul3A_2] : memref<1024xi32, #tpu.memory_space<hbm>> -> memref<32xi32, #tpu.memory_space<hbm>>
      %dma_wait3A_59 = tpu.memref_slice %arg5[%mul3A_2] : memref<1024xi32, #tpu.memory_space<hbm>> -> memref<32xi32, #tpu.memory_space<hbm>>
      tpu.wait_dma2 semaphore(%run_scoped3A_57 : memref<!tpu.dma_semaphore, #tpu.memory_space<semaphore_mem>>) src(%dma_wait3A_59 : memref<32xi32, #tpu.memory_space<hbm>>) dst(%arg9 : memref<32xi32, #tpu.memory_space<vmem>>)
      tpu.yield
    }) : () -> ()
    "tpu.region"() ({
      %run_scoped3A_57 = tpu.sem_alloc : memref<!tpu.dma_semaphore, #tpu.memory_space<semaphore_mem>>
      %dma_start3A = tpu.memref_slice %arg6[%mul3A_2] : memref<1024xi32, #tpu.memory_space<hbm>> -> memref<32xi32, #tpu.memory_space<hbm>>
      %dma_start3A_58 = tpu.memref_slice %arg6[%mul3A_2] : memref<1024xi32, #tpu.memory_space<hbm>> -> memref<32xi32, #tpu.memory_space<hbm>>
      tpu.enqueue_dma source(%dma_start3A_58 : memref<32xi32, #tpu.memory_space<hbm>>) target(%arg10 : memref<32xi32, #tpu.memory_space<vmem>>) target_semaphore(%run_scoped3A_57 : memref<!tpu.dma_semaphore, #tpu.memory_space<semaphore_mem>>)
      %dma_wait3A = tpu.memref_slice %arg6[%mul3A_2] : memref<1024xi32, #tpu.memory_space<hbm>> -> memref<32xi32, #tpu.memory_space<hbm>>
      %dma_wait3A_59 = tpu.memref_slice %arg6[%mul3A_2] : memref<1024xi32, #tpu.memory_space<hbm>> -> memref<32xi32, #tpu.memory_space<hbm>>
      tpu.wait_dma2 semaphore(%run_scoped3A_57 : memref<!tpu.dma_semaphore, #tpu.memory_space<semaphore_mem>>) src(%dma_wait3A_59 : memref<32xi32, #tpu.memory_space<hbm>>) dst(%arg10 : memref<32xi32, #tpu.memory_space<vmem>>)
      tpu.yield
    }) : () -> ()
    %iota3A = tpu.iota {dimensions = array<i32: 0>} : vector<16xi32>
    %get3A = arith.constant 0 : index
    %get3A_3 = tpu.vector_load %arg8[%get3A] {strides = array<i32>} : memref<32xi32, #tpu.memory_space<vmem>>, vector<16xi32>,
    %get3A_4 = arith.constant 0 : index
    %get3A_5 = tpu.vector_load %arg9[%get3A_4] {strides = array<i32>} : memref<32xi32, #tpu.memory_space<vmem>>, vector<16xi32>,
    %get3A_6 = arith.constant 0 : index
    %get3A_7 = tpu.vector_load %arg10[%get3A_6] {strides = array<i32>} : memref<32xi32, #tpu.memory_space<vmem>>, vector<16xi32>,
    %broadcast_in_dim3A = arith.constant 0.000000e+00 : f32
    %broadcast_in_dim3A_8 = vector.broadcast %broadcast_in_dim3A : f32 to vector<16xf32>
    %run_scoped3A = arith.constant 0 : i32
    "tpu.region"() ({
      %run_scoped3A_57 = tpu.sem_alloc : memref<!tpu.dma_semaphore, #tpu.memory_space<semaphore_mem>>
      %dma_start3A = arith.constant 0 : i32
      %dma_start3A_58 = arith.constant 0 : i32
      %dma_start3A_59 = tpu.memref_slice %arg2[%run_scoped3A, %dma_start3A, %dma_start3A_58] : memref<2x10000x112xf32, #tpu.memory_space<hbm>> -> memref<1x10000x112xf32, #tpu.memory_space<hbm>>
      %dma_start3A_60 = tpu.memref_squeeze %dma_start3A_59 : memref<1x10000x112xf32, #tpu.memory_space<hbm>> -> memref<10000x112xf32, #tpu.memory_space<hbm>>
      %dma_start3A_61 = arith.constant 0 : i32
      %dma_start3A_62 = arith.constant 0 : i32
      %dma_start3A_63 = tpu.memref_slice %dma_start3A_60[%dma_start3A_61, %dma_start3A_62] : memref<10000x112xf32, #tpu.memory_space<hbm>> -> memref<10000x112xf32, #tpu.memory_space<hbm>>
      tpu.enqueue_indirect_dma source(%dma_start3A_63 : memref<10000x112xf32, #tpu.memory_space<hbm>>) target(%arg11 : memref<16x112xf32, #tpu.memory_space<vmem>>) offsets(%get3A_3 : vector<16xi32>) semaphore(%run_scoped3A_57 : memref<!tpu.dma_semaphore, #tpu.memory_space<semaphore_mem>>)
      %dma_wait3A = arith.constant 0 : i32
      %dma_wait3A_64 = arith.constant 0 : i32
      %dma_wait3A_65 = tpu.memref_slice %arg2[%run_scoped3A, %dma_wait3A, %dma_wait3A_64] : memref<2x10000x112xf32, #tpu.memory_space<hbm>> -> memref<1x10000x112xf32, #tpu.memory_space<hbm>>
      %dma_wait3A_66 = tpu.memref_squeeze %dma_wait3A_65 : memref<1x10000x112xf32, #tpu.memory_space<hbm>> -> memref<10000x112xf32, #tpu.memory_space<hbm>>
      %dma_wait3A_67 = arith.constant 0 : i32
      %dma_wait3A_68 = arith.constant 0 : i32
      %dma_wait3A_69 = tpu.memref_slice %dma_wait3A_66[%dma_wait3A_67, %dma_wait3A_68] : memref<10000x112xf32, #tpu.memory_space<hbm>> -> memref<10000x112xf32, #tpu.memory_space<hbm>>
      tpu.wait_indirect_dma semaphore(%run_scoped3A_57 : memref<!tpu.dma_semaphore, #tpu.memory_space<semaphore_mem>>) src(%dma_wait3A_69 : memref<10000x112xf32, #tpu.memory_space<hbm>>) dst(%arg11 : memref<16x112xf32, #tpu.memory_space<vmem>>)
      tpu.yield
    }) : () -> ()
    %run_scoped3A_9 = arith.constant 0 : i32
    "tpu.region"() ({
      %run_scoped3A_57 = tpu.sem_alloc : memref<!tpu.dma_semaphore, #tpu.memory_space<semaphore_mem>>
      %dma_start3A = arith.constant 0 : i32
      %dma_start3A_58 = arith.constant 0 : i32
      %dma_start3A_59 = tpu.memref_slice %arg3[%run_scoped3A_9, %dma_start3A, %dma_start3A_58] : memref<2x200x112xf32, #tpu.memory_space<hbm>> -> memref<1x200x112xf32, #tpu.memory_space<hbm>>
      %dma_start3A_60 = tpu.memref_squeeze %dma_start3A_59 : memref<1x200x112xf32, #tpu.memory_space<hbm>> -> memref<200x112xf32, #tpu.memory_space<hbm>>
      %dma_start3A_61 = arith.constant 0 : i32
      %dma_start3A_62 = arith.constant 0 : i32
      %dma_start3A_63 = tpu.memref_slice %dma_start3A_60[%dma_start3A_61, %dma_start3A_62] : memref<200x112xf32, #tpu.memory_space<hbm>> -> memref<200x112xf32, #tpu.memory_space<hbm>>
      tpu.enqueue_indirect_dma source(%dma_start3A_63 : memref<200x112xf32, #tpu.memory_space<hbm>>) target(%arg12 : memref<16x112xf32, #tpu.memory_space<vmem>>) offsets(%get3A_5 : vector<16xi32>) semaphore(%run_scoped3A_57 : memref<!tpu.dma_semaphore, #tpu.memory_space<semaphore_mem>>)
      %dma_wait3A = arith.constant 0 : i32
      %dma_wait3A_64 = arith.constant 0 : i32
      %dma_wait3A_65 = tpu.memref_slice %arg3[%run_scoped3A_9, %dma_wait3A, %dma_wait3A_64] : memref<2x200x112xf32, #tpu.memory_space<hbm>> -> memref<1x200x112xf32, #tpu.memory_space<hbm>>
      %dma_wait3A_66 = tpu.memref_squeeze %dma_wait3A_65 : memref<1x200x112xf32, #tpu.memory_space<hbm>> -> memref<200x112xf32, #tpu.memory_space<hbm>>
      %dma_wait3A_67 = arith.constant 0 : i32
      %dma_wait3A_68 = arith.constant 0 : i32
      %dma_wait3A_69 = tpu.memref_slice %dma_wait3A_66[%dma_wait3A_67, %dma_wait3A_68] : memref<200x112xf32, #tpu.memory_space<hbm>> -> memref<200x112xf32, #tpu.memory_space<hbm>>
      tpu.wait_indirect_dma semaphore(%run_scoped3A_57 : memref<!tpu.dma_semaphore, #tpu.memory_space<semaphore_mem>>) src(%dma_wait3A_69 : memref<200x112xf32, #tpu.memory_space<hbm>>) dst(%arg12 : memref<16x112xf32, #tpu.memory_space<vmem>>)
      tpu.yield
    }) : () -> ()
    %run_scoped3A_10 = arith.constant 0 : i32
    "tpu.region"() ({
      %run_scoped3A_57 = tpu.sem_alloc : memref<!tpu.dma_semaphore, #tpu.memory_space<semaphore_mem>>
      %dma_start3A = arith.constant 0 : i32
      %dma_start3A_58 = arith.constant 0 : i32
      %dma_start3A_59 = tpu.memref_slice %arg2[%run_scoped3A_10, %dma_start3A, %dma_start3A_58] : memref<2x10000x112xf32, #tpu.memory_space<hbm>> -> memref<1x10000x112xf32, #tpu.memory_space<hbm>>
      %dma_start3A_60 = tpu.memref_squeeze %dma_start3A_59 : memref<1x10000x112xf32, #tpu.memory_space<hbm>> -> memref<10000x112xf32, #tpu.memory_space<hbm>>
      %dma_start3A_61 = arith.constant 0 : i32
      %dma_start3A_62 = arith.constant 0 : i32
      %dma_start3A_63 = tpu.memref_slice %dma_start3A_60[%dma_start3A_61, %dma_start3A_62] : memref<10000x112xf32, #tpu.memory_space<hbm>> -> memref<10000x112xf32, #tpu.memory_space<hbm>>
      tpu.enqueue_indirect_dma source(%dma_start3A_63 : memref<10000x112xf32, #tpu.memory_space<hbm>>) target(%arg13 : memref<16x112xf32, #tpu.memory_space<vmem>>) offsets(%get3A_7 : vector<16xi32>) semaphore(%run_scoped3A_57 : memref<!tpu.dma_semaphore, #tpu.memory_space<semaphore_mem>>)
      %dma_wait3A = arith.constant 0 : i32
      %dma_wait3A_64 = arith.constant 0 : i32
      %dma_wait3A_65 = tpu.memref_slice %arg2[%run_scoped3A_10, %dma_wait3A, %dma_wait3A_64] : memref<2x10000x112xf32, #tpu.memory_space<hbm>> -> memref<1x10000x112xf32, #tpu.memory_space<hbm>>
      %dma_wait3A_66 = tpu.memref_squeeze %dma_wait3A_65 : memref<1x10000x112xf32, #tpu.memory_space<hbm>> -> memref<10000x112xf32, #tpu.memory_space<hbm>>
      %dma_wait3A_67 = arith.constant 0 : i32
      %dma_wait3A_68 = arith.constant 0 : i32
      %dma_wait3A_69 = tpu.memref_slice %dma_wait3A_66[%dma_wait3A_67, %dma_wait3A_68] : memref<10000x112xf32, #tpu.memory_space<hbm>> -> memref<10000x112xf32, #tpu.memory_space<hbm>>
      tpu.wait_indirect_dma semaphore(%run_scoped3A_57 : memref<!tpu.dma_semaphore, #tpu.memory_space<semaphore_mem>>) src(%dma_wait3A_69 : memref<10000x112xf32, #tpu.memory_space<hbm>>) dst(%arg13 : memref<16x112xf32, #tpu.memory_space<vmem>>)
      tpu.yield
    }) : () -> ()
    %scan3A = arith.constant 0 : i32
    %scan3A_11 = arith.constant 100 : i32
    %scan3A_12 = arith.addi %scan3A, %scan3A_11 : i32
    %scan3A_13 = arith.constant 1 : i32
    %scan3A_14 = scf.for %scan3A_57 = %scan3A to %scan3A_12 step %scan3A_13 iter_args(%scan3A_58 = %broadcast_in_dim3A_8) -> (vector<16xf32>)  : i32 {
      %broadcast_in_dim3A_59 = arith.constant 0 : i32
      %broadcast_in_dim3A_60 = vector.broadcast %broadcast_in_dim3A_59 : i32 to vector<16xi32>
      %add3A_61 = vector.broadcast %scan3A_57 : i32 to vector<16xi32>
      %add3A_62 = arith.addi %broadcast_in_dim3A_60, %add3A_61 : vector<16xi32>
      %gather3A = tpu.vector_load_idx %arg11[%iota3A, %add3A_62] : memref<16x112xf32, #tpu.memory_space<vmem>>[vector<16xi32>, vector<16xi32>], vector<16xf32>,
      %gather3A_63 = tpu.vector_load_idx %arg12[%iota3A, %add3A_62] : memref<16x112xf32, #tpu.memory_space<vmem>>[vector<16xi32>, vector<16xi32>], vector<16xf32>,
      %gather3A_64 = tpu.vector_load_idx %arg13[%iota3A, %add3A_62] : memref<16x112xf32, #tpu.memory_space<vmem>>[vector<16xi32>, vector<16xi32>], vector<16xf32>,
      %mul3A_65 = arith.mulf %gather3A, %gather3A_63 : vector<16xf32>
      %mul3A_66 = arith.mulf %mul3A_65, %gather3A_64 : vector<16xf32>
      %add3A_67 = arith.addf %scan3A_58, %mul3A_66 : vector<16xf32>
      scf.yield %add3A_67 : vector<16xf32>
    }
    %scan3A_15 = arith.constant 100 : i32
    %barrier3A = arith.constant 0 : index
    tpu.barrier barrier_id(%barrier3A)
    %run_scoped3A_16 = arith.constant 1 : i32
    "tpu.region"() ({
      %run_scoped3A_57 = tpu.sem_alloc : memref<!tpu.dma_semaphore, #tpu.memory_space<semaphore_mem>>
      %dma_start3A = arith.constant 0 : i32
      %dma_start3A_58 = arith.constant 0 : i32
      %dma_start3A_59 = tpu.memref_slice %arg2[%run_scoped3A_16, %dma_start3A, %dma_start3A_58] : memref<2x10000x112xf32, #tpu.memory_space<hbm>> -> memref<1x10000x112xf32, #tpu.memory_space<hbm>>
      %dma_start3A_60 = tpu.memref_squeeze %dma_start3A_59 : memref<1x10000x112xf32, #tpu.memory_space<hbm>> -> memref<10000x112xf32, #tpu.memory_space<hbm>>
      %dma_start3A_61 = arith.constant 0 : i32
      %dma_start3A_62 = arith.constant 0 : i32
      %dma_start3A_63 = tpu.memref_slice %dma_start3A_60[%dma_start3A_61, %dma_start3A_62] : memref<10000x112xf32, #tpu.memory_space<hbm>> -> memref<10000x112xf32, #tpu.memory_space<hbm>>
      tpu.enqueue_indirect_dma source(%dma_start3A_63 : memref<10000x112xf32, #tpu.memory_space<hbm>>) target(%arg11 : memref<16x112xf32, #tpu.memory_space<vmem>>) offsets(%get3A_3 : vector<16xi32>) semaphore(%run_scoped3A_57 : memref<!tpu.dma_semaphore, #tpu.memory_space<semaphore_mem>>)
      %dma_wait3A = arith.constant 0 : i32
      %dma_wait3A_64 = arith.constant 0 : i32
      %dma_wait3A_65 = tpu.memref_slice %arg2[%run_scoped3A_16, %dma_wait3A, %dma_wait3A_64] : memref<2x10000x112xf32, #tpu.memory_space<hbm>> -> memref<1x10000x112xf32, #tpu.memory_space<hbm>>
      %dma_wait3A_66 = tpu.memref_squeeze %dma_wait3A_65 : memref<1x10000x112xf32, #tpu.memory_space<hbm>> -> memref<10000x112xf32, #tpu.memory_space<hbm>>
      %dma_wait3A_67 = arith.constant 0 : i32
      %dma_wait3A_68 = arith.constant 0 : i32
      %dma_wait3A_69 = tpu.memref_slice %dma_wait3A_66[%dma_wait3A_67, %dma_wait3A_68] : memref<10000x112xf32, #tpu.memory_space<hbm>> -> memref<10000x112xf32, #tpu.memory_space<hbm>>
      tpu.wait_indirect_dma semaphore(%run_scoped3A_57 : memref<!tpu.dma_semaphore, #tpu.memory_space<semaphore_mem>>) src(%dma_wait3A_69 : memref<10000x112xf32, #tpu.memory_space<hbm>>) dst(%arg11 : memref<16x112xf32, #tpu.memory_space<vmem>>)
      tpu.yield
    }) : () -> ()
    %run_scoped3A_17 = arith.constant 1 : i32
    "tpu.region"() ({
      %run_scoped3A_57 = tpu.sem_alloc : memref<!tpu.dma_semaphore, #tpu.memory_space<semaphore_mem>>
      %dma_start3A = arith.constant 0 : i32
      %dma_start3A_58 = arith.constant 0 : i32
      %dma_start3A_59 = tpu.memref_slice %arg3[%run_scoped3A_17, %dma_start3A, %dma_start3A_58] : memref<2x200x112xf32, #tpu.memory_space<hbm>> -> memref<1x200x112xf32, #tpu.memory_space<hbm>>
      %dma_start3A_60 = tpu.memref_squeeze %dma_start3A_59 : memref<1x200x112xf32, #tpu.memory_space<hbm>> -> memref<200x112xf32, #tpu.memory_space<hbm>>
      %dma_start3A_61 = arith.constant 0 : i32
      %dma_start3A_62 = arith.constant 0 : i32
      %dma_start3A_63 = tpu.memref_slice %dma_start3A_60[%dma_start3A_61, %dma_start3A_62] : memref<200x112xf32, #tpu.memory_space<hbm>> -> memref<200x112xf32, #tpu.memory_space<hbm>>
      tpu.enqueue_indirect_dma source(%dma_start3A_63 : memref<200x112xf32, #tpu.memory_space<hbm>>) target(%arg12 : memref<16x112xf32, #tpu.memory_space<vmem>>) offsets(%get3A_5 : vector<16xi32>) semaphore(%run_scoped3A_57 : memref<!tpu.dma_semaphore, #tpu.memory_space<semaphore_mem>>)
      %dma_wait3A = arith.constant 0 : i32
      %dma_wait3A_64 = arith.constant 0 : i32
      %dma_wait3A_65 = tpu.memref_slice %arg3[%run_scoped3A_17, %dma_wait3A, %dma_wait3A_64] : memref<2x200x112xf32, #tpu.memory_space<hbm>> -> memref<1x200x112xf32, #tpu.memory_space<hbm>>
      %dma_wait3A_66 = tpu.memref_squeeze %dma_wait3A_65 : memref<1x200x112xf32, #tpu.memory_space<hbm>> -> memref<200x112xf32, #tpu.memory_space<hbm>>
      %dma_wait3A_67 = arith.constant 0 : i32
      %dma_wait3A_68 = arith.constant 0 : i32
      %dma_wait3A_69 = tpu.memref_slice %dma_wait3A_66[%dma_wait3A_67, %dma_wait3A_68] : memref<200x112xf32, #tpu.memory_space<hbm>> -> memref<200x112xf32, #tpu.memory_space<hbm>>
      tpu.wait_indirect_dma semaphore(%run_scoped3A_57 : memref<!tpu.dma_semaphore, #tpu.memory_space<semaphore_mem>>) src(%dma_wait3A_69 : memref<200x112xf32, #tpu.memory_space<hbm>>) dst(%arg12 : memref<16x112xf32, #tpu.memory_space<vmem>>)
      tpu.yield
    }) : () -> ()
    %run_scoped3A_18 = arith.constant 1 : i32
    "tpu.region"() ({
      %run_scoped3A_57 = tpu.sem_alloc : memref<!tpu.dma_semaphore, #tpu.memory_space<semaphore_mem>>
      %dma_start3A = arith.constant 0 : i32
      %dma_start3A_58 = arith.constant 0 : i32
      %dma_start3A_59 = tpu.memref_slice %arg2[%run_scoped3A_18, %dma_start3A, %dma_start3A_58] : memref<2x10000x112xf32, #tpu.memory_space<hbm>> -> memref<1x10000x112xf32, #tpu.memory_space<hbm>>
      %dma_start3A_60 = tpu.memref_squeeze %dma_start3A_59 : memref<1x10000x112xf32, #tpu.memory_space<hbm>> -> memref<10000x112xf32, #tpu.memory_space<hbm>>
      %dma_start3A_61 = arith.constant 0 : i32
      %dma_start3A_62 = arith.constant 0 : i32
      %dma_start3A_63 = tpu.memref_slice %dma_start3A_60[%dma_start3A_61, %dma_start3A_62] : memref<10000x112xf32, #tpu.memory_space<hbm>> -> memref<10000x112xf32, #tpu.memory_space<hbm>>
      tpu.enqueue_indirect_dma source(%dma_start3A_63 : memref<10000x112xf32, #tpu.memory_space<hbm>>) target(%arg13 : memref<16x112xf32, #tpu.memory_space<vmem>>) offsets(%get3A_7 : vector<16xi32>) semaphore(%run_scoped3A_57 : memref<!tpu.dma_semaphore, #tpu.memory_space<semaphore_mem>>)
      %dma_wait3A = arith.constant 0 : i32
      %dma_wait3A_64 = arith.constant 0 : i32
      %dma_wait3A_65 = tpu.memref_slice %arg2[%run_scoped3A_18, %dma_wait3A, %dma_wait3A_64] : memref<2x10000x112xf32, #tpu.memory_space<hbm>> -> memref<1x10000x112xf32, #tpu.memory_space<hbm>>
      %dma_wait3A_66 = tpu.memref_squeeze %dma_wait3A_65 : memref<1x10000x112xf32, #tpu.memory_space<hbm>> -> memref<10000x112xf32, #tpu.memory_space<hbm>>
      %dma_wait3A_67 = arith.constant 0 : i32
      %dma_wait3A_68 = arith.constant 0 : i32
      %dma_wait3A_69 = tpu.memref_slice %dma_wait3A_66[%dma_wait3A_67, %dma_wait3A_68] : memref<10000x112xf32, #tpu.memory_space<hbm>> -> memref<10000x112xf32, #tpu.memory_space<hbm>>
      tpu.wait_indirect_dma semaphore(%run_scoped3A_57 : memref<!tpu.dma_semaphore, #tpu.memory_space<semaphore_mem>>) src(%dma_wait3A_69 : memref<10000x112xf32, #tpu.memory_space<hbm>>) dst(%arg13 : memref<16x112xf32, #tpu.memory_space<vmem>>)
      tpu.yield
    }) : () -> ()
    %scan3A_19 = arith.constant 0 : i32
    %scan3A_20 = arith.constant 100 : i32
    %scan3A_21 = arith.addi %scan3A_19, %scan3A_20 : i32
    %scan3A_22 = arith.constant 1 : i32
    %scan3A_23 = scf.for %scan3A_57 = %scan3A_19 to %scan3A_21 step %scan3A_22 iter_args(%scan3A_58 = %scan3A_14) -> (vector<16xf32>)  : i32 {
      %broadcast_in_dim3A_59 = arith.constant 0 : i32
      %broadcast_in_dim3A_60 = vector.broadcast %broadcast_in_dim3A_59 : i32 to vector<16xi32>
      %add3A_61 = vector.broadcast %scan3A_57 : i32 to vector<16xi32>
      %add3A_62 = arith.addi %broadcast_in_dim3A_60, %add3A_61 : vector<16xi32>
      %gather3A = tpu.vector_load_idx %arg11[%iota3A, %add3A_62] : memref<16x112xf32, #tpu.memory_space<vmem>>[vector<16xi32>, vector<16xi32>], vector<16xf32>,
      %gather3A_63 = tpu.vector_load_idx %arg12[%iota3A, %add3A_62] : memref<16x112xf32, #tpu.memory_space<vmem>>[vector<16xi32>, vector<16xi32>], vector<16xf32>,
      %gather3A_64 = tpu.vector_load_idx %arg13[%iota3A, %add3A_62] : memref<16x112xf32, #tpu.memory_space<vmem>>[vector<16xi32>, vector<16xi32>], vector<16xf32>,
      %mul3A_65 = arith.mulf %gather3A, %gather3A_63 : vector<16xf32>
      %mul3A_66 = arith.mulf %mul3A_65, %gather3A_64 : vector<16xf32>
      %add3A_67 = arith.addf %scan3A_58, %mul3A_66 : vector<16xf32>
      scf.yield %add3A_67 : vector<16xf32>
    }
    %scan3A_24 = arith.constant 100 : i32
    %barrier3A_25 = arith.constant 0 : index
    tpu.barrier barrier_id(%barrier3A_25)
    %swap3A = arith.constant 0 : index
    %swap3A_26 = tpu.vector_load %arg14[%swap3A] {strides = array<i32>} : memref<32xf32, #tpu.memory_space<vmem>>, vector<16xf32>,
    tpu.vector_store %arg14[%swap3A], %scan3A_23 {strides = array<i32>} : memref<32xf32, #tpu.memory_space<vmem>>, vector<16xf32>,
    %get3A_27 = arith.constant 16 : index
    %get3A_28 = tpu.vector_load %arg8[%get3A_27] {strides = array<i32>} : memref<32xi32, #tpu.memory_space<vmem>>, vector<16xi32>,
    %get3A_29 = arith.constant 16 : index
    %get3A_30 = tpu.vector_load %arg9[%get3A_29] {strides = array<i32>} : memref<32xi32, #tpu.memory_space<vmem>>, vector<16xi32>,
    %get3A_31 = arith.constant 16 : index
    %get3A_32 = tpu.vector_load %arg10[%get3A_31] {strides = array<i32>} : memref<32xi32, #tpu.memory_space<vmem>>, vector<16xi32>,
    %broadcast_in_dim3A_33 = arith.constant 0.000000e+00 : f32
    %broadcast_in_dim3A_34 = vector.broadcast %broadcast_in_dim3A_33 : f32 to vector<16xf32>
    %run_scoped3A_35 = arith.constant 0 : i32
    "tpu.region"() ({
      %run_scoped3A_57 = tpu.sem_alloc : memref<!tpu.dma_semaphore, #tpu.memory_space<semaphore_mem>>
      %dma_start3A = arith.constant 0 : i32
      %dma_start3A_58 = arith.constant 0 : i32
      %dma_start3A_59 = tpu.memref_slice %arg2[%run_scoped3A_35, %dma_start3A, %dma_start3A_58] : memref<2x10000x112xf32, #tpu.memory_space<hbm>> -> memref<1x10000x112xf32, #tpu.memory_space<hbm>>
      %dma_start3A_60 = tpu.memref_squeeze %dma_start3A_59 : memref<1x10000x112xf32, #tpu.memory_space<hbm>> -> memref<10000x112xf32, #tpu.memory_space<hbm>>
      %dma_start3A_61 = arith.constant 0 : i32
      %dma_start3A_62 = arith.constant 0 : i32
      %dma_start3A_63 = tpu.memref_slice %dma_start3A_60[%dma_start3A_61, %dma_start3A_62] : memref<10000x112xf32, #tpu.memory_space<hbm>> -> memref<10000x112xf32, #tpu.memory_space<hbm>>
      tpu.enqueue_indirect_dma source(%dma_start3A_63 : memref<10000x112xf32, #tpu.memory_space<hbm>>) target(%arg11 : memref<16x112xf32, #tpu.memory_space<vmem>>) offsets(%get3A_28 : vector<16xi32>) semaphore(%run_scoped3A_57 : memref<!tpu.dma_semaphore, #tpu.memory_space<semaphore_mem>>)
      %dma_wait3A = arith.constant 0 : i32
      %dma_wait3A_64 = arith.constant 0 : i32
      %dma_wait3A_65 = tpu.memref_slice %arg2[%run_scoped3A_35, %dma_wait3A, %dma_wait3A_64] : memref<2x10000x112xf32, #tpu.memory_space<hbm>> -> memref<1x10000x112xf32, #tpu.memory_space<hbm>>
      %dma_wait3A_66 = tpu.memref_squeeze %dma_wait3A_65 : memref<1x10000x112xf32, #tpu.memory_space<hbm>> -> memref<10000x112xf32, #tpu.memory_space<hbm>>
      %dma_wait3A_67 = arith.constant 0 : i32
      %dma_wait3A_68 = arith.constant 0 : i32
      %dma_wait3A_69 = tpu.memref_slice %dma_wait3A_66[%dma_wait3A_67, %dma_wait3A_68] : memref<10000x112xf32, #tpu.memory_space<hbm>> -> memref<10000x112xf32, #tpu.memory_space<hbm>>
      tpu.wait_indirect_dma semaphore(%run_scoped3A_57 : memref<!tpu.dma_semaphore, #tpu.memory_space<semaphore_mem>>) src(%dma_wait3A_69 : memref<10000x112xf32, #tpu.memory_space<hbm>>) dst(%arg11 : memref<16x112xf32, #tpu.memory_space<vmem>>)
      tpu.yield
    }) : () -> ()
    %run_scoped3A_36 = arith.constant 0 : i32
    "tpu.region"() ({
      %run_scoped3A_57 = tpu.sem_alloc : memref<!tpu.dma_semaphore, #tpu.memory_space<semaphore_mem>>
      %dma_start3A = arith.constant 0 : i32
      %dma_start3A_58 = arith.constant 0 : i32
      %dma_start3A_59 = tpu.memref_slice %arg3[%run_scoped3A_36, %dma_start3A, %dma_start3A_58] : memref<2x200x112xf32, #tpu.memory_space<hbm>> -> memref<1x200x112xf32, #tpu.memory_space<hbm>>
      %dma_start3A_60 = tpu.memref_squeeze %dma_start3A_59 : memref<1x200x112xf32, #tpu.memory_space<hbm>> -> memref<200x112xf32, #tpu.memory_space<hbm>>
      %dma_start3A_61 = arith.constant 0 : i32
      %dma_start3A_62 = arith.constant 0 : i32
      %dma_start3A_63 = tpu.memref_slice %dma_start3A_60[%dma_start3A_61, %dma_start3A_62] : memref<200x112xf32, #tpu.memory_space<hbm>> -> memref<200x112xf32, #tpu.memory_space<hbm>>
      tpu.enqueue_indirect_dma source(%dma_start3A_63 : memref<200x112xf32, #tpu.memory_space<hbm>>) target(%arg12 : memref<16x112xf32, #tpu.memory_space<vmem>>) offsets(%get3A_30 : vector<16xi32>) semaphore(%run_scoped3A_57 : memref<!tpu.dma_semaphore, #tpu.memory_space<semaphore_mem>>)
      %dma_wait3A = arith.constant 0 : i32
      %dma_wait3A_64 = arith.constant 0 : i32
      %dma_wait3A_65 = tpu.memref_slice %arg3[%run_scoped3A_36, %dma_wait3A, %dma_wait3A_64] : memref<2x200x112xf32, #tpu.memory_space<hbm>> -> memref<1x200x112xf32, #tpu.memory_space<hbm>>
      %dma_wait3A_66 = tpu.memref_squeeze %dma_wait3A_65 : memref<1x200x112xf32, #tpu.memory_space<hbm>> -> memref<200x112xf32, #tpu.memory_space<hbm>>
      %dma_wait3A_67 = arith.constant 0 : i32
      %dma_wait3A_68 = arith.constant 0 : i32
      %dma_wait3A_69 = tpu.memref_slice %dma_wait3A_66[%dma_wait3A_67, %dma_wait3A_68] : memref<200x112xf32, #tpu.memory_space<hbm>> -> memref<200x112xf32, #tpu.memory_space<hbm>>
      tpu.wait_indirect_dma semaphore(%run_scoped3A_57 : memref<!tpu.dma_semaphore, #tpu.memory_space<semaphore_mem>>) src(%dma_wait3A_69 : memref<200x112xf32, #tpu.memory_space<hbm>>) dst(%arg12 : memref<16x112xf32, #tpu.memory_space<vmem>>)
      tpu.yield
    }) : () -> ()
    %run_scoped3A_37 = arith.constant 0 : i32
    "tpu.region"() ({
      %run_scoped3A_57 = tpu.sem_alloc : memref<!tpu.dma_semaphore, #tpu.memory_space<semaphore_mem>>
      %dma_start3A = arith.constant 0 : i32
      %dma_start3A_58 = arith.constant 0 : i32
      %dma_start3A_59 = tpu.memref_slice %arg2[%run_scoped3A_37, %dma_start3A, %dma_start3A_58] : memref<2x10000x112xf32, #tpu.memory_space<hbm>> -> memref<1x10000x112xf32, #tpu.memory_space<hbm>>
      %dma_start3A_60 = tpu.memref_squeeze %dma_start3A_59 : memref<1x10000x112xf32, #tpu.memory_space<hbm>> -> memref<10000x112xf32, #tpu.memory_space<hbm>>
      %dma_start3A_61 = arith.constant 0 : i32
      %dma_start3A_62 = arith.constant 0 : i32
      %dma_start3A_63 = tpu.memref_slice %dma_start3A_60[%dma_start3A_61, %dma_start3A_62] : memref<10000x112xf32, #tpu.memory_space<hbm>> -> memref<10000x112xf32, #tpu.memory_space<hbm>>
      tpu.enqueue_indirect_dma source(%dma_start3A_63 : memref<10000x112xf32, #tpu.memory_space<hbm>>) target(%arg13 : memref<16x112xf32, #tpu.memory_space<vmem>>) offsets(%get3A_32 : vector<16xi32>) semaphore(%run_scoped3A_57 : memref<!tpu.dma_semaphore, #tpu.memory_space<semaphore_mem>>)
      %dma_wait3A = arith.constant 0 : i32
      %dma_wait3A_64 = arith.constant 0 : i32
      %dma_wait3A_65 = tpu.memref_slice %arg2[%run_scoped3A_37, %dma_wait3A, %dma_wait3A_64] : memref<2x10000x112xf32, #tpu.memory_space<hbm>> -> memref<1x10000x112xf32, #tpu.memory_space<hbm>>
      %dma_wait3A_66 = tpu.memref_squeeze %dma_wait3A_65 : memref<1x10000x112xf32, #tpu.memory_space<hbm>> -> memref<10000x112xf32, #tpu.memory_space<hbm>>
      %dma_wait3A_67 = arith.constant 0 : i32
      %dma_wait3A_68 = arith.constant 0 : i32
      %dma_wait3A_69 = tpu.memref_slice %dma_wait3A_66[%dma_wait3A_67, %dma_wait3A_68] : memref<10000x112xf32, #tpu.memory_space<hbm>> -> memref<10000x112xf32, #tpu.memory_space<hbm>>
      tpu.wait_indirect_dma semaphore(%run_scoped3A_57 : memref<!tpu.dma_semaphore, #tpu.memory_space<semaphore_mem>>) src(%dma_wait3A_69 : memref<10000x112xf32, #tpu.memory_space<hbm>>) dst(%arg13 : memref<16x112xf32, #tpu.memory_space<vmem>>)
      tpu.yield
    }) : () -> ()
    %scan3A_38 = arith.constant 0 : i32
    %scan3A_39 = arith.constant 100 : i32
    %scan3A_40 = arith.addi %scan3A_38, %scan3A_39 : i32
    %scan3A_41 = arith.constant 1 : i32
    %scan3A_42 = scf.for %scan3A_57 = %scan3A_38 to %scan3A_40 step %scan3A_41 iter_args(%scan3A_58 = %broadcast_in_dim3A_34) -> (vector<16xf32>)  : i32 {
      %broadcast_in_dim3A_59 = arith.constant 0 : i32
      %broadcast_in_dim3A_60 = vector.broadcast %broadcast_in_dim3A_59 : i32 to vector<16xi32>
      %add3A_61 = vector.broadcast %scan3A_57 : i32 to vector<16xi32>
      %add3A_62 = arith.addi %broadcast_in_dim3A_60, %add3A_61 : vector<16xi32>
      %gather3A = tpu.vector_load_idx %arg11[%iota3A, %add3A_62] : memref<16x112xf32, #tpu.memory_space<vmem>>[vector<16xi32>, vector<16xi32>], vector<16xf32>,
      %gather3A_63 = tpu.vector_load_idx %arg12[%iota3A, %add3A_62] : memref<16x112xf32, #tpu.memory_space<vmem>>[vector<16xi32>, vector<16xi32>], vector<16xf32>,
      %gather3A_64 = tpu.vector_load_idx %arg13[%iota3A, %add3A_62] : memref<16x112xf32, #tpu.memory_space<vmem>>[vector<16xi32>, vector<16xi32>], vector<16xf32>,
      %mul3A_65 = arith.mulf %gather3A, %gather3A_63 : vector<16xf32>
      %mul3A_66 = arith.mulf %mul3A_65, %gather3A_64 : vector<16xf32>
      %add3A_67 = arith.addf %scan3A_58, %mul3A_66 : vector<16xf32>
      scf.yield %add3A_67 : vector<16xf32>
    }
    %scan3A_43 = arith.constant 100 : i32
    %barrier3A_44 = arith.constant 0 : index
    tpu.barrier barrier_id(%barrier3A_44)
    %run_scoped3A_45 = arith.constant 1 : i32
    "tpu.region"() ({
      %run_scoped3A_57 = tpu.sem_alloc : memref<!tpu.dma_semaphore, #tpu.memory_space<semaphore_mem>>
      %dma_start3A = arith.constant 0 : i32
      %dma_start3A_58 = arith.constant 0 : i32
      %dma_start3A_59 = tpu.memref_slice %arg2[%run_scoped3A_45, %dma_start3A, %dma_start3A_58] : memref<2x10000x112xf32, #tpu.memory_space<hbm>> -> memref<1x10000x112xf32, #tpu.memory_space<hbm>>
      %dma_start3A_60 = tpu.memref_squeeze %dma_start3A_59 : memref<1x10000x112xf32, #tpu.memory_space<hbm>> -> memref<10000x112xf32, #tpu.memory_space<hbm>>
      %dma_start3A_61 = arith.constant 0 : i32
      %dma_start3A_62 = arith.constant 0 : i32
      %dma_start3A_63 = tpu.memref_slice %dma_start3A_60[%dma_start3A_61, %dma_start3A_62] : memref<10000x112xf32, #tpu.memory_space<hbm>> -> memref<10000x112xf32, #tpu.memory_space<hbm>>
      tpu.enqueue_indirect_dma source(%dma_start3A_63 : memref<10000x112xf32, #tpu.memory_space<hbm>>) target(%arg11 : memref<16x112xf32, #tpu.memory_space<vmem>>) offsets(%get3A_28 : vector<16xi32>) semaphore(%run_scoped3A_57 : memref<!tpu.dma_semaphore, #tpu.memory_space<semaphore_mem>>)
      %dma_wait3A = arith.constant 0 : i32
      %dma_wait3A_64 = arith.constant 0 : i32
      %dma_wait3A_65 = tpu.memref_slice %arg2[%run_scoped3A_45, %dma_wait3A, %dma_wait3A_64] : memref<2x10000x112xf32, #tpu.memory_space<hbm>> -> memref<1x10000x112xf32, #tpu.memory_space<hbm>>
      %dma_wait3A_66 = tpu.memref_squeeze %dma_wait3A_65 : memref<1x10000x112xf32, #tpu.memory_space<hbm>> -> memref<10000x112xf32, #tpu.memory_space<hbm>>
      %dma_wait3A_67 = arith.constant 0 : i32
      %dma_wait3A_68 = arith.constant 0 : i32
      %dma_wait3A_69 = tpu.memref_slice %dma_wait3A_66[%dma_wait3A_67, %dma_wait3A_68] : memref<10000x112xf32, #tpu.memory_space<hbm>> -> memref<10000x112xf32, #tpu.memory_space<hbm>>
      tpu.wait_indirect_dma semaphore(%run_scoped3A_57 : memref<!tpu.dma_semaphore, #tpu.memory_space<semaphore_mem>>) src(%dma_wait3A_69 : memref<10000x112xf32, #tpu.memory_space<hbm>>) dst(%arg11 : memref<16x112xf32, #tpu.memory_space<vmem>>)
      tpu.yield
    }) : () -> ()
    %run_scoped3A_46 = arith.constant 1 : i32
    "tpu.region"() ({
      %run_scoped3A_57 = tpu.sem_alloc : memref<!tpu.dma_semaphore, #tpu.memory_space<semaphore_mem>>
      %dma_start3A = arith.constant 0 : i32
      %dma_start3A_58 = arith.constant 0 : i32
      %dma_start3A_59 = tpu.memref_slice %arg3[%run_scoped3A_46, %dma_start3A, %dma_start3A_58] : memref<2x200x112xf32, #tpu.memory_space<hbm>> -> memref<1x200x112xf32, #tpu.memory_space<hbm>>
      %dma_start3A_60 = tpu.memref_squeeze %dma_start3A_59 : memref<1x200x112xf32, #tpu.memory_space<hbm>> -> memref<200x112xf32, #tpu.memory_space<hbm>>
      %dma_start3A_61 = arith.constant 0 : i32
      %dma_start3A_62 = arith.constant 0 : i32
      %dma_start3A_63 = tpu.memref_slice %dma_start3A_60[%dma_start3A_61, %dma_start3A_62] : memref<200x112xf32, #tpu.memory_space<hbm>> -> memref<200x112xf32, #tpu.memory_space<hbm>>
      tpu.enqueue_indirect_dma source(%dma_start3A_63 : memref<200x112xf32, #tpu.memory_space<hbm>>) target(%arg12 : memref<16x112xf32, #tpu.memory_space<vmem>>) offsets(%get3A_30 : vector<16xi32>) semaphore(%run_scoped3A_57 : memref<!tpu.dma_semaphore, #tpu.memory_space<semaphore_mem>>)
      %dma_wait3A = arith.constant 0 : i32
      %dma_wait3A_64 = arith.constant 0 : i32
      %dma_wait3A_65 = tpu.memref_slice %arg3[%run_scoped3A_46, %dma_wait3A, %dma_wait3A_64] : memref<2x200x112xf32, #tpu.memory_space<hbm>> -> memref<1x200x112xf32, #tpu.memory_space<hbm>>
      %dma_wait3A_66 = tpu.memref_squeeze %dma_wait3A_65 : memref<1x200x112xf32, #tpu.memory_space<hbm>> -> memref<200x112xf32, #tpu.memory_space<hbm>>
      %dma_wait3A_67 = arith.constant 0 : i32
      %dma_wait3A_68 = arith.constant 0 : i32
      %dma_wait3A_69 = tpu.memref_slice %dma_wait3A_66[%dma_wait3A_67, %dma_wait3A_68] : memref<200x112xf32, #tpu.memory_space<hbm>> -> memref<200x112xf32, #tpu.memory_space<hbm>>
      tpu.wait_indirect_dma semaphore(%run_scoped3A_57 : memref<!tpu.dma_semaphore, #tpu.memory_space<semaphore_mem>>) src(%dma_wait3A_69 : memref<200x112xf32, #tpu.memory_space<hbm>>) dst(%arg12 : memref<16x112xf32, #tpu.memory_space<vmem>>)
      tpu.yield
    }) : () -> ()
    %run_scoped3A_47 = arith.constant 1 : i32
    "tpu.region"() ({
      %run_scoped3A_57 = tpu.sem_alloc : memref<!tpu.dma_semaphore, #tpu.memory_space<semaphore_mem>>
      %dma_start3A = arith.constant 0 : i32
      %dma_start3A_58 = arith.constant 0 : i32
      %dma_start3A_59 = tpu.memref_slice %arg2[%run_scoped3A_47, %dma_start3A, %dma_start3A_58] : memref<2x10000x112xf32, #tpu.memory_space<hbm>> -> memref<1x10000x112xf32, #tpu.memory_space<hbm>>
      %dma_start3A_60 = tpu.memref_squeeze %dma_start3A_59 : memref<1x10000x112xf32, #tpu.memory_space<hbm>> -> memref<10000x112xf32, #tpu.memory_space<hbm>>
      %dma_start3A_61 = arith.constant 0 : i32
      %dma_start3A_62 = arith.constant 0 : i32
      %dma_start3A_63 = tpu.memref_slice %dma_start3A_60[%dma_start3A_61, %dma_start3A_62] : memref<10000x112xf32, #tpu.memory_space<hbm>> -> memref<10000x112xf32, #tpu.memory_space<hbm>>
      tpu.enqueue_indirect_dma source(%dma_start3A_63 : memref<10000x112xf32, #tpu.memory_space<hbm>>) target(%arg13 : memref<16x112xf32, #tpu.memory_space<vmem>>) offsets(%get3A_32 : vector<16xi32>) semaphore(%run_scoped3A_57 : memref<!tpu.dma_semaphore, #tpu.memory_space<semaphore_mem>>)
      %dma_wait3A = arith.constant 0 : i32
      %dma_wait3A_64 = arith.constant 0 : i32
      %dma_wait3A_65 = tpu.memref_slice %arg2[%run_scoped3A_47, %dma_wait3A, %dma_wait3A_64] : memref<2x10000x112xf32, #tpu.memory_space<hbm>> -> memref<1x10000x112xf32, #tpu.memory_space<hbm>>
      %dma_wait3A_66 = tpu.memref_squeeze %dma_wait3A_65 : memref<1x10000x112xf32, #tpu.memory_space<hbm>> -> memref<10000x112xf32, #tpu.memory_space<hbm>>
      %dma_wait3A_67 = arith.constant 0 : i32
      %dma_wait3A_68 = arith.constant 0 : i32
      %dma_wait3A_69 = tpu.memref_slice %dma_wait3A_66[%dma_wait3A_67, %dma_wait3A_68] : memref<10000x112xf32, #tpu.memory_space<hbm>> -> memref<10000x112xf32, #tpu.memory_space<hbm>>
      tpu.wait_indirect_dma semaphore(%run_scoped3A_57 : memref<!tpu.dma_semaphore, #tpu.memory_space<semaphore_mem>>) src(%dma_wait3A_69 : memref<10000x112xf32, #tpu.memory_space<hbm>>) dst(%arg13 : memref<16x112xf32, #tpu.memory_space<vmem>>)
      tpu.yield
    }) : () -> ()
    %scan3A_48 = arith.constant 0 : i32
    %scan3A_49 = arith.constant 100 : i32
    %scan3A_50 = arith.addi %scan3A_48, %scan3A_49 : i32
    %scan3A_51 = arith.constant 1 : i32
    %scan3A_52 = scf.for %scan3A_57 = %scan3A_48 to %scan3A_50 step %scan3A_51 iter_args(%scan3A_58 = %scan3A_42) -> (vector<16xf32>)  : i32 {
      %broadcast_in_dim3A_59 = arith.constant 0 : i32
      %broadcast_in_dim3A_60 = vector.broadcast %broadcast_in_dim3A_59 : i32 to vector<16xi32>
      %add3A_61 = vector.broadcast %scan3A_57 : i32 to vector<16xi32>
      %add3A_62 = arith.addi %broadcast_in_dim3A_60, %add3A_61 : vector<16xi32>
      %gather3A = tpu.vector_load_idx %arg11[%iota3A, %add3A_62] : memref<16x112xf32, #tpu.memory_space<vmem>>[vector<16xi32>, vector<16xi32>], vector<16xf32>,
      %gather3A_63 = tpu.vector_load_idx %arg12[%iota3A, %add3A_62] : memref<16x112xf32, #tpu.memory_space<vmem>>[vector<16xi32>, vector<16xi32>], vector<16xf32>,
      %gather3A_64 = tpu.vector_load_idx %arg13[%iota3A, %add3A_62] : memref<16x112xf32, #tpu.memory_space<vmem>>[vector<16xi32>, vector<16xi32>], vector<16xf32>,
      %mul3A_65 = arith.mulf %gather3A, %gather3A_63 : vector<16xf32>
      %mul3A_66 = arith.mulf %mul3A_65, %gather3A_64 : vector<16xf32>
      %add3A_67 = arith.addf %scan3A_58, %mul3A_66 : vector<16xf32>
      scf.yield %add3A_67 : vector<16xf32>
    }
    %scan3A_53 = arith.constant 100 : i32
    %barrier3A_54 = arith.constant 0 : index
    tpu.barrier barrier_id(%barrier3A_54)
    %swap3A_55 = arith.constant 16 : index
    %swap3A_56 = tpu.vector_load %arg14[%swap3A_55] {strides = array<i32>} : memref<32xf32, #tpu.memory_space<vmem>>, vector<16xf32>,
    tpu.vector_store %arg14[%swap3A_55], %scan3A_52 {strides = array<i32>} : memref<32xf32, #tpu.memory_space<vmem>>, vector<16xf32>,
    "tpu.region"() ({
      %run_scoped3A_57 = tpu.sem_alloc : memref<!tpu.dma_semaphore, #tpu.memory_space<semaphore_mem>>
      %dma_start3A = tpu.memref_slice %arg7[%mul3A_2] : memref<1024xf32, #tpu.memory_space<hbm>> -> memref<32xf32, #tpu.memory_space<hbm>>
      %dma_start3A_58 = tpu.memref_slice %arg7[%mul3A_2] : memref<1024xf32, #tpu.memory_space<hbm>> -> memref<32xf32, #tpu.memory_space<hbm>>
      tpu.enqueue_dma source(%arg14 : memref<32xf32, #tpu.memory_space<vmem>>) target(%dma_start3A_58 : memref<32xf32, #tpu.memory_space<hbm>>) target_semaphore(%run_scoped3A_57 : memref<!tpu.dma_semaphore, #tpu.memory_space<semaphore_mem>>)
      %dma_wait3A = tpu.memref_slice %arg7[%mul3A_2] : memref<1024xf32, #tpu.memory_space<hbm>> -> memref<32xf32, #tpu.memory_space<hbm>>
      %dma_wait3A_59 = tpu.memref_slice %arg7[%mul3A_2] : memref<1024xf32, #tpu.memory_space<hbm>> -> memref<32xf32, #tpu.memory_space<hbm>>
      tpu.wait_dma2 semaphore(%run_scoped3A_57 : memref<!tpu.dma_semaphore, #tpu.memory_space<semaphore_mem>>) src(%arg14 : memref<32xf32, #tpu.memory_space<vmem>>) dst(%dma_wait3A_59 : memref<32xf32, #tpu.memory_space<hbm>>)
      tpu.yield
    }) : () -> ()
    return
  }
}

#map = affine_map<(d0, d1) -> (0, 0, 0)>
#map1 = affine_map<(d0, d1) -> (0)>
#map2 = affine_map<(d0, d1) -> (0, 0)>
module attributes {stable_mosaic.version = 14 : i64} {
  func.func @_edge_pass(%arg0: i32, %arg1: i32, %arg2: memref<2x10000x112xf32, #tpu.memory_space<hbm>>, %arg3: memref<160000xi32, #tpu.memory_space<hbm>>, %arg4: memref<160000xi32, #tpu.memory_space<hbm>>, %arg5: memref<160000xi32, #tpu.memory_space<hbm>>, %arg6: memref<160000xf32, #tpu.memory_space<hbm>>, %arg7: memref<2x200x112xi32, #tpu.memory_space<hbm>>, %arg8: memref<632x112xf32, #tpu.memory_space<hbm>>, %arg9: memref<2x10000x112xf32, #tpu.memory_space<hbm>>, %arg10: memref<10000x112xf32, #tpu.memory_space<vmem_shared>>, %arg11: memref<200x112xi32, #tpu.memory_space<vmem>>, %arg12: memref<2000xi32, #tpu.memory_space<vmem>>, %arg13: memref<2000xi32, #tpu.memory_space<vmem>>, %arg14: memref<2000xi32, #tpu.memory_space<vmem>>, %arg15: memref<2000xf32, #tpu.memory_space<vmem>>, %arg16: memref<16x112xf32, #tpu.memory_space<vmem>>, %arg17: memref<16x112xf32, #tpu.memory_space<vmem>>, %arg18: memref<16x112xf32, #tpu.memory_space<vmem>>, %arg19: memref<16x112xf32, #tpu.memory_space<vmem>>, %arg20: memref<16x112xf32, #tpu.memory_space<vmem>>, %arg21: memref<16x112xf32, #tpu.memory_space<vmem>>, %arg22: memref<16x112xf32, #tpu.memory_space<vmem>>, %arg23: memref<16x112xf32, #tpu.memory_space<vmem>>, %arg24: memref<!tpu.dma_semaphore, #tpu.memory_space<semaphore_mem>>, %arg25: memref<!tpu.dma_semaphore, #tpu.memory_space<semaphore_mem>>, %arg26: memref<!tpu.dma_semaphore, #tpu.memory_space<semaphore_mem>>, %arg27: memref<!tpu.dma_semaphore, #tpu.memory_space<semaphore_mem>>, %arg28: memref<!tpu.dma_semaphore, #tpu.memory_space<semaphore_mem>>, %arg29: memref<!tpu.dma_semaphore, #tpu.memory_space<semaphore_mem>>, %arg30: memref<!tpu.dma_semaphore, #tpu.memory_space<semaphore_mem>>, %arg31: memref<!tpu.dma_semaphore, #tpu.memory_space<semaphore_mem>>) attributes {dimension_semantics = [#tpu.dimension_semantics<core_parallel>, #tpu.dimension_semantics<subcore_parallel>], iteration_bounds = array<i64: 2, 16>, scalar_prefetch = 0 : i64, scratch_operands = 22 : i64, tpu.core_type = #tpu.core_type<sc_vector_subcore>, window_params = [{transform_indices = #map}, {transform_indices = #map1}, {transform_indices = #map1}, {transform_indices = #map1}, {transform_indices = #map1}, {transform_indices = #map}, {transform_indices = #map2}, {transform_indices = #map}]} {
    %lt3A = arith.constant 15 : i32
    %lt3A_0 = arith.cmpi slt, %arg1, %lt3A : i32
    %convert_element_type3A = arith.extui %lt3A_0 : i1 to i32
    %cond3A = arith.constant 0 : i32
    %cond3A_1 = arith.cmpi ne, %convert_element_type3A, %cond3A : i32
    scf.if %cond3A_1 {
      %mul3A_279 = arith.constant 632 : i32
      %mul3A_280 = arith.muli %arg1, %mul3A_279 : i32
      "tpu.region"() ({
        %run_scoped3A = tpu.sem_alloc : memref<!tpu.dma_semaphore, #tpu.memory_space<semaphore_mem>>
        %dma_start3A = arith.constant 0 : i32
        %dma_start3A_281 = tpu.memref_slice %arg10[%mul3A_280, %dma_start3A] : memref<10000x112xf32, #tpu.memory_space<vmem_shared>> -> memref<632x112xf32, #tpu.memory_space<vmem_shared>>
        tpu.enqueue_dma source(%arg8 : memref<632x112xf32, #tpu.memory_space<hbm>>) target(%dma_start3A_281 : memref<632x112xf32, #tpu.memory_space<vmem_shared>>) target_semaphore(%run_scoped3A : memref<!tpu.dma_semaphore, #tpu.memory_space<semaphore_mem>>)
        %dma_wait3A = arith.constant 0 : i32
        %dma_wait3A_282 = tpu.memref_slice %arg10[%mul3A_280, %dma_wait3A] : memref<10000x112xf32, #tpu.memory_space<vmem_shared>> -> memref<632x112xf32, #tpu.memory_space<vmem_shared>>
        tpu.wait_dma2 semaphore(%run_scoped3A : memref<!tpu.dma_semaphore, #tpu.memory_space<semaphore_mem>>) src(%arg8 : memref<632x112xf32, #tpu.memory_space<hbm>>) dst(%dma_wait3A_282 : memref<632x112xf32, #tpu.memory_space<vmem_shared>>)
        tpu.yield
      }) : () -> ()
    } else {
    }
    %eq3A = arith.constant 15 : i32
    %eq3A_2 = arith.cmpi eq, %arg1, %eq3A : i32
    %convert_element_type3A_3 = arith.extui %eq3A_2 : i1 to i32
    %cond3A_4 = arith.constant 0 : i32
    %cond3A_5 = arith.cmpi ne, %convert_element_type3A_3, %cond3A_4 : i32
    scf.if %cond3A_5 {
      "tpu.region"() ({
        %run_scoped3A = tpu.sem_alloc : memref<!tpu.dma_semaphore, #tpu.memory_space<semaphore_mem>>
        %dma_start3A = arith.constant 9480 : i32
        %dma_start3A_279 = arith.constant 0 : i32
        %dma_start3A_280 = tpu.memref_slice %arg10[%dma_start3A, %dma_start3A_279] : memref<10000x112xf32, #tpu.memory_space<vmem_shared>> -> memref<520x112xf32, #tpu.memory_space<vmem_shared>>
        %dma_start3A_281 = arith.constant 0 : i32
        %dma_start3A_282 = arith.constant 0 : i32
        %dma_start3A_283 = tpu.memref_slice %arg8[%dma_start3A_281, %dma_start3A_282] : memref<632x112xf32, #tpu.memory_space<hbm>> -> memref<520x112xf32, #tpu.memory_space<hbm>>
        tpu.enqueue_dma source(%dma_start3A_283 : memref<520x112xf32, #tpu.memory_space<hbm>>) target(%dma_start3A_280 : memref<520x112xf32, #tpu.memory_space<vmem_shared>>) target_semaphore(%run_scoped3A : memref<!tpu.dma_semaphore, #tpu.memory_space<semaphore_mem>>)
        %dma_wait3A = arith.constant 9480 : i32
        %dma_wait3A_284 = arith.constant 0 : i32
        %dma_wait3A_285 = tpu.memref_slice %arg10[%dma_wait3A, %dma_wait3A_284] : memref<10000x112xf32, #tpu.memory_space<vmem_shared>> -> memref<520x112xf32, #tpu.memory_space<vmem_shared>>
        %dma_wait3A_286 = arith.constant 0 : i32
        %dma_wait3A_287 = arith.constant 0 : i32
        %dma_wait3A_288 = tpu.memref_slice %arg8[%dma_wait3A_286, %dma_wait3A_287] : memref<632x112xf32, #tpu.memory_space<hbm>> -> memref<520x112xf32, #tpu.memory_space<hbm>>
        tpu.wait_dma2 semaphore(%run_scoped3A : memref<!tpu.dma_semaphore, #tpu.memory_space<semaphore_mem>>) src(%dma_wait3A_288 : memref<520x112xf32, #tpu.memory_space<hbm>>) dst(%dma_wait3A_285 : memref<520x112xf32, #tpu.memory_space<vmem_shared>>)
        tpu.yield
      }) : () -> ()
    } else {
    }
    "tpu.region"() ({
      %run_scoped3A = tpu.sem_alloc : memref<!tpu.dma_semaphore, #tpu.memory_space<semaphore_mem>>
      %dma_start3A = arith.constant 0 : i32
      %dma_start3A_279 = arith.constant 0 : i32
      %dma_start3A_280 = tpu.memref_slice %arg7[%arg0, %dma_start3A, %dma_start3A_279] : memref<2x200x112xi32, #tpu.memory_space<hbm>> -> memref<1x200x112xi32, #tpu.memory_space<hbm>>
      %dma_start3A_281 = tpu.memref_squeeze %dma_start3A_280 : memref<1x200x112xi32, #tpu.memory_space<hbm>> -> memref<200x112xi32, #tpu.memory_space<hbm>>
      %dma_start3A_282 = arith.constant 0 : i32
      %dma_start3A_283 = arith.constant 0 : i32
      %dma_start3A_284 = tpu.memref_slice %arg7[%arg0, %dma_start3A_282, %dma_start3A_283] : memref<2x200x112xi32, #tpu.memory_space<hbm>> -> memref<1x200x112xi32, #tpu.memory_space<hbm>>
      %dma_start3A_285 = tpu.memref_squeeze %dma_start3A_284 : memref<1x200x112xi32, #tpu.memory_space<hbm>> -> memref<200x112xi32, #tpu.memory_space<hbm>>
      tpu.enqueue_dma source(%dma_start3A_285 : memref<200x112xi32, #tpu.memory_space<hbm>>) target(%arg11 : memref<200x112xi32, #tpu.memory_space<vmem>>) target_semaphore(%run_scoped3A : memref<!tpu.dma_semaphore, #tpu.memory_space<semaphore_mem>>)
      %dma_wait3A = arith.constant 0 : i32
      %dma_wait3A_286 = arith.constant 0 : i32
      %dma_wait3A_287 = tpu.memref_slice %arg7[%arg0, %dma_wait3A, %dma_wait3A_286] : memref<2x200x112xi32, #tpu.memory_space<hbm>> -> memref<1x200x112xi32, #tpu.memory_space<hbm>>
      %dma_wait3A_288 = tpu.memref_squeeze %dma_wait3A_287 : memref<1x200x112xi32, #tpu.memory_space<hbm>> -> memref<200x112xi32, #tpu.memory_space<hbm>>
      %dma_wait3A_289 = arith.constant 0 : i32
      %dma_wait3A_290 = arith.constant 0 : i32
      %dma_wait3A_291 = tpu.memref_slice %arg7[%arg0, %dma_wait3A_289, %dma_wait3A_290] : memref<2x200x112xi32, #tpu.memory_space<hbm>> -> memref<1x200x112xi32, #tpu.memory_space<hbm>>
      %dma_wait3A_292 = tpu.memref_squeeze %dma_wait3A_291 : memref<1x200x112xi32, #tpu.memory_space<hbm>> -> memref<200x112xi32, #tpu.memory_space<hbm>>
      tpu.wait_dma2 semaphore(%run_scoped3A : memref<!tpu.dma_semaphore, #tpu.memory_space<semaphore_mem>>) src(%dma_wait3A_292 : memref<200x112xi32, #tpu.memory_space<hbm>>) dst(%arg11 : memref<200x112xi32, #tpu.memory_space<vmem>>)
      tpu.yield
    }) : () -> ()
    %barrier3A = arith.constant 0 : index
    tpu.barrier barrier_id(%barrier3A)
    %iota3A = tpu.iota {dimensions = array<i32: 0>} : vector<16xi32>
    %broadcast_in_dim3A = arith.constant 0.000000e+00 : f32
    %broadcast_in_dim3A_6 = vector.broadcast %broadcast_in_dim3A : f32 to vector<16xf32>
    %mul3A = arith.constant 10000 : i32
    %mul3A_7 = arith.muli %arg1, %mul3A : i32
    %swap3A = arith.constant 0 : i32
    %swap3A_8 = arith.index_cast %swap3A : i32 to index
    %swap3A_9 = arith.constant 96 : index
    %swap3A_10 = tpu.vector_load %arg20[%swap3A_8, %swap3A_9] {strides = array<i32>} : memref<16x112xf32, #tpu.memory_space<vmem>>, vector<16xf32>,
    tpu.vector_store %arg20[%swap3A_8, %swap3A_9], %broadcast_in_dim3A_6 {strides = array<i32>} : memref<16x112xf32, #tpu.memory_space<vmem>>, vector<16xf32>,
    %swap3A_11 = arith.constant 0 : i32
    %swap3A_12 = arith.index_cast %swap3A_11 : i32 to index
    %swap3A_13 = arith.constant 96 : index
    %swap3A_14 = tpu.vector_load %arg21[%swap3A_12, %swap3A_13] {strides = array<i32>} : memref<16x112xf32, #tpu.memory_space<vmem>>, vector<16xf32>,
    tpu.vector_store %arg21[%swap3A_12, %swap3A_13], %broadcast_in_dim3A_6 {strides = array<i32>} : memref<16x112xf32, #tpu.memory_space<vmem>>, vector<16xf32>,
    %swap3A_15 = arith.constant 0 : i32
    %swap3A_16 = arith.index_cast %swap3A_15 : i32 to index
    %swap3A_17 = arith.constant 96 : index
    %swap3A_18 = tpu.vector_load %arg22[%swap3A_16, %swap3A_17] {strides = array<i32>} : memref<16x112xf32, #tpu.memory_space<vmem>>, vector<16xf32>,
    tpu.vector_store %arg22[%swap3A_16, %swap3A_17], %broadcast_in_dim3A_6 {strides = array<i32>} : memref<16x112xf32, #tpu.memory_space<vmem>>, vector<16xf32>,
    %swap3A_19 = arith.constant 0 : i32
    %swap3A_20 = arith.index_cast %swap3A_19 : i32 to index
    %swap3A_21 = arith.constant 96 : index
    %swap3A_22 = tpu.vector_load %arg23[%swap3A_20, %swap3A_21] {strides = array<i32>} : memref<16x112xf32, #tpu.memory_space<vmem>>, vector<16xf32>,
    tpu.vector_store %arg23[%swap3A_20, %swap3A_21], %broadcast_in_dim3A_6 {strides = array<i32>} : memref<16x112xf32, #tpu.memory_space<vmem>>, vector<16xf32>,
    %swap3A_23 = arith.constant 1 : i32
    %swap3A_24 = arith.index_cast %swap3A_23 : i32 to index
    %swap3A_25 = arith.constant 96 : index
    %swap3A_26 = tpu.vector_load %arg20[%swap3A_24, %swap3A_25] {strides = array<i32>} : memref<16x112xf32, #tpu.memory_space<vmem>>, vector<16xf32>,
    tpu.vector_store %arg20[%swap3A_24, %swap3A_25], %broadcast_in_dim3A_6 {strides = array<i32>} : memref<16x112xf32, #tpu.memory_space<vmem>>, vector<16xf32>,
    %swap3A_27 = arith.constant 1 : i32
    %swap3A_28 = arith.index_cast %swap3A_27 : i32 to index
    %swap3A_29 = arith.constant 96 : index
    %swap3A_30 = tpu.vector_load %arg21[%swap3A_28, %swap3A_29] {strides = array<i32>} : memref<16x112xf32, #tpu.memory_space<vmem>>, vector<16xf32>,
    tpu.vector_store %arg21[%swap3A_28, %swap3A_29], %broadcast_in_dim3A_6 {strides = array<i32>} : memref<16x112xf32, #tpu.memory_space<vmem>>, vector<16xf32>,
    %swap3A_31 = arith.constant 1 : i32
    %swap3A_32 = arith.index_cast %swap3A_31 : i32 to index
    %swap3A_33 = arith.constant 96 : index
    %swap3A_34 = tpu.vector_load %arg22[%swap3A_32, %swap3A_33] {strides = array<i32>} : memref<16x112xf32, #tpu.memory_space<vmem>>, vector<16xf32>,
    tpu.vector_store %arg22[%swap3A_32, %swap3A_33], %broadcast_in_dim3A_6 {strides = array<i32>} : memref<16x112xf32, #tpu.memory_space<vmem>>, vector<16xf32>,
    %swap3A_35 = arith.constant 1 : i32
    %swap3A_36 = arith.index_cast %swap3A_35 : i32 to index
    %swap3A_37 = arith.constant 96 : index
    %swap3A_38 = tpu.vector_load %arg23[%swap3A_36, %swap3A_37] {strides = array<i32>} : memref<16x112xf32, #tpu.memory_space<vmem>>, vector<16xf32>,
    tpu.vector_store %arg23[%swap3A_36, %swap3A_37], %broadcast_in_dim3A_6 {strides = array<i32>} : memref<16x112xf32, #tpu.memory_space<vmem>>, vector<16xf32>,
    %swap3A_39 = arith.constant 2 : i32
    %swap3A_40 = arith.index_cast %swap3A_39 : i32 to index
    %swap3A_41 = arith.constant 96 : index
    %swap3A_42 = tpu.vector_load %arg20[%swap3A_40, %swap3A_41] {strides = array<i32>} : memref<16x112xf32, #tpu.memory_space<vmem>>, vector<16xf32>,
    tpu.vector_store %arg20[%swap3A_40, %swap3A_41], %broadcast_in_dim3A_6 {strides = array<i32>} : memref<16x112xf32, #tpu.memory_space<vmem>>, vector<16xf32>,
    %swap3A_43 = arith.constant 2 : i32
    %swap3A_44 = arith.index_cast %swap3A_43 : i32 to index
    %swap3A_45 = arith.constant 96 : index
    %swap3A_46 = tpu.vector_load %arg21[%swap3A_44, %swap3A_45] {strides = array<i32>} : memref<16x112xf32, #tpu.memory_space<vmem>>, vector<16xf32>,
    tpu.vector_store %arg21[%swap3A_44, %swap3A_45], %broadcast_in_dim3A_6 {strides = array<i32>} : memref<16x112xf32, #tpu.memory_space<vmem>>, vector<16xf32>,
    %swap3A_47 = arith.constant 2 : i32
    %swap3A_48 = arith.index_cast %swap3A_47 : i32 to index
    %swap3A_49 = arith.constant 96 : index
    %swap3A_50 = tpu.vector_load %arg22[%swap3A_48, %swap3A_49] {strides = array<i32>} : memref<16x112xf32, #tpu.memory_space<vmem>>, vector<16xf32>,
    tpu.vector_store %arg22[%swap3A_48, %swap3A_49], %broadcast_in_dim3A_6 {strides = array<i32>} : memref<16x112xf32, #tpu.memory_space<vmem>>, vector<16xf32>,
    %swap3A_51 = arith.constant 2 : i32
    %swap3A_52 = arith.index_cast %swap3A_51 : i32 to index
    %swap3A_53 = arith.constant 96 : index
    %swap3A_54 = tpu.vector_load %arg23[%swap3A_52, %swap3A_53] {strides = array<i32>} : memref<16x112xf32, #tpu.memory_space<vmem>>, vector<16xf32>,
    tpu.vector_store %arg23[%swap3A_52, %swap3A_53], %broadcast_in_dim3A_6 {strides = array<i32>} : memref<16x112xf32, #tpu.memory_space<vmem>>, vector<16xf32>,
    %swap3A_55 = arith.constant 3 : i32
    %swap3A_56 = arith.index_cast %swap3A_55 : i32 to index
    %swap3A_57 = arith.constant 96 : index
    %swap3A_58 = tpu.vector_load %arg20[%swap3A_56, %swap3A_57] {strides = array<i32>} : memref<16x112xf32, #tpu.memory_space<vmem>>, vector<16xf32>,
    tpu.vector_store %arg20[%swap3A_56, %swap3A_57], %broadcast_in_dim3A_6 {strides = array<i32>} : memref<16x112xf32, #tpu.memory_space<vmem>>, vector<16xf32>,
    %swap3A_59 = arith.constant 3 : i32
    %swap3A_60 = arith.index_cast %swap3A_59 : i32 to index
    %swap3A_61 = arith.constant 96 : index
    %swap3A_62 = tpu.vector_load %arg21[%swap3A_60, %swap3A_61] {strides = array<i32>} : memref<16x112xf32, #tpu.memory_space<vmem>>, vector<16xf32>,
    tpu.vector_store %arg21[%swap3A_60, %swap3A_61], %broadcast_in_dim3A_6 {strides = array<i32>} : memref<16x112xf32, #tpu.memory_space<vmem>>, vector<16xf32>,
    %swap3A_63 = arith.constant 3 : i32
    %swap3A_64 = arith.index_cast %swap3A_63 : i32 to index
    %swap3A_65 = arith.constant 96 : index
    %swap3A_66 = tpu.vector_load %arg22[%swap3A_64, %swap3A_65] {strides = array<i32>} : memref<16x112xf32, #tpu.memory_space<vmem>>, vector<16xf32>,
    tpu.vector_store %arg22[%swap3A_64, %swap3A_65], %broadcast_in_dim3A_6 {strides = array<i32>} : memref<16x112xf32, #tpu.memory_space<vmem>>, vector<16xf32>,
    %swap3A_67 = arith.constant 3 : i32
    %swap3A_68 = arith.index_cast %swap3A_67 : i32 to index
    %swap3A_69 = arith.constant 96 : index
    %swap3A_70 = tpu.vector_load %arg23[%swap3A_68, %swap3A_69] {strides = array<i32>} : memref<16x112xf32, #tpu.memory_space<vmem>>, vector<16xf32>,
    tpu.vector_store %arg23[%swap3A_68, %swap3A_69], %broadcast_in_dim3A_6 {strides = array<i32>} : memref<16x112xf32, #tpu.memory_space<vmem>>, vector<16xf32>,
    %swap3A_71 = arith.constant 4 : i32
    %swap3A_72 = arith.index_cast %swap3A_71 : i32 to index
    %swap3A_73 = arith.constant 96 : index
    %swap3A_74 = tpu.vector_load %arg20[%swap3A_72, %swap3A_73] {strides = array<i32>} : memref<16x112xf32, #tpu.memory_space<vmem>>, vector<16xf32>,
    tpu.vector_store %arg20[%swap3A_72, %swap3A_73], %broadcast_in_dim3A_6 {strides = array<i32>} : memref<16x112xf32, #tpu.memory_space<vmem>>, vector<16xf32>,
    %swap3A_75 = arith.constant 4 : i32
    %swap3A_76 = arith.index_cast %swap3A_75 : i32 to index
    %swap3A_77 = arith.constant 96 : index
    %swap3A_78 = tpu.vector_load %arg21[%swap3A_76, %swap3A_77] {strides = array<i32>} : memref<16x112xf32, #tpu.memory_space<vmem>>, vector<16xf32>,
    tpu.vector_store %arg21[%swap3A_76, %swap3A_77], %broadcast_in_dim3A_6 {strides = array<i32>} : memref<16x112xf32, #tpu.memory_space<vmem>>, vector<16xf32>,
    %swap3A_79 = arith.constant 4 : i32
    %swap3A_80 = arith.index_cast %swap3A_79 : i32 to index
    %swap3A_81 = arith.constant 96 : index
    %swap3A_82 = tpu.vector_load %arg22[%swap3A_80, %swap3A_81] {strides = array<i32>} : memref<16x112xf32, #tpu.memory_space<vmem>>, vector<16xf32>,
    tpu.vector_store %arg22[%swap3A_80, %swap3A_81], %broadcast_in_dim3A_6 {strides = array<i32>} : memref<16x112xf32, #tpu.memory_space<vmem>>, vector<16xf32>,
    %swap3A_83 = arith.constant 4 : i32
    %swap3A_84 = arith.index_cast %swap3A_83 : i32 to index
    %swap3A_85 = arith.constant 96 : index
    %swap3A_86 = tpu.vector_load %arg23[%swap3A_84, %swap3A_85] {strides = array<i32>} : memref<16x112xf32, #tpu.memory_space<vmem>>, vector<16xf32>,
    tpu.vector_store %arg23[%swap3A_84, %swap3A_85], %broadcast_in_dim3A_6 {strides = array<i32>} : memref<16x112xf32, #tpu.memory_space<vmem>>, vector<16xf32>,
    %swap3A_87 = arith.constant 5 : i32
    %swap3A_88 = arith.index_cast %swap3A_87 : i32 to index
    %swap3A_89 = arith.constant 96 : index
    %swap3A_90 = tpu.vector_load %arg20[%swap3A_88, %swap3A_89] {strides = array<i32>} : memref<16x112xf32, #tpu.memory_space<vmem>>, vector<16xf32>,
    tpu.vector_store %arg20[%swap3A_88, %swap3A_89], %broadcast_in_dim3A_6 {strides = array<i32>} : memref<16x112xf32, #tpu.memory_space<vmem>>, vector<16xf32>,
    %swap3A_91 = arith.constant 5 : i32
    %swap3A_92 = arith.index_cast %swap3A_91 : i32 to index
    %swap3A_93 = arith.constant 96 : index
    %swap3A_94 = tpu.vector_load %arg21[%swap3A_92, %swap3A_93] {strides = array<i32>} : memref<16x112xf32, #tpu.memory_space<vmem>>, vector<16xf32>,
    tpu.vector_store %arg21[%swap3A_92, %swap3A_93], %broadcast_in_dim3A_6 {strides = array<i32>} : memref<16x112xf32, #tpu.memory_space<vmem>>, vector<16xf32>,
    %swap3A_95 = arith.constant 5 : i32
    %swap3A_96 = arith.index_cast %swap3A_95 : i32 to index
    %swap3A_97 = arith.constant 96 : index
    %swap3A_98 = tpu.vector_load %arg22[%swap3A_96, %swap3A_97] {strides = array<i32>} : memref<16x112xf32, #tpu.memory_space<vmem>>, vector<16xf32>,
    tpu.vector_store %arg22[%swap3A_96, %swap3A_97], %broadcast_in_dim3A_6 {strides = array<i32>} : memref<16x112xf32, #tpu.memory_space<vmem>>, vector<16xf32>,
    %swap3A_99 = arith.constant 5 : i32
    %swap3A_100 = arith.index_cast %swap3A_99 : i32 to index
    %swap3A_101 = arith.constant 96 : index
    %swap3A_102 = tpu.vector_load %arg23[%swap3A_100, %swap3A_101] {strides = array<i32>} : memref<16x112xf32, #tpu.memory_space<vmem>>, vector<16xf32>,
    tpu.vector_store %arg23[%swap3A_100, %swap3A_101], %broadcast_in_dim3A_6 {strides = array<i32>} : memref<16x112xf32, #tpu.memory_space<vmem>>, vector<16xf32>,
    %swap3A_103 = arith.constant 6 : i32
    %swap3A_104 = arith.index_cast %swap3A_103 : i32 to index
    %swap3A_105 = arith.constant 96 : index
    %swap3A_106 = tpu.vector_load %arg20[%swap3A_104, %swap3A_105] {strides = array<i32>} : memref<16x112xf32, #tpu.memory_space<vmem>>, vector<16xf32>,
    tpu.vector_store %arg20[%swap3A_104, %swap3A_105], %broadcast_in_dim3A_6 {strides = array<i32>} : memref<16x112xf32, #tpu.memory_space<vmem>>, vector<16xf32>,
    %swap3A_107 = arith.constant 6 : i32
    %swap3A_108 = arith.index_cast %swap3A_107 : i32 to index
    %swap3A_109 = arith.constant 96 : index
    %swap3A_110 = tpu.vector_load %arg21[%swap3A_108, %swap3A_109] {strides = array<i32>} : memref<16x112xf32, #tpu.memory_space<vmem>>, vector<16xf32>,
    tpu.vector_store %arg21[%swap3A_108, %swap3A_109], %broadcast_in_dim3A_6 {strides = array<i32>} : memref<16x112xf32, #tpu.memory_space<vmem>>, vector<16xf32>,
    %swap3A_111 = arith.constant 6 : i32
    %swap3A_112 = arith.index_cast %swap3A_111 : i32 to index
    %swap3A_113 = arith.constant 96 : index
    %swap3A_114 = tpu.vector_load %arg22[%swap3A_112, %swap3A_113] {strides = array<i32>} : memref<16x112xf32, #tpu.memory_space<vmem>>, vector<16xf32>,
    tpu.vector_store %arg22[%swap3A_112, %swap3A_113], %broadcast_in_dim3A_6 {strides = array<i32>} : memref<16x112xf32, #tpu.memory_space<vmem>>, vector<16xf32>,
    %swap3A_115 = arith.constant 6 : i32
    %swap3A_116 = arith.index_cast %swap3A_115 : i32 to index
    %swap3A_117 = arith.constant 96 : index
    %swap3A_118 = tpu.vector_load %arg23[%swap3A_116, %swap3A_117] {strides = array<i32>} : memref<16x112xf32, #tpu.memory_space<vmem>>, vector<16xf32>,
    tpu.vector_store %arg23[%swap3A_116, %swap3A_117], %broadcast_in_dim3A_6 {strides = array<i32>} : memref<16x112xf32, #tpu.memory_space<vmem>>, vector<16xf32>,
    %swap3A_119 = arith.constant 7 : i32
    %swap3A_120 = arith.index_cast %swap3A_119 : i32 to index
    %swap3A_121 = arith.constant 96 : index
    %swap3A_122 = tpu.vector_load %arg20[%swap3A_120, %swap3A_121] {strides = array<i32>} : memref<16x112xf32, #tpu.memory_space<vmem>>, vector<16xf32>,
    tpu.vector_store %arg20[%swap3A_120, %swap3A_121], %broadcast_in_dim3A_6 {strides = array<i32>} : memref<16x112xf32, #tpu.memory_space<vmem>>, vector<16xf32>,
    %swap3A_123 = arith.constant 7 : i32
    %swap3A_124 = arith.index_cast %swap3A_123 : i32 to index
    %swap3A_125 = arith.constant 96 : index
    %swap3A_126 = tpu.vector_load %arg21[%swap3A_124, %swap3A_125] {strides = array<i32>} : memref<16x112xf32, #tpu.memory_space<vmem>>, vector<16xf32>,
    tpu.vector_store %arg21[%swap3A_124, %swap3A_125], %broadcast_in_dim3A_6 {strides = array<i32>} : memref<16x112xf32, #tpu.memory_space<vmem>>, vector<16xf32>,
    %swap3A_127 = arith.constant 7 : i32
    %swap3A_128 = arith.index_cast %swap3A_127 : i32 to index
    %swap3A_129 = arith.constant 96 : index
    %swap3A_130 = tpu.vector_load %arg22[%swap3A_128, %swap3A_129] {strides = array<i32>} : memref<16x112xf32, #tpu.memory_space<vmem>>, vector<16xf32>,
    tpu.vector_store %arg22[%swap3A_128, %swap3A_129], %broadcast_in_dim3A_6 {strides = array<i32>} : memref<16x112xf32, #tpu.memory_space<vmem>>, vector<16xf32>,
    %swap3A_131 = arith.constant 7 : i32
    %swap3A_132 = arith.index_cast %swap3A_131 : i32 to index
    %swap3A_133 = arith.constant 96 : index
    %swap3A_134 = tpu.vector_load %arg23[%swap3A_132, %swap3A_133] {strides = array<i32>} : memref<16x112xf32, #tpu.memory_space<vmem>>, vector<16xf32>,
    tpu.vector_store %arg23[%swap3A_132, %swap3A_133], %broadcast_in_dim3A_6 {strides = array<i32>} : memref<16x112xf32, #tpu.memory_space<vmem>>, vector<16xf32>,
    %swap3A_135 = arith.constant 8 : i32
    %swap3A_136 = arith.index_cast %swap3A_135 : i32 to index
    %swap3A_137 = arith.constant 96 : index
    %swap3A_138 = tpu.vector_load %arg20[%swap3A_136, %swap3A_137] {strides = array<i32>} : memref<16x112xf32, #tpu.memory_space<vmem>>, vector<16xf32>,
    tpu.vector_store %arg20[%swap3A_136, %swap3A_137], %broadcast_in_dim3A_6 {strides = array<i32>} : memref<16x112xf32, #tpu.memory_space<vmem>>, vector<16xf32>,
    %swap3A_139 = arith.constant 8 : i32
    %swap3A_140 = arith.index_cast %swap3A_139 : i32 to index
    %swap3A_141 = arith.constant 96 : index
    %swap3A_142 = tpu.vector_load %arg21[%swap3A_140, %swap3A_141] {strides = array<i32>} : memref<16x112xf32, #tpu.memory_space<vmem>>, vector<16xf32>,
    tpu.vector_store %arg21[%swap3A_140, %swap3A_141], %broadcast_in_dim3A_6 {strides = array<i32>} : memref<16x112xf32, #tpu.memory_space<vmem>>, vector<16xf32>,
    %swap3A_143 = arith.constant 8 : i32
    %swap3A_144 = arith.index_cast %swap3A_143 : i32 to index
    %swap3A_145 = arith.constant 96 : index
    %swap3A_146 = tpu.vector_load %arg22[%swap3A_144, %swap3A_145] {strides = array<i32>} : memref<16x112xf32, #tpu.memory_space<vmem>>, vector<16xf32>,
    tpu.vector_store %arg22[%swap3A_144, %swap3A_145], %broadcast_in_dim3A_6 {strides = array<i32>} : memref<16x112xf32, #tpu.memory_space<vmem>>, vector<16xf32>,
    %swap3A_147 = arith.constant 8 : i32
    %swap3A_148 = arith.index_cast %swap3A_147 : i32 to index
    %swap3A_149 = arith.constant 96 : index
    %swap3A_150 = tpu.vector_load %arg23[%swap3A_148, %swap3A_149] {strides = array<i32>} : memref<16x112xf32, #tpu.memory_space<vmem>>, vector<16xf32>,
    tpu.vector_store %arg23[%swap3A_148, %swap3A_149], %broadcast_in_dim3A_6 {strides = array<i32>} : memref<16x112xf32, #tpu.memory_space<vmem>>, vector<16xf32>,
    %swap3A_151 = arith.constant 9 : i32
    %swap3A_152 = arith.index_cast %swap3A_151 : i32 to index
    %swap3A_153 = arith.constant 96 : index
    %swap3A_154 = tpu.vector_load %arg20[%swap3A_152, %swap3A_153] {strides = array<i32>} : memref<16x112xf32, #tpu.memory_space<vmem>>, vector<16xf32>,
    tpu.vector_store %arg20[%swap3A_152, %swap3A_153], %broadcast_in_dim3A_6 {strides = array<i32>} : memref<16x112xf32, #tpu.memory_space<vmem>>, vector<16xf32>,
    %swap3A_155 = arith.constant 9 : i32
    %swap3A_156 = arith.index_cast %swap3A_155 : i32 to index
    %swap3A_157 = arith.constant 96 : index
    %swap3A_158 = tpu.vector_load %arg21[%swap3A_156, %swap3A_157] {strides = array<i32>} : memref<16x112xf32, #tpu.memory_space<vmem>>, vector<16xf32>,
    tpu.vector_store %arg21[%swap3A_156, %swap3A_157], %broadcast_in_dim3A_6 {strides = array<i32>} : memref<16x112xf32, #tpu.memory_space<vmem>>, vector<16xf32>,
    %swap3A_159 = arith.constant 9 : i32
    %swap3A_160 = arith.index_cast %swap3A_159 : i32 to index
    %swap3A_161 = arith.constant 96 : index
    %swap3A_162 = tpu.vector_load %arg22[%swap3A_160, %swap3A_161] {strides = array<i32>} : memref<16x112xf32, #tpu.memory_space<vmem>>, vector<16xf32>,
    tpu.vector_store %arg22[%swap3A_160, %swap3A_161], %broadcast_in_dim3A_6 {strides = array<i32>} : memref<16x112xf32, #tpu.memory_space<vmem>>, vector<16xf32>,
    %swap3A_163 = arith.constant 9 : i32
    %swap3A_164 = arith.index_cast %swap3A_163 : i32 to index
    %swap3A_165 = arith.constant 96 : index
    %swap3A_166 = tpu.vector_load %arg23[%swap3A_164, %swap3A_165] {strides = array<i32>} : memref<16x112xf32, #tpu.memory_space<vmem>>, vector<16xf32>,
    tpu.vector_store %arg23[%swap3A_164, %swap3A_165], %broadcast_in_dim3A_6 {strides = array<i32>} : memref<16x112xf32, #tpu.memory_space<vmem>>, vector<16xf32>,
    %swap3A_167 = arith.constant 10 : i32
    %swap3A_168 = arith.index_cast %swap3A_167 : i32 to index
    %swap3A_169 = arith.constant 96 : index
    %swap3A_170 = tpu.vector_load %arg20[%swap3A_168, %swap3A_169] {strides = array<i32>} : memref<16x112xf32, #tpu.memory_space<vmem>>, vector<16xf32>,
    tpu.vector_store %arg20[%swap3A_168, %swap3A_169], %broadcast_in_dim3A_6 {strides = array<i32>} : memref<16x112xf32, #tpu.memory_space<vmem>>, vector<16xf32>,
    %swap3A_171 = arith.constant 10 : i32
    %swap3A_172 = arith.index_cast %swap3A_171 : i32 to index
    %swap3A_173 = arith.constant 96 : index
    %swap3A_174 = tpu.vector_load %arg21[%swap3A_172, %swap3A_173] {strides = array<i32>} : memref<16x112xf32, #tpu.memory_space<vmem>>, vector<16xf32>,
    tpu.vector_store %arg21[%swap3A_172, %swap3A_173], %broadcast_in_dim3A_6 {strides = array<i32>} : memref<16x112xf32, #tpu.memory_space<vmem>>, vector<16xf32>,
    %swap3A_175 = arith.constant 10 : i32
    %swap3A_176 = arith.index_cast %swap3A_175 : i32 to index
    %swap3A_177 = arith.constant 96 : index
    %swap3A_178 = tpu.vector_load %arg22[%swap3A_176, %swap3A_177] {strides = array<i32>} : memref<16x112xf32, #tpu.memory_space<vmem>>, vector<16xf32>,
    tpu.vector_store %arg22[%swap3A_176, %swap3A_177], %broadcast_in_dim3A_6 {strides = array<i32>} : memref<16x112xf32, #tpu.memory_space<vmem>>, vector<16xf32>,
    %swap3A_179 = arith.constant 10 : i32
    %swap3A_180 = arith.index_cast %swap3A_179 : i32 to index
    %swap3A_181 = arith.constant 96 : index
    %swap3A_182 = tpu.vector_load %arg23[%swap3A_180, %swap3A_181] {strides = array<i32>} : memref<16x112xf32, #tpu.memory_space<vmem>>, vector<16xf32>,
    tpu.vector_store %arg23[%swap3A_180, %swap3A_181], %broadcast_in_dim3A_6 {strides = array<i32>} : memref<16x112xf32, #tpu.memory_space<vmem>>, vector<16xf32>,
    %swap3A_183 = arith.constant 11 : i32
    %swap3A_184 = arith.index_cast %swap3A_183 : i32 to index
    %swap3A_185 = arith.constant 96 : index
    %swap3A_186 = tpu.vector_load %arg20[%swap3A_184, %swap3A_185] {strides = array<i32>} : memref<16x112xf32, #tpu.memory_space<vmem>>, vector<16xf32>,
    tpu.vector_store %arg20[%swap3A_184, %swap3A_185], %broadcast_in_dim3A_6 {strides = array<i32>} : memref<16x112xf32, #tpu.memory_space<vmem>>, vector<16xf32>,
    %swap3A_187 = arith.constant 11 : i32
    %swap3A_188 = arith.index_cast %swap3A_187 : i32 to index
    %swap3A_189 = arith.constant 96 : index
    %swap3A_190 = tpu.vector_load %arg21[%swap3A_188, %swap3A_189] {strides = array<i32>} : memref<16x112xf32, #tpu.memory_space<vmem>>, vector<16xf32>,
    tpu.vector_store %arg21[%swap3A_188, %swap3A_189], %broadcast_in_dim3A_6 {strides = array<i32>} : memref<16x112xf32, #tpu.memory_space<vmem>>, vector<16xf32>,
    %swap3A_191 = arith.constant 11 : i32
    %swap3A_192 = arith.index_cast %swap3A_191 : i32 to index
    %swap3A_193 = arith.constant 96 : index
    %swap3A_194 = tpu.vector_load %arg22[%swap3A_192, %swap3A_193] {strides = array<i32>} : memref<16x112xf32, #tpu.memory_space<vmem>>, vector<16xf32>,
    tpu.vector_store %arg22[%swap3A_192, %swap3A_193], %broadcast_in_dim3A_6 {strides = array<i32>} : memref<16x112xf32, #tpu.memory_space<vmem>>, vector<16xf32>,
    %swap3A_195 = arith.constant 11 : i32
    %swap3A_196 = arith.index_cast %swap3A_195 : i32 to index
    %swap3A_197 = arith.constant 96 : index
    %swap3A_198 = tpu.vector_load %arg23[%swap3A_196, %swap3A_197] {strides = array<i32>} : memref<16x112xf32, #tpu.memory_space<vmem>>, vector<16xf32>,
    tpu.vector_store %arg23[%swap3A_196, %swap3A_197], %broadcast_in_dim3A_6 {strides = array<i32>} : memref<16x112xf32, #tpu.memory_space<vmem>>, vector<16xf32>,
    %swap3A_199 = arith.constant 12 : i32
    %swap3A_200 = arith.index_cast %swap3A_199 : i32 to index
    %swap3A_201 = arith.constant 96 : index
    %swap3A_202 = tpu.vector_load %arg20[%swap3A_200, %swap3A_201] {strides = array<i32>} : memref<16x112xf32, #tpu.memory_space<vmem>>, vector<16xf32>,
    tpu.vector_store %arg20[%swap3A_200, %swap3A_201], %broadcast_in_dim3A_6 {strides = array<i32>} : memref<16x112xf32, #tpu.memory_space<vmem>>, vector<16xf32>,
    %swap3A_203 = arith.constant 12 : i32
    %swap3A_204 = arith.index_cast %swap3A_203 : i32 to index
    %swap3A_205 = arith.constant 96 : index
    %swap3A_206 = tpu.vector_load %arg21[%swap3A_204, %swap3A_205] {strides = array<i32>} : memref<16x112xf32, #tpu.memory_space<vmem>>, vector<16xf32>,
    tpu.vector_store %arg21[%swap3A_204, %swap3A_205], %broadcast_in_dim3A_6 {strides = array<i32>} : memref<16x112xf32, #tpu.memory_space<vmem>>, vector<16xf32>,
    %swap3A_207 = arith.constant 12 : i32
    %swap3A_208 = arith.index_cast %swap3A_207 : i32 to index
    %swap3A_209 = arith.constant 96 : index
    %swap3A_210 = tpu.vector_load %arg22[%swap3A_208, %swap3A_209] {strides = array<i32>} : memref<16x112xf32, #tpu.memory_space<vmem>>, vector<16xf32>,
    tpu.vector_store %arg22[%swap3A_208, %swap3A_209], %broadcast_in_dim3A_6 {strides = array<i32>} : memref<16x112xf32, #tpu.memory_space<vmem>>, vector<16xf32>,
    %swap3A_211 = arith.constant 12 : i32
    %swap3A_212 = arith.index_cast %swap3A_211 : i32 to index
    %swap3A_213 = arith.constant 96 : index
    %swap3A_214 = tpu.vector_load %arg23[%swap3A_212, %swap3A_213] {strides = array<i32>} : memref<16x112xf32, #tpu.memory_space<vmem>>, vector<16xf32>,
    tpu.vector_store %arg23[%swap3A_212, %swap3A_213], %broadcast_in_dim3A_6 {strides = array<i32>} : memref<16x112xf32, #tpu.memory_space<vmem>>, vector<16xf32>,
    %swap3A_215 = arith.constant 13 : i32
    %swap3A_216 = arith.index_cast %swap3A_215 : i32 to index
    %swap3A_217 = arith.constant 96 : index
    %swap3A_218 = tpu.vector_load %arg20[%swap3A_216, %swap3A_217] {strides = array<i32>} : memref<16x112xf32, #tpu.memory_space<vmem>>, vector<16xf32>,
    tpu.vector_store %arg20[%swap3A_216, %swap3A_217], %broadcast_in_dim3A_6 {strides = array<i32>} : memref<16x112xf32, #tpu.memory_space<vmem>>, vector<16xf32>,
    %swap3A_219 = arith.constant 13 : i32
    %swap3A_220 = arith.index_cast %swap3A_219 : i32 to index
    %swap3A_221 = arith.constant 96 : index
    %swap3A_222 = tpu.vector_load %arg21[%swap3A_220, %swap3A_221] {strides = array<i32>} : memref<16x112xf32, #tpu.memory_space<vmem>>, vector<16xf32>,
    tpu.vector_store %arg21[%swap3A_220, %swap3A_221], %broadcast_in_dim3A_6 {strides = array<i32>} : memref<16x112xf32, #tpu.memory_space<vmem>>, vector<16xf32>,
    %swap3A_223 = arith.constant 13 : i32
    %swap3A_224 = arith.index_cast %swap3A_223 : i32 to index
    %swap3A_225 = arith.constant 96 : index
    %swap3A_226 = tpu.vector_load %arg22[%swap3A_224, %swap3A_225] {strides = array<i32>} : memref<16x112xf32, #tpu.memory_space<vmem>>, vector<16xf32>,
    tpu.vector_store %arg22[%swap3A_224, %swap3A_225], %broadcast_in_dim3A_6 {strides = array<i32>} : memref<16x112xf32, #tpu.memory_space<vmem>>, vector<16xf32>,
    %swap3A_227 = arith.constant 13 : i32
    %swap3A_228 = arith.index_cast %swap3A_227 : i32 to index
    %swap3A_229 = arith.constant 96 : index
    %swap3A_230 = tpu.vector_load %arg23[%swap3A_228, %swap3A_229] {strides = array<i32>} : memref<16x112xf32, #tpu.memory_space<vmem>>, vector<16xf32>,
    tpu.vector_store %arg23[%swap3A_228, %swap3A_229], %broadcast_in_dim3A_6 {strides = array<i32>} : memref<16x112xf32, #tpu.memory_space<vmem>>, vector<16xf32>,
    %swap3A_231 = arith.constant 14 : i32
    %swap3A_232 = arith.index_cast %swap3A_231 : i32 to index
    %swap3A_233 = arith.constant 96 : index
    %swap3A_234 = tpu.vector_load %arg20[%swap3A_232, %swap3A_233] {strides = array<i32>} : memref<16x112xf32, #tpu.memory_space<vmem>>, vector<16xf32>,
    tpu.vector_store %arg20[%swap3A_232, %swap3A_233], %broadcast_in_dim3A_6 {strides = array<i32>} : memref<16x112xf32, #tpu.memory_space<vmem>>, vector<16xf32>,
    %swap3A_235 = arith.constant 14 : i32
    %swap3A_236 = arith.index_cast %swap3A_235 : i32 to index
    %swap3A_237 = arith.constant 96 : index
    %swap3A_238 = tpu.vector_load %arg21[%swap3A_236, %swap3A_237] {strides = array<i32>} : memref<16x112xf32, #tpu.memory_space<vmem>>, vector<16xf32>,
    tpu.vector_store %arg21[%swap3A_236, %swap3A_237], %broadcast_in_dim3A_6 {strides = array<i32>} : memref<16x112xf32, #tpu.memory_space<vmem>>, vector<16xf32>,
    %swap3A_239 = arith.constant 14 : i32
    %swap3A_240 = arith.index_cast %swap3A_239 : i32 to index
    %swap3A_241 = arith.constant 96 : index
    %swap3A_242 = tpu.vector_load %arg22[%swap3A_240, %swap3A_241] {strides = array<i32>} : memref<16x112xf32, #tpu.memory_space<vmem>>, vector<16xf32>,
    tpu.vector_store %arg22[%swap3A_240, %swap3A_241], %broadcast_in_dim3A_6 {strides = array<i32>} : memref<16x112xf32, #tpu.memory_space<vmem>>, vector<16xf32>,
    %swap3A_243 = arith.constant 14 : i32
    %swap3A_244 = arith.index_cast %swap3A_243 : i32 to index
    %swap3A_245 = arith.constant 96 : index
    %swap3A_246 = tpu.vector_load %arg23[%swap3A_244, %swap3A_245] {strides = array<i32>} : memref<16x112xf32, #tpu.memory_space<vmem>>, vector<16xf32>,
    tpu.vector_store %arg23[%swap3A_244, %swap3A_245], %broadcast_in_dim3A_6 {strides = array<i32>} : memref<16x112xf32, #tpu.memory_space<vmem>>, vector<16xf32>,
    %swap3A_247 = arith.constant 15 : i32
    %swap3A_248 = arith.index_cast %swap3A_247 : i32 to index
    %swap3A_249 = arith.constant 96 : index
    %swap3A_250 = tpu.vector_load %arg20[%swap3A_248, %swap3A_249] {strides = array<i32>} : memref<16x112xf32, #tpu.memory_space<vmem>>, vector<16xf32>,
    tpu.vector_store %arg20[%swap3A_248, %swap3A_249], %broadcast_in_dim3A_6 {strides = array<i32>} : memref<16x112xf32, #tpu.memory_space<vmem>>, vector<16xf32>,
    %swap3A_251 = arith.constant 15 : i32
    %swap3A_252 = arith.index_cast %swap3A_251 : i32 to index
    %swap3A_253 = arith.constant 96 : index
    %swap3A_254 = tpu.vector_load %arg21[%swap3A_252, %swap3A_253] {strides = array<i32>} : memref<16x112xf32, #tpu.memory_space<vmem>>, vector<16xf32>,
    tpu.vector_store %arg21[%swap3A_252, %swap3A_253], %broadcast_in_dim3A_6 {strides = array<i32>} : memref<16x112xf32, #tpu.memory_space<vmem>>, vector<16xf32>,
    %swap3A_255 = arith.constant 15 : i32
    %swap3A_256 = arith.index_cast %swap3A_255 : i32 to index
    %swap3A_257 = arith.constant 96 : index
    %swap3A_258 = tpu.vector_load %arg22[%swap3A_256, %swap3A_257] {strides = array<i32>} : memref<16x112xf32, #tpu.memory_space<vmem>>, vector<16xf32>,
    tpu.vector_store %arg22[%swap3A_256, %swap3A_257], %broadcast_in_dim3A_6 {strides = array<i32>} : memref<16x112xf32, #tpu.memory_space<vmem>>, vector<16xf32>,
    %swap3A_259 = arith.constant 15 : i32
    %swap3A_260 = arith.index_cast %swap3A_259 : i32 to index
    %swap3A_261 = arith.constant 96 : index
    %swap3A_262 = tpu.vector_load %arg23[%swap3A_260, %swap3A_261] {strides = array<i32>} : memref<16x112xf32, #tpu.memory_space<vmem>>, vector<16xf32>,
    tpu.vector_store %arg23[%swap3A_260, %swap3A_261], %broadcast_in_dim3A_6 {strides = array<i32>} : memref<16x112xf32, #tpu.memory_space<vmem>>, vector<16xf32>,
    %scan3A = arith.constant 0 : i32
    %scan3A_263 = arith.constant 0 : i32
    %scan3A_264 = arith.constant 5 : i32
    %scan3A_265 = arith.addi %scan3A_263, %scan3A_264 : i32
    %scan3A_266 = arith.constant 1 : i32
    scf.for %scan3A_279 = %scan3A_263 to %scan3A_265 step %scan3A_266  : i32 {
      %mul3A_280 = arith.constant 2000 : i32
      %mul3A_281 = arith.muli %scan3A_279, %mul3A_280 : i32
      %add3A = arith.addi %mul3A_7, %mul3A_281 : i32
      "tpu.region"() ({
        %run_scoped3A = tpu.sem_alloc : memref<!tpu.dma_semaphore, #tpu.memory_space<semaphore_mem>>
        %dma_start3A_348 = tpu.memref_slice %arg3[%add3A] : memref<160000xi32, #tpu.memory_space<hbm>> -> memref<2000xi32, #tpu.memory_space<hbm>>
        %dma_start3A_349 = tpu.memref_slice %arg3[%add3A] : memref<160000xi32, #tpu.memory_space<hbm>> -> memref<2000xi32, #tpu.memory_space<hbm>>
        tpu.enqueue_dma source(%dma_start3A_349 : memref<2000xi32, #tpu.memory_space<hbm>>) target(%arg12 : memref<2000xi32, #tpu.memory_space<vmem>>) target_semaphore(%run_scoped3A : memref<!tpu.dma_semaphore, #tpu.memory_space<semaphore_mem>>)
        %dma_wait3A_350 = tpu.memref_slice %arg3[%add3A] : memref<160000xi32, #tpu.memory_space<hbm>> -> memref<2000xi32, #tpu.memory_space<hbm>>
        %dma_wait3A_351 = tpu.memref_slice %arg3[%add3A] : memref<160000xi32, #tpu.memory_space<hbm>> -> memref<2000xi32, #tpu.memory_space<hbm>>
        tpu.wait_dma2 semaphore(%run_scoped3A : memref<!tpu.dma_semaphore, #tpu.memory_space<semaphore_mem>>) src(%dma_wait3A_351 : memref<2000xi32, #tpu.memory_space<hbm>>) dst(%arg12 : memref<2000xi32, #tpu.memory_space<vmem>>)
        tpu.yield
      }) : () -> ()
      "tpu.region"() ({
        %run_scoped3A = tpu.sem_alloc : memref<!tpu.dma_semaphore, #tpu.memory_space<semaphore_mem>>
        %dma_start3A_348 = tpu.memref_slice %arg4[%add3A] : memref<160000xi32, #tpu.memory_space<hbm>> -> memref<2000xi32, #tpu.memory_space<hbm>>
        %dma_start3A_349 = tpu.memref_slice %arg4[%add3A] : memref<160000xi32, #tpu.memory_space<hbm>> -> memref<2000xi32, #tpu.memory_space<hbm>>
        tpu.enqueue_dma source(%dma_start3A_349 : memref<2000xi32, #tpu.memory_space<hbm>>) target(%arg13 : memref<2000xi32, #tpu.memory_space<vmem>>) target_semaphore(%run_scoped3A : memref<!tpu.dma_semaphore, #tpu.memory_space<semaphore_mem>>)
        %dma_wait3A_350 = tpu.memref_slice %arg4[%add3A] : memref<160000xi32, #tpu.memory_space<hbm>> -> memref<2000xi32, #tpu.memory_space<hbm>>
        %dma_wait3A_351 = tpu.memref_slice %arg4[%add3A] : memref<160000xi32, #tpu.memory_space<hbm>> -> memref<2000xi32, #tpu.memory_space<hbm>>
        tpu.wait_dma2 semaphore(%run_scoped3A : memref<!tpu.dma_semaphore, #tpu.memory_space<semaphore_mem>>) src(%dma_wait3A_351 : memref<2000xi32, #tpu.memory_space<hbm>>) dst(%arg13 : memref<2000xi32, #tpu.memory_space<vmem>>)
        tpu.yield
      }) : () -> ()
      "tpu.region"() ({
        %run_scoped3A = tpu.sem_alloc : memref<!tpu.dma_semaphore, #tpu.memory_space<semaphore_mem>>
        %dma_start3A_348 = tpu.memref_slice %arg5[%add3A] : memref<160000xi32, #tpu.memory_space<hbm>> -> memref<2000xi32, #tpu.memory_space<hbm>>
        %dma_start3A_349 = tpu.memref_slice %arg5[%add3A] : memref<160000xi32, #tpu.memory_space<hbm>> -> memref<2000xi32, #tpu.memory_space<hbm>>
        tpu.enqueue_dma source(%dma_start3A_349 : memref<2000xi32, #tpu.memory_space<hbm>>) target(%arg14 : memref<2000xi32, #tpu.memory_space<vmem>>) target_semaphore(%run_scoped3A : memref<!tpu.dma_semaphore, #tpu.memory_space<semaphore_mem>>)
        %dma_wait3A_350 = tpu.memref_slice %arg5[%add3A] : memref<160000xi32, #tpu.memory_space<hbm>> -> memref<2000xi32, #tpu.memory_space<hbm>>
        %dma_wait3A_351 = tpu.memref_slice %arg5[%add3A] : memref<160000xi32, #tpu.memory_space<hbm>> -> memref<2000xi32, #tpu.memory_space<hbm>>
        tpu.wait_dma2 semaphore(%run_scoped3A : memref<!tpu.dma_semaphore, #tpu.memory_space<semaphore_mem>>) src(%dma_wait3A_351 : memref<2000xi32, #tpu.memory_space<hbm>>) dst(%arg14 : memref<2000xi32, #tpu.memory_space<vmem>>)
        tpu.yield
      }) : () -> ()
      "tpu.region"() ({
        %run_scoped3A = tpu.sem_alloc : memref<!tpu.dma_semaphore, #tpu.memory_space<semaphore_mem>>
        %dma_start3A_348 = tpu.memref_slice %arg6[%add3A] : memref<160000xf32, #tpu.memory_space<hbm>> -> memref<2000xf32, #tpu.memory_space<hbm>>
        %dma_start3A_349 = tpu.memref_slice %arg6[%add3A] : memref<160000xf32, #tpu.memory_space<hbm>> -> memref<2000xf32, #tpu.memory_space<hbm>>
        tpu.enqueue_dma source(%dma_start3A_349 : memref<2000xf32, #tpu.memory_space<hbm>>) target(%arg15 : memref<2000xf32, #tpu.memory_space<vmem>>) target_semaphore(%run_scoped3A : memref<!tpu.dma_semaphore, #tpu.memory_space<semaphore_mem>>)
        %dma_wait3A_350 = tpu.memref_slice %arg6[%add3A] : memref<160000xf32, #tpu.memory_space<hbm>> -> memref<2000xf32, #tpu.memory_space<hbm>>
        %dma_wait3A_351 = tpu.memref_slice %arg6[%add3A] : memref<160000xf32, #tpu.memory_space<hbm>> -> memref<2000xf32, #tpu.memory_space<hbm>>
        tpu.wait_dma2 semaphore(%run_scoped3A : memref<!tpu.dma_semaphore, #tpu.memory_space<semaphore_mem>>) src(%dma_wait3A_351 : memref<2000xf32, #tpu.memory_space<hbm>>) dst(%arg15 : memref<2000xf32, #tpu.memory_space<vmem>>)
        tpu.yield
      }) : () -> ()
      %get3A = arith.constant 0 : index
      %get3A_282 = tpu.vector_load %arg12[%get3A] {strides = array<i32>} : memref<2000xi32, #tpu.memory_space<vmem>>, vector<16xi32>,
      %dma_start3A = arith.constant 0 : i32
      %dma_start3A_283 = arith.constant 0 : i32
      %dma_start3A_284 = tpu.memref_slice %arg2[%arg0, %dma_start3A, %dma_start3A_283] : memref<2x10000x112xf32, #tpu.memory_space<hbm>> -> memref<1x10000x112xf32, #tpu.memory_space<hbm>>
      %dma_start3A_285 = tpu.memref_squeeze %dma_start3A_284 : memref<1x10000x112xf32, #tpu.memory_space<hbm>> -> memref<10000x112xf32, #tpu.memory_space<hbm>>
      %dma_start3A_286 = arith.constant 0 : i32
      %dma_start3A_287 = arith.constant 0 : i32
      %dma_start3A_288 = tpu.memref_slice %dma_start3A_285[%dma_start3A_286, %dma_start3A_287] : memref<10000x112xf32, #tpu.memory_space<hbm>> -> memref<10000x112xf32, #tpu.memory_space<hbm>>
      tpu.enqueue_indirect_dma source(%dma_start3A_288 : memref<10000x112xf32, #tpu.memory_space<hbm>>) target(%arg16 : memref<16x112xf32, #tpu.memory_space<vmem>>) offsets(%get3A_282 : vector<16xi32>) semaphore(%arg24 : memref<!tpu.dma_semaphore, #tpu.memory_space<semaphore_mem>>)
      %get3A_289 = arith.constant 16 : index
      %get3A_290 = tpu.vector_load %arg12[%get3A_289] {strides = array<i32>} : memref<2000xi32, #tpu.memory_space<vmem>>, vector<16xi32>,
      %dma_start3A_291 = arith.constant 0 : i32
      %dma_start3A_292 = arith.constant 0 : i32
      %dma_start3A_293 = tpu.memref_slice %arg2[%arg0, %dma_start3A_291, %dma_start3A_292] : memref<2x10000x112xf32, #tpu.memory_space<hbm>> -> memref<1x10000x112xf32, #tpu.memory_space<hbm>>
      %dma_start3A_294 = tpu.memref_squeeze %dma_start3A_293 : memref<1x10000x112xf32, #tpu.memory_space<hbm>> -> memref<10000x112xf32, #tpu.memory_space<hbm>>
      %dma_start3A_295 = arith.constant 0 : i32
      %dma_start3A_296 = arith.constant 0 : i32
      %dma_start3A_297 = tpu.memref_slice %dma_start3A_294[%dma_start3A_295, %dma_start3A_296] : memref<10000x112xf32, #tpu.memory_space<hbm>> -> memref<10000x112xf32, #tpu.memory_space<hbm>>
      tpu.enqueue_indirect_dma source(%dma_start3A_297 : memref<10000x112xf32, #tpu.memory_space<hbm>>) target(%arg17 : memref<16x112xf32, #tpu.memory_space<vmem>>) offsets(%get3A_290 : vector<16xi32>) semaphore(%arg25 : memref<!tpu.dma_semaphore, #tpu.memory_space<semaphore_mem>>)
      %scan3A_298 = arith.constant 0 : i32
      %scan3A_299 = arith.constant 0 : i32
      %scan3A_300 = arith.constant 31 : i32
      %scan3A_301 = arith.addi %scan3A_299, %scan3A_300 : i32
      %scan3A_302 = arith.constant 1 : i32
      scf.for %scan3A_348 = %scan3A_299 to %scan3A_301 step %scan3A_302  : i32 {
        %mul3A_349 = arith.constant 4 : i32
        %mul3A_350 = arith.muli %mul3A_349, %scan3A_348 : i32
        %mul3A_351 = arith.constant 16 : i32
        %mul3A_352 = arith.muli %mul3A_350, %mul3A_351 : i32
        %gt3A = arith.constant 0 : i32
        %gt3A_353 = arith.cmpi sgt, %scan3A_348, %gt3A : i32
        %convert_element_type3A_354 = arith.extui %gt3A_353 : i1 to i32
        %cond3A_355 = arith.constant 0 : i32
        %cond3A_356 = arith.cmpi ne, %convert_element_type3A_354, %cond3A_355 : i32
        scf.if %cond3A_356 {
          %sub3A = arith.constant 64 : i32
          %sub3A_490 = arith.subi %mul3A_352, %sub3A : i32
          %get3A_491 = arith.index_cast %sub3A_490 : i32 to index
          %get3A_492 = tpu.vector_load %arg13[%get3A_491] {strides = array<i32>} : memref<2000xi32, #tpu.memory_space<vmem>>, vector<16xi32>,
          %dma_wait3A_493 = arith.constant 0 : i32
          %dma_wait3A_494 = arith.constant 0 : i32
          %dma_wait3A_495 = tpu.memref_slice %arg10[%dma_wait3A_493, %dma_wait3A_494] : memref<10000x112xf32, #tpu.memory_space<vmem_shared>> -> memref<10000x112xf32, #tpu.memory_space<vmem_shared>>
          tpu.wait_indirect_dma semaphore(%arg28 : memref<!tpu.dma_semaphore, #tpu.memory_space<semaphore_mem>>) src(%arg20 : memref<16x112xf32, #tpu.memory_space<vmem>>) dst(%dma_wait3A_495 : memref<10000x112xf32, #tpu.memory_space<vmem_shared>>)
          %sub3A_496 = arith.constant 48 : i32
          %sub3A_497 = arith.subi %mul3A_352, %sub3A_496 : i32
          %get3A_498 = arith.index_cast %sub3A_497 : i32 to index
          %get3A_499 = tpu.vector_load %arg13[%get3A_498] {strides = array<i32>} : memref<2000xi32, #tpu.memory_space<vmem>>, vector<16xi32>,
          %dma_wait3A_500 = arith.constant 0 : i32
          %dma_wait3A_501 = arith.constant 0 : i32
          %dma_wait3A_502 = tpu.memref_slice %arg10[%dma_wait3A_500, %dma_wait3A_501] : memref<10000x112xf32, #tpu.memory_space<vmem_shared>> -> memref<10000x112xf32, #tpu.memory_space<vmem_shared>>
          tpu.wait_indirect_dma semaphore(%arg29 : memref<!tpu.dma_semaphore, #tpu.memory_space<semaphore_mem>>) src(%arg21 : memref<16x112xf32, #tpu.memory_space<vmem>>) dst(%dma_wait3A_502 : memref<10000x112xf32, #tpu.memory_space<vmem_shared>>)
        } else {
        }
        %get3A_357 = arith.index_cast %mul3A_352 : i32 to index
        %get3A_358 = tpu.vector_load %arg12[%get3A_357] {strides = array<i32>} : memref<2000xi32, #tpu.memory_space<vmem>>, vector<16xi32>,
        %dma_wait3A_359 = arith.constant 0 : i32
        %dma_wait3A_360 = arith.constant 0 : i32
        %dma_wait3A_361 = tpu.memref_slice %arg2[%arg0, %dma_wait3A_359, %dma_wait3A_360] : memref<2x10000x112xf32, #tpu.memory_space<hbm>> -> memref<1x10000x112xf32, #tpu.memory_space<hbm>>
        %dma_wait3A_362 = tpu.memref_squeeze %dma_wait3A_361 : memref<1x10000x112xf32, #tpu.memory_space<hbm>> -> memref<10000x112xf32, #tpu.memory_space<hbm>>
        %dma_wait3A_363 = arith.constant 0 : i32
        %dma_wait3A_364 = arith.constant 0 : i32
        %dma_wait3A_365 = tpu.memref_slice %dma_wait3A_362[%dma_wait3A_363, %dma_wait3A_364] : memref<10000x112xf32, #tpu.memory_space<hbm>> -> memref<10000x112xf32, #tpu.memory_space<hbm>>
        tpu.wait_indirect_dma semaphore(%arg24 : memref<!tpu.dma_semaphore, #tpu.memory_space<semaphore_mem>>) src(%dma_wait3A_365 : memref<10000x112xf32, #tpu.memory_space<hbm>>) dst(%arg16 : memref<16x112xf32, #tpu.memory_space<vmem>>)
        %add3A_366 = arith.constant 16 : i32
        %add3A_367 = arith.addi %mul3A_352, %add3A_366 : i32
        %get3A_368 = arith.index_cast %add3A_367 : i32 to index
        %get3A_369 = tpu.vector_load %arg12[%get3A_368] {strides = array<i32>} : memref<2000xi32, #tpu.memory_space<vmem>>, vector<16xi32>,
        %dma_wait3A_370 = arith.constant 0 : i32
        %dma_wait3A_371 = arith.constant 0 : i32
        %dma_wait3A_372 = tpu.memref_slice %arg2[%arg0, %dma_wait3A_370, %dma_wait3A_371] : memref<2x10000x112xf32, #tpu.memory_space<hbm>> -> memref<1x10000x112xf32, #tpu.memory_space<hbm>>
        %dma_wait3A_373 = tpu.memref_squeeze %dma_wait3A_372 : memref<1x10000x112xf32, #tpu.memory_space<hbm>> -> memref<10000x112xf32, #tpu.memory_space<hbm>>
        %dma_wait3A_374 = arith.constant 0 : i32
        %dma_wait3A_375 = arith.constant 0 : i32
        %dma_wait3A_376 = tpu.memref_slice %dma_wait3A_373[%dma_wait3A_374, %dma_wait3A_375] : memref<10000x112xf32, #tpu.memory_space<hbm>> -> memref<10000x112xf32, #tpu.memory_space<hbm>>
        tpu.wait_indirect_dma semaphore(%arg25 : memref<!tpu.dma_semaphore, #tpu.memory_space<semaphore_mem>>) src(%dma_wait3A_376 : memref<10000x112xf32, #tpu.memory_space<hbm>>) dst(%arg17 : memref<16x112xf32, #tpu.memory_space<vmem>>)
        %add3A_377 = arith.constant 32 : i32
        %add3A_378 = arith.addi %mul3A_352, %add3A_377 : i32
        %get3A_379 = arith.index_cast %add3A_378 : i32 to index
        %get3A_380 = tpu.vector_load %arg12[%get3A_379] {strides = array<i32>} : memref<2000xi32, #tpu.memory_space<vmem>>, vector<16xi32>,
        %dma_start3A_381 = arith.constant 0 : i32
        %dma_start3A_382 = arith.constant 0 : i32
        %dma_start3A_383 = tpu.memref_slice %arg2[%arg0, %dma_start3A_381, %dma_start3A_382] : memref<2x10000x112xf32, #tpu.memory_space<hbm>> -> memref<1x10000x112xf32, #tpu.memory_space<hbm>>
        %dma_start3A_384 = tpu.memref_squeeze %dma_start3A_383 : memref<1x10000x112xf32, #tpu.memory_space<hbm>> -> memref<10000x112xf32, #tpu.memory_space<hbm>>
        %dma_start3A_385 = arith.constant 0 : i32
        %dma_start3A_386 = arith.constant 0 : i32
        %dma_start3A_387 = tpu.memref_slice %dma_start3A_384[%dma_start3A_385, %dma_start3A_386] : memref<10000x112xf32, #tpu.memory_space<hbm>> -> memref<10000x112xf32, #tpu.memory_space<hbm>>
        tpu.enqueue_indirect_dma source(%dma_start3A_387 : memref<10000x112xf32, #tpu.memory_space<hbm>>) target(%arg18 : memref<16x112xf32, #tpu.memory_space<vmem>>) offsets(%get3A_380 : vector<16xi32>) semaphore(%arg26 : memref<!tpu.dma_semaphore, #tpu.memory_space<semaphore_mem>>)
        %add3A_388 = arith.constant 48 : i32
        %add3A_389 = arith.addi %mul3A_352, %add3A_388 : i32
        %get3A_390 = arith.index_cast %add3A_389 : i32 to index
        %get3A_391 = tpu.vector_load %arg12[%get3A_390] {strides = array<i32>} : memref<2000xi32, #tpu.memory_space<vmem>>, vector<16xi32>,
        %dma_start3A_392 = arith.constant 0 : i32
        %dma_start3A_393 = arith.constant 0 : i32
        %dma_start3A_394 = tpu.memref_slice %arg2[%arg0, %dma_start3A_392, %dma_start3A_393] : memref<2x10000x112xf32, #tpu.memory_space<hbm>> -> memref<1x10000x112xf32, #tpu.memory_space<hbm>>
        %dma_start3A_395 = tpu.memref_squeeze %dma_start3A_394 : memref<1x10000x112xf32, #tpu.memory_space<hbm>> -> memref<10000x112xf32, #tpu.memory_space<hbm>>
        %dma_start3A_396 = arith.constant 0 : i32
        %dma_start3A_397 = arith.constant 0 : i32
        %dma_start3A_398 = tpu.memref_slice %dma_start3A_395[%dma_start3A_396, %dma_start3A_397] : memref<10000x112xf32, #tpu.memory_space<hbm>> -> memref<10000x112xf32, #tpu.memory_space<hbm>>
        tpu.enqueue_indirect_dma source(%dma_start3A_398 : memref<10000x112xf32, #tpu.memory_space<hbm>>) target(%arg19 : memref<16x112xf32, #tpu.memory_space<vmem>>) offsets(%get3A_391 : vector<16xi32>) semaphore(%arg27 : memref<!tpu.dma_semaphore, #tpu.memory_space<semaphore_mem>>)
        %add3A_399 = arith.constant 16 : i32
        %add3A_400 = arith.addi %mul3A_352, %add3A_399 : i32
        %get3A_401 = arith.index_cast %mul3A_352 : i32 to index
        %get3A_402 = tpu.vector_load %arg13[%get3A_401] {strides = array<i32>} : memref<2000xi32, #tpu.memory_space<vmem>>, vector<16xi32>,
        %get3A_403 = arith.index_cast %mul3A_352 : i32 to index
        %get3A_404 = tpu.vector_load %arg14[%get3A_403] {strides = array<i32>} : memref<2000xi32, #tpu.memory_space<vmem>>, vector<16xi32>,
        %get3A_405 = arith.index_cast %mul3A_352 : i32 to index
        %get3A_406 = tpu.vector_load %arg15[%get3A_405] {strides = array<i32>} : memref<2000xf32, #tpu.memory_space<vmem>>, vector<16xf32>,
        %get3A_407 = arith.index_cast %add3A_400 : i32 to index
        %get3A_408 = tpu.vector_load %arg13[%get3A_407] {strides = array<i32>} : memref<2000xi32, #tpu.memory_space<vmem>>, vector<16xi32>,
        %get3A_409 = arith.index_cast %add3A_400 : i32 to index
        %get3A_410 = tpu.vector_load %arg14[%get3A_409] {strides = array<i32>} : memref<2000xi32, #tpu.memory_space<vmem>>, vector<16xi32>,
        %get3A_411 = arith.index_cast %add3A_400 : i32 to index
        %get3A_412 = tpu.vector_load %arg15[%get3A_411] {strides = array<i32>} : memref<2000xf32, #tpu.memory_space<vmem>>, vector<16xf32>,
        %parallel_loop3A_413 = arith.constant 0 : i32
        %parallel_loop3A_414 = arith.constant 50 : i32
        %parallel_loop3A_415 = arith.constant 1 : i32
        scf.for %parallel_loop3A_490 = %parallel_loop3A_413 to %parallel_loop3A_414 step %parallel_loop3A_415  : i32 {
          %parallel_loop3A_491 = arith.constant 0 : i32
          %parallel_loop3A_492 = vector.broadcast %parallel_loop3A_491 : i32 to vector<16xi32>
          %parallel_loop3A_493 = arith.constant 2 : i32
          %parallel_loop3A_494 = arith.muli %parallel_loop3A_493, %parallel_loop3A_490 : i32
          %parallel_loop3A_495 = vector.broadcast %parallel_loop3A_494 : i32 to vector<16xi32>
          %parallel_loop3A_496 = arith.addi %parallel_loop3A_492, %parallel_loop3A_495 : vector<16xi32>
          %parallel_loop3A_497 = arith.constant 1 : i32
          %parallel_loop3A_498 = vector.broadcast %parallel_loop3A_497 : i32 to vector<16xi32>
          %parallel_loop3A_499 = arith.addi %parallel_loop3A_496, %parallel_loop3A_498 : vector<16xi32>
          %parallel_loop3A_500 = tpu.vector_load_idx %arg16[%iota3A, %parallel_loop3A_496] : memref<16x112xf32, #tpu.memory_space<vmem>>[vector<16xi32>, vector<16xi32>], vector<16xf32>,
          %parallel_loop3A_501 = tpu.vector_load_idx %arg16[%iota3A, %parallel_loop3A_499] : memref<16x112xf32, #tpu.memory_space<vmem>>[vector<16xi32>, vector<16xi32>], vector<16xf32>,
          %parallel_loop3A_502 = tpu.vector_load_idx %arg17[%iota3A, %parallel_loop3A_496] : memref<16x112xf32, #tpu.memory_space<vmem>>[vector<16xi32>, vector<16xi32>], vector<16xf32>,
          %parallel_loop3A_503 = tpu.vector_load_idx %arg17[%iota3A, %parallel_loop3A_499] : memref<16x112xf32, #tpu.memory_space<vmem>>[vector<16xi32>, vector<16xi32>], vector<16xf32>,
          %parallel_loop3A_504 = tpu.vector_load_idx %arg11[%get3A_404, %parallel_loop3A_496] : memref<200x112xi32, #tpu.memory_space<vmem>>[vector<16xi32>, vector<16xi32>], vector<16xi32>,
          %parallel_loop3A_505 = tpu.vector_load_idx %arg11[%get3A_404, %parallel_loop3A_499] : memref<200x112xi32, #tpu.memory_space<vmem>>[vector<16xi32>, vector<16xi32>], vector<16xi32>,
          %parallel_loop3A_506 = tpu.vector_load_idx %arg11[%get3A_410, %parallel_loop3A_496] : memref<200x112xi32, #tpu.memory_space<vmem>>[vector<16xi32>, vector<16xi32>], vector<16xi32>,
          %parallel_loop3A_507 = tpu.vector_load_idx %arg11[%get3A_410, %parallel_loop3A_499] : memref<200x112xi32, #tpu.memory_space<vmem>>[vector<16xi32>, vector<16xi32>], vector<16xi32>,
          %parallel_loop3A_508 = arith.constant 16 : i32
          %parallel_loop3A_509 = vector.broadcast %parallel_loop3A_508 : i32 to vector<16xi32>
          %parallel_loop3A_510 = arith.shli %parallel_loop3A_504, %parallel_loop3A_509 : vector<16xi32>
          %parallel_loop3A_511 = vector.bitcast %parallel_loop3A_510 : vector<16xi32> to vector<16xf32>
          %parallel_loop3A_512 = arith.mulf %parallel_loop3A_500, %parallel_loop3A_511 : vector<16xf32>
          %parallel_loop3A_513 = arith.constant -65536 : i32
          %parallel_loop3A_514 = vector.broadcast %parallel_loop3A_513 : i32 to vector<16xi32>
          %parallel_loop3A_515 = arith.andi %parallel_loop3A_504, %parallel_loop3A_514 : vector<16xi32>
          %parallel_loop3A_516 = vector.bitcast %parallel_loop3A_515 : vector<16xi32> to vector<16xf32>
          %parallel_loop3A_517 = arith.mulf %parallel_loop3A_501, %parallel_loop3A_516 : vector<16xf32>
          %parallel_loop3A_518 = arith.addf %parallel_loop3A_512, %parallel_loop3A_517 : vector<16xf32>
          %parallel_loop3A_519 = arith.mulf %parallel_loop3A_518, %get3A_406 : vector<16xf32>
          %parallel_loop3A_520 = arith.constant 16 : i32
          %parallel_loop3A_521 = vector.broadcast %parallel_loop3A_520 : i32 to vector<16xi32>
          %parallel_loop3A_522 = arith.shli %parallel_loop3A_505, %parallel_loop3A_521 : vector<16xi32>
          %parallel_loop3A_523 = vector.bitcast %parallel_loop3A_522 : vector<16xi32> to vector<16xf32>
          %parallel_loop3A_524 = arith.mulf %parallel_loop3A_501, %parallel_loop3A_523 : vector<16xf32>
          %parallel_loop3A_525 = arith.constant -65536 : i32
          %parallel_loop3A_526 = vector.broadcast %parallel_loop3A_525 : i32 to vector<16xi32>
          %parallel_loop3A_527 = arith.andi %parallel_loop3A_505, %parallel_loop3A_526 : vector<16xi32>
          %parallel_loop3A_528 = vector.bitcast %parallel_loop3A_527 : vector<16xi32> to vector<16xf32>
          %parallel_loop3A_529 = arith.mulf %parallel_loop3A_500, %parallel_loop3A_528 : vector<16xf32>
          %parallel_loop3A_530 = arith.addf %parallel_loop3A_524, %parallel_loop3A_529 : vector<16xf32>
          %parallel_loop3A_531 = arith.mulf %parallel_loop3A_530, %get3A_406 : vector<16xf32>
          %parallel_loop3A_532 = arith.constant 16 : i32
          %parallel_loop3A_533 = vector.broadcast %parallel_loop3A_532 : i32 to vector<16xi32>
          %parallel_loop3A_534 = arith.shli %parallel_loop3A_506, %parallel_loop3A_533 : vector<16xi32>
          %parallel_loop3A_535 = vector.bitcast %parallel_loop3A_534 : vector<16xi32> to vector<16xf32>
          %parallel_loop3A_536 = arith.mulf %parallel_loop3A_502, %parallel_loop3A_535 : vector<16xf32>
          %parallel_loop3A_537 = arith.constant -65536 : i32
          %parallel_loop3A_538 = vector.broadcast %parallel_loop3A_537 : i32 to vector<16xi32>
          %parallel_loop3A_539 = arith.andi %parallel_loop3A_506, %parallel_loop3A_538 : vector<16xi32>
          %parallel_loop3A_540 = vector.bitcast %parallel_loop3A_539 : vector<16xi32> to vector<16xf32>
          %parallel_loop3A_541 = arith.mulf %parallel_loop3A_503, %parallel_loop3A_540 : vector<16xf32>
          %parallel_loop3A_542 = arith.addf %parallel_loop3A_536, %parallel_loop3A_541 : vector<16xf32>
          %parallel_loop3A_543 = arith.mulf %parallel_loop3A_542, %get3A_412 : vector<16xf32>
          %parallel_loop3A_544 = arith.constant 16 : i32
          %parallel_loop3A_545 = vector.broadcast %parallel_loop3A_544 : i32 to vector<16xi32>
          %parallel_loop3A_546 = arith.shli %parallel_loop3A_507, %parallel_loop3A_545 : vector<16xi32>
          %parallel_loop3A_547 = vector.bitcast %parallel_loop3A_546 : vector<16xi32> to vector<16xf32>
          %parallel_loop3A_548 = arith.mulf %parallel_loop3A_503, %parallel_loop3A_547 : vector<16xf32>
          %parallel_loop3A_549 = arith.constant -65536 : i32
          %parallel_loop3A_550 = vector.broadcast %parallel_loop3A_549 : i32 to vector<16xi32>
          %parallel_loop3A_551 = arith.andi %parallel_loop3A_507, %parallel_loop3A_550 : vector<16xi32>
          %parallel_loop3A_552 = vector.bitcast %parallel_loop3A_551 : vector<16xi32> to vector<16xf32>
          %parallel_loop3A_553 = arith.mulf %parallel_loop3A_502, %parallel_loop3A_552 : vector<16xf32>
          %parallel_loop3A_554 = arith.addf %parallel_loop3A_548, %parallel_loop3A_553 : vector<16xf32>
          %parallel_loop3A_555 = arith.mulf %parallel_loop3A_554, %get3A_412 : vector<16xf32>
          tpu.vector_store_idx %arg20[%iota3A, %parallel_loop3A_496], %parallel_loop3A_519 : memref<16x112xf32, #tpu.memory_space<vmem>>[vector<16xi32>, vector<16xi32>], vector<16xf32>,
          tpu.vector_store_idx %arg20[%iota3A, %parallel_loop3A_499], %parallel_loop3A_531 : memref<16x112xf32, #tpu.memory_space<vmem>>[vector<16xi32>, vector<16xi32>], vector<16xf32>,
          tpu.vector_store_idx %arg21[%iota3A, %parallel_loop3A_496], %parallel_loop3A_543 : memref<16x112xf32, #tpu.memory_space<vmem>>[vector<16xi32>, vector<16xi32>], vector<16xf32>,
          tpu.vector_store_idx %arg21[%iota3A, %parallel_loop3A_499], %parallel_loop3A_555 : memref<16x112xf32, #tpu.memory_space<vmem>>[vector<16xi32>, vector<16xi32>], vector<16xf32>,
        } {sc.loop_unroll_factor = 2 : i64, sc.parallel_access}
        %dma_start3A_416 = arith.constant 0 : i32
        %dma_start3A_417 = arith.constant 0 : i32
        %dma_start3A_418 = tpu.memref_slice %arg10[%dma_start3A_416, %dma_start3A_417] : memref<10000x112xf32, #tpu.memory_space<vmem_shared>> -> memref<10000x112xf32, #tpu.memory_space<vmem_shared>>
        tpu.enqueue_indirect_dma source(%arg20 : memref<16x112xf32, #tpu.memory_space<vmem>>) target(%dma_start3A_418 : memref<10000x112xf32, #tpu.memory_space<vmem_shared>>) offsets(%get3A_402 : vector<16xi32>) semaphore(%arg28 : memref<!tpu.dma_semaphore, #tpu.memory_space<semaphore_mem>>) {add = true}
        %dma_start3A_419 = arith.constant 0 : i32
        %dma_start3A_420 = arith.constant 0 : i32
        %dma_start3A_421 = tpu.memref_slice %arg10[%dma_start3A_419, %dma_start3A_420] : memref<10000x112xf32, #tpu.memory_space<vmem_shared>> -> memref<10000x112xf32, #tpu.memory_space<vmem_shared>>
        tpu.enqueue_indirect_dma source(%arg21 : memref<16x112xf32, #tpu.memory_space<vmem>>) target(%dma_start3A_421 : memref<10000x112xf32, #tpu.memory_space<vmem_shared>>) offsets(%get3A_408 : vector<16xi32>) semaphore(%arg29 : memref<!tpu.dma_semaphore, #tpu.memory_space<semaphore_mem>>) {add = true}
        %gt3A_422 = arith.constant 0 : i32
        %gt3A_423 = arith.cmpi sgt, %scan3A_348, %gt3A_422 : i32
        %convert_element_type3A_424 = arith.extui %gt3A_423 : i1 to i32
        %cond3A_425 = arith.constant 0 : i32
        %cond3A_426 = arith.cmpi ne, %convert_element_type3A_424, %cond3A_425 : i32
        scf.if %cond3A_426 {
          %sub3A = arith.constant 32 : i32
          %sub3A_490 = arith.subi %mul3A_352, %sub3A : i32
          %get3A_491 = arith.index_cast %sub3A_490 : i32 to index
          %get3A_492 = tpu.vector_load %arg13[%get3A_491] {strides = array<i32>} : memref<2000xi32, #tpu.memory_space<vmem>>, vector<16xi32>,
          %dma_wait3A_493 = arith.constant 0 : i32
          %dma_wait3A_494 = arith.constant 0 : i32
          %dma_wait3A_495 = tpu.memref_slice %arg10[%dma_wait3A_493, %dma_wait3A_494] : memref<10000x112xf32, #tpu.memory_space<vmem_shared>> -> memref<10000x112xf32, #tpu.memory_space<vmem_shared>>
          tpu.wait_indirect_dma semaphore(%arg30 : memref<!tpu.dma_semaphore, #tpu.memory_space<semaphore_mem>>) src(%arg22 : memref<16x112xf32, #tpu.memory_space<vmem>>) dst(%dma_wait3A_495 : memref<10000x112xf32, #tpu.memory_space<vmem_shared>>)
          %sub3A_496 = arith.constant 16 : i32
          %sub3A_497 = arith.subi %mul3A_352, %sub3A_496 : i32
          %get3A_498 = arith.index_cast %sub3A_497 : i32 to index
          %get3A_499 = tpu.vector_load %arg13[%get3A_498] {strides = array<i32>} : memref<2000xi32, #tpu.memory_space<vmem>>, vector<16xi32>,
          %dma_wait3A_500 = arith.constant 0 : i32
          %dma_wait3A_501 = arith.constant 0 : i32
          %dma_wait3A_502 = tpu.memref_slice %arg10[%dma_wait3A_500, %dma_wait3A_501] : memref<10000x112xf32, #tpu.memory_space<vmem_shared>> -> memref<10000x112xf32, #tpu.memory_space<vmem_shared>>
          tpu.wait_indirect_dma semaphore(%arg31 : memref<!tpu.dma_semaphore, #tpu.memory_space<semaphore_mem>>) src(%arg23 : memref<16x112xf32, #tpu.memory_space<vmem>>) dst(%dma_wait3A_502 : memref<10000x112xf32, #tpu.memory_space<vmem_shared>>)
        } else {
        }
        %add3A_427 = arith.constant 32 : i32
        %add3A_428 = arith.addi %mul3A_352, %add3A_427 : i32
        %get3A_429 = arith.index_cast %add3A_428 : i32 to index
        %get3A_430 = tpu.vector_load %arg12[%get3A_429] {strides = array<i32>} : memref<2000xi32, #tpu.memory_space<vmem>>, vector<16xi32>,
        %dma_wait3A_431 = arith.constant 0 : i32
        %dma_wait3A_432 = arith.constant 0 : i32
        %dma_wait3A_433 = tpu.memref_slice %arg2[%arg0, %dma_wait3A_431, %dma_wait3A_432] : memref<2x10000x112xf32, #tpu.memory_space<hbm>> -> memref<1x10000x112xf32, #tpu.memory_space<hbm>>
        %dma_wait3A_434 = tpu.memref_squeeze %dma_wait3A_433 : memref<1x10000x112xf32, #tpu.memory_space<hbm>> -> memref<10000x112xf32, #tpu.memory_space<hbm>>
        %dma_wait3A_435 = arith.constant 0 : i32
        %dma_wait3A_436 = arith.constant 0 : i32
        %dma_wait3A_437 = tpu.memref_slice %dma_wait3A_434[%dma_wait3A_435, %dma_wait3A_436] : memref<10000x112xf32, #tpu.memory_space<hbm>> -> memref<10000x112xf32, #tpu.memory_space<hbm>>
        tpu.wait_indirect_dma semaphore(%arg26 : memref<!tpu.dma_semaphore, #tpu.memory_space<semaphore_mem>>) src(%dma_wait3A_437 : memref<10000x112xf32, #tpu.memory_space<hbm>>) dst(%arg18 : memref<16x112xf32, #tpu.memory_space<vmem>>)
        %add3A_438 = arith.constant 48 : i32
        %add3A_439 = arith.addi %mul3A_352, %add3A_438 : i32
        %get3A_440 = arith.index_cast %add3A_439 : i32 to index
        %get3A_441 = tpu.vector_load %arg12[%get3A_440] {strides = array<i32>} : memref<2000xi32, #tpu.memory_space<vmem>>, vector<16xi32>,
        %dma_wait3A_442 = arith.constant 0 : i32
        %dma_wait3A_443 = arith.constant 0 : i32
        %dma_wait3A_444 = tpu.memref_slice %arg2[%arg0, %dma_wait3A_442, %dma_wait3A_443] : memref<2x10000x112xf32, #tpu.memory_space<hbm>> -> memref<1x10000x112xf32, #tpu.memory_space<hbm>>
        %dma_wait3A_445 = tpu.memref_squeeze %dma_wait3A_444 : memref<1x10000x112xf32, #tpu.memory_space<hbm>> -> memref<10000x112xf32, #tpu.memory_space<hbm>>
        %dma_wait3A_446 = arith.constant 0 : i32
        %dma_wait3A_447 = arith.constant 0 : i32
        %dma_wait3A_448 = tpu.memref_slice %dma_wait3A_445[%dma_wait3A_446, %dma_wait3A_447] : memref<10000x112xf32, #tpu.memory_space<hbm>> -> memref<10000x112xf32, #tpu.memory_space<hbm>>
        tpu.wait_indirect_dma semaphore(%arg27 : memref<!tpu.dma_semaphore, #tpu.memory_space<semaphore_mem>>) src(%dma_wait3A_448 : memref<10000x112xf32, #tpu.memory_space<hbm>>) dst(%arg19 : memref<16x112xf32, #tpu.memory_space<vmem>>)
        %add3A_449 = arith.constant 64 : i32
        %add3A_450 = arith.addi %mul3A_352, %add3A_449 : i32
        %get3A_451 = arith.index_cast %add3A_450 : i32 to index
        %get3A_452 = tpu.vector_load %arg12[%get3A_451] {strides = array<i32>} : memref<2000xi32, #tpu.memory_space<vmem>>, vector<16xi32>,
        %dma_start3A_453 = arith.constant 0 : i32
        %dma_start3A_454 = arith.constant 0 : i32
        %dma_start3A_455 = tpu.memref_slice %arg2[%arg0, %dma_start3A_453, %dma_start3A_454] : memref<2x10000x112xf32, #tpu.memory_space<hbm>> -> memref<1x10000x112xf32, #tpu.memory_space<hbm>>
        %dma_start3A_456 = tpu.memref_squeeze %dma_start3A_455 : memref<1x10000x112xf32, #tpu.memory_space<hbm>> -> memref<10000x112xf32, #tpu.memory_space<hbm>>
        %dma_start3A_457 = arith.constant 0 : i32
        %dma_start3A_458 = arith.constant 0 : i32
        %dma_start3A_459 = tpu.memref_slice %dma_start3A_456[%dma_start3A_457, %dma_start3A_458] : memref<10000x112xf32, #tpu.memory_space<hbm>> -> memref<10000x112xf32, #tpu.memory_space<hbm>>
        tpu.enqueue_indirect_dma source(%dma_start3A_459 : memref<10000x112xf32, #tpu.memory_space<hbm>>) target(%arg16 : memref<16x112xf32, #tpu.memory_space<vmem>>) offsets(%get3A_452 : vector<16xi32>) semaphore(%arg24 : memref<!tpu.dma_semaphore, #tpu.memory_space<semaphore_mem>>)
        %lt3A_460 = arith.constant 30 : i32
        %lt3A_461 = arith.cmpi slt, %scan3A_348, %lt3A_460 : i32
        %convert_element_type3A_462 = arith.extui %lt3A_461 : i1 to i32
        %cond3A_463 = arith.constant 0 : i32
        %cond3A_464 = arith.cmpi ne, %convert_element_type3A_462, %cond3A_463 : i32
        scf.if %cond3A_464 {
          %add3A_490 = arith.constant 80 : i32
          %add3A_491 = arith.addi %mul3A_352, %add3A_490 : i32
          %get3A_492 = arith.index_cast %add3A_491 : i32 to index
          %get3A_493 = tpu.vector_load %arg12[%get3A_492] {strides = array<i32>} : memref<2000xi32, #tpu.memory_space<vmem>>, vector<16xi32>,
          %dma_start3A_494 = arith.constant 0 : i32
          %dma_start3A_495 = arith.constant 0 : i32
          %dma_start3A_496 = tpu.memref_slice %arg2[%arg0, %dma_start3A_494, %dma_start3A_495] : memref<2x10000x112xf32, #tpu.memory_space<hbm>> -> memref<1x10000x112xf32, #tpu.memory_space<hbm>>
          %dma_start3A_497 = tpu.memref_squeeze %dma_start3A_496 : memref<1x10000x112xf32, #tpu.memory_space<hbm>> -> memref<10000x112xf32, #tpu.memory_space<hbm>>
          %dma_start3A_498 = arith.constant 0 : i32
          %dma_start3A_499 = arith.constant 0 : i32
          %dma_start3A_500 = tpu.memref_slice %dma_start3A_497[%dma_start3A_498, %dma_start3A_499] : memref<10000x112xf32, #tpu.memory_space<hbm>> -> memref<10000x112xf32, #tpu.memory_space<hbm>>
          tpu.enqueue_indirect_dma source(%dma_start3A_500 : memref<10000x112xf32, #tpu.memory_space<hbm>>) target(%arg17 : memref<16x112xf32, #tpu.memory_space<vmem>>) offsets(%get3A_493 : vector<16xi32>) semaphore(%arg25 : memref<!tpu.dma_semaphore, #tpu.memory_space<semaphore_mem>>)
        } else {
        }
        %add3A_465 = arith.constant 32 : i32
        %add3A_466 = arith.addi %mul3A_352, %add3A_465 : i32
        %add3A_467 = arith.constant 48 : i32
        %add3A_468 = arith.addi %mul3A_352, %add3A_467 : i32
        %get3A_469 = arith.index_cast %add3A_466 : i32 to index
        %get3A_470 = tpu.vector_load %arg13[%get3A_469] {strides = array<i32>} : memref<2000xi32, #tpu.memory_space<vmem>>, vector<16xi32>,
        %get3A_471 = arith.index_cast %add3A_466 : i32 to index
        %get3A_472 = tpu.vector_load %arg14[%get3A_471] {strides = array<i32>} : memref<2000xi32, #tpu.memory_space<vmem>>, vector<16xi32>,
        %get3A_473 = arith.index_cast %add3A_466 : i32 to index
        %get3A_474 = tpu.vector_load %arg15[%get3A_473] {strides = array<i32>} : memref<2000xf32, #tpu.memory_space<vmem>>, vector<16xf32>,
        %get3A_475 = arith.index_cast %add3A_468 : i32 to index
        %get3A_476 = tpu.vector_load %arg13[%get3A_475] {strides = array<i32>} : memref<2000xi32, #tpu.memory_space<vmem>>, vector<16xi32>,
        %get3A_477 = arith.index_cast %add3A_468 : i32 to index
        %get3A_478 = tpu.vector_load %arg14[%get3A_477] {strides = array<i32>} : memref<2000xi32, #tpu.memory_space<vmem>>, vector<16xi32>,
        %get3A_479 = arith.index_cast %add3A_468 : i32 to index
        %get3A_480 = tpu.vector_load %arg15[%get3A_479] {strides = array<i32>} : memref<2000xf32, #tpu.memory_space<vmem>>, vector<16xf32>,
        %parallel_loop3A_481 = arith.constant 0 : i32
        %parallel_loop3A_482 = arith.constant 50 : i32
        %parallel_loop3A_483 = arith.constant 1 : i32
        scf.for %parallel_loop3A_490 = %parallel_loop3A_481 to %parallel_loop3A_482 step %parallel_loop3A_483  : i32 {
          %parallel_loop3A_491 = arith.constant 0 : i32
          %parallel_loop3A_492 = vector.broadcast %parallel_loop3A_491 : i32 to vector<16xi32>
          %parallel_loop3A_493 = arith.constant 2 : i32
          %parallel_loop3A_494 = arith.muli %parallel_loop3A_493, %parallel_loop3A_490 : i32
          %parallel_loop3A_495 = vector.broadcast %parallel_loop3A_494 : i32 to vector<16xi32>
          %parallel_loop3A_496 = arith.addi %parallel_loop3A_492, %parallel_loop3A_495 : vector<16xi32>
          %parallel_loop3A_497 = arith.constant 1 : i32
          %parallel_loop3A_498 = vector.broadcast %parallel_loop3A_497 : i32 to vector<16xi32>
          %parallel_loop3A_499 = arith.addi %parallel_loop3A_496, %parallel_loop3A_498 : vector<16xi32>
          %parallel_loop3A_500 = tpu.vector_load_idx %arg18[%iota3A, %parallel_loop3A_496] : memref<16x112xf32, #tpu.memory_space<vmem>>[vector<16xi32>, vector<16xi32>], vector<16xf32>,
          %parallel_loop3A_501 = tpu.vector_load_idx %arg18[%iota3A, %parallel_loop3A_499] : memref<16x112xf32, #tpu.memory_space<vmem>>[vector<16xi32>, vector<16xi32>], vector<16xf32>,
          %parallel_loop3A_502 = tpu.vector_load_idx %arg19[%iota3A, %parallel_loop3A_496] : memref<16x112xf32, #tpu.memory_space<vmem>>[vector<16xi32>, vector<16xi32>], vector<16xf32>,
          %parallel_loop3A_503 = tpu.vector_load_idx %arg19[%iota3A, %parallel_loop3A_499] : memref<16x112xf32, #tpu.memory_space<vmem>>[vector<16xi32>, vector<16xi32>], vector<16xf32>,
          %parallel_loop3A_504 = tpu.vector_load_idx %arg11[%get3A_472, %parallel_loop3A_496] : memref<200x112xi32, #tpu.memory_space<vmem>>[vector<16xi32>, vector<16xi32>], vector<16xi32>,
          %parallel_loop3A_505 = tpu.vector_load_idx %arg11[%get3A_472, %parallel_loop3A_499] : memref<200x112xi32, #tpu.memory_space<vmem>>[vector<16xi32>, vector<16xi32>], vector<16xi32>,
          %parallel_loop3A_506 = tpu.vector_load_idx %arg11[%get3A_478, %parallel_loop3A_496] : memref<200x112xi32, #tpu.memory_space<vmem>>[vector<16xi32>, vector<16xi32>], vector<16xi32>,
          %parallel_loop3A_507 = tpu.vector_load_idx %arg11[%get3A_478, %parallel_loop3A_499] : memref<200x112xi32, #tpu.memory_space<vmem>>[vector<16xi32>, vector<16xi32>], vector<16xi32>,
          %parallel_loop3A_508 = arith.constant 16 : i32
          %parallel_loop3A_509 = vector.broadcast %parallel_loop3A_508 : i32 to vector<16xi32>
          %parallel_loop3A_510 = arith.shli %parallel_loop3A_504, %parallel_loop3A_509 : vector<16xi32>
          %parallel_loop3A_511 = vector.bitcast %parallel_loop3A_510 : vector<16xi32> to vector<16xf32>
          %parallel_loop3A_512 = arith.mulf %parallel_loop3A_500, %parallel_loop3A_511 : vector<16xf32>
          %parallel_loop3A_513 = arith.constant -65536 : i32
          %parallel_loop3A_514 = vector.broadcast %parallel_loop3A_513 : i32 to vector<16xi32>
          %parallel_loop3A_515 = arith.andi %parallel_loop3A_504, %parallel_loop3A_514 : vector<16xi32>
          %parallel_loop3A_516 = vector.bitcast %parallel_loop3A_515 : vector<16xi32> to vector<16xf32>
          %parallel_loop3A_517 = arith.mulf %parallel_loop3A_501, %parallel_loop3A_516 : vector<16xf32>
          %parallel_loop3A_518 = arith.addf %parallel_loop3A_512, %parallel_loop3A_517 : vector<16xf32>
          %parallel_loop3A_519 = arith.mulf %parallel_loop3A_518, %get3A_474 : vector<16xf32>
          %parallel_loop3A_520 = arith.constant 16 : i32
          %parallel_loop3A_521 = vector.broadcast %parallel_loop3A_520 : i32 to vector<16xi32>
          %parallel_loop3A_522 = arith.shli %parallel_loop3A_505, %parallel_loop3A_521 : vector<16xi32>
          %parallel_loop3A_523 = vector.bitcast %parallel_loop3A_522 : vector<16xi32> to vector<16xf32>
          %parallel_loop3A_524 = arith.mulf %parallel_loop3A_501, %parallel_loop3A_523 : vector<16xf32>
          %parallel_loop3A_525 = arith.constant -65536 : i32
          %parallel_loop3A_526 = vector.broadcast %parallel_loop3A_525 : i32 to vector<16xi32>
          %parallel_loop3A_527 = arith.andi %parallel_loop3A_505, %parallel_loop3A_526 : vector<16xi32>
          %parallel_loop3A_528 = vector.bitcast %parallel_loop3A_527 : vector<16xi32> to vector<16xf32>
          %parallel_loop3A_529 = arith.mulf %parallel_loop3A_500, %parallel_loop3A_528 : vector<16xf32>
          %parallel_loop3A_530 = arith.addf %parallel_loop3A_524, %parallel_loop3A_529 : vector<16xf32>
          %parallel_loop3A_531 = arith.mulf %parallel_loop3A_530, %get3A_474 : vector<16xf32>
          %parallel_loop3A_532 = arith.constant 16 : i32
          %parallel_loop3A_533 = vector.broadcast %parallel_loop3A_532 : i32 to vector<16xi32>
          %parallel_loop3A_534 = arith.shli %parallel_loop3A_506, %parallel_loop3A_533 : vector<16xi32>
          %parallel_loop3A_535 = vector.bitcast %parallel_loop3A_534 : vector<16xi32> to vector<16xf32>
          %parallel_loop3A_536 = arith.mulf %parallel_loop3A_502, %parallel_loop3A_535 : vector<16xf32>
          %parallel_loop3A_537 = arith.constant -65536 : i32
          %parallel_loop3A_538 = vector.broadcast %parallel_loop3A_537 : i32 to vector<16xi32>
          %parallel_loop3A_539 = arith.andi %parallel_loop3A_506, %parallel_loop3A_538 : vector<16xi32>
          %parallel_loop3A_540 = vector.bitcast %parallel_loop3A_539 : vector<16xi32> to vector<16xf32>
          %parallel_loop3A_541 = arith.mulf %parallel_loop3A_503, %parallel_loop3A_540 : vector<16xf32>
          %parallel_loop3A_542 = arith.addf %parallel_loop3A_536, %parallel_loop3A_541 : vector<16xf32>
          %parallel_loop3A_543 = arith.mulf %parallel_loop3A_542, %get3A_480 : vector<16xf32>
          %parallel_loop3A_544 = arith.constant 16 : i32
          %parallel_loop3A_545 = vector.broadcast %parallel_loop3A_544 : i32 to vector<16xi32>
          %parallel_loop3A_546 = arith.shli %parallel_loop3A_507, %parallel_loop3A_545 : vector<16xi32>
          %parallel_loop3A_547 = vector.bitcast %parallel_loop3A_546 : vector<16xi32> to vector<16xf32>
          %parallel_loop3A_548 = arith.mulf %parallel_loop3A_503, %parallel_loop3A_547 : vector<16xf32>
          %parallel_loop3A_549 = arith.constant -65536 : i32
          %parallel_loop3A_550 = vector.broadcast %parallel_loop3A_549 : i32 to vector<16xi32>
          %parallel_loop3A_551 = arith.andi %parallel_loop3A_507, %parallel_loop3A_550 : vector<16xi32>
          %parallel_loop3A_552 = vector.bitcast %parallel_loop3A_551 : vector<16xi32> to vector<16xf32>
          %parallel_loop3A_553 = arith.mulf %parallel_loop3A_502, %parallel_loop3A_552 : vector<16xf32>
          %parallel_loop3A_554 = arith.addf %parallel_loop3A_548, %parallel_loop3A_553 : vector<16xf32>
          %parallel_loop3A_555 = arith.mulf %parallel_loop3A_554, %get3A_480 : vector<16xf32>
          tpu.vector_store_idx %arg22[%iota3A, %parallel_loop3A_496], %parallel_loop3A_519 : memref<16x112xf32, #tpu.memory_space<vmem>>[vector<16xi32>, vector<16xi32>], vector<16xf32>,
          tpu.vector_store_idx %arg22[%iota3A, %parallel_loop3A_499], %parallel_loop3A_531 : memref<16x112xf32, #tpu.memory_space<vmem>>[vector<16xi32>, vector<16xi32>], vector<16xf32>,
          tpu.vector_store_idx %arg23[%iota3A, %parallel_loop3A_496], %parallel_loop3A_543 : memref<16x112xf32, #tpu.memory_space<vmem>>[vector<16xi32>, vector<16xi32>], vector<16xf32>,
          tpu.vector_store_idx %arg23[%iota3A, %parallel_loop3A_499], %parallel_loop3A_555 : memref<16x112xf32, #tpu.memory_space<vmem>>[vector<16xi32>, vector<16xi32>], vector<16xf32>,
        } {sc.loop_unroll_factor = 2 : i64, sc.parallel_access}
        %dma_start3A_484 = arith.constant 0 : i32
        %dma_start3A_485 = arith.constant 0 : i32
        %dma_start3A_486 = tpu.memref_slice %arg10[%dma_start3A_484, %dma_start3A_485] : memref<10000x112xf32, #tpu.memory_space<vmem_shared>> -> memref<10000x112xf32, #tpu.memory_space<vmem_shared>>
        tpu.enqueue_indirect_dma source(%arg22 : memref<16x112xf32, #tpu.memory_space<vmem>>) target(%dma_start3A_486 : memref<10000x112xf32, #tpu.memory_space<vmem_shared>>) offsets(%get3A_470 : vector<16xi32>) semaphore(%arg30 : memref<!tpu.dma_semaphore, #tpu.memory_space<semaphore_mem>>) {add = true}
        %dma_start3A_487 = arith.constant 0 : i32
        %dma_start3A_488 = arith.constant 0 : i32
        %dma_start3A_489 = tpu.memref_slice %arg10[%dma_start3A_487, %dma_start3A_488] : memref<10000x112xf32, #tpu.memory_space<vmem_shared>> -> memref<10000x112xf32, #tpu.memory_space<vmem_shared>>
        tpu.enqueue_indirect_dma source(%arg23 : memref<16x112xf32, #tpu.memory_space<vmem>>) target(%dma_start3A_489 : memref<10000x112xf32, #tpu.memory_space<vmem_shared>>) offsets(%get3A_476 : vector<16xi32>) semaphore(%arg31 : memref<!tpu.dma_semaphore, #tpu.memory_space<semaphore_mem>>) {add = true}
      }
      %scan3A_303 = arith.constant 31 : i32
      %get3A_304 = arith.constant 1920 : index
      %get3A_305 = tpu.vector_load %arg13[%get3A_304] {strides = array<i32>} : memref<2000xi32, #tpu.memory_space<vmem>>, vector<16xi32>,
      %dma_wait3A = arith.constant 0 : i32
      %dma_wait3A_306 = arith.constant 0 : i32
      %dma_wait3A_307 = tpu.memref_slice %arg10[%dma_wait3A, %dma_wait3A_306] : memref<10000x112xf32, #tpu.memory_space<vmem_shared>> -> memref<10000x112xf32, #tpu.memory_space<vmem_shared>>
      tpu.wait_indirect_dma semaphore(%arg28 : memref<!tpu.dma_semaphore, #tpu.memory_space<semaphore_mem>>) src(%arg20 : memref<16x112xf32, #tpu.memory_space<vmem>>) dst(%dma_wait3A_307 : memref<10000x112xf32, #tpu.memory_space<vmem_shared>>)
      %get3A_308 = arith.constant 1984 : index
      %get3A_309 = tpu.vector_load %arg12[%get3A_308] {strides = array<i32>} : memref<2000xi32, #tpu.memory_space<vmem>>, vector<16xi32>,
      %dma_wait3A_310 = arith.constant 0 : i32
      %dma_wait3A_311 = arith.constant 0 : i32
      %dma_wait3A_312 = tpu.memref_slice %arg2[%arg0, %dma_wait3A_310, %dma_wait3A_311] : memref<2x10000x112xf32, #tpu.memory_space<hbm>> -> memref<1x10000x112xf32, #tpu.memory_space<hbm>>
      %dma_wait3A_313 = tpu.memref_squeeze %dma_wait3A_312 : memref<1x10000x112xf32, #tpu.memory_space<hbm>> -> memref<10000x112xf32, #tpu.memory_space<hbm>>
      %dma_wait3A_314 = arith.constant 0 : i32
      %dma_wait3A_315 = arith.constant 0 : i32
      %dma_wait3A_316 = tpu.memref_slice %dma_wait3A_313[%dma_wait3A_314, %dma_wait3A_315] : memref<10000x112xf32, #tpu.memory_space<hbm>> -> memref<10000x112xf32, #tpu.memory_space<hbm>>
      tpu.wait_indirect_dma semaphore(%arg24 : memref<!tpu.dma_semaphore, #tpu.memory_space<semaphore_mem>>) src(%dma_wait3A_316 : memref<10000x112xf32, #tpu.memory_space<hbm>>) dst(%arg16 : memref<16x112xf32, #tpu.memory_space<vmem>>)
      %get3A_317 = arith.constant 1984 : index
      %get3A_318 = tpu.vector_load %arg13[%get3A_317] {strides = array<i32>} : memref<2000xi32, #tpu.memory_space<vmem>>, vector<16xi32>,
      %get3A_319 = arith.constant 1984 : index
      %get3A_320 = tpu.vector_load %arg14[%get3A_319] {strides = array<i32>} : memref<2000xi32, #tpu.memory_space<vmem>>, vector<16xi32>,
      %get3A_321 = arith.constant 1984 : index
      %get3A_322 = tpu.vector_load %arg15[%get3A_321] {strides = array<i32>} : memref<2000xf32, #tpu.memory_space<vmem>>, vector<16xf32>,
      %parallel_loop3A = arith.constant 0 : i32
      %parallel_loop3A_323 = arith.constant 50 : i32
      %parallel_loop3A_324 = arith.constant 1 : i32
      scf.for %parallel_loop3A_348 = %parallel_loop3A to %parallel_loop3A_323 step %parallel_loop3A_324  : i32 {
        %parallel_loop3A_349 = arith.constant 0 : i32
        %parallel_loop3A_350 = vector.broadcast %parallel_loop3A_349 : i32 to vector<16xi32>
        %parallel_loop3A_351 = arith.constant 2 : i32
        %parallel_loop3A_352 = arith.muli %parallel_loop3A_351, %parallel_loop3A_348 : i32
        %parallel_loop3A_353 = vector.broadcast %parallel_loop3A_352 : i32 to vector<16xi32>
        %parallel_loop3A_354 = arith.addi %parallel_loop3A_350, %parallel_loop3A_353 : vector<16xi32>
        %parallel_loop3A_355 = arith.constant 1 : i32
        %parallel_loop3A_356 = vector.broadcast %parallel_loop3A_355 : i32 to vector<16xi32>
        %parallel_loop3A_357 = arith.addi %parallel_loop3A_354, %parallel_loop3A_356 : vector<16xi32>
        %parallel_loop3A_358 = tpu.vector_load_idx %arg16[%iota3A, %parallel_loop3A_354] : memref<16x112xf32, #tpu.memory_space<vmem>>[vector<16xi32>, vector<16xi32>], vector<16xf32>,
        %parallel_loop3A_359 = tpu.vector_load_idx %arg16[%iota3A, %parallel_loop3A_357] : memref<16x112xf32, #tpu.memory_space<vmem>>[vector<16xi32>, vector<16xi32>], vector<16xf32>,
        %parallel_loop3A_360 = tpu.vector_load_idx %arg11[%get3A_320, %parallel_loop3A_354] : memref<200x112xi32, #tpu.memory_space<vmem>>[vector<16xi32>, vector<16xi32>], vector<16xi32>,
        %parallel_loop3A_361 = tpu.vector_load_idx %arg11[%get3A_320, %parallel_loop3A_357] : memref<200x112xi32, #tpu.memory_space<vmem>>[vector<16xi32>, vector<16xi32>], vector<16xi32>,
        %parallel_loop3A_362 = arith.constant 16 : i32
        %parallel_loop3A_363 = vector.broadcast %parallel_loop3A_362 : i32 to vector<16xi32>
        %parallel_loop3A_364 = arith.shli %parallel_loop3A_360, %parallel_loop3A_363 : vector<16xi32>
        %parallel_loop3A_365 = vector.bitcast %parallel_loop3A_364 : vector<16xi32> to vector<16xf32>
        %parallel_loop3A_366 = arith.constant -65536 : i32
        %parallel_loop3A_367 = vector.broadcast %parallel_loop3A_366 : i32 to vector<16xi32>
        %parallel_loop3A_368 = arith.andi %parallel_loop3A_360, %parallel_loop3A_367 : vector<16xi32>
        %parallel_loop3A_369 = vector.bitcast %parallel_loop3A_368 : vector<16xi32> to vector<16xf32>
        %parallel_loop3A_370 = arith.constant 16 : i32
        %parallel_loop3A_371 = vector.broadcast %parallel_loop3A_370 : i32 to vector<16xi32>
        %parallel_loop3A_372 = arith.shli %parallel_loop3A_361, %parallel_loop3A_371 : vector<16xi32>
        %parallel_loop3A_373 = vector.bitcast %parallel_loop3A_372 : vector<16xi32> to vector<16xf32>
        %parallel_loop3A_374 = arith.constant -65536 : i32
        %parallel_loop3A_375 = vector.broadcast %parallel_loop3A_374 : i32 to vector<16xi32>
        %parallel_loop3A_376 = arith.andi %parallel_loop3A_361, %parallel_loop3A_375 : vector<16xi32>
        %parallel_loop3A_377 = vector.bitcast %parallel_loop3A_376 : vector<16xi32> to vector<16xf32>
        %parallel_loop3A_378 = arith.mulf %parallel_loop3A_358, %parallel_loop3A_365 : vector<16xf32>
        %parallel_loop3A_379 = arith.mulf %parallel_loop3A_359, %parallel_loop3A_369 : vector<16xf32>
        %parallel_loop3A_380 = arith.addf %parallel_loop3A_378, %parallel_loop3A_379 : vector<16xf32>
        %parallel_loop3A_381 = arith.mulf %parallel_loop3A_380, %get3A_322 : vector<16xf32>
        %parallel_loop3A_382 = arith.mulf %parallel_loop3A_359, %parallel_loop3A_373 : vector<16xf32>
        %parallel_loop3A_383 = arith.mulf %parallel_loop3A_358, %parallel_loop3A_377 : vector<16xf32>
        %parallel_loop3A_384 = arith.addf %parallel_loop3A_382, %parallel_loop3A_383 : vector<16xf32>
        %parallel_loop3A_385 = arith.mulf %parallel_loop3A_384, %get3A_322 : vector<16xf32>
        tpu.vector_store_idx %arg20[%iota3A, %parallel_loop3A_354], %parallel_loop3A_381 : memref<16x112xf32, #tpu.memory_space<vmem>>[vector<16xi32>, vector<16xi32>], vector<16xf32>,
        tpu.vector_store_idx %arg20[%iota3A, %parallel_loop3A_357], %parallel_loop3A_385 : memref<16x112xf32, #tpu.memory_space<vmem>>[vector<16xi32>, vector<16xi32>], vector<16xf32>,
      } {sc.loop_unroll_factor = 5 : i64, sc.parallel_access}
      %dma_start3A_325 = arith.constant 0 : i32
      %dma_start3A_326 = arith.constant 0 : i32
      %dma_start3A_327 = tpu.memref_slice %arg10[%dma_start3A_325, %dma_start3A_326] : memref<10000x112xf32, #tpu.memory_space<vmem_shared>> -> memref<10000x112xf32, #tpu.memory_space<vmem_shared>>
      tpu.enqueue_indirect_dma source(%arg20 : memref<16x112xf32, #tpu.memory_space<vmem>>) target(%dma_start3A_327 : memref<10000x112xf32, #tpu.memory_space<vmem_shared>>) offsets(%get3A_318 : vector<16xi32>) semaphore(%arg28 : memref<!tpu.dma_semaphore, #tpu.memory_space<semaphore_mem>>) {add = true}
      %get3A_328 = arith.constant 1984 : index
      %get3A_329 = tpu.vector_load %arg13[%get3A_328] {strides = array<i32>} : memref<2000xi32, #tpu.memory_space<vmem>>, vector<16xi32>,
      %dma_wait3A_330 = arith.constant 0 : i32
      %dma_wait3A_331 = arith.constant 0 : i32
      %dma_wait3A_332 = tpu.memref_slice %arg10[%dma_wait3A_330, %dma_wait3A_331] : memref<10000x112xf32, #tpu.memory_space<vmem_shared>> -> memref<10000x112xf32, #tpu.memory_space<vmem_shared>>
      tpu.wait_indirect_dma semaphore(%arg28 : memref<!tpu.dma_semaphore, #tpu.memory_space<semaphore_mem>>) src(%arg20 : memref<16x112xf32, #tpu.memory_space<vmem>>) dst(%dma_wait3A_332 : memref<10000x112xf32, #tpu.memory_space<vmem_shared>>)
      %get3A_333 = arith.constant 1936 : index
      %get3A_334 = tpu.vector_load %arg13[%get3A_333] {strides = array<i32>} : memref<2000xi32, #tpu.memory_space<vmem>>, vector<16xi32>,
      %dma_wait3A_335 = arith.constant 0 : i32
      %dma_wait3A_336 = arith.constant 0 : i32
      %dma_wait3A_337 = tpu.memref_slice %arg10[%dma_wait3A_335, %dma_wait3A_336] : memref<10000x112xf32, #tpu.memory_space<vmem_shared>> -> memref<10000x112xf32, #tpu.memory_space<vmem_shared>>
      tpu.wait_indirect_dma semaphore(%arg29 : memref<!tpu.dma_semaphore, #tpu.memory_space<semaphore_mem>>) src(%arg21 : memref<16x112xf32, #tpu.memory_space<vmem>>) dst(%dma_wait3A_337 : memref<10000x112xf32, #tpu.memory_space<vmem_shared>>)
      %get3A_338 = arith.constant 1952 : index
      %get3A_339 = tpu.vector_load %arg13[%get3A_338] {strides = array<i32>} : memref<2000xi32, #tpu.memory_space<vmem>>, vector<16xi32>,
      %dma_wait3A_340 = arith.constant 0 : i32
      %dma_wait3A_341 = arith.constant 0 : i32
      %dma_wait3A_342 = tpu.memref_slice %arg10[%dma_wait3A_340, %dma_wait3A_341] : memref<10000x112xf32, #tpu.memory_space<vmem_shared>> -> memref<10000x112xf32, #tpu.memory_space<vmem_shared>>
      tpu.wait_indirect_dma semaphore(%arg30 : memref<!tpu.dma_semaphore, #tpu.memory_space<semaphore_mem>>) src(%arg22 : memref<16x112xf32, #tpu.memory_space<vmem>>) dst(%dma_wait3A_342 : memref<10000x112xf32, #tpu.memory_space<vmem_shared>>)
      %get3A_343 = arith.constant 1968 : index
      %get3A_344 = tpu.vector_load %arg13[%get3A_343] {strides = array<i32>} : memref<2000xi32, #tpu.memory_space<vmem>>, vector<16xi32>,
      %dma_wait3A_345 = arith.constant 0 : i32
      %dma_wait3A_346 = arith.constant 0 : i32
      %dma_wait3A_347 = tpu.memref_slice %arg10[%dma_wait3A_345, %dma_wait3A_346] : memref<10000x112xf32, #tpu.memory_space<vmem_shared>> -> memref<10000x112xf32, #tpu.memory_space<vmem_shared>>
      tpu.wait_indirect_dma semaphore(%arg31 : memref<!tpu.dma_semaphore, #tpu.memory_space<semaphore_mem>>) src(%arg23 : memref<16x112xf32, #tpu.memory_space<vmem>>) dst(%dma_wait3A_347 : memref<10000x112xf32, #tpu.memory_space<vmem_shared>>)
    }
    %scan3A_267 = arith.constant 5 : i32
    %barrier3A_268 = arith.constant 0 : index
    tpu.barrier barrier_id(%barrier3A_268)
    %lt3A_269 = arith.constant 15 : i32
    %lt3A_270 = arith.cmpi slt, %arg1, %lt3A_269 : i32
    %convert_element_type3A_271 = arith.extui %lt3A_270 : i1 to i32
    %cond3A_272 = arith.constant 0 : i32
    %cond3A_273 = arith.cmpi ne, %convert_element_type3A_271, %cond3A_272 : i32
    scf.if %cond3A_273 {
      %mul3A_279 = arith.constant 632 : i32
      %mul3A_280 = arith.muli %arg1, %mul3A_279 : i32
      %mul3A_281 = arith.constant 632 : i32
      %mul3A_282 = arith.muli %arg1, %mul3A_281 : i32
      "tpu.region"() ({
        %run_scoped3A = tpu.sem_alloc : memref<!tpu.dma_semaphore, #tpu.memory_space<semaphore_mem>>
        %dma_start3A = arith.constant 0 : i32
        %dma_start3A_283 = tpu.memref_slice %arg9[%arg0, %mul3A_282, %dma_start3A] : memref<2x10000x112xf32, #tpu.memory_space<hbm>> -> memref<1x632x112xf32, #tpu.memory_space<hbm>>
        %dma_start3A_284 = tpu.memref_squeeze %dma_start3A_283 : memref<1x632x112xf32, #tpu.memory_space<hbm>> -> memref<632x112xf32, #tpu.memory_space<hbm>>
        %dma_start3A_285 = arith.constant 0 : i32
        %dma_start3A_286 = tpu.memref_slice %arg10[%mul3A_280, %dma_start3A_285] : memref<10000x112xf32, #tpu.memory_space<vmem_shared>> -> memref<632x112xf32, #tpu.memory_space<vmem_shared>>
        tpu.enqueue_dma source(%dma_start3A_286 : memref<632x112xf32, #tpu.memory_space<vmem_shared>>) target(%dma_start3A_284 : memref<632x112xf32, #tpu.memory_space<hbm>>) target_semaphore(%run_scoped3A : memref<!tpu.dma_semaphore, #tpu.memory_space<semaphore_mem>>)
        %dma_wait3A = arith.constant 0 : i32
        %dma_wait3A_287 = tpu.memref_slice %arg9[%arg0, %mul3A_282, %dma_wait3A] : memref<2x10000x112xf32, #tpu.memory_space<hbm>> -> memref<1x632x112xf32, #tpu.memory_space<hbm>>
        %dma_wait3A_288 = tpu.memref_squeeze %dma_wait3A_287 : memref<1x632x112xf32, #tpu.memory_space<hbm>> -> memref<632x112xf32, #tpu.memory_space<hbm>>
        %dma_wait3A_289 = arith.constant 0 : i32
        %dma_wait3A_290 = tpu.memref_slice %arg10[%mul3A_280, %dma_wait3A_289] : memref<10000x112xf32, #tpu.memory_space<vmem_shared>> -> memref<632x112xf32, #tpu.memory_space<vmem_shared>>
        tpu.wait_dma2 semaphore(%run_scoped3A : memref<!tpu.dma_semaphore, #tpu.memory_space<semaphore_mem>>) src(%dma_wait3A_290 : memref<632x112xf32, #tpu.memory_space<vmem_shared>>) dst(%dma_wait3A_288 : memref<632x112xf32, #tpu.memory_space<hbm>>)
        tpu.yield
      }) : () -> ()
    } else {
    }
    %eq3A_274 = arith.constant 15 : i32
    %eq3A_275 = arith.cmpi eq, %arg1, %eq3A_274 : i32
    %convert_element_type3A_276 = arith.extui %eq3A_275 : i1 to i32
    %cond3A_277 = arith.constant 0 : i32
    %cond3A_278 = arith.cmpi ne, %convert_element_type3A_276, %cond3A_277 : i32
    scf.if %cond3A_278 {
      "tpu.region"() ({
        %run_scoped3A = tpu.sem_alloc : memref<!tpu.dma_semaphore, #tpu.memory_space<semaphore_mem>>
        %dma_start3A = arith.constant 9480 : i32
        %dma_start3A_279 = arith.constant 0 : i32
        %dma_start3A_280 = tpu.memref_slice %arg9[%arg0, %dma_start3A, %dma_start3A_279] : memref<2x10000x112xf32, #tpu.memory_space<hbm>> -> memref<1x520x112xf32, #tpu.memory_space<hbm>>
        %dma_start3A_281 = tpu.memref_squeeze %dma_start3A_280 : memref<1x520x112xf32, #tpu.memory_space<hbm>> -> memref<520x112xf32, #tpu.memory_space<hbm>>
        %dma_start3A_282 = arith.constant 9480 : i32
        %dma_start3A_283 = arith.constant 0 : i32
        %dma_start3A_284 = tpu.memref_slice %arg10[%dma_start3A_282, %dma_start3A_283] : memref<10000x112xf32, #tpu.memory_space<vmem_shared>> -> memref<520x112xf32, #tpu.memory_space<vmem_shared>>
        tpu.enqueue_dma source(%dma_start3A_284 : memref<520x112xf32, #tpu.memory_space<vmem_shared>>) target(%dma_start3A_281 : memref<520x112xf32, #tpu.memory_space<hbm>>) target_semaphore(%run_scoped3A : memref<!tpu.dma_semaphore, #tpu.memory_space<semaphore_mem>>)
        %dma_wait3A = arith.constant 9480 : i32
        %dma_wait3A_285 = arith.constant 0 : i32
        %dma_wait3A_286 = tpu.memref_slice %arg9[%arg0, %dma_wait3A, %dma_wait3A_285] : memref<2x10000x112xf32, #tpu.memory_space<hbm>> -> memref<1x520x112xf32, #tpu.memory_space<hbm>>
        %dma_wait3A_287 = tpu.memref_squeeze %dma_wait3A_286 : memref<1x520x112xf32, #tpu.memory_space<hbm>> -> memref<520x112xf32, #tpu.memory_space<hbm>>
        %dma_wait3A_288 = arith.constant 9480 : i32
        %dma_wait3A_289 = arith.constant 0 : i32
        %dma_wait3A_290 = tpu.memref_slice %arg10[%dma_wait3A_288, %dma_wait3A_289] : memref<10000x112xf32, #tpu.memory_space<vmem_shared>> -> memref<520x112xf32, #tpu.memory_space<vmem_shared>>
        tpu.wait_dma2 semaphore(%run_scoped3A : memref<!tpu.dma_semaphore, #tpu.memory_space<semaphore_mem>>) src(%dma_wait3A_290 : memref<520x112xf32, #tpu.memory_space<vmem_shared>>) dst(%dma_wait3A_287 : memref<520x112xf32, #tpu.memory_space<hbm>>)
        tpu.yield
      }) : () -> ()
    } else {
    }
    return
  }
}

module attributes {stable_mosaic.version = 14 : i64} {
  func.func @_combine_body(%arg0: i32, %arg1: memref<2x1000x112xf32, #tpu.memory_space<vmem>>, %arg2: memref<2x1000x112xf32, #tpu.memory_space<vmem>>, %arg3: memref<224x224xf32, #tpu.memory_space<vmem>>, %arg4: memref<1x224xf32, #tpu.memory_space<vmem>>, %arg5: memref<2x1000x112xf32, #tpu.memory_space<vmem>>) attributes {dimension_semantics = [#tpu.dimension_semantics<arbitrary>], iteration_bounds = array<i64: 10>, scalar_prefetch = 0 : i64, scratch_operands = 0 : i64, tpu.core_type = #tpu.core_type<tc>, window_params = [{transform_indices = @transform_0, window_bounds = array<i64: 2, 1000, 112>}, {transform_indices = @transform_1, window_bounds = array<i64: 2, 1000, 112>}, {pipeline_mode = #tpu.pipeline_mode<synchronous>, transform_indices = @transform_2, window_bounds = array<i64: 224, 224>}, {pipeline_mode = #tpu.pipeline_mode<synchronous>, transform_indices = @transform_3, window_bounds = array<i64: 1, 224>}, {transform_indices = @transform_4, window_bounds = array<i64: 2, 1000, 112>}]} {
    %get3A = arith.constant 0 : index
    %get3A_0 = arith.constant 0 : index
    %get3A_1 = arith.constant 0 : index
    %get3A_2 = vector.load %arg2[%get3A, %get3A_0, %get3A_1] : memref<2x1000x112xf32, #tpu.memory_space<vmem>>, vector<1x1000x112xf32>
    %get3A_3 = vector.shape_cast %get3A_2 : vector<1x1000x112xf32> to vector<1000x112xf32>
    %get3A_4 = arith.constant 1 : index
    %get3A_5 = arith.constant 0 : index
    %get3A_6 = arith.constant 0 : index
    %get3A_7 = vector.load %arg2[%get3A_4, %get3A_5, %get3A_6] : memref<2x1000x112xf32, #tpu.memory_space<vmem>>, vector<1x1000x112xf32>
    %get3A_8 = vector.shape_cast %get3A_7 : vector<1x1000x112xf32> to vector<1000x112xf32>
    %concatenate3A = tpu.concatenate %get3A_3, %get3A_8 in 1 : vector<1000x112xf32>, vector<1000x112xf32> -> vector<1000x224xf32>
    %get3A_9 = arith.constant 0 : index
    %get3A_10 = arith.constant 0 : index
    %get3A_11 = vector.load %arg3[%get3A_9, %get3A_10] : memref<224x224xf32, #tpu.memory_space<vmem>>, vector<224x224xf32>
    %dot_general3A = arith.constant dense<0.000000e+00> : vector<1000x224xf32>
    %dot_general3A_12 = tpu.matmul %concatenate3A, %get3A_11, %dot_general3A {dimension_numbers = #tpu.dot_dimension_numbers<[1], [0], [0], [1], [0, 0, 1, 1], [], []>, precision = #tpu.contract_precision<fp32>, transpose_lhs_hint = false} : vector<1000x224xf32>, vector<224x224xf32>, vector<1000x224xf32> -> vector<1000x224xf32>
    %get3A_13 = arith.constant 0 : index
    %get3A_14 = arith.constant 0 : index
    %get3A_15 = vector.load %arg4[%get3A_13, %get3A_14] : memref<1x224xf32, #tpu.memory_space<vmem>>, vector<1x224xf32>
    %add3A = vector.broadcast %get3A_15 : vector<1x224xf32> to vector<1000x224xf32>
    %add3A_16 = arith.addf %dot_general3A_12, %add3A : vector<1000x224xf32>
    %get3A_17 = arith.constant 0 : index
    %get3A_18 = arith.constant 0 : index
    %get3A_19 = arith.constant 0 : index
    %get3A_20 = vector.load %arg1[%get3A_17, %get3A_18, %get3A_19] : memref<2x1000x112xf32, #tpu.memory_space<vmem>>, vector<1x1000x112xf32>
    %get3A_21 = vector.shape_cast %get3A_20 : vector<1x1000x112xf32> to vector<1000x112xf32>
    %get3A_22 = arith.constant 1 : index
    %get3A_23 = arith.constant 0 : index
    %get3A_24 = arith.constant 0 : index
    %get3A_25 = vector.load %arg1[%get3A_22, %get3A_23, %get3A_24] : memref<2x1000x112xf32, #tpu.memory_space<vmem>>, vector<1x1000x112xf32>
    %get3A_26 = vector.shape_cast %get3A_25 : vector<1x1000x112xf32> to vector<1000x112xf32>
    %concatenate3A_27 = tpu.concatenate %get3A_21, %get3A_26 in 1 : vector<1000x112xf32>, vector<1000x112xf32> -> vector<1000x224xf32>
    %add3A_28 = arith.addf %add3A_16, %concatenate3A_27 : vector<1000x224xf32>
    %max3A = arith.constant 0.000000e+00 : f32
    %max3A_29 = vector.broadcast %max3A : f32 to vector<1000x224xf32>
    %max3A_30 = arith.maximumf %add3A_28, %max3A_29 : vector<1000x224xf32>
    %slice3A = vector.extract_strided_slice %max3A_30 {offsets = [0, 0], sizes = [1000, 112], strides = [1, 1]} : vector<1000x224xf32> to vector<1000x112xf32>
    %swap3A = arith.constant 0 : index
    %swap3A_31 = arith.constant 0 : index
    %swap3A_32 = arith.constant 0 : index
    %swap3A_33 = vector.load %arg5[%swap3A, %swap3A_31, %swap3A_32] : memref<2x1000x112xf32, #tpu.memory_space<vmem>>, vector<1x1000x112xf32>
    %swap3A_34 = vector.shape_cast %swap3A_33 : vector<1x1000x112xf32> to vector<1000x112xf32>
    %swap3A_35 = vector.shape_cast %slice3A : vector<1000x112xf32> to vector<1x1000x112xf32>
    tpu.vector_store %arg5[%swap3A, %swap3A_31, %swap3A_32], %swap3A_35 {strides = array<i32>} : memref<2x1000x112xf32, #tpu.memory_space<vmem>>, vector<1x1000x112xf32>,
    %slice3A_36 = vector.extract_strided_slice %max3A_30 {offsets = [0, 112], sizes = [1000, 112], strides = [1, 1]} : vector<1000x224xf32> to vector<1000x112xf32>
    %swap3A_37 = arith.constant 1 : index
    %swap3A_38 = arith.constant 0 : index
    %swap3A_39 = arith.constant 0 : index
    %swap3A_40 = vector.load %arg5[%swap3A_37, %swap3A_38, %swap3A_39] : memref<2x1000x112xf32, #tpu.memory_space<vmem>>, vector<1x1000x112xf32>
    %swap3A_41 = vector.shape_cast %swap3A_40 : vector<1x1000x112xf32> to vector<1000x112xf32>
    %swap3A_42 = vector.shape_cast %slice3A_36 : vector<1000x112xf32> to vector<1x1000x112xf32>
    tpu.vector_store %arg5[%swap3A_37, %swap3A_38, %swap3A_39], %swap3A_42 {strides = array<i32>} : memref<2x1000x112xf32, #tpu.memory_space<vmem>>, vector<1x1000x112xf32>,
    return
  }
  func.func @transform_0(%arg0: i32) -> (i32, i32, i32) {
    %c0_i32 = arith.constant 0 : i32
    %c0_i32_0 = arith.constant 0 : i32
    %c0_i32_1 = arith.constant 0 : i32
    return %c0_i32, %arg0, %c0_i32_0 : i32, i32, i32
  }
  func.func @transform_1(%arg0: i32) -> (i32, i32, i32) {
    %c0_i32 = arith.constant 0 : i32
    %c0_i32_0 = arith.constant 0 : i32
    %c0_i32_1 = arith.constant 0 : i32
    return %c0_i32, %arg0, %c0_i32_0 : i32, i32, i32
  }
  func.func @transform_2(%arg0: i32) -> (i32, i32) {
    %c0_i32 = arith.constant 0 : i32
    %c0_i32_0 = arith.constant 0 : i32
    %c0_i32_1 = arith.constant 0 : i32
    return %c0_i32, %c0_i32_0 : i32, i32
  }
  func.func @transform_3(%arg0: i32) -> (i32, i32) {
    %c0_i32 = arith.constant 0 : i32
    %c0_i32_0 = arith.constant 0 : i32
    %c0_i32_1 = arith.constant 0 : i32
    return %c0_i32, %c0_i32_0 : i32, i32
  }
  func.func @transform_4(%arg0: i32) -> (i32, i32, i32) {
    %c0_i32 = arith.constant 0 : i32
    %c0_i32_0 = arith.constant 0 : i32
    %c0_i32_1 = arith.constant 0 : i32
    return %c0_i32, %arg0, %c0_i32_0 : i32, i32, i32
  }
}

module attributes {stable_mosaic.version = 14 : i64} {
  func.func @_combine_body(%arg0: i32, %arg1: memref<2x1000x112xf32, #tpu.memory_space<vmem>>, %arg2: memref<2x1000x112xf32, #tpu.memory_space<vmem>>, %arg3: memref<224x224xf32, #tpu.memory_space<vmem>>, %arg4: memref<1x224xf32, #tpu.memory_space<vmem>>, %arg5: memref<2x1000x112xf32, #tpu.memory_space<vmem>>) attributes {dimension_semantics = [#tpu.dimension_semantics<arbitrary>], iteration_bounds = array<i64: 10>, scalar_prefetch = 0 : i64, scratch_operands = 0 : i64, tpu.core_type = #tpu.core_type<tc>, window_params = [{transform_indices = @transform_0, window_bounds = array<i64: 2, 1000, 112>}, {transform_indices = @transform_1, window_bounds = array<i64: 2, 1000, 112>}, {pipeline_mode = #tpu.pipeline_mode<synchronous>, transform_indices = @transform_2, window_bounds = array<i64: 224, 224>}, {pipeline_mode = #tpu.pipeline_mode<synchronous>, transform_indices = @transform_3, window_bounds = array<i64: 1, 224>}, {transform_indices = @transform_4, window_bounds = array<i64: 2, 1000, 112>}]} {
    %get3A = arith.constant 0 : index
    %get3A_0 = arith.constant 0 : index
    %get3A_1 = arith.constant 0 : index
    %get3A_2 = vector.load %arg2[%get3A, %get3A_0, %get3A_1] : memref<2x1000x112xf32, #tpu.memory_space<vmem>>, vector<1x1000x112xf32>
    %get3A_3 = vector.shape_cast %get3A_2 : vector<1x1000x112xf32> to vector<1000x112xf32>
    %get3A_4 = arith.constant 1 : index
    %get3A_5 = arith.constant 0 : index
    %get3A_6 = arith.constant 0 : index
    %get3A_7 = vector.load %arg2[%get3A_4, %get3A_5, %get3A_6] : memref<2x1000x112xf32, #tpu.memory_space<vmem>>, vector<1x1000x112xf32>
    %get3A_8 = vector.shape_cast %get3A_7 : vector<1x1000x112xf32> to vector<1000x112xf32>
    %concatenate3A = tpu.concatenate %get3A_3, %get3A_8 in 1 : vector<1000x112xf32>, vector<1000x112xf32> -> vector<1000x224xf32>
    %get3A_9 = arith.constant 0 : index
    %get3A_10 = arith.constant 0 : index
    %get3A_11 = vector.load %arg3[%get3A_9, %get3A_10] : memref<224x224xf32, #tpu.memory_space<vmem>>, vector<224x224xf32>
    %dot_general3A = arith.constant dense<0.000000e+00> : vector<1000x224xf32>
    %dot_general3A_12 = tpu.matmul %concatenate3A, %get3A_11, %dot_general3A {dimension_numbers = #tpu.dot_dimension_numbers<[1], [0], [0], [1], [0, 0, 1, 1], [], []>, precision = #tpu.contract_precision<fp32>, transpose_lhs_hint = false} : vector<1000x224xf32>, vector<224x224xf32>, vector<1000x224xf32> -> vector<1000x224xf32>
    %get3A_13 = arith.constant 0 : index
    %get3A_14 = arith.constant 0 : index
    %get3A_15 = vector.load %arg4[%get3A_13, %get3A_14] : memref<1x224xf32, #tpu.memory_space<vmem>>, vector<1x224xf32>
    %add3A = vector.broadcast %get3A_15 : vector<1x224xf32> to vector<1000x224xf32>
    %add3A_16 = arith.addf %dot_general3A_12, %add3A : vector<1000x224xf32>
    %get3A_17 = arith.constant 0 : index
    %get3A_18 = arith.constant 0 : index
    %get3A_19 = arith.constant 0 : index
    %get3A_20 = vector.load %arg1[%get3A_17, %get3A_18, %get3A_19] : memref<2x1000x112xf32, #tpu.memory_space<vmem>>, vector<1x1000x112xf32>
    %get3A_21 = vector.shape_cast %get3A_20 : vector<1x1000x112xf32> to vector<1000x112xf32>
    %get3A_22 = arith.constant 1 : index
    %get3A_23 = arith.constant 0 : index
    %get3A_24 = arith.constant 0 : index
    %get3A_25 = vector.load %arg1[%get3A_22, %get3A_23, %get3A_24] : memref<2x1000x112xf32, #tpu.memory_space<vmem>>, vector<1x1000x112xf32>
    %get3A_26 = vector.shape_cast %get3A_25 : vector<1x1000x112xf32> to vector<1000x112xf32>
    %concatenate3A_27 = tpu.concatenate %get3A_21, %get3A_26 in 1 : vector<1000x112xf32>, vector<1000x112xf32> -> vector<1000x224xf32>
    %add3A_28 = arith.addf %add3A_16, %concatenate3A_27 : vector<1000x224xf32>
    %slice3A = vector.extract_strided_slice %add3A_28 {offsets = [0, 0], sizes = [1000, 112], strides = [1, 1]} : vector<1000x224xf32> to vector<1000x112xf32>
    %swap3A = arith.constant 0 : index
    %swap3A_29 = arith.constant 0 : index
    %swap3A_30 = arith.constant 0 : index
    %swap3A_31 = vector.load %arg5[%swap3A, %swap3A_29, %swap3A_30] : memref<2x1000x112xf32, #tpu.memory_space<vmem>>, vector<1x1000x112xf32>
    %swap3A_32 = vector.shape_cast %swap3A_31 : vector<1x1000x112xf32> to vector<1000x112xf32>
    %swap3A_33 = vector.shape_cast %slice3A : vector<1000x112xf32> to vector<1x1000x112xf32>
    tpu.vector_store %arg5[%swap3A, %swap3A_29, %swap3A_30], %swap3A_33 {strides = array<i32>} : memref<2x1000x112xf32, #tpu.memory_space<vmem>>, vector<1x1000x112xf32>,
    %slice3A_34 = vector.extract_strided_slice %add3A_28 {offsets = [0, 112], sizes = [1000, 112], strides = [1, 1]} : vector<1000x224xf32> to vector<1000x112xf32>
    %swap3A_35 = arith.constant 1 : index
    %swap3A_36 = arith.constant 0 : index
    %swap3A_37 = arith.constant 0 : index
    %swap3A_38 = vector.load %arg5[%swap3A_35, %swap3A_36, %swap3A_37] : memref<2x1000x112xf32, #tpu.memory_space<vmem>>, vector<1x1000x112xf32>
    %swap3A_39 = vector.shape_cast %swap3A_38 : vector<1x1000x112xf32> to vector<1000x112xf32>
    %swap3A_40 = vector.shape_cast %slice3A_34 : vector<1000x112xf32> to vector<1x1000x112xf32>
    tpu.vector_store %arg5[%swap3A_35, %swap3A_36, %swap3A_37], %swap3A_40 {strides = array<i32>} : memref<2x1000x112xf32, #tpu.memory_space<vmem>>, vector<1x1000x112xf32>,
    return
  }
  func.func @transform_0(%arg0: i32) -> (i32, i32, i32) {
    %c0_i32 = arith.constant 0 : i32
    %c0_i32_0 = arith.constant 0 : i32
    %c0_i32_1 = arith.constant 0 : i32
    return %c0_i32, %arg0, %c0_i32_0 : i32, i32, i32
  }
  func.func @transform_1(%arg0: i32) -> (i32, i32, i32) {
    %c0_i32 = arith.constant 0 : i32
    %c0_i32_0 = arith.constant 0 : i32
    %c0_i32_1 = arith.constant 0 : i32
    return %c0_i32, %arg0, %c0_i32_0 : i32, i32, i32
  }
  func.func @transform_2(%arg0: i32) -> (i32, i32) {
    %c0_i32 = arith.constant 0 : i32
    %c0_i32_0 = arith.constant 0 : i32
    %c0_i32_1 = arith.constant 0 : i32
    return %c0_i32, %c0_i32_0 : i32, i32
  }
  func.func @transform_3(%arg0: i32) -> (i32, i32) {
    %c0_i32 = arith.constant 0 : i32
    %c0_i32_0 = arith.constant 0 : i32
    %c0_i32_1 = arith.constant 0 : i32
    return %c0_i32, %c0_i32_0 : i32, i32
  }
  func.func @transform_4(%arg0: i32) -> (i32, i32, i32) {
    %c0_i32 = arith.constant 0 : i32
    %c0_i32_0 = arith.constant 0 : i32
    %c0_i32_1 = arith.constant 0 : i32
    return %c0_i32, %arg0, %c0_i32_0 : i32, i32, i32
  }
}

</mosaic_0001>

<sc_bundles>
// kernel: kernel.10.cloned.1.call-start
scs
__scs_entry_jumppad:
0x0: {  	(pc) =	sbr.rel $0x88, $3  }
0x1: {  	(tag) =	ssettag $0x0;
	lr =	simm.s32 $0x1  }
0x2: {  	[smem:$0x3F95] =	sst lr;
	_ =	strace $0xD0000000  }
0x3: {  	_ = 	snop  }
0x4: {  	_ = 	snop  }
0x5: {  	_ = 	snop  }
0x6: {  	_ = 	snop  }
0x7: {  	_ = 	snop  }
__scs_overlays_trampoline_lowered:
0x8: {  	[smem:$0x3FA4] =	sst s0  }
0x9: {  	[smem:$0x3FA5] =	sst s1  }
0xa: {  	[smem:$0x3FA6] =	sst s2  }
0xb: {  	[smem:$0x3FA7] =	sst s3  }
0xc: {  	[smem:$0x3FA8] =	sst s4  }
0xd: {  	[smem:$0x3FA9] =	sst s5  }
0xe: {  	[smem:$0x3FAA] =	sst s6  }
0xf: {  	[smem:$0x3FAB] =	sst s7  }
0x10: {  	[smem:$0x3FAC] =	sst s8  }
0x11: {  	[smem:$0x3FAD] =	sst s9;
	s0 =	simm.s32 @!p0 $0x0  }
0x12: {  	s1 =	sld [smem:$0x3F93];
	s0 =	simm.s32 @p0 $0x1  }
0x13: {  	[smem:$0x3FAE] =	sst s0;
	s0 =	simm.s32 @!p1 $0x0  }
0x14: {  	s2 =	sld [smem:$0x3F92];
	s0 =	simm.s32 @p1 $0x1  }
0x15: {  	[smem:$0x3FAF] =	sst s0;
	s0 =	simm.s32 @!p2 $0x0  }
0x16: {  	s3 =	sld [smem:$0x3FDB];
	s0 =	simm.s32 @p2 $0x1  }
0x17: {  	s4 =	simm.s32 $0x1BF5;
	[smem:$0x3FB1] =	sst s0  }
0x18: {  	s0 =	sld [smem:$0x3F94];
	_ =	swait.ge [sflag:s4], $0x0  }
0x19: {  	s7 =	sld [smem:$0x3F95]  }
0x1a: {  	s8 =	sadd.s32 $0xFFFFE003, lr  }
0x1b: {  	s9 =	sadd.s32 $0xFFFFFEF7, lr;
	s5 =	simm.s32 $0xFFFFFFFF;
	p2 =	slt.u32 s8, $0xFFFFF086  }
0x1c: {  	p1 =	slt.u32 s9, $0xF7A;
	s5 =	simm.s32 @!p2 $0x0  }
0x1d: {  	s5 =	simm.s32 @p1 $0x1;
	p0 =	seq.s32 s7, s2  }
0x1e: {  	s7 =	smul.u32 @!p0 $0xF7A, s2;
	p2 =	seq.s32 @!p0 s5, $0x0  }
0x1f: {  	s9 =	smul.u32 $0xF7A, s1;
	s8 =	simm.s32 @!p0 $0x1BF5;
	p2 =	por !p2, p0  }
0x20: {  	[sflag:s8] =	ssyncset.s32 @!p0 $0xFFFFF086;
	s6 =	sadd.s32 @!p0 s3, s7;
	s7 =	simm.s32 @!p0 $0x108  }
0x21: {  	s3 =	sadd.s32 s3, s9;
	s6 =	sadd.s32 @!p0 $0x88, s6;
	s7 =	simm.s32 @p2 $0x1082  }
0x22: {  	[simem:s7], [sflag:s8] =	dma.local @!p0 [hbm:s6], $0xF7A  }
0x23: {  	s9 =	sor.u32 $0xD0000000, s2;
	s6 =	simm.s32 $0x108;
	_ =	swait.ge @!p0 [sflag:s8], $0x0  }
0x24: {  	s3 =	sadd.s32 $0x88, s3;
	s6 =	simm.s32 @!p1 $0x1082;
	[sflag:s4] =	ssyncset.s32 $0xFFFFF086  }
0x25: {  	[simem:s6], [sflag:s4] =	dma.local [hbm:s3], $0xF7A  }
0x26: {  	[smem:$0x3F95] =	sst s1;
	(tag) =	ssettag s2;
	_ =	strace s9  }
0x27: {  	s1 =	sld [smem:$0x3FA5]  }
0x28: {  	s2 =	sld [smem:$0x3FA6]  }
0x29: {  	s4 =	sld [smem:$0x3FA8]  }
0x2a: {  	p0 =	seq.s32 s5, $0x0;
	s5 =	sld [smem:$0x3FA9]  }
0x2b: {  	s6 =	sld [smem:$0x3FAA]  }
0x2c: {  	s7 =	sld [smem:$0x3FAB]  }
0x2d: {  	s3 =	simm.s32 $0x108;
	s8 =	sld [smem:$0x3FAC]  }
0x2e: {  	s3 =	simm.s32 @!p0 $0x1082;
	s9 =	sld [smem:$0x3FAD]  }
0x2f: {  	lr =	sadd.s32 s0, s3;
	s0 =	sld [smem:$0x3FA4]  }
0x30: {  	s3 =	sld [smem:$0x3FA7]  }
0x31: {  	[smem:$0x3FB0] =	sst s10  }
0x32: {  	s10 =	sld [smem:$0x3FAE];
	_ =	sdelay $0x3  }
0x33: {  	p0 =	seq.s32 s10, $0x1;
	s10 =	sld [smem:$0x3FB0];
	_ =	sdelay $0x3  }
0x34: {  	[smem:$0x3FB0] =	sst s10  }
0x35: {  	s10 =	sld [smem:$0x3FAF];
	_ =	sdelay $0x3  }
0x36: {  	p1 =	seq.s32 s10, $0x1;
	s10 =	sld [smem:$0x3FB0];
	_ =	sdelay $0x3  }
0x37: {  	[smem:$0x3FB0] =	sst s10  }
0x38: {  	s10 =	sld [smem:$0x3FB1]  }
0x39: {  	_ = 	snop;
	(pc) =	sbr.ind lr, $3  }
0x3a: {  	_ = 	snop  }
0x3b: {  	_ = 	snop  }
0x3c: {  	p2 =	seq.s32 s10, $0x1;
	s10 =	sld [smem:$0x3FB0]  }
0x3d: {  	_ =	shalt  }
0x3e: {  	_ =	shalt  }
0x3f: {  	_ =	shalt  }
0x40: {  	_ =	shalt  }
0x41: {  	_ =	shalt  }
0x42: {  	_ =	shalt  }
0x43: {  	_ =	shalt  }
0x44: {  	_ =	shalt  }
0x45: {  	_ =	shalt  }
0x46: {  	_ =	shalt  }
0x47: {  	_ =	shalt  }
0x48: {  	_ =	shalt  }
0x49: {  	_ =	shalt  }
0x4a: {  	_ =	shalt  }
0x4b: {  	_ =	shalt  }
0x4c: {  	_ =	shalt  }
0x4d: {  	_ =	shalt  }
0x4e: {  	_ =	shalt  }
0x4f: {  	_ =	shalt  }
0x50: {  	_ =	shalt  }
0x51: {  	_ =	shalt  }
0x52: {  	_ =	shalt  }
0x53: {  	_ =	shalt  }
0x54: {  	_ =	shalt  }
0x55: {  	_ =	shalt  }
0x56: {  	_ =	shalt  }
0x57: {  	_ =	shalt  }
0x58: {  	_ =	shalt  }
0x59: {  	_ =	shalt  }
0x5a: {  	_ =	shalt  }
0x5b: {  	_ =	shalt  }
0x5c: {  	_ =	shalt  }
0x5d: {  	_ =	shalt  }
0x5e: {  	_ =	shalt  }
0x5f: {  	_ =	shalt  }
0x60: {  	_ =	shalt  }
0x61: {  	_ =	shalt  }
0x62: {  	_ =	shalt  }
0x63: {  	_ =	shalt  }
0x64: {  	_ =	shalt  }
0x65: {  	_ =	shalt  }
0x66: {  	_ =	shalt  }
0x67: {  	_ =	shalt  }
0x68: {  	_ =	shalt  }
0x69: {  	_ =	shalt  }
0x6a: {  	_ =	shalt  }
0x6b: {  	_ =	shalt  }
0x6c: {  	_ =	shalt  }
0x6d: {  	_ =	shalt  }
0x6e: {  	_ =	shalt  }
0x6f: {  	_ =	shalt  }
0x70: {  	_ =	shalt  }
0x71: {  	_ =	shalt  }
0x72: {  	_ =	shalt  }
0x73: {  	_ =	shalt  }
0x74: {  	_ =	shalt  }
0x75: {  	_ =	shalt  }
0x76: {  	_ =	shalt  }
0x77: {  	_ =	shalt  }
0x78: {  	_ =	shalt  }
0x79: {  	_ =	shalt  }
0x7a: {  	_ =	shalt  }
0x7b: {  	_ =	shalt  }
0x7c: {  	_ =	shalt  }
0x7d: {  	_ =	shalt  }
0x7e: {  	_ =	shalt  }
0x7f: {  	_ =	shalt  }
0x80: {  	_ =	shalt  }
0x81: {  	_ =	shalt  }
0x82: {  	_ =	shalt  }
0x83: {  	_ =	shalt  }
0x84: {  	_ =	shalt  }
0x85: {  	_ =	shalt  }
0x86: {  	_ =	shalt  }
0x87: {  	_ =	shalt  }
.Lfunc_end0:
.L_simem_size_0:
called_computation.1_lowered:
.L_overlay_start_0:
0x88: {  	s2 =	sld [smem:$0x3FD9]  }
0x89: {  	s3 =	sld [smem:$0x3FFE];
	_ =	sdelay $0x1  }
0x8a: {  	s1 =	srdreg.scid  }
0x8b: {  	s0 =	sand.u32 $0x1, s1  }
0x8c: {  	s17 =	sshll.u32 s0, $0xA;
	s2 =	sadd.s32 s3, s2  }
0x8d: {  	s2 =	sadd.s32 s2, s17  }
0x8e: {  	[smem:$0x3FBC] =	sst s2  }
0x8f: {  	_ = 	snop  }
0x90: {  	s2 =	sld [smem:$0x3FC8];
	(tm) =	ssettm $0x1  }
0x91: {  	s18 =	sld [smem:$0x3FFB];
	_ =	sdelay $0x3  }
0x92: {  	_ =	strace s18  }
0x93: {  	s3 =	sld [smem:$0x3FFC];
	_ =	sdelay $0x3  }
0x94: {  	_ =	strace s3  }
0x95: {  	s3 =	sld [smem:$0x3FFD];
	_ =	sdelay $0x3  }
0x96: {  	_ =	strace s3  }
0x97: {  	_ =	strace $0x8FFFFFFF  }
0x98: {  	s19 =	sld [smem:$0x3FDB];
	_ =	sdelay $0x1  }
0x99: {  	s4 =	simm.s32 $_scs_section_size  }
0x9a: {  	s5 =	simm.s32 $_size__tile_overlayer_lowered;
	s6 =	simm.s32 $_tile_overlayer_lowered  }
0x9b: {  	s22 =	simm.s32 $0x1BFF;
	s21 =	sshll.u32 s6, $0x1;
	s3 =	sadd.s32 s4, s19  }
0x9c: {  	s7 =	simm.s32 $0x0;
	s20 =	sshll.u32 s5, $0x1;
	s5 =	sadd.s32 s21, s3  }
0x9d: {  	[timem:s7], [sflag:s22] =	dma.local [hbm:s5], s20  }
0x9e: {  	_ =	swait.ge [sflag:s22], s20  }
0x9f: {  	s4 =	ssub.s32 $0x0, s20;
	[sflag:s22] =	ssyncset.done $0x0  }
0xa0: {  	[sflag:s22] =	ssyncadd.s32 s4;
	_ =	sdelay $0x1  }
0xa1: {  	s23 =	simm.s32 $0x1B8B  }
0xa2: {  	_ =	swait.ge [sflag:s23], $0x1  }
0xa3: {  	[sflag:s23] =	ssyncset.done $0x0  }
0xa4: {  	s25 =	simm.s32 $0x1B8E;
	s24 =	sld [smem:$0x3FFE];
	[sflag:s23] =	ssyncadd.s32 $0xFFFFFFFF  }
0xa5: {  	s26 =	simm.s32 $execute0_lowered;
	[smem:$0x3FD2] =	sst s25  }
0xa6: {  	s5 =	sshll.u32 s26, $0x1;
	_ =	strace $0x80000049;
	[dreg:$0x1] =	wrdreg $0xFFFFFFFF  }
0xa7: {  	s28 =	simm.s32 $_size_execute0_lowered;
	s3 =	sadd.s32 s3, s5;
	[dreg:$0x0] =	wrdreg $0x0  }
0xa8: {  	s5 =	sshll.u32 s28, $0x1;
	[dreg:$0x2] =	wrdreg s3  }
0xa9: {  	[dreg:$0x3] =	wrdreg s5  }
0xaa: {  	[dreg:$0x4] =	wrdreg $0xC0  }
0xab: {  	_ =	task [dreg:s7], $0x5FFFF  }
0xac: {  	[dreg:$0x1] =	wrdreg $0xFFFFFFFF  }
0xad: {  	[dreg:$0x0] =	wrdreg $0x60  }
0xae: {  	[dreg:$0x2] =	wrdreg s24  }
0xaf: {  	[dreg:$0x3] =	wrdreg s2  }
0xb0: {  	[dreg:$0x4] =	wrdreg $0x0  }
0xb1: {  	[dreg:$0x5] =	wrdreg $0x9  }
0xb2: {  	_ =	task.clear_ibuf [dreg:s7], $0x6FFFF;
	_ =	strace $0x90000049  }
0xb3: {  	s29 =	simm.s32 $0x9;
	_ =	strace $0x8000004B  }
0xb4: {  	_ =	swait.ge [sflag:s29], $0x1  }
0xb5: {  	[sflag:s29] =	ssyncadd.s32 $0xFFFFFFFF  }
0xb6: {  	_ =	strace $0x9000004B  }
0xb7: {  	_ =	sfence  }
0xb8: {  	s30 =	sld [smem:$0x0];
	_ =	sdelay $0x2  }
0xb9: {  	s31 =	sshll.u32 s1, $0xD;
	s1 =	sshrl.u32 s1, $0x2  }
0xba: {  	s3 =	sand.u32 $0x4000, s31;
	s1 =	sadd.s32 s1, s30  }
0xbb: {  	s0 =	sor.u32 s3, s0;
	s1 =	sshll.u32 s1, $0x11  }
0xbc: {  	s0 =	sor.u32 s1, s0  }
0xbd: {  	s0 =	sadd.s32 $0x8F2B, s0  }
0xbe: {  	[sflag:s0] =	ssyncadd.remote.s32 $0x1  }
0xbf: {  	_ =	sfence.sel $0xFFFF  }
0xc0: {  	[dreg:$0x0] =	wrdreg $0xFFFFFFFF;
	(pc) =	sbr.abs _section_cstart, $3  }
0xc1: {  	[dreg:$0x1] =	wrdreg $0xFFFFFFFF  }
0xc2: {  	_ =	task.clear_ibuf [dreg:s7], $0x2FFFF;
	_ =	strace $0x9FFFFFFF  }
0xc3: {  	(tm) =	ssettm $0x7FFFFFFF  }
tec
execute0_lowered:
.L_overlay_start_1:
0x0: {  	(tag) =	ssettag $0x1  }
0x1: {  	s0 =	rddreg [dreg:$0x0]  }
0x2: {  	s2 =	rddreg [dreg:$0x2]  }
0x3: {  	s1 =	srdreg.scid;
	s3 =	simm.s32 $0x0;
	s18 =	simm.s32 $0x11170  }
0x4: {  	s19 =	simm.s32 $0x9;
	s28 =	simm.s32 $0x1;
	s29 =	simm.s32 $0x19630  }
0x5: {  	s30 =	simm.s32 $0x19D30;
	s31 =	simm.s32 $0x1A430;
	s17 =	simm.s32 $0x6  }
0x6: {  	s20 =	simm.s32 $0x0;
	s1 =	sand.u32 $0x1, s1;
	[smem:$0x7FF] =	sst s3  }
0x7: {  	s5 =	sadd.s32 $0x8200, s0;
	s6 =	sadd.s32 $0x3200, s0;
	s7 =	sadd.s32 $0x9FA00, s0  }
0x8: {  	s9 =	sadd.s32 $0xA4A00, s0;
	s14 =	sadd.s32 $0x103380, s2;
	s4 =	smul.u32 $0x222E0, s1  }
0x9: {  	_ =	strace $0x8000004A;
	[dreg:$0x4] =	wrdreg s5;
	s8 =	smul.u32 $0xAF0, s1  }
0xa: {  	s5 =	stileid.u32;
	s10 =	ssub.s32 $0x2, s1;
	s1 =	smul.u32 $0x111700, s1  }
0xb: {  	[dreg:$0x5] =	wrdreg s9;
	s23 =	smul.u32 $0x45200, s5;
	s11 =	sshrl.u32 s10, $0x1  }
0xc: {  	s12 =	smul.u32 $0x11480, s5;
	p0 =	seq.s32 s5, $0xF;
	s4 =	sadd.s32 s4, s0  }
0xd: {  	s8 =	sadd.s32 s8, s0;
	s0 =	sadd.s32 $0xA6E00, s0;
	s13 =	ssub.s32 s10, s11  }
0xe: {  	s10 =	smul.u32 $0x2710, s5;
	s15 =	sshrl.u32 @p0 s14, $0x3;
	s14 =	simm.s32 $0x5  }
0xf: {  	s9 =	sshrl.u32 s23, $0x2;
	s8 =	sadd.s32 $0xEB400, s8;
	s24 =	sadd.s32 s12, s1  }
0x10: {  	s11 =	sadd.s32 $0x5B400, s4;
	s1 =	sshrl.u32 s1, $0x3;
	[dreg:$0xa] =	wrdreg s15  }
0x11: {  	s26 =	smax.u32 s13, $0x1;
	s13 =	simm.s32 $0x1B930;
	[dreg:$0x6] =	wrdreg s8  }
0x12: {  	s9 =	sadd.s32 s9, s2;
	s25 =	sshrl.u32 s24, $0x3;
	[dreg:$0x9] =	wrdreg s26  }
0x13: {  	s24 =	simm.s32 $0x18830;
	s4 =	sadd.s32 s0, s25;
	s0 =	sadd.s32 s0, s1  }
0x14: {  	s26 =	simm.s32 $0x18F30;
	s8 =	simm.s32 $0x8;
	s0 =	sadd.s32 $0x20670, s0  }
0x15: {  	s1 =	sadd.s32 s12, s2;
	[dreg:$0x8] =	wrdreg s0;
	s0 =	sshll.u32 @!p0 s5, $0x6  }
0x16: {  	[dreg:$0x7] =	wrdreg s4;
	s16 =	sor.u32 @!p0 $0x1C09, s0;
	s0 =	sshrl.u32 @!p0 s9, $0x3  }
0x17: {  	s12 =	simm.s32 $0x1B230;
	s25 =	simm.s32 $0x7;
	[dreg:$0xc] =	wrdreg s0  }
0x18: {  	v1 =	vlaneseq.u32;
	s4 =	simm.s32 $0x3;
	s0 =	sshrl.u32 @!p0 s1, $0x3;
	[dreg:$0xb] =	wrdreg s16  }
0x19: {  	v0 =	vimm.f32 $0.0e+00;
	vm0 =	vmmov $0xffff;
	v1 =	vmul.u32 $0x70, v1;
	s9 =	simm.s32 $0x4;
	[dreg:$0xd] =	wrdreg s0;
	s0 =	simm.s32 $0x1AB30  }
.LBB2_1:
0x1a: {  	[dreg:$0xe] =	wrdreg s20  }
0x1b: {  	s1 =	simm.s32 @p0 $0x1FC9;
	s5 =	rddreg [dreg:$0x5]  }
0x1c: {  	[spmem:s15], [sflag:s1] =	dma.local @p0 [hbm:s5], $0x1C70  }
0x1d: {  	s1 =	simm.s32 @p0 $0x9  }
0x1e: {  	_ =	swait.ge @p0 [sflag:s1], $0x1C70  }
0x1f: {  	[sflag:s1] =	ssyncset.done @p0 $0x0  }
0x20: {  	[sflag:s1] =	ssyncadd.s32 @p0 $0xFFFFE390;
	s1 =	rddreg [dreg:$0xc]  }
0x21: {  	[spmem:s1], [sflag:s16] =	dma.local @!p0 [hbm:s5], $0x2290  }
0x22: {  	s1 =	simm.s32 @!p0 $0x9  }
0x23: {  	_ =	swait.ge @!p0 [sflag:s1], $0x2290  }
0x24: {  	[sflag:s1] =	ssyncset.done @!p0 $0x0  }
0x25: {  	s23 =	rddreg [dreg:$0x6];
	[sflag:s1] =	ssyncadd.s32 @!p0 $0xFFFFDD70  }
0x26: {  	[tilespmem:s18], [sflag:$0x9] =	stream.linear.gather [hbm4b:s23+s3], $0x5780, $0x38;
	[tilespmem:$0x1C030] =	vst v63  }
0x27: {  	_ =	swait.ge [sflag:s19], $0x5780  }
0x28: {  	[sflag:s19] =	ssyncset.done $0x0  }
0x29: {  	[sflag:s19] =	ssyncadd.s32 $0xFFFFA880  }
0x2a: {  	[bflag:$0x0] =	sbarrier.arrive $0xFFFF  }
0x2b: {  	[tilespmem:$0x1A490] =	vst v0  }
0x2c: {  	[tilespmem:$0x1AB90] =	vst v0  }
0x2d: {  	[tilespmem:$0x1B290] =	vst v0  }
0x2e: {  	[tilespmem:$0x1B990] =	vst v0  }
0x2f: {  	[tilespmem:$0x1A500] =	vst v0  }
0x30: {  	[tilespmem:$0x1AC00] =	vst v0  }
0x31: {  	[tilespmem:$0x1B300] =	vst v0  }
0x32: {  	[tilespmem:$0x1BA00] =	vst v0  }
0x33: {  	[tilespmem:$0x1A570] =	vst v0  }
0x34: {  	[tilespmem:$0x1AC70] =	vst v0  }
0x35: {  	[tilespmem:$0x1B370] =	vst v0  }
0x36: {  	[tilespmem:$0x1BA70] =	vst v0  }
0x37: {  	[tilespmem:$0x1A5E0] =	vst v0  }
0x38: {  	[tilespmem:$0x1ACE0] =	vst v0  }
0x39: {  	[tilespmem:$0x1B3E0] =	vst v0  }
0x3a: {  	[tilespmem:$0x1BAE0] =	vst v0  }
0x3b: {  	[tilespmem:$0x1A650] =	vst v0  }
0x3c: {  	[tilespmem:$0x1AD50] =	vst v0  }
0x3d: {  	[tilespmem:$0x1B450] =	vst v0  }
0x3e: {  	[tilespmem:$0x1BB50] =	vst v0  }
0x3f: {  	[tilespmem:$0x1A6C0] =	vst v0  }
0x40: {  	[tilespmem:$0x1ADC0] =	vst v0  }
0x41: {  	[tilespmem:$0x1B4C0] =	vst v0  }
0x42: {  	[tilespmem:$0x1BBC0] =	vst v0  }
0x43: {  	[tilespmem:$0x1A730] =	vst v0  }
0x44: {  	[tilespmem:$0x1AE30] =	vst v0  }
0x45: {  	[tilespmem:$0x1B530] =	vst v0  }
0x46: {  	[tilespmem:$0x1BC30] =	vst v0  }
0x47: {  	[tilespmem:$0x1A7A0] =	vst v0  }
0x48: {  	[tilespmem:$0x1AEA0] =	vst v0  }
0x49: {  	[tilespmem:$0x1B5A0] =	vst v0  }
0x4a: {  	[tilespmem:$0x1BCA0] =	vst v0  }
0x4b: {  	[tilespmem:$0x1A810] =	vst v0  }
0x4c: {  	[tilespmem:$0x1AF10] =	vst v0  }
0x4d: {  	[tilespmem:$0x1B610] =	vst v0  }
0x4e: {  	[tilespmem:$0x1BD10] =	vst v0  }
0x4f: {  	[tilespmem:$0x1A880] =	vst v0  }
0x50: {  	[tilespmem:$0x1AF80] =	vst v0  }
0x51: {  	[tilespmem:$0x1B680] =	vst v0  }
0x52: {  	[tilespmem:$0x1BD80] =	vst v0  }
0x53: {  	[tilespmem:$0x1A8F0] =	vst v0  }
0x54: {  	[tilespmem:$0x1AFF0] =	vst v0  }
0x55: {  	[tilespmem:$0x1B6F0] =	vst v0  }
0x56: {  	[tilespmem:$0x1BDF0] =	vst v0  }
0x57: {  	[tilespmem:$0x1A960] =	vst v0  }
0x58: {  	[tilespmem:$0x1B060] =	vst v0  }
0x59: {  	[tilespmem:$0x1B760] =	vst v0  }
0x5a: {  	[tilespmem:$0x1BE60] =	vst v0  }
0x5b: {  	[tilespmem:$0x1A9D0] =	vst v0  }
0x5c: {  	[tilespmem:$0x1B0D0] =	vst v0  }
0x5d: {  	[tilespmem:$0x1B7D0] =	vst v0  }
0x5e: {  	[tilespmem:$0x1BED0] =	vst v0  }
0x5f: {  	[tilespmem:$0x1AA40] =	vst v0  }
0x60: {  	[tilespmem:$0x1B140] =	vst v0  }
0x61: {  	[tilespmem:$0x1B840] =	vst v0  }
0x62: {  	[tilespmem:$0x1BF40] =	vst v0  }
0x63: {  	[tilespmem:$0x1AAB0] =	vst v0  }
0x64: {  	[tilespmem:$0x1B1B0] =	vst v0  }
0x65: {  	[tilespmem:$0x1B8B0] =	vst v0  }
0x66: {  	[tilespmem:$0x1BFB0] =	vst v0  }
0x67: {  	[tilespmem:$0x1AB20] =	vst v0  }
0x68: {  	[tilespmem:$0x1B220] =	vst v0  }
0x69: {  	[tilespmem:$0x1B920] =	vst v0  }
0x6a: {  	s16 =	simm.s32 $0x0;
	[tilespmem:$0x1C020] =	vst v0  }
.LBB2_2:
0x6b: {  	s1 =	smul.u32 $0x7D0, s16;
	_ =	sdelay $0x1  }
0x6c: {  	s1 =	sadd.s32 s10, s1  }
0x6d: {  	s5 =	rddreg [dreg:$0x4];
	s1 =	sshrl.u32 s1, $0x3  }
0x6e: {  	s15 =	simm.s32 $0x0;
	s21 =	simm.s32 $0x168F0;
	s20 =	sadd.s32 s5, s1  }
0x6f: {  	[tilespmem:s21], [sflag:$0x9] =	stream.linear.gather [hbm4b:s20+s15], $0x7D0, $0x38;
	[tilespmem:$0x1C030] =	vst v63  }
0x70: {  	_ =	swait.ge [sflag:s19], $0x7D0  }
0x71: {  	[sflag:s19] =	ssyncset.done $0x0  }
0x72: {  	s23 =	simm.s32 $0x170C0;
	s22 =	sadd.s32 s6, s1;
	[sflag:s19] =	ssyncadd.s32 $0xFFFFF830  }
0x73: {  	[tilespmem:s23], [sflag:$0x9] =	stream.linear.gather [hbm4b:s22+s15], $0x7D0, $0x38;
	[tilespmem:$0x1C030] =	vst v63  }
0x74: {  	_ =	swait.ge [sflag:s19], $0x7D0  }
0x75: {  	[sflag:s19] =	ssyncset.done $0x0  }
0x76: {  	[sflag:s19] =	ssyncadd.s32 $0xFFFFF830  }
0x77: {  	s20 =	rddreg [dreg:$0x1]  }
0x78: {  	s22 =	simm.s32 $0x17890;
	s21 =	sadd.s32 s20, s1  }
0x79: {  	[tilespmem:s22], [sflag:$0x9] =	stream.linear.gather [hbm4b:s21+s15], $0x7D0, $0x38;
	[tilespmem:$0x1C030] =	vst v63  }
0x7a: {  	_ =	swait.ge [sflag:s19], $0x7D0  }
0x7b: {  	[sflag:s19] =	ssyncset.done $0x0  }
0x7c: {  	s23 =	simm.s32 $0x18060;
	s1 =	sadd.s32 s7, s1;
	[sflag:s19] =	ssyncadd.s32 $0xFFFFF830  }
0x7d: {  	[tilespmem:s23], [sflag:$0x9] =	stream.linear.gather [hbm4b:s1+s15], $0x7D0, $0x38;
	[tilespmem:$0x1C030] =	vst v63  }
0x7e: {  	_ =	swait.ge [sflag:s19], $0x7D0  }
0x7f: {  	[sflag:s19] =	ssyncset.done $0x0  }
0x80: {  	[sflag:s19] =	ssyncadd.s32 $0xFFFFF830  }
0x81: {  	v2 =	vld [tilespmem:$0x168F0];
	_ =	sdelay $0x7  }
0x82: {  	[tilespmem:s24], [sflag:$0x1] =	stream.indirect_vreg.gather [hbm4b:s11+s15], $0x70, v2, vm0, $0xb8;
	[tilespmem:$0x1C030] =	vst v63  }
0x83: {  	v2 =	vld [tilespmem:$0x16900];
	_ =	sdelay $0x7  }
0x84: {  	[tilespmem:s26], [sflag:$0x2] =	stream.indirect_vreg.gather [hbm4b:s11+s15], $0x70, v2, vm0, $0xb8;
	[tilespmem:$0x1C030] =	vst v63  }
.LBB2_3:
0x85: {  	p1 =	seq.s32 s15, $0x0  }
0x86: {  	s1 =	simm.s32 @!p1 $0x5  }
0x87: {  	_ =	swait.ge @!p1 [sflag:s1], $0x700  }
0x88: {  	[sflag:s1] =	ssyncset.done @!p1 $0x0  }
0x89: {  	[sflag:s1] =	ssyncadd.s32 @!p1 $0xFFFFF900;
	s1 =	simm.s32 @!p1 $0x6  }
0x8a: {  	_ =	swait.ge @!p1 [sflag:s1], $0x700  }
0x8b: {  	[sflag:s1] =	ssyncset.done @!p1 $0x0  }
0x8c: {  	[sflag:s1] =	ssyncadd.s32 @!p1 $0xFFFFF900  }
0x8d: {  	_ =	swait.ge [sflag:s28], $0x700  }
0x8e: {  	[sflag:s28] =	ssyncset.done $0x0  }
0x8f: {  	s20 =	simm.s32 $0x2;
	[sflag:s28] =	ssyncadd.s32 $0xFFFFF900  }
0x90: {  	_ =	swait.ge [sflag:s20], $0x700  }
0x91: {  	[sflag:s20] =	ssyncset.done $0x0  }
0x92: {  	s1 =	sshll.u32 s15, $0x6;
	[sflag:s20] =	ssyncadd.s32 $0xFFFFF900  }
0x93: {  	v2 =	vld [tilespmem:s1+$0x16910];
	_ =	sdelay $0x7  }
0x94: {  	[tilespmem:s29], [sflag:$0x3] =	stream.indirect_vreg.gather [hbm4b:s11+s3], $0x70, v2, vm0, $0xb8;
	[tilespmem:$0x1C030] =	vst v63  }
0x95: {  	v2 =	vld [tilespmem:s1+$0x16920];
	_ =	sdelay $0x7  }
0x96: {  	[tilespmem:s30], [sflag:$0x4] =	stream.indirect_vreg.gather [hbm4b:s11+s3], $0x70, v2, vm0, $0xb8;
	[tilespmem:$0x1C030] =	vst v63  }
0x97: {  	v2 =	vld [tilespmem:s1+$0x17890];
	_ =	sdelay $0x1  }
0x98: {  	s21 =	simm.s32 $0x0;
	v3 =	vld [tilespmem:s1+$0x178A0]  }
0x99: {  	v4 =	vmov s21  }
0x9a: {  	v5 =	vand.u32 $0x78, v4  }
0x9b: {  	v4 =	vand.u32 $0x4, v4;
	v6 =	vadd.s32 v1, v5;
	v2 =	vmul.u32 $0x70, v2  }
0x9c: {  	v7 =	vor.u32 $0x1, v4;
	v13 =	vor.u32 v4, v6  }
0x9d: {  	v12 =	vor.u32 v7, v6;
	v3 =	vmul.u32 $0x70, v3;
	v6 =	vadd.s32 v2, v5  }
0x9e: {  	v8 =	vor.u32 v4, v6  }
0x9f: {  	v5 =	vadd.s32 v3, v5;
	v6 =	vor.u32 v7, v6  }
0xa0: {  	v4 =	vor.u32 v4, v5  }
0xa1: {  	v9 =	vld.idx.msk [tilespmem:v13+s24+$0x0], $0xffff;
	v5 =	vor.u32 v7, v5  }
0xa2: {  	v7 =	vld.idx.msk [tilespmem:v12+s24+$0x0], $0xffff  }
0xa3: {  	v10 =	vmov s20;
	v11 =	vld.idx.msk [tilespmem:v8+s18+$0x0], $0xffff  }
0xa4: {  	v8 =	vand.u32 $0x78, v10;
	v6 =	vld.idx.msk [tilespmem:v6+s18+$0x0], $0xffff  }
0xa5: {  	v10 =	vand.u32 $0x6, v10;
	v15 =	vld.idx.msk [tilespmem:v4+s18+$0x0], $0xffff;
	v14 =	vadd.s32 v2, v8  }
0xa6: {  	v17 =	vld.idx.msk [tilespmem:v5+s18+$0x0], $0xffff;
	v4 =	vor.u32 $0x1, v10;
	v5 =	vadd.s32 v3, v8;
	v18 =	vadd.s32 v1, v8  }
0xa7: {  	v19 =	vld.idx.msk [tilespmem:v13+s26+$0x0], $0xffff;
	v16 =	vor.u32 v10, v14;
	v14 =	vor.u32 v4, v14;
	v20 =	vor.u32 v10, v5  }
0xa8: {  	v21 =	vor.u32 v4, v5;
	v8 =	vor.u32 v10, v18;
	v10 =	vld.idx.msk [tilespmem:v12+s26+$0x0], $0xffff;
	v4 =	vor.u32 v4, v18  }
0xa9: {  	v18 =	vshll.u32 v11, $0x10;
	v11 =	vand.u32 $0xFFFF0000, v11;
	v22 =	vshll.u32 v6, $0x10  }
0xaa: {  	v5 =	vld [tilespmem:s1+$0x18060];
	v6 =	vand.u32 $0xFFFF0000, v6;
	v23 =	vshll.u32 v15, $0x10;
	v15 =	vand.u32 $0xFFFF0000, v15  }
0xab: {  	v24 =	vshll.u32 v17, $0x10;
	v18 =	vmul.f32 v18, v9;
	v11 =	vmul.f32 v11, v7  }
0xac: {  	v17 =	vand.u32 $0xFFFF0000, v17;
	v7 =	vmul.f32 v22, v7;
	v9 =	vmul.f32 v6, v9;
	v6 =	vld [tilespmem:s1+$0x18070]  }
0xad: {  	v16 =	vld.idx.msk [tilespmem:v16+s18+$0x0], $0xffff;
	v15 =	vmul.f32 v15, v10;
	v11 =	vadd.f32 v11, v18;
	v18 =	vmul.f32 v23, v19  }
0xae: {  	v7 =	vadd.f32 v9, v7;
	v9 =	vmul.f32 v24, v10;
	v10 =	vmul.f32 v17, v19  }
0xaf: {  	s23 =	simm.s32 $0x6;
	v17 =	vmul.f32 v11, v5;
	v11 =	vadd.f32 v15, v18  }
0xb0: {  	s5 =	simm.s32 $0x4;
	v18 =	vmov s23;
	v19 =	vmul.f32 v7, v5;
	v9 =	vadd.f32 v10, v9  }
0xb1: {  	v14 =	vld.idx.msk [tilespmem:v14+s18+$0x0], $0xffff;
	v10 =	vmov s5;
	v22 =	vand.u32 $0x78, v18;
	v18 =	vand.u32 $0x6, v18  }
0xb2: {  	v28 =	vld.idx.msk [tilespmem:v8+s24+$0x0], $0xffff;
	v15 =	vshll.u32 v16, $0x10;
	v23 =	vmul.f32 v11, v6;
	v11 =	vand.u32 $0x78, v10  }
0xb3: {  	v31 =	vld.idx.msk [tilespmem:v4+s24+$0x0], $0xffff;
	v24 =	vmul.f32 v9, v6;
	v9 =	vand.u32 $0x4, v10;
	v10 =	vadd.s32 v1, v11  }
0xb4: {  	v20 =	vld.idx.msk [tilespmem:v20+s18+$0x0], $0xffff;
	v25 =	vor.u32 $0x1, v18;
	v27 =	vor.u32 $0x1, v9;
	v26 =	vor.u32 v9, v10  }
0xb5: {  	v21 =	vld.idx.msk [tilespmem:v21+s18+$0x0], $0xffff;
	v29 =	vadd.s32 v2, v22;
	v30 =	vor.u32 v27, v10;
	v10 =	vadd.s32 v2, v11  }
0xb6: {  	v35 =	vld.idx.msk [tilespmem:v8+s26+$0x0], $0xffff;
	v32 =	vadd.s32 v3, v22;
	v22 =	vadd.s32 v1, v22;
	v33 =	vor.u32 v9, v10  }
0xb7: {  	v36 =	vld.idx.msk [tilespmem:v4+s26+$0x0], $0xffff;
	v16 =	vand.u32 $0xFFFF0000, v16;
	v11 =	vadd.s32 v3, v11;
	v10 =	vor.u32 v27, v10  }
0xb8: {  	v7 =	vld [tilespmem:s1+$0x170C0];
	v15 =	vmul.f32 v15, v28;
	v16 =	vmul.f32 v16, v31;
	v38 =	vor.u32 v9, v11  }
0xb9: {  	v34 =	vor.u32 v18, v29;
	v37 =	vor.u32 v18, v32;
	v11 =	vor.u32 v27, v11;
	v39 =	vld.idx.msk [tilespmem:v26+s24+$0x0], $0xffff  }
0xba: {  	v9 =	vor.u32 v18, v22;
	v27 =	vshll.u32 v14, $0x10;
	v15 =	vadd.f32 v16, v15;
	v18 =	vld.idx.msk [tilespmem:v30+s24+$0x0], $0xffff  }
0xbb: {  	v27 =	vmul.f32 v27, v31;
	v31 =	vshll.u32 v20, $0x10;
	v20 =	vand.u32 $0xFFFF0000, v20;
	v33 =	vld.idx.msk [tilespmem:v33+s18+$0x0], $0xffff  }
0xbc: {  	v14 =	vand.u32 $0xFFFF0000, v14;
	v31 =	vmul.f32 v31, v35;
	v20 =	vmul.f32 v20, v36;
	v40 =	vld.idx.msk [tilespmem:v10+s18+$0x0], $0xffff  }
0xbd: {  	v15 =	vmul.f32 v15, v5;
	v10 =	vmul.f32 v14, v28;
	v28 =	vld.idx.msk [tilespmem:v38+s18+$0x0], $0xffff  }
0xbe: {  	v14 =	vshll.u32 v21, $0x10;
	v21 =	vand.u32 $0xFFFF0000, v21;
	v16 =	vld.idx.msk [tilespmem:v11+s18+$0x0], $0xffff;
	v11 =	vor.u32 v25, v22  }
0xbf: {  	v22 =	vld.idx.msk [tilespmem:v26+s26+$0x0], $0xffff;
	v14 =	vmul.f32 v14, v36;
	v21 =	vmul.f32 v21, v35;
	v10 =	vadd.f32 v10, v27  }
0xc0: {  	s23 =	simm.s32 $0x8;
	v29 =	vor.u32 v25, v29;
	v32 =	vor.u32 v25, v32;
	v20 =	vadd.f32 v20, v31;
	v25 =	vld.idx.msk [tilespmem:v30+s26+$0x0], $0xffff  }
0xc1: {  	v21 =	vadd.f32 v21, v14;
	v27 =	vmul.f32 v10, v5;
	v10 =	vld [tilespmem:s1+$0x170D0];
	[tilespmem:v8+s31+$0x0] =	vst.idx.msk $0xffff, v15;
	v15 =	vmov s23  }
0xc2: {  	[tilespmem:v13+s31+$0x0] =	vst.idx.msk $0xffff, v17;
	v14 =	vshll.u32 v33, $0x10;
	v31 =	vand.u32 $0xFFFF0000, v33;
	v17 =	vshll.u32 v40, $0x10  }
0xc3: {  	v45 =	vand.u32 $0xFFFF0000, v40;
	v46 =	vshll.u32 v28, $0x10;
	v28 =	vand.u32 $0xFFFF0000, v28  }
0xc4: {  	[tilespmem:v12+s31+$0x0] =	vst.idx.msk $0xffff, v19;
	v19 =	vshll.u32 v16, $0x10;
	v14 =	vmul.f32 v14, v39;
	v31 =	vmul.f32 v31, v18  }
0xc5: {  	s22 =	simm.s32 $0xA;
	v17 =	vmul.f32 v17, v18;
	v18 =	vmul.f32 v45, v39;
	[tilespmem:v13+s0+$0x0] =	vst.idx.msk $0xffff, v23;
	v13 =	vand.u32 $0xFFFF0000, v16  }
0xc6: {  	v28 =	vmul.f32 v28, v25;
	v13 =	vmul.f32 v13, v22;
	[tilespmem:v12+s0+$0x0] =	vst.idx.msk $0xffff, v24;
	v12 =	vmov s22  }
0xc7: {  	v34 =	vld.idx.msk [tilespmem:v34+s18+$0x0], $0xffff;
	v14 =	vadd.f32 v31, v14;
	v31 =	vmul.f32 v46, v22;
	v16 =	vadd.f32 v18, v17  }
0xc8: {  	v51 =	vld.idx.msk [tilespmem:v9+s26+$0x0], $0xffff;
	v24 =	vand.u32 $0x78, v15;
	v15 =	vand.u32 $0x4, v15;
	v17 =	vmul.f32 v19, v25  }
0xc9: {  	v47 =	vld.idx.msk [tilespmem:v11+s24+$0x0], $0xffff;
	v14 =	vmul.f32 v14, v5;
	v18 =	vadd.f32 v28, v31;
	v16 =	vmul.f32 v16, v5  }
0xca: {  	[tilespmem:v4+s31+$0x0] =	vst.idx.msk $0xffff, v27;
	v13 =	vadd.f32 v13, v17;
	v17 =	vand.u32 $0x78, v12;
	v31 =	vadd.s32 v2, v24  }
0xcb: {  	v22 =	vld.idx.msk [tilespmem:v29+s18+$0x0], $0xffff;
	v29 =	vadd.s32 v2, v17;
	v48 =	vadd.s32 v3, v17;
	v49 =	vor.u32 v15, v31  }
0xcc: {  	v12 =	vand.u32 $0x6, v12;
	v17 =	vadd.s32 v1, v17;
	v18 =	vmul.f32 v18, v6;
	[tilespmem:v26+s31+$0x0] =	vst.idx.msk $0xffff, v14  }
0xcd: {  	v23 =	vld.idx.msk [tilespmem:v37+s18+$0x0], $0xffff;
	v25 =	vmul.f32 v13, v6;
	v13 =	vadd.s32 v1, v24;
	v50 =	vor.u32 v12, v29  }
0xce: {  	v19 =	vshll.u32 v34, $0x10;
	v24 =	vadd.s32 v3, v24;
	[tilespmem:v30+s31+$0x0] =	vst.idx.msk $0xffff, v16;
	v14 =	vor.u32 v15, v13  }
0xcf: {  	v28 =	vor.u32 $0x1, v12;
	v16 =	vld.idx.msk [tilespmem:v32+s18+$0x0], $0xffff;
	v54 =	vor.u32 v15, v24;
	[tilespmem:v26+s0+$0x0] =	vst.idx.msk $0xffff, v18;
	v18 =	vor.u32 $0x1, v15  }
0xd0: {  	v29 =	vor.u32 v28, v29;
	v53 =	vor.u32 v12, v48;
	v26 =	vld.idx.msk [tilespmem:v9+s24+$0x0], $0xffff;
	v13 =	vor.u32 v18, v13  }
0xd1: {  	v52 =	vld.idx.msk [tilespmem:v11+s26+$0x0], $0xffff;
	v33 =	vor.u32 v28, v48;
	v31 =	vor.u32 v18, v31;
	v18 =	vor.u32 v18, v24  }
0xd2: {  	v27 =	vshll.u32 v22, $0x10;
	v22 =	vand.u32 $0xFFFF0000, v22;
	v15 =	vor.u32 v12, v17;
	[tilespmem:v30+s0+$0x0] =	vst.idx.msk $0xffff, v25;
	v25 =	vld.idx.msk [tilespmem:v49+s18+$0x0], $0xffff  }
0xd3: {  	v12 =	vor.u32 v28, v17;
	v17 =	vand.u32 $0xFFFF0000, v34;
	v27 =	vmul.f32 v27, v47;
	v24 =	vld.idx.msk [tilespmem:v14+s24+$0x0], $0xffff  }
0xd4: {  	v30 =	vshll.u32 v23, $0x10;
	v17 =	vmul.f32 v17, v47;
	v55 =	vshll.u32 v16, $0x10;
	v56 =	vld.idx.msk [tilespmem:v54+s18+$0x0], $0xffff  }
0xd5: {  	v16 =	vand.u32 $0xFFFF0000, v16;
	v19 =	vmul.f32 v19, v26;
	v22 =	vmul.f32 v22, v26;
	v28 =	vld.idx.msk [tilespmem:v13+s24+$0x0], $0xffff  }
0xd6: {  	v23 =	vand.u32 $0xFFFF0000, v23;
	v57 =	vmul.f32 v16, v51;
	v26 =	vld.idx.msk [tilespmem:v18+s18+$0x0], $0xffff;
	v18 =	vmul.f32 v30, v51  }
0xd7: {  	v31 =	vld.idx.msk [tilespmem:v31+s18+$0x0], $0xffff;
	v17 =	vadd.f32 v17, v19;
	v19 =	vmul.f32 v23, v52;
	v22 =	vadd.f32 v22, v27  }
0xd8: {  	v30 =	vmul.f32 v55, v52;
	v58 =	vld.idx.msk [tilespmem:v13+s26+$0x0], $0xffff;
	v27 =	vmul.f32 v20, v6  }
0xd9: {  	v23 =	vld.idx.msk [tilespmem:v14+s26+$0x0], $0xffff;
	v59 =	vmul.f32 v17, v5;
	v16 =	vadd.f32 v19, v18;
	v20 =	vmul.f32 v22, v5  }
0xda: {  	v19 =	vld.idx.msk [tilespmem:v50+s18+$0x0], $0xffff;
	v17 =	vadd.f32 v57, v30;
	v18 =	vmul.f32 v21, v6;
	v30 =	vshll.u32 v25, $0x10  }
0xdb: {  	v25 =	vand.u32 $0xFFFF0000, v25;
	v22 =	vld.idx.msk [tilespmem:v29+s18+$0x0], $0xffff;
	v35 =	vand.u32 $0xFFFF0000, v56;
	v30 =	vmul.f32 v30, v24  }
0xdc: {  	v21 =	vld.idx.msk [tilespmem:v53+s18+$0x0], $0xffff;
	v60 =	vshll.u32 v31, $0x10;
	v29 =	vand.u32 $0xFFFF0000, v31;
	v31 =	vshll.u32 v56, $0x10  }
0xdd: {  	[tilespmem:v9+s31+$0x0] =	vst.idx.msk $0xffff, v59;
	v25 =	vmul.f32 v25, v28;
	v61 =	vshll.u32 v26, $0x10;
	v62 =	vand.u32 $0xFFFF0000, v26;
	v26 =	vld.idx.msk [tilespmem:v12+s24+$0x0], $0xffff  }
0xde: {  	[tilespmem:v11+s31+$0x0] =	vst.idx.msk $0xffff, v20;
	v20 =	vld.idx.msk [tilespmem:v33+s18+$0x0], $0xffff;
	v28 =	vmul.f32 v60, v28;
	v29 =	vmul.f32 v29, v24  }
0xdf: {  	v35 =	vmul.f32 v35, v58;
	v24 =	vld.idx.msk [tilespmem:v15+s24+$0x0], $0xffff;
	v63 =	vmul.f32 v31, v23;
	v25 =	vadd.f32 v25, v30  }
0xe0: {  	s21 =	sor.u32 $0x20, s1;
	v31 =	vmul.f32 v61, v58;
	v32 =	vmul.f32 v62, v23;
	v23 =	vld.idx.msk [tilespmem:v15+s26+$0x0], $0xffff;
	v30 =	vadd.f32 v29, v28  }
0xe1: {  	s20 =	sor.u32 $0x30, s1;
	s23 =	simm.s32 $0xE;
	s22 =	simm.s32 $0x4;
	v33 =	vadd.f32 v35, v63;
	v28 =	vshll.u32 v19, $0x10;
	v29 =	vmul.f32 v25, v5;
	v25 =	vld.idx.msk [tilespmem:v12+s26+$0x0], $0xffff  }
.LBB2_4:
0xe2: {  	s5 =	sadd.s32 $0xFFFFFFFE, s23;
	v34 =	vmov s23;
	v30 =	vmul.f32 v30, v5;
	v31 =	vadd.f32 v32, v31;
	[tilespmem:v8+s0+$0x0] =	vst.idx.msk $0xffff, v27;
	v8 =	vmovc v9  }
0xe3: {  	v9 =	vmovc v15;
	v27 =	vmov s5;
	v32 =	vand.u32 $0x78, v34;
	v33 =	vmul.f32 v33, v6;
	[tilespmem:v14+s31+$0x0] =	vst.idx.msk $0xffff, v29  }
0xe4: {  	v29 =	vand.u32 $0x6, v34;
	v15 =	vand.u32 $0x78, v27;
	v31 =	vmul.f32 v31, v6;
	[tilespmem:v13+s31+$0x0] =	vst.idx.msk $0xffff, v30  }
0xe5: {  	v27 =	vand.u32 $0x4, v27;
	v34 =	vor.u32 $0x1, v29;
	v30 =	vadd.s32 v1, v15;
	[tilespmem:v14+s0+$0x0] =	vst.idx.msk $0xffff, v33  }
0xe6: {  	v35 =	vadd.s32 v2, v32;
	v33 =	vor.u32 $0x1, v27;
	v14 =	vor.u32 v27, v30;
	[tilespmem:v13+s0+$0x0] =	vst.idx.msk $0xffff, v31  }
0xe7: {  	v13 =	vor.u32 v33, v30;
	v30 =	vadd.s32 v2, v15;
	v31 =	vadd.s32 v3, v32  }
0xe8: {  	v37 =	vor.u32 v29, v35;
	v35 =	vor.u32 v34, v35;
	v36 =	vor.u32 v27, v30  }
0xe9: {  	s22 =	sadd.s32 $0x2, s22;
	v15 =	vadd.s32 v3, v15;
	v30 =	vor.u32 v33, v30;
	v38 =	vor.u32 v29, v31  }
0xea: {  	p2 =	slt.u32 s22, $0x30;
	v32 =	vadd.s32 v1, v32;
	v27 =	vor.u32 v27, v15;
	v31 =	vor.u32 v34, v31  }
0xeb: {  	v33 =	vor.u32 v33, v15;
	v15 =	vor.u32 v29, v32;
	v29 =	vor.u32 v34, v32;
	v39 =	vld.idx.msk [tilespmem:v14+s24+$0x0], $0xffff  }
0xec: {  	v19 =	vand.u32 $0xFFFF0000, v19;
	v34 =	vshll.u32 v22, $0x10;
	v22 =	vand.u32 $0xFFFF0000, v22;
	v32 =	vld.idx.msk [tilespmem:v13+s24+$0x0], $0xffff;
	[tilespmem:v4+s0+$0x0] =	vst.idx.msk $0xffff, v18;
	v4 =	vmovc v11  }
0xed: {  	v40 =	vshll.u32 v20, $0x10;
	v18 =	vshll.u32 v21, $0x10;
	v21 =	vand.u32 $0xFFFF0000, v21;
	v11 =	vmovc v12;
	v12 =	vmovc v29;
	v36 =	vld.idx.msk [tilespmem:v36+s18+$0x0], $0xffff  }
0xee: {  	v20 =	vand.u32 $0xFFFF0000, v20;
	v28 =	vmul.f32 v28, v24;
	v19 =	vmul.f32 v19, v26;
	v29 =	vld.idx.msk [tilespmem:v30+s18+$0x0], $0xffff  }
0xef: {  	v26 =	vmul.f32 v34, v26;
	v22 =	vmul.f32 v22, v24;
	v30 =	vld.idx.msk [tilespmem:v27+s18+$0x0], $0xffff  }
0xf0: {  	v19 =	vadd.f32 v19, v28;
	v18 =	vmul.f32 v18, v23;
	v21 =	vmul.f32 v21, v25;
	v24 =	vld.idx.msk [tilespmem:v33+s18+$0x0], $0xffff  }
0xf1: {  	v20 =	vmul.f32 v20, v23;
	v22 =	vadd.f32 v22, v26;
	v25 =	vmul.f32 v40, v25;
	v28 =	vld.idx.msk [tilespmem:v14+s26+$0x0], $0xffff  }
0xf2: {  	v26 =	vmul.f32 v19, v5;
	v27 =	vmul.f32 v16, v6;
	v16 =	vadd.f32 v21, v18;
	v23 =	vld.idx.msk [tilespmem:v13+s26+$0x0], $0xffff  }
0xf3: {  	v18 =	vmul.f32 v17, v6;
	v17 =	vadd.f32 v20, v25;
	v33 =	vmul.f32 v22, v5;
	v19 =	vld.idx.msk [tilespmem:v37+s18+$0x0], $0xffff  }
0xf4: {  	v20 =	vshll.u32 v36, $0x10;
	v25 =	vand.u32 $0xFFFF0000, v36;
	v34 =	vshll.u32 v29, $0x10;
	v22 =	vld.idx.msk [tilespmem:v35+s18+$0x0], $0xffff;
	[tilespmem:v9+s31+$0x0] =	vst.idx.msk $0xffff, v26  }
0xf5: {  	v26 =	vand.u32 $0xFFFF0000, v29;
	v29 =	vshll.u32 v30, $0x10;
	v30 =	vand.u32 $0xFFFF0000, v30;
	v21 =	vld.idx.msk [tilespmem:v38+s18+$0x0], $0xffff;
	[tilespmem:v11+s31+$0x0] =	vst.idx.msk $0xffff, v33  }
.Ltmp0:
0xf6: {  	v25 =	vmul.f32 v25, v32;
	v33 =	vmul.f32 v20, v39;
	v35 =	vshll.u32 v24, $0x10;
	v20 =	vld.idx.msk [tilespmem:v31+s18+$0x0], $0xffff;
	(pc) =	sbr.rel @p2 .LBB2_4-.Ltmp0, $4  }
0xf7: {  	v31 =	vmul.f32 v34, v32;
	v32 =	vmul.f32 v26, v39;
	v34 =	vand.u32 $0xFFFF0000, v24;
	v24 =	vld.idx.msk [tilespmem:v15+s24+$0x0], $0xffff  }
0xf8: {  	v25 =	vadd.f32 v25, v33;
	v33 =	vmul.f32 v29, v28;
	v36 =	vmul.f32 v30, v23;
	v26 =	vld.idx.msk [tilespmem:v12+s24+$0x0], $0xffff  }
0xf9: {  	v30 =	vadd.f32 v32, v31;
	v31 =	vmul.f32 v35, v23;
	v32 =	vmul.f32 v34, v28;
	v23 =	vld.idx.msk [tilespmem:v15+s26+$0x0], $0xffff  }
0xfa: {  	s23 =	sadd.s32 $0x4, s23;
	v28 =	vshll.u32 v19, $0x10;
	v29 =	vmul.f32 v25, v5;
	v33 =	vadd.f32 v36, v33;
	v25 =	vld.idx.msk [tilespmem:v12+s26+$0x0], $0xffff  }
0xfb: {  	_ =	sdelay $0x3  }
0xfc: {  	v2 =	vadd.f32 v32, v31;
	v3 =	vmul.f32 v30, v5;
	[tilespmem:v8+s0+$0x0] =	vst.idx.msk $0xffff, v27;
	v8 =	vand.u32 $0xFFFF0000, v19  }
0xfd: {  	v19 =	vshll.u32 v22, $0x10;
	v22 =	vand.u32 $0xFFFF0000, v22;
	v30 =	vmul.f32 v33, v6  }
0xfe: {  	[tilespmem:v14+s31+$0x0] =	vst.idx.msk $0xffff, v29;
	v27 =	vmul.f32 v28, v24;
	v22 =	vmul.f32 v22, v24  }
0xff: {  	v2 =	vmul.f32 v2, v6;
	v8 =	vmul.f32 v8, v26;
	[tilespmem:v13+s31+$0x0] =	vst.idx.msk $0xffff, v3;
	v3 =	vshll.u32 v21, $0x10  }
0x100: {  	v19 =	vmul.f32 v19, v26;
	[tilespmem:v14+s0+$0x0] =	vst.idx.msk $0xffff, v30;
	v14 =	vand.u32 $0xFFFF0000, v21;
	v21 =	vshll.u32 v20, $0x10  }
0x101: {  	v3 =	vmul.f32 v3, v23;
	v8 =	vadd.f32 v8, v27;
	v14 =	vmul.f32 v14, v25  }
0x102: {  	v19 =	vadd.f32 v22, v19;
	[tilespmem:v13+s0+$0x0] =	vst.idx.msk $0xffff, v2;
	v2 =	vand.u32 $0xFFFF0000, v20;
	v13 =	vmul.f32 v21, v25  }
0x103: {  	v2 =	vmul.f32 v2, v23;
	v8 =	vmul.f32 v8, v5  }
0x104: {  	[tilespmem:v4+s0+$0x0] =	vst.idx.msk $0xffff, v18;
	v4 =	vmul.f32 v19, v5;
	v5 =	vmul.f32 v16, v6  }
0x105: {  	v3 =	vadd.f32 v14, v3;
	[tilespmem:v15+s31+$0x0] =	vst.idx.msk $0xffff, v8  }
0x106: {  	v2 =	vadd.f32 v2, v13;
	v8 =	vmul.f32 v17, v6;
	[tilespmem:v9+s0+$0x0] =	vst.idx.msk $0xffff, v5  }
0x107: {  	v3 =	vmul.f32 v3, v6;
	[tilespmem:v12+s31+$0x0] =	vst.idx.msk $0xffff, v4  }
0x108: {  	v2 =	vmul.f32 v2, v6;
	[tilespmem:v11+s0+$0x0] =	vst.idx.msk $0xffff, v8  }
0x109: {  	[tilespmem:v15+s0+$0x0] =	vst.idx.msk $0xffff, v3  }
0x10a: {  	[tilespmem:v12+s0+$0x0] =	vst.idx.msk $0xffff, v2  }
0x10b: {  	[spmem:s2] =	stream.indirect_vreg.scatter.add.f32 [tilespmem:s31], [sflag:$0x5], $0x70, v7, vm0, $0xb8;
	[tilespmem:$0x1C030] =	vst v63  }
0x10c: {  	s5 =	simm.s32 @!p1 $0x7  }
0x10d: {  	[spmem:s2] =	stream.indirect_vreg.scatter.add.f32 [tilespmem:s0], [sflag:$0x6], $0x70, v10, vm0, $0xb8;
	[tilespmem:$0x1C030] =	vst v63  }
0x10e: {  	_ =	swait.ge @!p1 [sflag:s5], $0x700  }
0x10f: {  	[sflag:s5] =	ssyncset.done @!p1 $0x0  }
0x110: {  	[sflag:s5] =	ssyncadd.s32 @!p1 $0xFFFFF900;
	s5 =	simm.s32 @!p1 $0x8  }
0x111: {  	_ =	swait.ge @!p1 [sflag:s5], $0x700  }
0x112: {  	[sflag:s5] =	ssyncset.done @!p1 $0x0  }
0x113: {  	[sflag:s5] =	ssyncadd.s32 @!p1 $0xFFFFF900  }
0x114: {  	_ =	swait.ge [sflag:s4], $0x700  }
0x115: {  	[sflag:s4] =	ssyncset.done $0x0  }
0x116: {  	[sflag:s4] =	ssyncadd.s32 $0xFFFFF900  }
0x117: {  	_ =	swait.ge [sflag:s9], $0x700  }
0x118: {  	[sflag:s9] =	ssyncset.done $0x0  }
0x119: {  	[sflag:s9] =	ssyncadd.s32 $0xFFFFF900  }
0x11a: {  	v2 =	vld [tilespmem:s1+$0x16930];
	_ =	sdelay $0x6  }
0x11b: {  	p1 =	seq.s32 s15, $0x1E  }
0x11c: {  	[tilespmem:s24], [sflag:$0x1] =	stream.indirect_vreg.gather [hbm4b:s11+s3], $0x70, v2, vm0, $0xb8;
	[tilespmem:$0x1C030] =	vst v63  }
0x11d: {  	v2 =	vld @!p1 [tilespmem:s1+$0x16940];
	_ =	sdelay $0x6  }
0x11e: {  	vm1 =	vmmov @!p1 $0xffff;
	s5 =	simm.s32 @!p1 $0x18F30;
	s1 =	simm.s32 @!p1 $0x0  }
0x11f: {  	[tilespmem:s5], [sflag:$0x2] =	stream.indirect_vreg.gather @!p1 [hbm4b:s11+s1], $0x70, v2, vm1, $0xb8;
	[tilespmem:$0x1C030] =	vst v63  }
0x120: {  	v2 =	vld [tilespmem:s21+$0x17890];
	_ =	sdelay $0x1  }
0x121: {  	s23 =	simm.s32 $0x0;
	v3 =	vld [tilespmem:s20+$0x17890]  }
0x122: {  	v4 =	vmov s23  }
0x123: {  	v5 =	vand.u32 $0x78, v4  }
0x124: {  	v4 =	vand.u32 $0x4, v4;
	v6 =	vadd.s32 v1, v5;
	v2 =	vmul.u32 $0x70, v2  }
0x125: {  	v13 =	vor.u32 v4, v6;
	v7 =	vor.u32 $0x1, v4  }
0x126: {  	v12 =	vor.u32 v7, v6;
	v3 =	vmul.u32 $0x70, v3;
	v6 =	vadd.s32 v2, v5  }
0x127: {  	v8 =	vor.u32 v4, v6  }
0x128: {  	v5 =	vadd.s32 v3, v5;
	v6 =	vor.u32 v7, v6  }
0x129: {  	v4 =	vor.u32 v4, v5  }
0x12a: {  	v9 =	vld.idx.msk [tilespmem:v13+s29+$0x0], $0xffff;
	v5 =	vor.u32 v7, v5  }
0x12b: {  	s5 =	simm.s32 $0x2;
	v7 =	vld.idx.msk [tilespmem:v12+s29+$0x0], $0xffff  }
0x12c: {  	v10 =	vmov s5;
	v11 =	vld.idx.msk [tilespmem:v8+s18+$0x0], $0xffff  }
0x12d: {  	v8 =	vand.u32 $0x78, v10;
	v6 =	vld.idx.msk [tilespmem:v6+s18+$0x0], $0xffff  }
0x12e: {  	v10 =	vand.u32 $0x6, v10;
	v15 =	vld.idx.msk [tilespmem:v4+s18+$0x0], $0xffff;
	v14 =	vadd.s32 v2, v8  }
0x12f: {  	v17 =	vld.idx.msk [tilespmem:v5+s18+$0x0], $0xffff;
	v4 =	vor.u32 $0x1, v10;
	v5 =	vadd.s32 v3, v8;
	v18 =	vadd.s32 v1, v8  }
0x130: {  	v19 =	vld.idx.msk [tilespmem:v13+s30+$0x0], $0xffff;
	v16 =	vor.u32 v10, v14;
	v14 =	vor.u32 v4, v14;
	v20 =	vor.u32 v10, v5  }
0x131: {  	v21 =	vor.u32 v4, v5;
	v8 =	vor.u32 v10, v18;
	v10 =	vld.idx.msk [tilespmem:v12+s30+$0x0], $0xffff;
	v4 =	vor.u32 v4, v18  }
0x132: {  	v18 =	vshll.u32 v11, $0x10;
	v11 =	vand.u32 $0xFFFF0000, v11;
	v22 =	vshll.u32 v6, $0x10  }
0x133: {  	v5 =	vld [tilespmem:s21+$0x18060];
	v6 =	vand.u32 $0xFFFF0000, v6;
	v23 =	vshll.u32 v15, $0x10;
	v15 =	vand.u32 $0xFFFF0000, v15  }
0x134: {  	v24 =	vshll.u32 v17, $0x10;
	v18 =	vmul.f32 v18, v9;
	v11 =	vmul.f32 v11, v7  }
0x135: {  	v17 =	vand.u32 $0xFFFF0000, v17;
	v7 =	vmul.f32 v22, v7;
	v9 =	vmul.f32 v6, v9;
	v6 =	vld [tilespmem:s20+$0x18060]  }
0x136: {  	v16 =	vld.idx.msk [tilespmem:v16+s18+$0x0], $0xffff;
	v15 =	vmul.f32 v15, v10;
	v11 =	vadd.f32 v11, v18;
	v18 =	vmul.f32 v23, v19  }
0x137: {  	v7 =	vadd.f32 v9, v7;
	v9 =	vmul.f32 v24, v10;
	v10 =	vmul.f32 v17, v19  }
0x138: {  	s22 =	simm.s32 $0x6;
	v17 =	vmul.f32 v11, v5;
	v11 =	vadd.f32 v15, v18  }
0x139: {  	s23 =	simm.s32 $0x4;
	v18 =	vmov s22;
	v19 =	vmul.f32 v7, v5;
	v9 =	vadd.f32 v10, v9  }
0x13a: {  	v14 =	vld.idx.msk [tilespmem:v14+s18+$0x0], $0xffff;
	v10 =	vmov s23;
	v22 =	vand.u32 $0x78, v18;
	v18 =	vand.u32 $0x6, v18  }
0x13b: {  	v28 =	vld.idx.msk [tilespmem:v8+s29+$0x0], $0xffff;
	v15 =	vshll.u32 v16, $0x10;
	v23 =	vmul.f32 v11, v6;
	v11 =	vand.u32 $0x78, v10  }
0x13c: {  	v31 =	vld.idx.msk [tilespmem:v4+s29+$0x0], $0xffff;
	v24 =	vmul.f32 v9, v6;
	v9 =	vand.u32 $0x4, v10;
	v10 =	vadd.s32 v1, v11  }
0x13d: {  	v20 =	vld.idx.msk [tilespmem:v20+s18+$0x0], $0xffff;
	v25 =	vor.u32 $0x1, v18;
	v27 =	vor.u32 $0x1, v9;
	v26 =	vor.u32 v9, v10  }
0x13e: {  	v21 =	vld.idx.msk [tilespmem:v21+s18+$0x0], $0xffff;
	v29 =	vadd.s32 v2, v22;
	v30 =	vor.u32 v27, v10;
	v10 =	vadd.s32 v2, v11  }
0x13f: {  	v35 =	vld.idx.msk [tilespmem:v8+s30+$0x0], $0xffff;
	v43 =	vadd.s32 v3, v22;
	v22 =	vadd.s32 v1, v22;
	v44 =	vor.u32 v9, v10  }
0x140: {  	v36 =	vld.idx.msk [tilespmem:v4+s30+$0x0], $0xffff;
	v16 =	vand.u32 $0xFFFF0000, v16;
	v11 =	vadd.s32 v3, v11;
	v10 =	vor.u32 v27, v10  }
0x141: {  	v7 =	vld [tilespmem:s21+$0x170C0];
	v15 =	vmul.f32 v15, v28;
	v16 =	vmul.f32 v16, v31;
	v38 =	vor.u32 v9, v11  }
0x142: {  	v34 =	vor.u32 v18, v29;
	v37 =	vor.u32 v18, v43;
	v11 =	vor.u32 v27, v11;
	v39 =	vld.idx.msk [tilespmem:v26+s29+$0x0], $0xffff  }
0x143: {  	v9 =	vor.u32 v18, v22;
	v27 =	vshll.u32 v14, $0x10;
	v15 =	vadd.f32 v16, v15;
	v18 =	vld.idx.msk [tilespmem:v30+s29+$0x0], $0xffff  }
0x144: {  	v27 =	vmul.f32 v27, v31;
	v31 =	vshll.u32 v20, $0x10;
	v20 =	vand.u32 $0xFFFF0000, v20;
	v33 =	vld.idx.msk [tilespmem:v44+s18+$0x0], $0xffff  }
0x145: {  	v14 =	vand.u32 $0xFFFF0000, v14;
	v31 =	vmul.f32 v31, v35;
	v20 =	vmul.f32 v20, v36;
	v40 =	vld.idx.msk [tilespmem:v10+s18+$0x0], $0xffff  }
0x146: {  	v15 =	vmul.f32 v15, v5;
	v10 =	vmul.f32 v14, v28;
	v28 =	vld.idx.msk [tilespmem:v38+s18+$0x0], $0xffff  }
0x147: {  	v14 =	vshll.u32 v21, $0x10;
	v21 =	vand.u32 $0xFFFF0000, v21;
	v16 =	vld.idx.msk [tilespmem:v11+s18+$0x0], $0xffff;
	v11 =	vor.u32 v25, v22  }
0x148: {  	v22 =	vld.idx.msk [tilespmem:v26+s30+$0x0], $0xffff;
	v14 =	vmul.f32 v14, v36;
	v21 =	vmul.f32 v21, v35;
	v10 =	vadd.f32 v10, v27  }
0x149: {  	s23 =	simm.s32 $0x8;
	v29 =	vor.u32 v25, v29;
	v32 =	vor.u32 v25, v43;
	v20 =	vadd.f32 v20, v31;
	v25 =	vld.idx.msk [tilespmem:v30+s30+$0x0], $0xffff  }
0x14a: {  	v21 =	vadd.f32 v21, v14;
	v27 =	vmul.f32 v10, v5;
	v10 =	vld [tilespmem:s20+$0x170C0];
	[tilespmem:v8+s12+$0x0] =	vst.idx.msk $0xffff, v15;
	v15 =	vmov s23  }
0x14b: {  	[tilespmem:v13+s12+$0x0] =	vst.idx.msk $0xffff, v17;
	v14 =	vshll.u32 v33, $0x10;
	v31 =	vand.u32 $0xFFFF0000, v33;
	v17 =	vshll.u32 v40, $0x10  }
0x14c: {  	v45 =	vand.u32 $0xFFFF0000, v40;
	v46 =	vshll.u32 v28, $0x10;
	v28 =	vand.u32 $0xFFFF0000, v28  }
0x14d: {  	[tilespmem:v12+s12+$0x0] =	vst.idx.msk $0xffff, v19;
	v19 =	vshll.u32 v16, $0x10;
	v14 =	vmul.f32 v14, v39;
	v31 =	vmul.f32 v31, v18  }
0x14e: {  	s22 =	simm.s32 $0xA;
	v17 =	vmul.f32 v17, v18;
	v18 =	vmul.f32 v45, v39;
	[tilespmem:v13+s13+$0x0] =	vst.idx.msk $0xffff, v23;
	v13 =	vand.u32 $0xFFFF0000, v16  }
0x14f: {  	v28 =	vmul.f32 v28, v25;
	v13 =	vmul.f32 v13, v22;
	[tilespmem:v12+s13+$0x0] =	vst.idx.msk $0xffff, v24;
	v12 =	vmov s22  }
0x150: {  	v34 =	vld.idx.msk [tilespmem:v34+s18+$0x0], $0xffff;
	v14 =	vadd.f32 v31, v14;
	v31 =	vmul.f32 v46, v22;
	v16 =	vadd.f32 v18, v17  }
0x151: {  	v51 =	vld.idx.msk [tilespmem:v9+s30+$0x0], $0xffff;
	v24 =	vand.u32 $0x78, v15;
	v15 =	vand.u32 $0x4, v15;
	v17 =	vmul.f32 v19, v25  }
0x152: {  	v47 =	vld.idx.msk [tilespmem:v11+s29+$0x0], $0xffff;
	v14 =	vmul.f32 v14, v5;
	v18 =	vadd.f32 v28, v31;
	v16 =	vmul.f32 v16, v5  }
0x153: {  	[tilespmem:v4+s12+$0x0] =	vst.idx.msk $0xffff, v27;
	v13 =	vadd.f32 v13, v17;
	v17 =	vand.u32 $0x78, v12;
	v31 =	vadd.s32 v2, v24  }
0x154: {  	v22 =	vld.idx.msk [tilespmem:v29+s18+$0x0], $0xffff;
	v29 =	vadd.s32 v2, v17;
	v48 =	vadd.s32 v3, v17;
	v49 =	vor.u32 v15, v31  }
0x155: {  	v12 =	vand.u32 $0x6, v12;
	v17 =	vadd.s32 v1, v17;
	v18 =	vmul.f32 v18, v6;
	[tilespmem:v26+s12+$0x0] =	vst.idx.msk $0xffff, v14  }
0x156: {  	v23 =	vld.idx.msk [tilespmem:v37+s18+$0x0], $0xffff;
	v25 =	vmul.f32 v13, v6;
	v13 =	vadd.s32 v1, v24;
	v50 =	vor.u32 v12, v29  }
0x157: {  	v19 =	vshll.u32 v34, $0x10;
	v24 =	vadd.s32 v3, v24;
	[tilespmem:v30+s12+$0x0] =	vst.idx.msk $0xffff, v16;
	v14 =	vor.u32 v15, v13  }
0x158: {  	v28 =	vor.u32 $0x1, v12;
	v16 =	vld.idx.msk [tilespmem:v32+s18+$0x0], $0xffff;
	v54 =	vor.u32 v15, v24;
	[tilespmem:v26+s13+$0x0] =	vst.idx.msk $0xffff, v18;
	v18 =	vor.u32 $0x1, v15  }
0x159: {  	v29 =	vor.u32 v28, v29;
	v53 =	vor.u32 v12, v48;
	v26 =	vld.idx.msk [tilespmem:v9+s29+$0x0], $0xffff;
	v13 =	vor.u32 v18, v13  }
0x15a: {  	v52 =	vld.idx.msk [tilespmem:v11+s30+$0x0], $0xffff;
	v33 =	vor.u32 v28, v48;
	v31 =	vor.u32 v18, v31;
	v18 =	vor.u32 v18, v24  }
0x15b: {  	v27 =	vshll.u32 v22, $0x10;
	v22 =	vand.u32 $0xFFFF0000, v22;
	v15 =	vor.u32 v12, v17;
	[tilespmem:v30+s13+$0x0] =	vst.idx.msk $0xffff, v25;
	v25 =	vld.idx.msk [tilespmem:v49+s18+$0x0], $0xffff  }
0x15c: {  	v12 =	vor.u32 v28, v17;
	v17 =	vand.u32 $0xFFFF0000, v34;
	v27 =	vmul.f32 v27, v47;
	v24 =	vld.idx.msk [tilespmem:v14+s29+$0x0], $0xffff  }
0x15d: {  	v30 =	vshll.u32 v23, $0x10;
	v17 =	vmul.f32 v17, v47;
	v55 =	vshll.u32 v16, $0x10;
	v56 =	vld.idx.msk [tilespmem:v54+s18+$0x0], $0xffff  }
0x15e: {  	v16 =	vand.u32 $0xFFFF0000, v16;
	v19 =	vmul.f32 v19, v26;
	v22 =	vmul.f32 v22, v26;
	v28 =	vld.idx.msk [tilespmem:v13+s29+$0x0], $0xffff  }
0x15f: {  	v23 =	vand.u32 $0xFFFF0000, v23;
	v57 =	vmul.f32 v16, v51;
	v26 =	vld.idx.msk [tilespmem:v18+s18+$0x0], $0xffff;
	v18 =	vmul.f32 v30, v51  }
0x160: {  	v31 =	vld.idx.msk [tilespmem:v31+s18+$0x0], $0xffff;
	v17 =	vadd.f32 v17, v19;
	v19 =	vmul.f32 v23, v52;
	v22 =	vadd.f32 v22, v27  }
0x161: {  	v30 =	vmul.f32 v55, v52;
	v58 =	vld.idx.msk [tilespmem:v13+s30+$0x0], $0xffff;
	v27 =	vmul.f32 v20, v6  }
0x162: {  	v23 =	vld.idx.msk [tilespmem:v14+s30+$0x0], $0xffff;
	v59 =	vmul.f32 v17, v5;
	v16 =	vadd.f32 v19, v18;
	v20 =	vmul.f32 v22, v5  }
0x163: {  	v19 =	vld.idx.msk [tilespmem:v50+s18+$0x0], $0xffff;
	v17 =	vadd.f32 v57, v30;
	v18 =	vmul.f32 v21, v6;
	v30 =	vshll.u32 v25, $0x10  }
0x164: {  	v25 =	vand.u32 $0xFFFF0000, v25;
	v22 =	vld.idx.msk [tilespmem:v29+s18+$0x0], $0xffff;
	v35 =	vand.u32 $0xFFFF0000, v56;
	v30 =	vmul.f32 v30, v24  }
0x165: {  	v21 =	vld.idx.msk [tilespmem:v53+s18+$0x0], $0xffff;
	v60 =	vshll.u32 v31, $0x10;
	v29 =	vand.u32 $0xFFFF0000, v31;
	v31 =	vshll.u32 v56, $0x10  }
0x166: {  	[tilespmem:v9+s12+$0x0] =	vst.idx.msk $0xffff, v59;
	v25 =	vmul.f32 v25, v28;
	v61 =	vshll.u32 v26, $0x10;
	v62 =	vand.u32 $0xFFFF0000, v26;
	v26 =	vld.idx.msk [tilespmem:v12+s29+$0x0], $0xffff  }
0x167: {  	[tilespmem:v11+s12+$0x0] =	vst.idx.msk $0xffff, v20;
	v20 =	vld.idx.msk [tilespmem:v33+s18+$0x0], $0xffff;
	v28 =	vmul.f32 v60, v28;
	v29 =	vmul.f32 v29, v24  }
0x168: {  	v35 =	vmul.f32 v35, v58;
	v24 =	vld.idx.msk [tilespmem:v15+s29+$0x0], $0xffff;
	v63 =	vmul.f32 v31, v23;
	v25 =	vadd.f32 v25, v30  }
0x169: {  	v31 =	vmul.f32 v61, v58;
	v32 =	vmul.f32 v62, v23;
	v23 =	vld.idx.msk [tilespmem:v15+s30+$0x0], $0xffff;
	v30 =	vadd.f32 v29, v28  }
0x16a: {  	s1 =	simm.s32 $0x4;
	s20 =	simm.s32 $0xE;
	v33 =	vadd.f32 v35, v63;
	v28 =	vshll.u32 v19, $0x10;
	v29 =	vmul.f32 v25, v5;
	v25 =	vld.idx.msk [tilespmem:v12+s30+$0x0], $0xffff  }
.LBB2_6:
0x16b: {  	s5 =	sadd.s32 $0xFFFFFFFE, s20;
	v34 =	vmov s20;
	v30 =	vmul.f32 v30, v5;
	v31 =	vadd.f32 v32, v31;
	[tilespmem:v8+s13+$0x0] =	vst.idx.msk $0xffff, v27;
	v8 =	vmovc v9  }
0x16c: {  	v9 =	vmovc v15;
	v27 =	vmov s5;
	v32 =	vand.u32 $0x78, v34;
	v33 =	vmul.f32 v33, v6;
	[tilespmem:v14+s12+$0x0] =	vst.idx.msk $0xffff, v29  }
0x16d: {  	v29 =	vand.u32 $0x6, v34;
	v15 =	vand.u32 $0x78, v27;
	v31 =	vmul.f32 v31, v6;
	[tilespmem:v13+s12+$0x0] =	vst.idx.msk $0xffff, v30  }
0x16e: {  	v27 =	vand.u32 $0x4, v27;
	v34 =	vor.u32 $0x1, v29;
	v30 =	vadd.s32 v1, v15;
	[tilespmem:v14+s13+$0x0] =	vst.idx.msk $0xffff, v33  }
0x16f: {  	v35 =	vadd.s32 v2, v32;
	v33 =	vor.u32 $0x1, v27;
	v14 =	vor.u32 v27, v30;
	[tilespmem:v13+s13+$0x0] =	vst.idx.msk $0xffff, v31  }
0x170: {  	v13 =	vor.u32 v33, v30;
	v30 =	vadd.s32 v2, v15;
	v31 =	vadd.s32 v3, v32  }
0x171: {  	v37 =	vor.u32 v29, v35;
	v35 =	vor.u32 v34, v35;
	v36 =	vor.u32 v27, v30  }
0x172: {  	s1 =	sadd.s32 $0x2, s1;
	v15 =	vadd.s32 v3, v15;
	v30 =	vor.u32 v33, v30;
	v38 =	vor.u32 v29, v31  }
0x173: {  	p1 =	slt.u32 s1, $0x30;
	v32 =	vadd.s32 v1, v32;
	v27 =	vor.u32 v27, v15;
	v31 =	vor.u32 v34, v31  }
0x174: {  	v33 =	vor.u32 v33, v15;
	v15 =	vor.u32 v29, v32;
	v29 =	vor.u32 v34, v32;
	v39 =	vld.idx.msk [tilespmem:v14+s29+$0x0], $0xffff  }
0x175: {  	v19 =	vand.u32 $0xFFFF0000, v19;
	v34 =	vshll.u32 v22, $0x10;
	v22 =	vand.u32 $0xFFFF0000, v22;
	v32 =	vld.idx.msk [tilespmem:v13+s29+$0x0], $0xffff;
	[tilespmem:v4+s13+$0x0] =	vst.idx.msk $0xffff, v18;
	v4 =	vmovc v11  }
0x176: {  	v40 =	vshll.u32 v20, $0x10;
	v18 =	vshll.u32 v21, $0x10;
	v21 =	vand.u32 $0xFFFF0000, v21;
	v11 =	vmovc v12;
	v12 =	vmovc v29;
	v36 =	vld.idx.msk [tilespmem:v36+s18+$0x0], $0xffff  }
0x177: {  	v20 =	vand.u32 $0xFFFF0000, v20;
	v28 =	vmul.f32 v28, v24;
	v19 =	vmul.f32 v19, v26;
	v29 =	vld.idx.msk [tilespmem:v30+s18+$0x0], $0xffff  }
0x178: {  	v26 =	vmul.f32 v34, v26;
	v22 =	vmul.f32 v22, v24;
	v30 =	vld.idx.msk [tilespmem:v27+s18+$0x0], $0xffff  }
0x179: {  	v19 =	vadd.f32 v19, v28;
	v18 =	vmul.f32 v18, v23;
	v21 =	vmul.f32 v21, v25;
	v24 =	vld.idx.msk [tilespmem:v33+s18+$0x0], $0xffff  }
0x17a: {  	v20 =	vmul.f32 v20, v23;
	v22 =	vadd.f32 v22, v26;
	v25 =	vmul.f32 v40, v25;
	v28 =	vld.idx.msk [tilespmem:v14+s30+$0x0], $0xffff  }
0x17b: {  	v26 =	vmul.f32 v19, v5;
	v27 =	vmul.f32 v16, v6;
	v16 =	vadd.f32 v21, v18;
	v23 =	vld.idx.msk [tilespmem:v13+s30+$0x0], $0xffff  }
0x17c: {  	v18 =	vmul.f32 v17, v6;
	v17 =	vadd.f32 v20, v25;
	v33 =	vmul.f32 v22, v5;
	v19 =	vld.idx.msk [tilespmem:v37+s18+$0x0], $0xffff  }
0x17d: {  	v20 =	vshll.u32 v36, $0x10;
	v25 =	vand.u32 $0xFFFF0000, v36;
	v34 =	vshll.u32 v29, $0x10;
	v22 =	vld.idx.msk [tilespmem:v35+s18+$0x0], $0xffff;
	[tilespmem:v9+s12+$0x0] =	vst.idx.msk $0xffff, v26  }
0x17e: {  	v26 =	vand.u32 $0xFFFF0000, v29;
	v29 =	vshll.u32 v30, $0x10;
	v30 =	vand.u32 $0xFFFF0000, v30;
	v21 =	vld.idx.msk [tilespmem:v38+s18+$0x0], $0xffff;
	[tilespmem:v11+s12+$0x0] =	vst.idx.msk $0xffff, v33  }
.Ltmp1:
0x17f: {  	v25 =	vmul.f32 v25, v32;
	v33 =	vmul.f32 v20, v39;
	v35 =	vshll.u32 v24, $0x10;
	v20 =	vld.idx.msk [tilespmem:v31+s18+$0x0], $0xffff;
	(pc) =	sbr.rel @p1 .LBB2_6-.Ltmp1, $4  }
0x180: {  	v31 =	vmul.f32 v34, v32;
	v32 =	vmul.f32 v26, v39;
	v34 =	vand.u32 $0xFFFF0000, v24;
	v24 =	vld.idx.msk [tilespmem:v15+s29+$0x0], $0xffff  }
0x181: {  	v25 =	vadd.f32 v25, v33;
	v33 =	vmul.f32 v29, v28;
	v36 =	vmul.f32 v30, v23;
	v26 =	vld.idx.msk [tilespmem:v12+s29+$0x0], $0xffff  }
0x182: {  	v30 =	vadd.f32 v32, v31;
	v31 =	vmul.f32 v35, v23;
	v32 =	vmul.f32 v34, v28;
	v23 =	vld.idx.msk [tilespmem:v15+s30+$0x0], $0xffff  }
0x183: {  	s20 =	sadd.s32 $0x4, s20;
	v28 =	vshll.u32 v19, $0x10;
	v29 =	vmul.f32 v25, v5;
	v33 =	vadd.f32 v36, v33;
	v25 =	vld.idx.msk [tilespmem:v12+s30+$0x0], $0xffff  }
0x184: {  	_ =	sdelay $0x2  }
0x185: {  	v2 =	vadd.f32 v32, v31;
	v3 =	vmul.f32 v30, v5  }
0x186: {  	[tilespmem:v8+s13+$0x0] =	vst.idx.msk $0xffff, v27;
	v54 =	vand.u32 $0xFFFF0000, v19;
	v55 =	vshll.u32 v22, $0x10;
	v62 =	vmul.f32 v16, v6  }
0x187: {  	v56 =	vand.u32 $0xFFFF0000, v22;
	v63 =	vmul.f32 v17, v6;
	v53 =	vmul.f32 v33, v6;
	[tilespmem:v14+s12+$0x0] =	vst.idx.msk $0xffff, v29  }
0x188: {  	v58 =	vand.u32 $0xFFFF0000, v21;
	v57 =	vmul.f32 v28, v24;
	v22 =	vmul.f32 v56, v24;
	[tilespmem:v4+s13+$0x0] =	vst.idx.msk $0xffff, v18  }
0x189: {  	v2 =	vmul.f32 v2, v6;
	v8 =	vmul.f32 v54, v26;
	[tilespmem:v13+s12+$0x0] =	vst.idx.msk $0xffff, v3;
	v3 =	vshll.u32 v21, $0x10  }
0x18a: {  	v59 =	vshll.u32 v20, $0x10;
	v19 =	vmul.f32 v55, v26;
	[tilespmem:v14+s13+$0x0] =	vst.idx.msk $0xffff, v53;
	v3 =	vmul.f32 v3, v23  }
0x18b: {  	v8 =	vadd.f32 v8, v57;
	v14 =	vmul.f32 v58, v25;
	[tilespmem:v13+s13+$0x0] =	vst.idx.msk $0xffff, v2;
	v2 =	vand.u32 $0xFFFF0000, v20  }
0x18c: {  	v19 =	vadd.f32 v22, v19;
	v60 =	vmul.f32 v59, v25;
	v2 =	vmul.f32 v2, v23  }
0x18d: {  	[tilespmem:v9+s13+$0x0] =	vst.idx.msk $0xffff, v62;
	v8 =	vmul.f32 v8, v5;
	v3 =	vadd.f32 v14, v3  }
0x18e: {  	[tilespmem:v11+s13+$0x0] =	vst.idx.msk $0xffff, v63;
	v61 =	vmul.f32 v19, v5;
	v2 =	vadd.f32 v2, v60  }
0x18f: {  	s15 =	sadd.s32 $0x1, s15;
	[tilespmem:v15+s12+$0x0] =	vst.idx.msk $0xffff, v8;
	v3 =	vmul.f32 v3, v6  }
0x190: {  	p1 =	sne.s32 s15, $0x1F;
	[tilespmem:v12+s12+$0x0] =	vst.idx.msk $0xffff, v61;
	v2 =	vmul.f32 v2, v6  }
.Ltmp2:
0x191: {  	[tilespmem:v15+s13+$0x0] =	vst.idx.msk $0xffff, v3;
	(pc) =	sbr.rel @p1 .LBB2_3-.Ltmp2, $4  }
0x192: {  	[tilespmem:v12+s13+$0x0] =	vst.idx.msk $0xffff, v2  }
0x193: {  	[spmem:s2] =	stream.indirect_vreg.scatter.add.f32 [tilespmem:s12], [sflag:$0x7], $0x70, v7, vm0, $0xb8;
	[tilespmem:$0x1C030] =	vst v63  }
0x194: {  	_ = 	snop  }
0x195: {  	[spmem:s2] =	stream.indirect_vreg.scatter.add.f32 [tilespmem:s13], [sflag:$0x8], $0x70, v10, vm0, $0xb8;
	[tilespmem:$0x1C030] =	vst v63  }
0x196: {  	_ =	swait.ge [sflag:s14], $0x700  }
0x197: {  	[sflag:s14] =	ssyncset.done $0x0  }
0x198: {  	[sflag:s14] =	ssyncadd.s32 $0xFFFFF900  }
0x199: {  	_ =	swait.ge [sflag:s28], $0x700  }
0x19a: {  	[sflag:s28] =	ssyncset.done $0x0  }
0x19b: {  	[sflag:s28] =	ssyncadd.s32 $0xFFFFF900  }
0x19c: {  	s15 =	simm.s32 $0x6;
	v2 =	vld [tilespmem:$0x18050]  }
0x19d: {  	v4 =	vmov s15  }
0x19e: {  	s5 =	simm.s32 $0x2;
	v8 =	vand.u32 $0xF8, v4  }
0x19f: {  	s23 =	simm.s32 $0x0;
	v3 =	vmov s5;
	v4 =	vand.u32 $0x6, v4;
	v10 =	vadd.s32 v1, v8  }
0x1a0: {  	v7 =	vmov s23;
	v12 =	vor.u32 $0x1, v4;
	v13 =	vor.u32 v4, v10  }
0x1a1: {  	s20 =	simm.s32 $0x4;
	v11 =	vand.u32 $0x78, v7;
	v17 =	vor.u32 v12, v10;
	v2 =	vmul.u32 $0x70, v2  }
0x1a2: {  	v6 =	vmov s20;
	v7 =	vand.u32 $0x6, v7;
	v28 =	vadd.s32 v1, v11  }
0x1a3: {  	v8 =	vadd.s32 v2, v8;
	v10 =	vadd.s32 v2, v11;
	v11 =	vor.u32 v7, v28  }
0x1a4: {  	s1 =	simm.s32 $0x8;
	v9 =	vand.u32 $0xF8, v3;
	v15 =	vand.u32 $0x6, v3;
	v3 =	vld [tilespmem:$0x17880];
	v14 =	vor.u32 v4, v8  }
0x1a5: {  	v5 =	vmov s1;
	v16 =	vand.u32 $0xF8, v6;
	v21 =	vld.idx.msk [tilespmem:v13+s24+$0x0], $0xffff;
	v8 =	vor.u32 v12, v8  }
0x1a6: {  	v6 =	vand.u32 $0x6, v6;
	v18 =	vor.u32 $0x1, v7;
	v30 =	vld.idx.msk [tilespmem:v17+s24+$0x0], $0xffff;
	v19 =	vor.u32 v7, v10  }
0x1a7: {  	v20 =	vand.u32 $0x6, v5;
	v25 =	vadd.s32 v2, v16;
	v4 =	vld [tilespmem:$0x18820];
	v10 =	vor.u32 v18, v10  }
0x1a8: {  	v12 =	vand.u32 $0xF8, v5;
	v5 =	vadd.s32 v2, v9;
	v29 =	vor.u32 v6, v25;
	v51 =	vld.idx.msk [tilespmem:v11+s24+$0x0], $0xffff  }
0x1a9: {  	v22 =	vor.u32 $0x1, v15;
	v24 =	vor.u32 v15, v5;
	v14 =	vld.idx.msk [tilespmem:v14+s18+$0x0], $0xffff  }
0x1aa: {  	v23 =	vor.u32 $0x1, v6;
	v26 =	vor.u32 $0x1, v20;
	v27 =	vor.u32 v22, v5;
	v8 =	vld.idx.msk [tilespmem:v8+s18+$0x0], $0xffff  }
0x1ab: {  	v16 =	vadd.s32 v1, v16;
	v25 =	vor.u32 v23, v25;
	v9 =	vadd.s32 v1, v9;
	v19 =	vld.idx.msk [tilespmem:v19+s18+$0x0], $0xffff  }
0x1ac: {  	v5 =	vadd.s32 v2, v12;
	v32 =	vadd.s32 v1, v12;
	v12 =	vor.u32 v18, v28;
	v33 =	vld.idx.msk [tilespmem:v10+s18+$0x0], $0xffff  }
0x1ad: {  	v7 =	vor.u32 v6, v16;
	v10 =	vor.u32 v15, v9;
	v9 =	vor.u32 v22, v9;
	v22 =	vld.idx.msk [tilespmem:v29+s18+$0x0], $0xffff  }
0x1ae: {  	v31 =	vor.u32 v20, v5;
	v34 =	vor.u32 v26, v5;
	v5 =	vor.u32 v23, v16;
	v15 =	vld.idx.msk [tilespmem:v24+s18+$0x0], $0xffff  }
0x1af: {  	v16 =	vld.idx.msk [tilespmem:v27+s18+$0x0], $0xffff;
	v6 =	vshll.u32 v14, $0x10;
	v14 =	vand.u32 $0xFFFF0000, v14;
	v18 =	vshll.u32 v8, $0x10  }
0x1b0: {  	v25 =	vld.idx.msk [tilespmem:v25+s18+$0x0], $0xffff;
	v23 =	vand.u32 $0xFFFF0000, v8;
	v8 =	vor.u32 v20, v32;
	v49 =	vmul.f32 v6, v21  }
0x1b1: {  	v54 =	vld.idx.msk [tilespmem:v12+s24+$0x0], $0xffff;
	v52 =	vand.u32 $0xFFFF0000, v33;
	v14 =	vmul.f32 v14, v30;
	v18 =	vmul.f32 v18, v30  }
0x1b2: {  	v57 =	vld.idx.msk [tilespmem:v7+s24+$0x0], $0xffff;
	v20 =	vmul.f32 v23, v21;
	v6 =	vor.u32 v26, v32;
	v23 =	vshll.u32 v19, $0x10  }
0x1b3: {  	v50 =	vld.idx.msk [tilespmem:v34+s18+$0x0], $0xffff;
	v19 =	vand.u32 $0xFFFF0000, v19;
	v53 =	vshll.u32 v15, $0x10;
	v14 =	vadd.f32 v14, v49  }
0x1b4: {  	v56 =	vld.idx.msk [tilespmem:v10+s24+$0x0], $0xffff;
	v15 =	vand.u32 $0xFFFF0000, v15;
	v55 =	vshll.u32 v16, $0x10;
	v26 =	vmul.f32 v52, v51  }
0x1b5: {  	v21 =	vld.idx.msk [tilespmem:v31+s18+$0x0], $0xffff;
	v16 =	vand.u32 $0xFFFF0000, v16;
	v23 =	vmul.f32 v23, v51;
	v14 =	vmul.f32 v14, v4  }
0x1b6: {  	v59 =	vld.idx.msk [tilespmem:v5+s24+$0x0], $0xffff;
	v19 =	vmul.f32 v19, v54;
	v18 =	vadd.f32 v20, v18;
	v20 =	vshll.u32 v33, $0x10  }
0x1b7: {  	v20 =	vmul.f32 v20, v54;
	[tilespmem:v13+s31+$0x0] =	vst.idx.msk $0xffff, v14;
	v13 =	vshll.u32 v22, $0x10;
	v14 =	vand.u32 $0xFFFF0000, v22;
	v22 =	vld.idx.msk [tilespmem:v9+s24+$0x0], $0xffff  }
0x1b8: {  	v60 =	vshll.u32 v50, $0x10;
	v24 =	vand.u32 $0xFFFF0000, v50;
	v23 =	vadd.f32 v19, v23;
	v61 =	vld.idx.msk [tilespmem:v8+s24+$0x0], $0xffff  }
0x1b9: {  	v18 =	vmul.f32 v18, v4;
	v28 =	vmul.f32 v53, v56;
	v62 =	vld.idx.msk [tilespmem:v6+s24+$0x0], $0xffff;
	v20 =	vadd.f32 v26, v20  }
0x1ba: {  	v31 =	vmul.f32 v16, v56;
	v58 =	vshll.u32 v21, $0x10;
	v13 =	vmul.f32 v13, v57  }
0x1bb: {  	[tilespmem:v17+s31+$0x0] =	vst.idx.msk $0xffff, v18;
	v18 =	vand.u32 $0xFFFF0000, v25;
	v14 =	vmul.f32 v14, v59;
	v20 =	vmul.f32 v20, v4  }
0x1bc: {  	v17 =	vshll.u32 v25, $0x10;
	v25 =	vmul.f32 v18, v57;
	v15 =	vmul.f32 v15, v22  }
0x1bd: {  	v21 =	vand.u32 $0xFFFF0000, v21;
	v63 =	vmul.f32 v17, v59;
	v19 =	vmul.f32 v55, v22  }
0x1be: {  	v17 =	vmul.f32 v58, v61;
	v21 =	vmul.f32 v21, v62;
	v16 =	vadd.f32 v15, v28  }
0x1bf: {  	v18 =	vadd.f32 v31, v19;
	v15 =	vmul.f32 v24, v61;
	v19 =	vmul.f32 v60, v62  }
0x1c0: {  	s1 =	simm.s32 $0x0;
	s15 =	simm.s32 $0x12;
	v13 =	vadd.f32 v14, v13;
	v14 =	vadd.f32 v25, v63;
	v22 =	vmul.f32 v23, v4  }
.LBB2_9:
0x1c1: {  	s5 =	sadd.s32 $0xFFFFFFFA, s15;
	s20 =	sadd.s32 $0xFFFFFFFC, s15;
	s21 =	sadd.s32 $0xFFFFFFFE, s15;
	v23 =	vmov s15;
	v17 =	vadd.f32 v21, v17;
	v15 =	vadd.f32 v15, v19  }
0x1c2: {  	s22 =	sadd.s32 $0xFFFFFFF8, s15;
	v19 =	vmov s5;
	v21 =	vmov s20;
	v24 =	vmov s21;
	[tilespmem:v11+s31+$0x0] =	vst.idx.msk $0xffff, v22  }
0x1c3: {  	v11 =	vmov s22;
	v22 =	vand.u32 $0xF8, v19;
	v25 =	vand.u32 $0xF8, v24;
	[tilespmem:v12+s31+$0x0] =	vst.idx.msk $0xffff, v20  }
0x1c4: {  	s1 =	sadd.s32 $0x5, s1;
	v12 =	vand.u32 $0x78, v11;
	v20 =	vand.u32 $0x6, v24;
	v24 =	vadd.s32 v1, v25  }
0x1c5: {  	p1 =	slt.u32 s1, $0x2D;
	v11 =	vand.u32 $0x6, v11;
	v25 =	vadd.s32 v2, v25;
	v26 =	vor.u32 v20, v24  }
0x1c6: {  	v19 =	vand.u32 $0x6, v19;
	v27 =	vor.u32 $0x1, v20;
	v20 =	vor.u32 v20, v25  }
0x1c7: {  	v28 =	vand.u32 $0xF8, v21;
	v21 =	vand.u32 $0x6, v21;
	v25 =	vor.u32 v27, v25  }
0x1c8: {  	v24 =	vor.u32 v27, v24;
	v27 =	vand.u32 $0xF8, v23;
	v23 =	vand.u32 $0x6, v23  }
0x1c9: {  	v29 =	vor.u32 $0x1, v11;
	v30 =	vadd.s32 v2, v12;
	v31 =	vor.u32 $0x1, v19  }
0x1ca: {  	v32 =	vadd.s32 v2, v22;
	v33 =	vor.u32 $0x1, v21;
	v34 =	vadd.s32 v2, v28;
	v35 =	vld.idx.msk [tilespmem:v26+s24+$0x0], $0xffff  }
0x1cb: {  	v36 =	vor.u32 v11, v30;
	v37 =	vor.u32 $0x1, v23;
	v38 =	vadd.s32 v2, v27;
	v20 =	vld.idx.msk [tilespmem:v20+s18+$0x0], $0xffff  }
0x1cc: {  	v30 =	vor.u32 v29, v30;
	v39 =	vor.u32 v19, v32;
	v32 =	vor.u32 v31, v32;
	v25 =	vld.idx.msk [tilespmem:v25+s18+$0x0], $0xffff  }
0x1cd: {  	v12 =	vadd.s32 v1, v12;
	v40 =	vor.u32 v21, v34;
	v34 =	vor.u32 v33, v34;
	v41 =	vld.idx.msk [tilespmem:v24+s24+$0x0], $0xffff  }
0x1ce: {  	v22 =	vadd.s32 v1, v22;
	v28 =	vadd.s32 v1, v28;
	v42 =	vor.u32 v23, v38  }
0x1cf: {  	v11 =	vor.u32 v11, v12;
	v27 =	vadd.s32 v1, v27;
	v38 =	vor.u32 v37, v38  }
0x1d0: {  	v12 =	vor.u32 v29, v12;
	v19 =	vor.u32 v19, v22;
	v22 =	vor.u32 v31, v22;
	v29 =	vld.idx.msk [tilespmem:v36+s18+$0x0], $0xffff  }
0x1d1: {  	v21 =	vor.u32 v21, v28;
	v28 =	vor.u32 v33, v28;
	v23 =	vor.u32 v23, v27;
	v30 =	vld.idx.msk [tilespmem:v30+s18+$0x0], $0xffff  }
0x1d2: {  	v33 =	vshll.u32 v20, $0x10;
	v20 =	vand.u32 $0xFFFF0000, v20;
	v36 =	vshll.u32 v25, $0x10;
	v31 =	vld.idx.msk [tilespmem:v39+s18+$0x0], $0xffff  }
0x1d3: {  	v25 =	vand.u32 $0xFFFF0000, v25;
	v33 =	vmul.f32 v33, v35;
	v20 =	vmul.f32 v20, v41;
	v32 =	vld.idx.msk [tilespmem:v32+s18+$0x0], $0xffff  }
0x1d4: {  	v27 =	vor.u32 v37, v27;
	v36 =	vmul.f32 v36, v41;
	v25 =	vmul.f32 v25, v35;
	v39 =	vld.idx.msk [tilespmem:v40+s18+$0x0], $0xffff  }
0x1d5: {  	v16 =	vmul.f32 v16, v4;
	v18 =	vmul.f32 v18, v4;
	v20 =	vadd.f32 v20, v33;
	v34 =	vld.idx.msk [tilespmem:v34+s18+$0x0], $0xffff  }
0x1d6: {  	v25 =	vadd.f32 v25, v36;
	v33 =	vshll.u32 v29, $0x10;
	v29 =	vand.u32 $0xFFFF0000, v29;
	v35 =	vld.idx.msk [tilespmem:v42+s18+$0x0], $0xffff  }
0x1d7: {  	v36 =	vshll.u32 v30, $0x10;
	v30 =	vand.u32 $0xFFFF0000, v30;
	v20 =	vmul.f32 v20, v4;
	v37 =	vld.idx.msk [tilespmem:v38+s18+$0x0], $0xffff;
	[tilespmem:v10+s31+$0x0] =	vst.idx.msk $0xffff, v16  }
0x1d8: {  	v38 =	vshll.u32 v31, $0x10;
	v31 =	vand.u32 $0xFFFF0000, v31;
	v10 =	vmul.f32 v25, v4;
	v16 =	vld.idx.msk [tilespmem:v11+s24+$0x0], $0xffff;
	[tilespmem:v9+s31+$0x0] =	vst.idx.msk $0xffff, v18  }
0x1d9: {  	v25 =	vshll.u32 v32, $0x10;
	v32 =	vand.u32 $0xFFFF0000, v32;
	v9 =	vmul.f32 v13, v4;
	v18 =	vld.idx.msk [tilespmem:v12+s24+$0x0], $0xffff;
	[tilespmem:v26+s31+$0x0] =	vst.idx.msk $0xffff, v20  }
0x1da: {  	v41 =	vmul.f32 v14, v4;
	v20 =	vshll.u32 v39, $0x10;
	v26 =	vand.u32 $0xFFFF0000, v39;
	v13 =	vld.idx.msk [tilespmem:v19+s24+$0x0], $0xffff;
	[tilespmem:v24+s31+$0x0] =	vst.idx.msk $0xffff, v10  }
0x1db: {  	v24 =	vshll.u32 v34, $0x10;
	v34 =	vand.u32 $0xFFFF0000, v34;
	v14 =	vld.idx.msk [tilespmem:v22+s24+$0x0], $0xffff;
	[tilespmem:v7+s31+$0x0] =	vst.idx.msk $0xffff, v9;
	v7 =	vmul.f32 v17, v4  }
0x1dc: {  	v39 =	vshll.u32 v35, $0x10;
	v35 =	vand.u32 $0xFFFF0000, v35;
	v17 =	vld.idx.msk [tilespmem:v21+s24+$0x0], $0xffff;
	[tilespmem:v5+s31+$0x0] =	vst.idx.msk $0xffff, v41;
	v41 =	vmul.f32 v15, v4  }
0x1dd: {  	v10 =	vmovc v19;
	v40 =	vshll.u32 v37, $0x10;
	v37 =	vand.u32 $0xFFFF0000, v37;
	v9 =	vmov v22;
	v15 =	vld.idx.msk [tilespmem:v28+s24+$0x0], $0xffff;
	[tilespmem:v8+s31+$0x0] =	vst.idx.msk $0xffff, v7  }
0x1de: {  	v19 =	vmul.f32 v33, v16;
	v16 =	vmul.f32 v30, v16;
	v22 =	vld.idx.msk [tilespmem:v23+s24+$0x0], $0xffff;
	[tilespmem:v6+s31+$0x0] =	vst.idx.msk $0xffff, v41  }
0x1df: {  	v5 =	vmovc v28;
	v29 =	vmul.f32 v29, v18;
	v18 =	vmul.f32 v36, v18;
	v30 =	vld.idx.msk [tilespmem:v27+s24+$0x0], $0xffff;
	v7 =	vmov v21  }
0x1e0: {  	v8 =	vmovc v23;
	v6 =	vmov v27;
	v21 =	vmul.f32 v38, v13;
	v13 =	vmul.f32 v32, v13  }
0x1e1: {  	v23 =	vadd.f32 v29, v19;
	v19 =	vmul.f32 v31, v14;
	v14 =	vmul.f32 v25, v14  }
.Ltmp3:
0x1e2: {  	v25 =	vadd.f32 v16, v18;
	v20 =	vmul.f32 v20, v17;
	v27 =	vmul.f32 v34, v17;
	(pc) =	sbr.rel @p1 .LBB2_9-.Ltmp3, $4  }
0x1e3: {  	v16 =	vadd.f32 v19, v21;
	v19 =	vmul.f32 v26, v15;
	v24 =	vmul.f32 v24, v15  }
0x1e4: {  	v18 =	vadd.f32 v13, v14;
	v17 =	vmul.f32 v39, v22;
	v15 =	vmul.f32 v37, v22  }
0x1e5: {  	v13 =	vadd.f32 v19, v20;
	v21 =	vmul.f32 v35, v30;
	v19 =	vmul.f32 v40, v30  }
0x1e6: {  	s15 =	sadd.s32 $0xA, s15;
	v22 =	vmul.f32 v23, v4;
	v20 =	vmul.f32 v25, v4;
	v14 =	vadd.f32 v27, v24  }
0x1e7: {  	_ =	sdelay $0x3  }
0x1e8: {  	v2 =	vmul.f32 v16, v4;
	[tilespmem:v11+s31+$0x0] =	vst.idx.msk $0xffff, v22  }
0x1e9: {  	v59 =	vmul.f32 v18, v4;
	[tilespmem:v12+s31+$0x0] =	vst.idx.msk $0xffff, v20  }
0x1ea: {  	v60 =	vadd.f32 v21, v17;
	[tilespmem:v10+s31+$0x0] =	vst.idx.msk $0xffff, v2;
	v2 =	vmul.f32 v13, v4  }
0x1eb: {  	v61 =	vadd.f32 v15, v19;
	v62 =	vmul.f32 v14, v4;
	[tilespmem:v9+s31+$0x0] =	vst.idx.msk $0xffff, v59  }
0x1ec: {  	[tilespmem:v7+s31+$0x0] =	vst.idx.msk $0xffff, v2;
	v2 =	vmul.f32 v60, v4  }
0x1ed: {  	v63 =	vmul.f32 v61, v4;
	[tilespmem:v5+s31+$0x0] =	vst.idx.msk $0xffff, v62  }
0x1ee: {  	[tilespmem:v8+s31+$0x0] =	vst.idx.msk $0xffff, v2  }
0x1ef: {  	[tilespmem:v6+s31+$0x0] =	vst.idx.msk $0xffff, v63  }
0x1f0: {  	[spmem:s2] =	stream.indirect_vreg.scatter.add.f32 [tilespmem:s31], [sflag:$0x5], $0x70, v3, vm0, $0xb8;
	[tilespmem:$0x1C030] =	vst v63  }
0x1f1: {  	_ =	swait.ge [sflag:s14], $0x700  }
0x1f2: {  	[sflag:s14] =	ssyncset.done $0x0  }
0x1f3: {  	[sflag:s14] =	ssyncadd.s32 $0xFFFFF900  }
0x1f4: {  	_ =	swait.ge [sflag:s17], $0x700  }
0x1f5: {  	[sflag:s17] =	ssyncset.done $0x0  }
0x1f6: {  	s16 =	sadd.s32 $0x1, s16;
	[sflag:s17] =	ssyncadd.s32 $0xFFFFF900  }
0x1f7: {  	p1 =	sne.s32 s16, $0x5;
	_ =	swait.ge [sflag:s25], $0x700  }
.Ltmp4:
0x1f8: {  	[sflag:s25] =	ssyncset.done $0x0;
	(pc) =	sbr.rel @p1 .LBB2_2-.Ltmp4, $4  }
0x1f9: {  	[sflag:s25] =	ssyncadd.s32 $0xFFFFF900  }
0x1fa: {  	_ =	swait.ge [sflag:s8], $0x700  }
0x1fb: {  	[sflag:s8] =	ssyncset.done $0x0  }
0x1fc: {  	[sflag:s8] =	ssyncadd.s32 $0xFFFFF900  }
0x1fd: {  	[bflag:$0x0] =	sbarrier.arrive $0xFFFF  }
0x1fe: {  	s5 =	rddreg [dreg:$0x8]  }
0x1ff: {  	s1 =	simm.s32 @p0 $0x1FC9;
	s15 =	rddreg [dreg:$0xa]  }
0x200: {  	[hbm:s5], [sflag:s1] =	dma.local @p0 [spmem:s15], $0x1C70  }
0x201: {  	s1 =	simm.s32 @p0 $0x9  }
0x202: {  	_ =	swait.ge @p0 [sflag:s1], $0x1C70  }
0x203: {  	s16 =	rddreg [dreg:$0xb]  }
0x204: {  	[sflag:s1] =	ssyncset.done @p0 $0x0;
	s5 =	rddreg [dreg:$0xd]  }
0x205: {  	[sflag:s1] =	ssyncadd.s32 @p0 $0xFFFFE390;
	s1 =	rddreg [dreg:$0x7]  }
0x206: {  	[hbm:s1], [sflag:s16] =	dma.local @!p0 [spmem:s5], $0x2290  }
0x207: {  	s1 =	simm.s32 @!p0 $0x9  }
0x208: {  	_ =	swait.ge @!p0 [sflag:s1], $0x2290  }
0x209: {  	s20 =	rddreg [dreg:$0xe]  }
0x20a: {  	s23 =	rddreg [dreg:$0x9];
	s20 =	sadd.s32 $0x1, s20  }
0x20b: {  	p1 =	sne.s32 s20, s23  }
.Ltmp5:
0x20c: {  	_ = 	snop;
	(pc) =	sbr.rel @p1 .LBB2_1-.Ltmp5, $3  }
0x20d: {  	_ =	sdelay $0x1  }
0x20e: {  	[sflag:s1] =	ssyncset.done @!p0 $0x0  }
0x20f: {  	[sflag:s1] =	ssyncadd.s32 @!p0 $0xFFFFDD70  }
0x210: {  	_ =	sfence.sel $0x180000  }
0x211: {  	[bflag:$0x0] =	sbarrier.arrive $0xFFFF  }
0x212: {  	_ =	strace $0x9000004A  }
0x213: {  	s0 =	stileid.u32;
	[bflag:$0x2] =	sbarrier.arrive $0xFFFF  }
0x214: {  	p0 =	sne.s32 s0, $0x0;
	s0 =	rddreg [dreg:$0x3]  }
0x215: {  	s0 =	sadd.s32 @!p0 $0x100000, s0  }
0x216: {  	[sflag:s0] =	ssyncadd.tile.s32 @!p0 $0x1;
	_ =	shalt  }
.Lfunc_end2:
_tile_overlayer_lowered:
.L_overlay_start_2:
0x217: {  	(tag) =	ssettag $0x2  }
0x218: {  	s0 =	rddreg [dreg:$0x0];
	s2 =	stileid.u32  }
0x219: {  	s1 =	rddreg [dreg:$0x1];
	p0 =	sne.s32 s2, $0x0  }
0x21a: {  	s3 =	rddreg [dreg:$0x2];
	[bflag:$0x3] =	sbarrier.arrive $0xFFFF;
	s2 =	simm.s32 @!p0 $0x1C09  }
0x21b: {  	[timem:s3], [sflag:s2] =	dma.local @!p0 [hbm:s0], s1  }
0x21c: {  	s0 =	simm.s32 @!p0 $0x9  }
0x21d: {  	_ =	swait.ge @!p0 [sflag:s0], s1  }
0x21e: {  	s1 =	ssub.s32 @!p0 $0x0, s1;
	[sflag:s0] =	ssyncset.done @!p0 $0x0  }
0x21f: {  	[sflag:s0] =	ssyncadd.s32 @!p0 s1  }
0x220: {  	[bflag:$0x3] =	sbarrier.arrive $0xFFFF  }
0x221: {  	_ =	shalt  }

// kernel: kernel.13.cloned.1.call-start
scs
__scs_entry_jumppad:
0x0: {  	(pc) =	sbr.rel $0x88, $3  }
0x1: {  	(tag) =	ssettag $0x0;
	lr =	simm.s32 $0x1  }
0x2: {  	[smem:$0x3F95] =	sst lr;
	_ =	strace $0xD0000000  }
0x3: {  	_ = 	snop  }
0x4: {  	_ = 	snop  }
0x5: {  	_ = 	snop  }
0x6: {  	_ = 	snop  }
0x7: {  	_ = 	snop  }
__scs_overlays_trampoline_lowered:
0x8: {  	[smem:$0x3FA4] =	sst s0  }
0x9: {  	[smem:$0x3FA5] =	sst s1  }
0xa: {  	[smem:$0x3FA6] =	sst s2  }
0xb: {  	[smem:$0x3FA7] =	sst s3  }
0xc: {  	[smem:$0x3FA8] =	sst s4  }
0xd: {  	[smem:$0x3FA9] =	sst s5  }
0xe: {  	[smem:$0x3FAA] =	sst s6  }
0xf: {  	[smem:$0x3FAB] =	sst s7  }
0x10: {  	[smem:$0x3FAC] =	sst s8  }
0x11: {  	[smem:$0x3FAD] =	sst s9;
	s0 =	simm.s32 @!p0 $0x0  }
0x12: {  	s1 =	sld [smem:$0x3F93];
	s0 =	simm.s32 @p0 $0x1  }
0x13: {  	[smem:$0x3FAE] =	sst s0;
	s0 =	simm.s32 @!p1 $0x0  }
0x14: {  	s2 =	sld [smem:$0x3F92];
	s0 =	simm.s32 @p1 $0x1  }
0x15: {  	[smem:$0x3FAF] =	sst s0;
	s0 =	simm.s32 @!p2 $0x0  }
0x16: {  	s3 =	sld [smem:$0x3FDB];
	s0 =	simm.s32 @p2 $0x1  }
0x17: {  	s4 =	simm.s32 $0x1BF5;
	[smem:$0x3FB1] =	sst s0  }
0x18: {  	s0 =	sld [smem:$0x3F94];
	_ =	swait.ge [sflag:s4], $0x0  }
0x19: {  	s7 =	sld [smem:$0x3F95]  }
0x1a: {  	s8 =	sadd.s32 $0xFFFFE003, lr  }
0x1b: {  	s9 =	sadd.s32 $0xFFFFFEF7, lr;
	s5 =	simm.s32 $0xFFFFFFFF;
	p2 =	slt.u32 s8, $0xFFFFF086  }
0x1c: {  	p1 =	slt.u32 s9, $0xF7A;
	s5 =	simm.s32 @!p2 $0x0  }
0x1d: {  	s5 =	simm.s32 @p1 $0x1;
	p0 =	seq.s32 s7, s2  }
0x1e: {  	s7 =	smul.u32 @!p0 $0xF7A, s2;
	p2 =	seq.s32 @!p0 s5, $0x0  }
0x1f: {  	s9 =	smul.u32 $0xF7A, s1;
	s8 =	simm.s32 @!p0 $0x1BF5;
	p2 =	por !p2, p0  }
0x20: {  	[sflag:s8] =	ssyncset.s32 @!p0 $0xFFFFF086;
	s6 =	sadd.s32 @!p0 s3, s7;
	s7 =	simm.s32 @!p0 $0x108  }
0x21: {  	s3 =	sadd.s32 s3, s9;
	s6 =	sadd.s32 @!p0 $0x88, s6;
	s7 =	simm.s32 @p2 $0x1082  }
0x22: {  	[simem:s7], [sflag:s8] =	dma.local @!p0 [hbm:s6], $0xF7A  }
0x23: {  	s9 =	sor.u32 $0xD0000000, s2;
	s6 =	simm.s32 $0x108;
	_ =	swait.ge @!p0 [sflag:s8], $0x0  }
0x24: {  	s3 =	sadd.s32 $0x88, s3;
	s6 =	simm.s32 @!p1 $0x1082;
	[sflag:s4] =	ssyncset.s32 $0xFFFFF086  }
0x25: {  	[simem:s6], [sflag:s4] =	dma.local [hbm:s3], $0xF7A  }
0x26: {  	[smem:$0x3F95] =	sst s1;
	(tag) =	ssettag s2;
	_ =	strace s9  }
0x27: {  	s1 =	sld [smem:$0x3FA5]  }
0x28: {  	s2 =	sld [smem:$0x3FA6]  }
0x29: {  	s4 =	sld [smem:$0x3FA8]  }
0x2a: {  	p0 =	seq.s32 s5, $0x0;
	s5 =	sld [smem:$0x3FA9]  }
0x2b: {  	s6 =	sld [smem:$0x3FAA]  }
0x2c: {  	s7 =	sld [smem:$0x3FAB]  }
0x2d: {  	s3 =	simm.s32 $0x108;
	s8 =	sld [smem:$0x3FAC]  }
0x2e: {  	s3 =	simm.s32 @!p0 $0x1082;
	s9 =	sld [smem:$0x3FAD]  }
0x2f: {  	lr =	sadd.s32 s0, s3;
	s0 =	sld [smem:$0x3FA4]  }
0x30: {  	s3 =	sld [smem:$0x3FA7]  }
0x31: {  	[smem:$0x3FB0] =	sst s10  }
0x32: {  	s10 =	sld [smem:$0x3FAE];
	_ =	sdelay $0x3  }
0x33: {  	p0 =	seq.s32 s10, $0x1;
	s10 =	sld [smem:$0x3FB0];
	_ =	sdelay $0x3  }
0x34: {  	[smem:$0x3FB0] =	sst s10  }
0x35: {  	s10 =	sld [smem:$0x3FAF];
	_ =	sdelay $0x3  }
0x36: {  	p1 =	seq.s32 s10, $0x1;
	s10 =	sld [smem:$0x3FB0];
	_ =	sdelay $0x3  }
0x37: {  	[smem:$0x3FB0] =	sst s10  }
0x38: {  	s10 =	sld [smem:$0x3FB1]  }
0x39: {  	_ = 	snop;
	(pc) =	sbr.ind lr, $3  }
0x3a: {  	_ = 	snop  }
0x3b: {  	_ = 	snop  }
0x3c: {  	p2 =	seq.s32 s10, $0x1;
	s10 =	sld [smem:$0x3FB0]  }
0x3d: {  	_ =	shalt  }
0x3e: {  	_ =	shalt  }
0x3f: {  	_ =	shalt  }
0x40: {  	_ =	shalt  }
0x41: {  	_ =	shalt  }
0x42: {  	_ =	shalt  }
0x43: {  	_ =	shalt  }
0x44: {  	_ =	shalt  }
0x45: {  	_ =	shalt  }
0x46: {  	_ =	shalt  }
0x47: {  	_ =	shalt  }
0x48: {  	_ =	shalt  }
0x49: {  	_ =	shalt  }
0x4a: {  	_ =	shalt  }
0x4b: {  	_ =	shalt  }
0x4c: {  	_ =	shalt  }
0x4d: {  	_ =	shalt  }
0x4e: {  	_ =	shalt  }
0x4f: {  	_ =	shalt  }
0x50: {  	_ =	shalt  }
0x51: {  	_ =	shalt  }
0x52: {  	_ =	shalt  }
0x53: {  	_ =	shalt  }
0x54: {  	_ =	shalt  }
0x55: {  	_ =	shalt  }
0x56: {  	_ =	shalt  }
0x57: {  	_ =	shalt  }
0x58: {  	_ =	shalt  }
0x59: {  	_ =	shalt  }
0x5a: {  	_ =	shalt  }
0x5b: {  	_ =	shalt  }
0x5c: {  	_ =	shalt  }
0x5d: {  	_ =	shalt  }
0x5e: {  	_ =	shalt  }
0x5f: {  	_ =	shalt  }
0x60: {  	_ =	shalt  }
0x61: {  	_ =	shalt  }
0x62: {  	_ =	shalt  }
0x63: {  	_ =	shalt  }
0x64: {  	_ =	shalt  }
0x65: {  	_ =	shalt  }
0x66: {  	_ =	shalt  }
0x67: {  	_ =	shalt  }
0x68: {  	_ =	shalt  }
0x69: {  	_ =	shalt  }
0x6a: {  	_ =	shalt  }
0x6b: {  	_ =	shalt  }
0x6c: {  	_ =	shalt  }
0x6d: {  	_ =	shalt  }
0x6e: {  	_ =	shalt  }
0x6f: {  	_ =	shalt  }
0x70: {  	_ =	shalt  }
0x71: {  	_ =	shalt  }
0x72: {  	_ =	shalt  }
0x73: {  	_ =	shalt  }
0x74: {  	_ =	shalt  }
0x75: {  	_ =	shalt  }
0x76: {  	_ =	shalt  }
0x77: {  	_ =	shalt  }
0x78: {  	_ =	shalt  }
0x79: {  	_ =	shalt  }
0x7a: {  	_ =	shalt  }
0x7b: {  	_ =	shalt  }
0x7c: {  	_ =	shalt  }
0x7d: {  	_ =	shalt  }
0x7e: {  	_ =	shalt  }
0x7f: {  	_ =	shalt  }
0x80: {  	_ =	shalt  }
0x81: {  	_ =	shalt  }
0x82: {  	_ =	shalt  }
0x83: {  	_ =	shalt  }
0x84: {  	_ =	shalt  }
0x85: {  	_ =	shalt  }
0x86: {  	_ =	shalt  }
0x87: {  	_ =	shalt  }
.Lfunc_end0:
.L_simem_size_0:
called_computation.2_lowered:
.L_overlay_start_0:
0x88: {  	s2 =	sld [smem:$0x3FD9]  }
0x89: {  	s3 =	sld [smem:$0x3FFE];
	_ =	sdelay $0x1  }
0x8a: {  	s1 =	srdreg.scid  }
0x8b: {  	s0 =	sand.u32 $0x1, s1  }
0x8c: {  	s17 =	sshll.u32 s0, $0xA;
	s2 =	sadd.s32 s3, s2  }
0x8d: {  	s2 =	sadd.s32 s2, s17  }
0x8e: {  	[smem:$0x3FBC] =	sst s2  }
0x8f: {  	_ = 	snop  }
0x90: {  	s2 =	sld [smem:$0x3FD0];
	(tm) =	ssettm $0x1  }
0x91: {  	s18 =	sld [smem:$0x3FFB];
	_ =	sdelay $0x3  }
0x92: {  	_ =	strace s18  }
0x93: {  	s3 =	sld [smem:$0x3FFC];
	_ =	sdelay $0x3  }
0x94: {  	_ =	strace s3  }
0x95: {  	s3 =	sld [smem:$0x3FFD];
	_ =	sdelay $0x3  }
0x96: {  	_ =	strace s3  }
0x97: {  	_ =	strace $0x8FFFFFFF  }
0x98: {  	s19 =	sld [smem:$0x3FDB];
	_ =	sdelay $0x1  }
0x99: {  	s4 =	simm.s32 $_scs_section_size  }
0x9a: {  	s5 =	simm.s32 $_size__tile_overlayer_lowered;
	s6 =	simm.s32 $_tile_overlayer_lowered  }
0x9b: {  	s22 =	simm.s32 $0x1BFF;
	s21 =	sshll.u32 s6, $0x1;
	s3 =	sadd.s32 s4, s19  }
0x9c: {  	s7 =	simm.s32 $0x0;
	s20 =	sshll.u32 s5, $0x1;
	s5 =	sadd.s32 s21, s3  }
0x9d: {  	[timem:s7], [sflag:s22] =	dma.local [hbm:s5], s20  }
0x9e: {  	_ =	swait.ge [sflag:s22], s20  }
0x9f: {  	s4 =	ssub.s32 $0x0, s20;
	[sflag:s22] =	ssyncset.done $0x0  }
0xa0: {  	[sflag:s22] =	ssyncadd.s32 s4;
	_ =	sdelay $0x1  }
0xa1: {  	s23 =	simm.s32 $0x1B8B  }
0xa2: {  	_ =	swait.ge [sflag:s23], $0x1  }
0xa3: {  	[sflag:s23] =	ssyncset.done $0x0  }
0xa4: {  	s25 =	simm.s32 $0x1B8E;
	s24 =	sld [smem:$0x3FFE];
	[sflag:s23] =	ssyncadd.s32 $0xFFFFFFFF  }
0xa5: {  	s26 =	simm.s32 $execute0_lowered;
	[smem:$0x3FD2] =	sst s25  }
0xa6: {  	s5 =	sshll.u32 s26, $0x1;
	_ =	strace $0x8000004C;
	[dreg:$0x1] =	wrdreg $0xFFFFFFFF  }
0xa7: {  	s28 =	simm.s32 $_size_execute0_lowered;
	s3 =	sadd.s32 s3, s5;
	[dreg:$0x0] =	wrdreg $0x0  }
0xa8: {  	s5 =	sshll.u32 s28, $0x1;
	[dreg:$0x2] =	wrdreg s3  }
0xa9: {  	[dreg:$0x3] =	wrdreg s5  }
0xaa: {  	[dreg:$0x4] =	wrdreg $0xC0  }
0xab: {  	_ =	task [dreg:s7], $0x5FFFF  }
0xac: {  	[dreg:$0x1] =	wrdreg $0xFFFFFFFF  }
0xad: {  	[dreg:$0x0] =	wrdreg $0x60  }
0xae: {  	[dreg:$0x2] =	wrdreg s24  }
0xaf: {  	[dreg:$0x3] =	wrdreg s2  }
0xb0: {  	[dreg:$0x4] =	wrdreg $0x9  }
0xb1: {  	_ =	task.clear_ibuf [dreg:s7], $0x5FFFF;
	_ =	strace $0x9000004C  }
0xb2: {  	s29 =	simm.s32 $0x9;
	_ =	strace $0x8000004E  }
0xb3: {  	_ =	swait.ge [sflag:s29], $0x1  }
0xb4: {  	[sflag:s29] =	ssyncadd.s32 $0xFFFFFFFF  }
0xb5: {  	_ =	strace $0x9000004E  }
0xb6: {  	_ =	sfence  }
0xb7: {  	s30 =	sld [smem:$0x0];
	_ =	sdelay $0x2  }
0xb8: {  	s31 =	sshll.u32 s1, $0xD;
	s1 =	sshrl.u32 s1, $0x2  }
0xb9: {  	s3 =	sand.u32 $0x4000, s31;
	s1 =	sadd.s32 s1, s30  }
0xba: {  	s0 =	sor.u32 s3, s0;
	s1 =	sshll.u32 s1, $0x11  }
0xbb: {  	s0 =	sor.u32 s1, s0  }
0xbc: {  	s0 =	sadd.s32 $0x8F2B, s0  }
0xbd: {  	[sflag:s0] =	ssyncadd.remote.s32 $0x1  }
0xbe: {  	_ =	sfence.sel $0xFFFF  }
0xbf: {  	[dreg:$0x0] =	wrdreg $0xFFFFFFFF;
	(pc) =	sbr.abs _section_cstart, $3  }
0xc0: {  	[dreg:$0x1] =	wrdreg $0xFFFFFFFF  }
0xc1: {  	_ =	task.clear_ibuf [dreg:s7], $0x2FFFF;
	_ =	strace $0x9FFFFFFF  }
0xc2: {  	(tm) =	ssettm $0x7FFFFFFF  }
0xc3: {  	_ =	shalt  }
tec
execute0_lowered:
.L_overlay_start_1:
0x0: {  	(tag) =	ssettag $0x1  }
0x1: {  	s9 =	rddreg [dreg:$0x0]  }
0x2: {  	s10 =	rddreg [dreg:$0x1]  }
0x3: {  	s0 =	rddreg [dreg:$0x2]  }
0x4: {  	s2 =	simm.s32 $0x0;
	s3 =	srdreg.scid;
	s1 =	stileid.u32  }
0x5: {  	s13 =	simm.s32 $0x20;
	s14 =	simm.s32 $0x40;
	s15 =	simm.s32 $0x60  }
0x6: {  	s16 =	simm.s32 $0x760;
	s17 =	simm.s32 $0xE60;
	s18 =	simm.s32 $0x1560  }
0x7: {  	s19 =	simm.s32 $0x0;
	[smem:$0x7FF] =	sst s2;
	s3 =	sand.u32 $0x1, s3  }
0x8: {  	s5 =	sshll.u32 s1, $0x2;
	s8 =	sadd.s32 $0x254E0, s9;
	_ =	strace $0x8000004D  }
0x9: {  	s4 =	sshll.u32 s3, $0x6;
	s6 =	ssub.s32 $0x2, s3;
	s3 =	sadd.s32 $0x3200, s9  }
0xa: {  	s11 =	sor.u32 s5, s4;
	s31 =	sshrl.u32 s6, $0x1;
	s4 =	sadd.s32 $0x1C00, s9  }
0xb: {  	s7 =	sadd.s32 s11, s9;
	s12 =	ssub.s32 s6, s31;
	s9 =	sadd.s32 $0x26F0, s9  }
0xc: {  	v0 =	vlaneseq.u32;
	s10 =	sadd.s32 s10, s11;
	s5 =	sadd.s32 $0xECE00, s7;
	s6 =	sadd.s32 $0xECC00, s7  }
0xd: {  	vm0 =	vmmov $0xffff;
	v0 =	vmul.u32 $0x70, v0;
	s7 =	sadd.s32 $0xECA00, s7;
	s11 =	smax.u32 s12, $0x1;
	s12 =	simm.s32 $0x1  }
.LBB2_1:
0xe: {  	[tilespmem:s2], [sflag:$0x1] =	stream.linear.gather [hbm4b:s5+s2], $0x20, $0x38;
	[tilespmem:$0x1580] =	vst v63  }
0xf: {  	_ =	swait.ge [sflag:s12], $0x20  }
0x10: {  	[sflag:s12] =	ssyncset.done $0x0  }
0x11: {  	[sflag:s12] =	ssyncadd.s32 $0xFFFFFFE0  }
0x12: {  	[tilespmem:s13], [sflag:$0x1] =	stream.linear.gather [hbm4b:s6+s2], $0x20, $0x38;
	[tilespmem:$0x1580] =	vst v63  }
0x13: {  	_ =	swait.ge [sflag:s12], $0x20  }
0x14: {  	[sflag:s12] =	ssyncset.done $0x0  }
0x15: {  	[sflag:s12] =	ssyncadd.s32 $0xFFFFFFE0  }
0x16: {  	[tilespmem:s14], [sflag:$0x1] =	stream.linear.gather [hbm4b:s7+s2], $0x20, $0x38;
	[tilespmem:$0x1580] =	vst v63  }
0x17: {  	_ =	swait.ge [sflag:s12], $0x20  }
0x18: {  	[sflag:s12] =	ssyncset.done $0x0  }
0x19: {  	[sflag:s12] =	ssyncadd.s32 $0xFFFFFFE0  }
0x1a: {  	v3 =	vld [tilespmem:$0x0];
	_ =	sdelay $0x3  }
0x1b: {  	v2 =	vld [tilespmem:$0x20];
	_ =	sdelay $0x3  }
0x1c: {  	v1 =	vld [tilespmem:$0x40];
	[tilespmem:s15], [sflag:$0x1] =	stream.indirect_vreg.gather [hbm4b:s3+s2], $0x70, v3, vm0, $0xb8  }
0x1d: {  	_ =	swait.ge [sflag:s12], $0x700  }
0x1e: {  	[sflag:s12] =	ssyncset.done $0x0  }
0x1f: {  	[sflag:s12] =	ssyncadd.s32 $0xFFFFF900  }
0x20: {  	[tilespmem:s16], [sflag:$0x1] =	stream.indirect_vreg.gather [hbm4b:s4+s2], $0x70, v2, vm0, $0xb8;
	[tilespmem:$0x1580] =	vst v63  }
0x21: {  	v4 =	vmov s2;
	_ =	swait.ge [sflag:s12], $0x700  }
0x22: {  	v4 =	vand.u32 $0x7F, v4;
	[sflag:s12] =	ssyncset.done $0x0  }
0x23: {  	v4 =	vadd.s32 v0, v4;
	[sflag:s12] =	ssyncadd.s32 $0xFFFFF900  }
0x24: {  	[tilespmem:s17], [sflag:$0x1] =	stream.indirect_vreg.gather [hbm4b:s3+s2], $0x70, v1, vm0, $0xb8;
	[tilespmem:$0x1580] =	vst v63  }
0x25: {  	_ =	swait.ge [sflag:s12], $0x700  }
0x26: {  	s20 =	simm.s32 $0x1;
	[sflag:s12] =	ssyncset.done $0x0  }
0x27: {  	v5 =	vmov s20;
	[sflag:s12] =	ssyncadd.s32 $0xFFFFF900  }
0x28: {  	v5 =	vand.u32 $0x7F, v5;
	v6 =	vld.idx.msk [tilespmem:v4+s15+$0x0], $0xffff  }
0x29: {  	v8 =	vadd.s32 v0, v5;
	v7 =	vld.idx.msk [tilespmem:v4+s16+$0x0], $0xffff;
	_ =	sdelay $0x1  }
0x2a: {  	s31 =	simm.s32 $0x2;
	v10 =	vld.idx.msk [tilespmem:v4+s17+$0x0], $0xffff  }
0x2b: {  	v4 =	vmov s31  }
0x2c: {  	v4 =	vand.u32 $0x7F, v4  }
0x2d: {  	v5 =	vld.idx.msk [tilespmem:v8+s15+$0x0], $0xffff;
	v9 =	vadd.s32 v0, v4;
	v11 =	vmul.f32 v7, v6  }
0x2e: {  	v7 =	vld.idx.msk [tilespmem:v8+s16+$0x0], $0xffff  }
0x2f: {  	s20 =	simm.s32 $0x3;
	v4 =	vimm.f32 $0.0e+00;
	v6 =	vld.idx.msk [tilespmem:v8+s17+$0x0], $0xffff;
	v8 =	vmul.f32 v10, v11;
	v10 =	vmov v9  }
.LBB2_2:
0x30: {  	p0 =	sne.s32 s20, $0x63  }
.Ltmp0:
0x31: {  	v12 =	vmov s20;
	v4 =	vadd.f32 v8, v4;
	(pc) =	sbr.rel @p0 .LBB2_2-.Ltmp0, $3  }
0x32: {  	s20 =	sadd.s32 $0x1, s20;
	v8 =	vand.u32 $0x7F, v12;
	v11 =	vmov v5;
	v5 =	vld.idx.msk [tilespmem:v9+s15+$0x0], $0xffff  }
0x33: {  	v11 =	vmul.f32 v7, v11;
	v7 =	vld.idx.msk [tilespmem:v9+s16+$0x0], $0xffff;
	v9 =	vadd.s32 v0, v8;
	_ =	sdelay $0x1  }
0x34: {  	v8 =	vmul.f32 v6, v11;
	v6 =	vld.idx.msk [tilespmem:v10+s17+$0x0], $0xffff;
	v10 =	vmov v9  }
0x35: {  	_ =	sdelay $0x3  }
0x36: {  	v11 =	vld.idx.msk [tilespmem:v9+s15+$0x0], $0xffff  }
0x37: {  	v62 =	vld.idx.msk [tilespmem:v9+s16+$0x0], $0xffff  }
0x38: {  	v10 =	vld.idx.msk [tilespmem:v10+s17+$0x0], $0xffff;
	[bflag:$0x0] =	sbarrier.arrive $0xFFFF;
	s20 =	simm.s32 $0x0  }
0x39: {  	[tilespmem:s15], [sflag:$0x1] =	stream.indirect_vreg.gather [hbm4b:s8+s20], $0x70, v3, vm0, $0xb8;
	[tilespmem:$0x1580] =	vst v63  }
0x3a: {  	_ =	swait.ge [sflag:s12], $0x700  }
0x3b: {  	[sflag:s12] =	ssyncset.done $0x0  }
0x3c: {  	[sflag:s12] =	ssyncadd.s32 $0xFFFFF900  }
0x3d: {  	[tilespmem:s16], [sflag:$0x1] =	stream.indirect_vreg.gather [hbm4b:s9+s20], $0x70, v2, vm0, $0xb8;
	[tilespmem:$0x1580] =	vst v63  }
0x3e: {  	v2 =	vmov s20;
	_ =	swait.ge [sflag:s12], $0x700  }
0x3f: {  	v2 =	vand.u32 $0x7F, v2;
	[sflag:s12] =	ssyncset.done $0x0  }
0x40: {  	v2 =	vadd.s32 v0, v2;
	[sflag:s12] =	ssyncadd.s32 $0xFFFFF900  }
0x41: {  	[tilespmem:s17], [sflag:$0x1] =	stream.indirect_vreg.gather [hbm4b:s8+s20], $0x70, v1, vm0, $0xb8;
	[tilespmem:$0x1580] =	vst v63  }
0x42: {  	_ =	swait.ge [sflag:s12], $0x700  }
0x43: {  	s30 =	simm.s32 $0x1;
	[sflag:s12] =	ssyncset.done $0x0  }
0x44: {  	v1 =	vmov s30;
	[sflag:s12] =	ssyncadd.s32 $0xFFFFF900  }
0x45: {  	v5 =	vmul.f32 v7, v5;
	v1 =	vand.u32 $0x7F, v1;
	v3 =	vld.idx.msk [tilespmem:v2+s15+$0x0], $0xffff  }
0x46: {  	v7 =	vadd.s32 v0, v1;
	v1 =	vld.idx.msk [tilespmem:v2+s16+$0x0], $0xffff  }
0x47: {  	v4 =	vadd.f32 v8, v4;
	v5 =	vmul.f32 v6, v5  }
0x48: {  	s31 =	simm.s32 $0x2;
	v6 =	vld.idx.msk [tilespmem:v2+s17+$0x0], $0xffff  }
0x49: {  	v8 =	vadd.f32 v5, v4;
	v4 =	vmov s31;
	v2 =	vmul.f32 v62, v11  }
0x4a: {  	v4 =	vand.u32 $0x7F, v4  }
0x4b: {  	v5 =	vadd.s32 v0, v4;
	v9 =	vmul.f32 v10, v2;
	v2 =	vld.idx.msk [tilespmem:v7+s15+$0x0], $0xffff;
	v63 =	vmul.f32 v1, v3  }
0x4c: {  	v4 =	vld.idx.msk [tilespmem:v7+s16+$0x0], $0xffff  }
0x4d: {  	s20 =	simm.s32 $0x3;
	v1 =	vadd.f32 v9, v8;
	v3 =	vld.idx.msk [tilespmem:v7+s17+$0x0], $0xffff;
	v7 =	vmul.f32 v6, v63;
	v6 =	vmov v5  }
.LBB2_4:
0x4e: {  	p0 =	sne.s32 s20, $0x63  }
.Ltmp1:
0x4f: {  	v9 =	vmov s20;
	v1 =	vadd.f32 v7, v1;
	(pc) =	sbr.rel @p0 .LBB2_4-.Ltmp1, $3  }
0x50: {  	s20 =	sadd.s32 $0x1, s20;
	v7 =	vand.u32 $0x7F, v9;
	v8 =	vmov v2;
	v2 =	vld.idx.msk [tilespmem:v5+s15+$0x0], $0xffff  }
0x51: {  	v8 =	vmul.f32 v4, v8;
	v4 =	vld.idx.msk [tilespmem:v5+s16+$0x0], $0xffff;
	v5 =	vadd.s32 v0, v7;
	_ =	sdelay $0x1  }
0x52: {  	v7 =	vmul.f32 v3, v8;
	v3 =	vld.idx.msk [tilespmem:v6+s17+$0x0], $0xffff;
	v6 =	vmov v5  }
0x53: {  	_ =	sdelay $0x3  }
0x54: {  	v8 =	vld.idx.msk [tilespmem:v5+s15+$0x0], $0xffff  }
0x55: {  	v5 =	vld.idx.msk [tilespmem:v5+s16+$0x0], $0xffff;
	_ =	sdelay $0x1  }
0x56: {  	v6 =	vld.idx.msk [tilespmem:v6+s17+$0x0], $0xffff  }
0x57: {  	[bflag:$0x0] =	sbarrier.arrive $0xFFFF;
	v4 =	vmul.f32 v4, v2  }
0x58: {  	v2 =	vld [tilespmem:$0x10]  }
0x59: {  	v1 =	vadd.f32 v7, v1;
	v3 =	vmul.f32 v3, v4;
	v4 =	vmul.f32 v5, v8;
	_ =	sdelay $0x1  }
0x5a: {  	v1 =	vadd.f32 v3, v1;
	v4 =	vmul.f32 v6, v4  }
0x5b: {  	v3 =	vld [tilespmem:$0x30]  }
0x5c: {  	v1 =	vadd.f32 v4, v1;
	_ =	sdelay $0x1  }
0x5d: {  	s20 =	simm.s32 $0x0;
	[tilespmem:$0x1560] =	vst v1  }
0x5e: {  	v1 =	vld [tilespmem:$0x50];
	[tilespmem:s15], [sflag:$0x1] =	stream.indirect_vreg.gather [hbm4b:s3+s20], $0x70, v2, vm0, $0xb8  }
0x5f: {  	_ =	swait.ge [sflag:s12], $0x700  }
0x60: {  	[sflag:s12] =	ssyncset.done $0x0  }
0x61: {  	[sflag:s12] =	ssyncadd.s32 $0xFFFFF900  }
0x62: {  	[tilespmem:s16], [sflag:$0x1] =	stream.indirect_vreg.gather [hbm4b:s4+s20], $0x70, v3, vm0, $0xb8;
	[tilespmem:$0x1580] =	vst v63  }
0x63: {  	v4 =	vmov s20;
	_ =	swait.ge [sflag:s12], $0x700  }
0x64: {  	v4 =	vand.u32 $0x7F, v4;
	[sflag:s12] =	ssyncset.done $0x0  }
0x65: {  	v4 =	vadd.s32 v0, v4;
	[sflag:s12] =	ssyncadd.s32 $0xFFFFF900  }
0x66: {  	[tilespmem:s17], [sflag:$0x1] =	stream.indirect_vreg.gather [hbm4b:s3+s20], $0x70, v1, vm0, $0xb8;
	[tilespmem:$0x1580] =	vst v63  }
0x67: {  	_ =	swait.ge [sflag:s12], $0x700  }
0x68: {  	s30 =	simm.s32 $0x1;
	[sflag:s12] =	ssyncset.done $0x0  }
0x69: {  	v5 =	vmov s30;
	[sflag:s12] =	ssyncadd.s32 $0xFFFFF900  }
0x6a: {  	v5 =	vand.u32 $0x7F, v5;
	v6 =	vld.idx.msk [tilespmem:v4+s15+$0x0], $0xffff  }
0x6b: {  	v8 =	vadd.s32 v0, v5;
	v7 =	vld.idx.msk [tilespmem:v4+s16+$0x0], $0xffff;
	_ =	sdelay $0x1  }
0x6c: {  	s31 =	simm.s32 $0x2;
	v10 =	vld.idx.msk [tilespmem:v4+s17+$0x0], $0xffff  }
0x6d: {  	v4 =	vmov s31  }
0x6e: {  	v4 =	vand.u32 $0x7F, v4  }
0x6f: {  	v5 =	vld.idx.msk [tilespmem:v8+s15+$0x0], $0xffff;
	v9 =	vadd.s32 v0, v4;
	v11 =	vmul.f32 v7, v6  }
0x70: {  	v7 =	vld.idx.msk [tilespmem:v8+s16+$0x0], $0xffff  }
0x71: {  	s20 =	simm.s32 $0x3;
	v4 =	vimm.f32 $0.0e+00;
	v6 =	vld.idx.msk [tilespmem:v8+s17+$0x0], $0xffff;
	v8 =	vmul.f32 v10, v11;
	v10 =	vmov v9  }
.LBB2_6:
0x72: {  	p0 =	sne.s32 s20, $0x63  }
.Ltmp2:
0x73: {  	v12 =	vmov s20;
	v4 =	vadd.f32 v8, v4;
	(pc) =	sbr.rel @p0 .LBB2_6-.Ltmp2, $3  }
0x74: {  	s20 =	sadd.s32 $0x1, s20;
	v8 =	vand.u32 $0x7F, v12;
	v11 =	vmov v5;
	v5 =	vld.idx.msk [tilespmem:v9+s15+$0x0], $0xffff  }
0x75: {  	v11 =	vmul.f32 v7, v11;
	v7 =	vld.idx.msk [tilespmem:v9+s16+$0x0], $0xffff;
	v9 =	vadd.s32 v0, v8;
	_ =	sdelay $0x1  }
0x76: {  	v8 =	vmul.f32 v6, v11;
	v6 =	vld.idx.msk [tilespmem:v10+s17+$0x0], $0xffff;
	v10 =	vmov v9  }
0x77: {  	_ =	sdelay $0x3  }
0x78: {  	v11 =	vld.idx.msk [tilespmem:v9+s15+$0x0], $0xffff  }
0x79: {  	v63 =	vld.idx.msk [tilespmem:v9+s16+$0x0], $0xffff  }
0x7a: {  	v10 =	vld.idx.msk [tilespmem:v10+s17+$0x0], $0xffff;
	[bflag:$0x0] =	sbarrier.arrive $0xFFFF;
	s20 =	simm.s32 $0x0  }
0x7b: {  	[tilespmem:s15], [sflag:$0x1] =	stream.indirect_vreg.gather [hbm4b:s8+s20], $0x70, v2, vm0, $0xb8;
	[tilespmem:$0x1580] =	vst v63  }
0x7c: {  	_ =	swait.ge [sflag:s12], $0x700  }
0x7d: {  	[sflag:s12] =	ssyncset.done $0x0  }
0x7e: {  	[sflag:s12] =	ssyncadd.s32 $0xFFFFF900  }
0x7f: {  	[tilespmem:s16], [sflag:$0x1] =	stream.indirect_vreg.gather [hbm4b:s9+s20], $0x70, v3, vm0, $0xb8;
	[tilespmem:$0x1580] =	vst v63  }
0x80: {  	v2 =	vmov s20;
	_ =	swait.ge [sflag:s12], $0x700  }
0x81: {  	v2 =	vand.u32 $0x7F, v2;
	[sflag:s12] =	ssyncset.done $0x0  }
0x82: {  	v2 =	vadd.s32 v0, v2;
	[sflag:s12] =	ssyncadd.s32 $0xFFFFF900  }
0x83: {  	[tilespmem:s17], [sflag:$0x1] =	stream.indirect_vreg.gather [hbm4b:s8+s20], $0x70, v1, vm0, $0xb8;
	[tilespmem:$0x1580] =	vst v63  }
0x84: {  	_ =	swait.ge [sflag:s12], $0x700  }
0x85: {  	s30 =	simm.s32 $0x1;
	[sflag:s12] =	ssyncset.done $0x0  }
0x86: {  	v1 =	vmov s30;
	[sflag:s12] =	ssyncadd.s32 $0xFFFFF900  }
0x87: {  	v5 =	vmul.f32 v7, v5;
	v1 =	vand.u32 $0x7F, v1;
	v3 =	vld.idx.msk [tilespmem:v2+s15+$0x0], $0xffff  }
0x88: {  	v7 =	vadd.s32 v0, v1;
	v12 =	vld.idx.msk [tilespmem:v2+s16+$0x0], $0xffff  }
0x89: {  	v1 =	vadd.f32 v8, v4;
	v4 =	vmul.f32 v6, v5  }
0x8a: {  	s31 =	simm.s32 $0x2;
	v6 =	vld.idx.msk [tilespmem:v2+s17+$0x0], $0xffff  }
0x8b: {  	v2 =	vmul.f32 v63, v11;
	v5 =	vadd.f32 v4, v1;
	v1 =	vmov s31  }
0x8c: {  	v4 =	vand.u32 $0x7F, v1  }
0x8d: {  	v2 =	vmul.f32 v10, v2;
	v4 =	vadd.s32 v0, v4;
	v1 =	vld.idx.msk [tilespmem:v7+s15+$0x0], $0xffff;
	v8 =	vmul.f32 v12, v3  }
0x8e: {  	v3 =	vld.idx.msk [tilespmem:v7+s16+$0x0], $0xffff  }
0x8f: {  	s20 =	simm.s32 $0x3;
	v2 =	vadd.f32 v2, v5;
	v5 =	vld.idx.msk [tilespmem:v7+s17+$0x0], $0xffff;
	v7 =	vmul.f32 v6, v8;
	v6 =	vmov v4  }
.LBB2_8:
0x90: {  	p0 =	sne.s32 s20, $0x63  }
.Ltmp3:
0x91: {  	v9 =	vmov s20;
	v2 =	vadd.f32 v7, v2;
	(pc) =	sbr.rel @p0 .LBB2_8-.Ltmp3, $3  }
0x92: {  	s20 =	sadd.s32 $0x1, s20;
	v7 =	vand.u32 $0x7F, v9;
	v8 =	vmov v1;
	v1 =	vld.idx.msk [tilespmem:v4+s15+$0x0], $0xffff  }
0x93: {  	v8 =	vmul.f32 v3, v8;
	v3 =	vld.idx.msk [tilespmem:v4+s16+$0x0], $0xffff;
	v4 =	vadd.s32 v0, v7;
	_ =	sdelay $0x1  }
0x94: {  	v7 =	vmul.f32 v5, v8;
	v5 =	vld.idx.msk [tilespmem:v6+s17+$0x0], $0xffff;
	v6 =	vmov v4  }
0x95: {  	_ =	sdelay $0x3  }
0x96: {  	v8 =	vld.idx.msk [tilespmem:v4+s15+$0x0], $0xffff  }
0x97: {  	v63 =	vld.idx.msk [tilespmem:v4+s16+$0x0], $0xffff;
	_ =	sdelay $0x1  }
0x98: {  	v6 =	vld.idx.msk [tilespmem:v6+s17+$0x0], $0xffff  }
0x99: {  	v1 =	vmul.f32 v3, v1;
	_ =	sdelay $0x1  }
0x9a: {  	v2 =	vadd.f32 v7, v2;
	v1 =	vmul.f32 v5, v1;
	v3 =	vmul.f32 v63, v8;
	_ =	sdelay $0x1  }
0x9b: {  	v1 =	vadd.f32 v1, v2;
	v2 =	vmul.f32 v6, v3;
	_ =	sdelay $0x1  }
0x9c: {  	s19 =	sadd.s32 $0x1, s19;
	v1 =	vadd.f32 v2, v1  }
0x9d: {  	[bflag:$0x0] =	sbarrier.arrive $0xFFFF;
	p0 =	sne.s32 s19, s11  }
.Ltmp4:
0x9e: {  	[tilespmem:$0x1570] =	vst v1;
	(pc) =	sbr.rel @p0 .LBB2_1-.Ltmp4, $4  }
0x9f: {  	[hbm4b:s10+s2] =	stream.linear.scatter [tilespmem:s18], [sflag:$0x1], $0x20, $0x38;
	[tilespmem:$0x1580] =	vst v63  }
0xa0: {  	_ =	swait.ge [sflag:s12], $0x20  }
0xa1: {  	[sflag:s12] =	ssyncset.done $0x0  }
0xa2: {  	[sflag:s12] =	ssyncadd.s32 $0xFFFFFFE0  }
0xa3: {  	_ =	sfence.sel $0x180000  }
0xa4: {  	[bflag:$0x0] =	sbarrier.arrive $0xFFFF  }
0xa5: {  	p0 =	sne.s32 s1, $0x0;
	_ =	strace $0x9000004D  }
0xa6: {  	s0 =	sadd.s32 @!p0 $0x100000, s0;
	[bflag:$0x2] =	sbarrier.arrive $0xFFFF  }
0xa7: {  	[sflag:s0] =	ssyncadd.tile.s32 @!p0 $0x1;
	_ =	shalt  }
.Lfunc_end2:
_tile_overlayer_lowered:
.L_overlay_start_2:
0xa8: {  	(tag) =	ssettag $0x2  }
0xa9: {  	s0 =	rddreg [dreg:$0x0];
	s2 =	stileid.u32  }
0xaa: {  	s1 =	rddreg [dreg:$0x1];
	p0 =	sne.s32 s2, $0x0  }
0xab: {  	s3 =	rddreg [dreg:$0x2];
	[bflag:$0x3] =	sbarrier.arrive $0xFFFF;
	s2 =	simm.s32 @!p0 $0x1C01  }
0xac: {  	[timem:s3], [sflag:s2] =	dma.local @!p0 [hbm:s0], s1  }
0xad: {  	s0 =	simm.s32 @!p0 $0x1  }
0xae: {  	_ =	swait.ge @!p0 [sflag:s0], s1  }
0xaf: {  	s1 =	ssub.s32 @!p0 $0x0, s1;
	[sflag:s0] =	ssyncset.done @!p0 $0x0  }
0xb0: {  	[sflag:s0] =	ssyncadd.s32 @!p0 s1  }
0xb1: {  	[bflag:$0x3] =	sbarrier.arrive $0xFFFF  }
0xb2: {  	_ =	shalt  }

// kernel: kernel.7.cloned.1.call-start
scs
__scs_entry_jumppad:
0x0: {  	(pc) =	sbr.rel $0x88, $3  }
0x1: {  	(tag) =	ssettag $0x0;
	lr =	simm.s32 $0x1  }
0x2: {  	[smem:$0x3F95] =	sst lr;
	_ =	strace $0xD0000000  }
0x3: {  	_ = 	snop  }
0x4: {  	_ = 	snop  }
0x5: {  	_ = 	snop  }
0x6: {  	_ = 	snop  }
0x7: {  	_ = 	snop  }
__scs_overlays_trampoline_lowered:
0x8: {  	[smem:$0x3FA4] =	sst s0  }
0x9: {  	[smem:$0x3FA5] =	sst s1  }
0xa: {  	[smem:$0x3FA6] =	sst s2  }
0xb: {  	[smem:$0x3FA7] =	sst s3  }
0xc: {  	[smem:$0x3FA8] =	sst s4  }
0xd: {  	[smem:$0x3FA9] =	sst s5  }
0xe: {  	[smem:$0x3FAA] =	sst s6  }
0xf: {  	[smem:$0x3FAB] =	sst s7  }
0x10: {  	[smem:$0x3FAC] =	sst s8  }
0x11: {  	[smem:$0x3FAD] =	sst s9;
	s0 =	simm.s32 @!p0 $0x0  }
0x12: {  	s1 =	sld [smem:$0x3F93];
	s0 =	simm.s32 @p0 $0x1  }
0x13: {  	[smem:$0x3FAE] =	sst s0;
	s0 =	simm.s32 @!p1 $0x0  }
0x14: {  	s2 =	sld [smem:$0x3F92];
	s0 =	simm.s32 @p1 $0x1  }
0x15: {  	[smem:$0x3FAF] =	sst s0;
	s0 =	simm.s32 @!p2 $0x0  }
0x16: {  	s3 =	sld [smem:$0x3FDB];
	s0 =	simm.s32 @p2 $0x1  }
0x17: {  	s4 =	simm.s32 $0x1BF5;
	[smem:$0x3FB1] =	sst s0  }
0x18: {  	s0 =	sld [smem:$0x3F94];
	_ =	swait.ge [sflag:s4], $0x0  }
0x19: {  	s7 =	sld [smem:$0x3F95]  }
0x1a: {  	s8 =	sadd.s32 $0xFFFFE003, lr  }
0x1b: {  	s9 =	sadd.s32 $0xFFFFFEF7, lr;
	s5 =	simm.s32 $0xFFFFFFFF;
	p2 =	slt.u32 s8, $0xFFFFF086  }
0x1c: {  	p1 =	slt.u32 s9, $0xF7A;
	s5 =	simm.s32 @!p2 $0x0  }
0x1d: {  	s5 =	simm.s32 @p1 $0x1;
	p0 =	seq.s32 s7, s2  }
0x1e: {  	s7 =	smul.u32 @!p0 $0xF7A, s2;
	p2 =	seq.s32 @!p0 s5, $0x0  }
0x1f: {  	s9 =	smul.u32 $0xF7A, s1;
	s8 =	simm.s32 @!p0 $0x1BF5;
	p2 =	por !p2, p0  }
0x20: {  	[sflag:s8] =	ssyncset.s32 @!p0 $0xFFFFF086;
	s6 =	sadd.s32 @!p0 s3, s7;
	s7 =	simm.s32 @!p0 $0x108  }
0x21: {  	s3 =	sadd.s32 s3, s9;
	s6 =	sadd.s32 @!p0 $0x88, s6;
	s7 =	simm.s32 @p2 $0x1082  }
0x22: {  	[simem:s7], [sflag:s8] =	dma.local @!p0 [hbm:s6], $0xF7A  }
0x23: {  	s9 =	sor.u32 $0xD0000000, s2;
	s6 =	simm.s32 $0x108;
	_ =	swait.ge @!p0 [sflag:s8], $0x0  }
0x24: {  	s3 =	sadd.s32 $0x88, s3;
	s6 =	simm.s32 @!p1 $0x1082;
	[sflag:s4] =	ssyncset.s32 $0xFFFFF086  }
0x25: {  	[simem:s6], [sflag:s4] =	dma.local [hbm:s3], $0xF7A  }
0x26: {  	[smem:$0x3F95] =	sst s1;
	(tag) =	ssettag s2;
	_ =	strace s9  }
0x27: {  	s1 =	sld [smem:$0x3FA5]  }
0x28: {  	s2 =	sld [smem:$0x3FA6]  }
0x29: {  	s4 =	sld [smem:$0x3FA8]  }
0x2a: {  	p0 =	seq.s32 s5, $0x0;
	s5 =	sld [smem:$0x3FA9]  }
0x2b: {  	s6 =	sld [smem:$0x3FAA]  }
0x2c: {  	s7 =	sld [smem:$0x3FAB]  }
0x2d: {  	s3 =	simm.s32 $0x108;
	s8 =	sld [smem:$0x3FAC]  }
0x2e: {  	s3 =	simm.s32 @!p0 $0x1082;
	s9 =	sld [smem:$0x3FAD]  }
0x2f: {  	lr =	sadd.s32 s0, s3;
	s0 =	sld [smem:$0x3FA4]  }
0x30: {  	s3 =	sld [smem:$0x3FA7]  }
0x31: {  	[smem:$0x3FB0] =	sst s10  }
0x32: {  	s10 =	sld [smem:$0x3FAE];
	_ =	sdelay $0x3  }
0x33: {  	p0 =	seq.s32 s10, $0x1;
	s10 =	sld [smem:$0x3FB0];
	_ =	sdelay $0x3  }
0x34: {  	[smem:$0x3FB0] =	sst s10  }
0x35: {  	s10 =	sld [smem:$0x3FAF];
	_ =	sdelay $0x3  }
0x36: {  	p1 =	seq.s32 s10, $0x1;
	s10 =	sld [smem:$0x3FB0];
	_ =	sdelay $0x3  }
0x37: {  	[smem:$0x3FB0] =	sst s10  }
0x38: {  	s10 =	sld [smem:$0x3FB1]  }
0x39: {  	_ = 	snop;
	(pc) =	sbr.ind lr, $3  }
0x3a: {  	_ = 	snop  }
0x3b: {  	_ = 	snop  }
0x3c: {  	p2 =	seq.s32 s10, $0x1;
	s10 =	sld [smem:$0x3FB0]  }
0x3d: {  	_ =	shalt  }
0x3e: {  	_ =	shalt  }
0x3f: {  	_ =	shalt  }
0x40: {  	_ =	shalt  }
0x41: {  	_ =	shalt  }
0x42: {  	_ =	shalt  }
0x43: {  	_ =	shalt  }
0x44: {  	_ =	shalt  }
0x45: {  	_ =	shalt  }
0x46: {  	_ =	shalt  }
0x47: {  	_ =	shalt  }
0x48: {  	_ =	shalt  }
0x49: {  	_ =	shalt  }
0x4a: {  	_ =	shalt  }
0x4b: {  	_ =	shalt  }
0x4c: {  	_ =	shalt  }
0x4d: {  	_ =	shalt  }
0x4e: {  	_ =	shalt  }
0x4f: {  	_ =	shalt  }
0x50: {  	_ =	shalt  }
0x51: {  	_ =	shalt  }
0x52: {  	_ =	shalt  }
0x53: {  	_ =	shalt  }
0x54: {  	_ =	shalt  }
0x55: {  	_ =	shalt  }
0x56: {  	_ =	shalt  }
0x57: {  	_ =	shalt  }
0x58: {  	_ =	shalt  }
0x59: {  	_ =	shalt  }
0x5a: {  	_ =	shalt  }
0x5b: {  	_ =	shalt  }
0x5c: {  	_ =	shalt  }
0x5d: {  	_ =	shalt  }
0x5e: {  	_ =	shalt  }
0x5f: {  	_ =	shalt  }
0x60: {  	_ =	shalt  }
0x61: {  	_ =	shalt  }
0x62: {  	_ =	shalt  }
0x63: {  	_ =	shalt  }
0x64: {  	_ =	shalt  }
0x65: {  	_ =	shalt  }
0x66: {  	_ =	shalt  }
0x67: {  	_ =	shalt  }
0x68: {  	_ =	shalt  }
0x69: {  	_ =	shalt  }
0x6a: {  	_ =	shalt  }
0x6b: {  	_ =	shalt  }
0x6c: {  	_ =	shalt  }
0x6d: {  	_ =	shalt  }
0x6e: {  	_ =	shalt  }
0x6f: {  	_ =	shalt  }
0x70: {  	_ =	shalt  }
0x71: {  	_ =	shalt  }
0x72: {  	_ =	shalt  }
0x73: {  	_ =	shalt  }
0x74: {  	_ =	shalt  }
0x75: {  	_ =	shalt  }
0x76: {  	_ =	shalt  }
0x77: {  	_ =	shalt  }
0x78: {  	_ =	shalt  }
0x79: {  	_ =	shalt  }
0x7a: {  	_ =	shalt  }
0x7b: {  	_ =	shalt  }
0x7c: {  	_ =	shalt  }
0x7d: {  	_ =	shalt  }
0x7e: {  	_ =	shalt  }
0x7f: {  	_ =	shalt  }
0x80: {  	_ =	shalt  }
0x81: {  	_ =	shalt  }
0x82: {  	_ =	shalt  }
0x83: {  	_ =	shalt  }
0x84: {  	_ =	shalt  }
0x85: {  	_ =	shalt  }
0x86: {  	_ =	shalt  }
0x87: {  	_ =	shalt  }
.Lfunc_end0:
.L_simem_size_0:
called_computation_lowered:
.L_overlay_start_0:
0x88: {  	s2 =	sld [smem:$0x3FD9]  }
0x89: {  	s3 =	sld [smem:$0x3FFE];
	_ =	sdelay $0x1  }
0x8a: {  	s1 =	srdreg.scid  }
0x8b: {  	s0 =	sand.u32 $0x1, s1  }
0x8c: {  	s17 =	sshll.u32 s0, $0xA;
	s2 =	sadd.s32 s3, s2  }
0x8d: {  	s2 =	sadd.s32 s2, s17  }
0x8e: {  	[smem:$0x3FBC] =	sst s2  }
0x8f: {  	_ = 	snop  }
0x90: {  	s2 =	sld [smem:$0x3FC8];
	(tm) =	ssettm $0x1  }
0x91: {  	s18 =	sld [smem:$0x3FFB];
	_ =	sdelay $0x3  }
0x92: {  	_ =	strace s18  }
0x93: {  	s3 =	sld [smem:$0x3FFC];
	_ =	sdelay $0x3  }
0x94: {  	_ =	strace s3  }
0x95: {  	s3 =	sld [smem:$0x3FFD];
	_ =	sdelay $0x3  }
0x96: {  	_ =	strace s3  }
0x97: {  	_ =	strace $0x8FFFFFFF  }
0x98: {  	s19 =	sld [smem:$0x3FDB];
	_ =	sdelay $0x1  }
0x99: {  	s4 =	simm.s32 $_scs_section_size  }
0x9a: {  	s5 =	simm.s32 $_size__tile_overlayer_lowered;
	s6 =	simm.s32 $_tile_overlayer_lowered  }
0x9b: {  	s22 =	simm.s32 $0x1BFF;
	s21 =	sshll.u32 s6, $0x1;
	s3 =	sadd.s32 s4, s19  }
0x9c: {  	s7 =	simm.s32 $0x0;
	s20 =	sshll.u32 s5, $0x1;
	s5 =	sadd.s32 s21, s3  }
0x9d: {  	[timem:s7], [sflag:s22] =	dma.local [hbm:s5], s20  }
0x9e: {  	_ =	swait.ge [sflag:s22], s20  }
0x9f: {  	s4 =	ssub.s32 $0x0, s20;
	[sflag:s22] =	ssyncset.done $0x0  }
0xa0: {  	[sflag:s22] =	ssyncadd.s32 s4;
	_ =	sdelay $0x1  }
0xa1: {  	s23 =	simm.s32 $0x1B8B  }
0xa2: {  	_ =	swait.ge [sflag:s23], $0x1  }
0xa3: {  	[sflag:s23] =	ssyncset.done $0x0  }
0xa4: {  	s25 =	simm.s32 $0x1B8E;
	s24 =	sld [smem:$0x3FFE];
	[sflag:s23] =	ssyncadd.s32 $0xFFFFFFFF  }
0xa5: {  	s26 =	simm.s32 $execute0_lowered;
	[smem:$0x3FD2] =	sst s25  }
0xa6: {  	s5 =	sshll.u32 s26, $0x1;
	_ =	strace $0x80000046;
	[dreg:$0x1] =	wrdreg $0xFFFFFFFF  }
0xa7: {  	s28 =	simm.s32 $_size_execute0_lowered;
	s3 =	sadd.s32 s3, s5;
	[dreg:$0x0] =	wrdreg $0x0  }
0xa8: {  	s5 =	sshll.u32 s28, $0x1;
	[dreg:$0x2] =	wrdreg s3  }
0xa9: {  	[dreg:$0x3] =	wrdreg s5  }
0xaa: {  	[dreg:$0x4] =	wrdreg $0xC0  }
0xab: {  	_ =	task [dreg:s7], $0x5FFFF  }
0xac: {  	[dreg:$0x1] =	wrdreg $0xFFFFFFFF  }
0xad: {  	[dreg:$0x0] =	wrdreg $0x60  }
0xae: {  	[dreg:$0x2] =	wrdreg s24  }
0xaf: {  	[dreg:$0x3] =	wrdreg s2  }
0xb0: {  	[dreg:$0x4] =	wrdreg $0x0  }
0xb1: {  	[dreg:$0x5] =	wrdreg $0x9  }
0xb2: {  	_ =	task.clear_ibuf [dreg:s7], $0x6FFFF;
	_ =	strace $0x90000046  }
0xb3: {  	s29 =	simm.s32 $0x9;
	_ =	strace $0x80000048  }
0xb4: {  	_ =	swait.ge [sflag:s29], $0x1  }
0xb5: {  	[sflag:s29] =	ssyncadd.s32 $0xFFFFFFFF  }
0xb6: {  	_ =	strace $0x90000048  }
0xb7: {  	_ =	sfence  }
0xb8: {  	s30 =	sld [smem:$0x0];
	_ =	sdelay $0x2  }
0xb9: {  	s31 =	sshll.u32 s1, $0xD;
	s1 =	sshrl.u32 s1, $0x2  }
0xba: {  	s3 =	sand.u32 $0x4000, s31;
	s1 =	sadd.s32 s1, s30  }
0xbb: {  	s0 =	sor.u32 s3, s0;
	s1 =	sshll.u32 s1, $0x11  }
0xbc: {  	s0 =	sor.u32 s1, s0  }
0xbd: {  	s0 =	sadd.s32 $0x8F2B, s0  }
0xbe: {  	[sflag:s0] =	ssyncadd.remote.s32 $0x1  }
0xbf: {  	_ =	sfence.sel $0xFFFF  }
0xc0: {  	[dreg:$0x0] =	wrdreg $0xFFFFFFFF;
	(pc) =	sbr.abs _section_cstart, $3  }
0xc1: {  	[dreg:$0x1] =	wrdreg $0xFFFFFFFF  }
0xc2: {  	_ =	task.clear_ibuf [dreg:s7], $0x2FFFF;
	_ =	strace $0x9FFFFFFF  }
0xc3: {  	(tm) =	ssettm $0x7FFFFFFF  }
tec
execute0_lowered:
.L_overlay_start_1:
0x0: {  	(tag) =	ssettag $0x1  }
0x1: {  	s0 =	rddreg [dreg:$0x0]  }
0x2: {  	s2 =	rddreg [dreg:$0x2]  }
0x3: {  	s1 =	srdreg.scid;
	s3 =	simm.s32 $0x0;
	s18 =	simm.s32 $0x11170  }
0x4: {  	s19 =	simm.s32 $0x9;
	s28 =	simm.s32 $0x1;
	s29 =	simm.s32 $0x19630  }
0x5: {  	s30 =	simm.s32 $0x19D30;
	s31 =	simm.s32 $0x1A430;
	s17 =	simm.s32 $0x6  }
0x6: {  	s20 =	simm.s32 $0x0;
	s1 =	sand.u32 $0x1, s1;
	[smem:$0x7FF] =	sst s3  }
0x7: {  	s5 =	sadd.s32 $0x8200, s0;
	s6 =	sadd.s32 $0x3200, s0;
	s7 =	sadd.s32 $0x9FA00, s0  }
0x8: {  	s9 =	sadd.s32 $0xA4A00, s0;
	s14 =	sadd.s32 $0x103380, s2;
	s4 =	smul.u32 $0x222E0, s1  }
0x9: {  	_ =	strace $0x80000047;
	[dreg:$0x4] =	wrdreg s5;
	s8 =	smul.u32 $0xAF0, s1  }
0xa: {  	s5 =	stileid.u32;
	s10 =	ssub.s32 $0x2, s1;
	s1 =	smul.u32 $0x111700, s1  }
0xb: {  	[dreg:$0x5] =	wrdreg s9;
	s23 =	smul.u32 $0x45200, s5;
	s11 =	sshrl.u32 s10, $0x1  }
0xc: {  	s12 =	smul.u32 $0x11480, s5;
	p0 =	seq.s32 s5, $0xF;
	s4 =	sadd.s32 s4, s0  }
0xd: {  	s8 =	sadd.s32 s8, s0;
	s0 =	sadd.s32 $0xA6E00, s0;
	s13 =	ssub.s32 s10, s11  }
0xe: {  	s10 =	smul.u32 $0x2710, s5;
	s15 =	sshrl.u32 @p0 s14, $0x3;
	s14 =	simm.s32 $0x5  }
0xf: {  	s9 =	sshrl.u32 s23, $0x2;
	s8 =	sadd.s32 $0x1C00, s8;
	s24 =	sadd.s32 s12, s1  }
0x10: {  	s11 =	sadd.s32 $0x5B400, s4;
	s1 =	sshrl.u32 s1, $0x3;
	[dreg:$0xa] =	wrdreg s15  }
0x11: {  	s26 =	smax.u32 s13, $0x1;
	s13 =	simm.s32 $0x1B930;
	[dreg:$0x6] =	wrdreg s8  }
0x12: {  	s9 =	sadd.s32 s9, s2;
	s25 =	sshrl.u32 s24, $0x3;
	[dreg:$0x9] =	wrdreg s26  }
0x13: {  	s24 =	simm.s32 $0x18830;
	s4 =	sadd.s32 s0, s25;
	s0 =	sadd.s32 s0, s1  }
0x14: {  	s26 =	simm.s32 $0x18F30;
	s8 =	simm.s32 $0x8;
	s0 =	sadd.s32 $0x20670, s0  }
0x15: {  	s1 =	sadd.s32 s12, s2;
	[dreg:$0x8] =	wrdreg s0;
	s0 =	sshll.u32 @!p0 s5, $0x6  }
0x16: {  	[dreg:$0x7] =	wrdreg s4;
	s16 =	sor.u32 @!p0 $0x1C09, s0;
	s0 =	sshrl.u32 @!p0 s9, $0x3  }
0x17: {  	s12 =	simm.s32 $0x1B230;
	s25 =	simm.s32 $0x7;
	[dreg:$0xc] =	wrdreg s0  }
0x18: {  	v1 =	vlaneseq.u32;
	s4 =	simm.s32 $0x3;
	s0 =	sshrl.u32 @!p0 s1, $0x3;
	[dreg:$0xb] =	wrdreg s16  }
0x19: {  	v0 =	vimm.f32 $0.0e+00;
	vm0 =	vmmov $0xffff;
	v1 =	vmul.u32 $0x70, v1;
	s9 =	simm.s32 $0x4;
	[dreg:$0xd] =	wrdreg s0;
	s0 =	simm.s32 $0x1AB30  }
.LBB2_1:
0x1a: {  	[dreg:$0xe] =	wrdreg s20  }
0x1b: {  	s1 =	simm.s32 @p0 $0x1FC9;
	s5 =	rddreg [dreg:$0x5]  }
0x1c: {  	[spmem:s15], [sflag:s1] =	dma.local @p0 [hbm:s5], $0x1C70  }
0x1d: {  	s1 =	simm.s32 @p0 $0x9  }
0x1e: {  	_ =	swait.ge @p0 [sflag:s1], $0x1C70  }
0x1f: {  	[sflag:s1] =	ssyncset.done @p0 $0x0  }
0x20: {  	[sflag:s1] =	ssyncadd.s32 @p0 $0xFFFFE390;
	s1 =	rddreg [dreg:$0xc]  }
0x21: {  	[spmem:s1], [sflag:s16] =	dma.local @!p0 [hbm:s5], $0x2290  }
0x22: {  	s1 =	simm.s32 @!p0 $0x9  }
0x23: {  	_ =	swait.ge @!p0 [sflag:s1], $0x2290  }
0x24: {  	[sflag:s1] =	ssyncset.done @!p0 $0x0  }
0x25: {  	s23 =	rddreg [dreg:$0x6];
	[sflag:s1] =	ssyncadd.s32 @!p0 $0xFFFFDD70  }
0x26: {  	[tilespmem:s18], [sflag:$0x9] =	stream.linear.gather [hbm4b:s23+s3], $0x5780, $0x38;
	[tilespmem:$0x1C030] =	vst v63  }
0x27: {  	_ =	swait.ge [sflag:s19], $0x5780  }
0x28: {  	[sflag:s19] =	ssyncset.done $0x0  }
0x29: {  	[sflag:s19] =	ssyncadd.s32 $0xFFFFA880  }
0x2a: {  	[bflag:$0x0] =	sbarrier.arrive $0xFFFF  }
0x2b: {  	[tilespmem:$0x1A490] =	vst v0  }
0x2c: {  	[tilespmem:$0x1AB90] =	vst v0  }
0x2d: {  	[tilespmem:$0x1B290] =	vst v0  }
0x2e: {  	[tilespmem:$0x1B990] =	vst v0  }
0x2f: {  	[tilespmem:$0x1A500] =	vst v0  }
0x30: {  	[tilespmem:$0x1AC00] =	vst v0  }
0x31: {  	[tilespmem:$0x1B300] =	vst v0  }
0x32: {  	[tilespmem:$0x1BA00] =	vst v0  }
0x33: {  	[tilespmem:$0x1A570] =	vst v0  }
0x34: {  	[tilespmem:$0x1AC70] =	vst v0  }
0x35: {  	[tilespmem:$0x1B370] =	vst v0  }
0x36: {  	[tilespmem:$0x1BA70] =	vst v0  }
0x37: {  	[tilespmem:$0x1A5E0] =	vst v0  }
0x38: {  	[tilespmem:$0x1ACE0] =	vst v0  }
0x39: {  	[tilespmem:$0x1B3E0] =	vst v0  }
0x3a: {  	[tilespmem:$0x1BAE0] =	vst v0  }
0x3b: {  	[tilespmem:$0x1A650] =	vst v0  }
0x3c: {  	[tilespmem:$0x1AD50] =	vst v0  }
0x3d: {  	[tilespmem:$0x1B450] =	vst v0  }
0x3e: {  	[tilespmem:$0x1BB50] =	vst v0  }
0x3f: {  	[tilespmem:$0x1A6C0] =	vst v0  }
0x40: {  	[tilespmem:$0x1ADC0] =	vst v0  }
0x41: {  	[tilespmem:$0x1B4C0] =	vst v0  }
0x42: {  	[tilespmem:$0x1BBC0] =	vst v0  }
0x43: {  	[tilespmem:$0x1A730] =	vst v0  }
0x44: {  	[tilespmem:$0x1AE30] =	vst v0  }
0x45: {  	[tilespmem:$0x1B530] =	vst v0  }
0x46: {  	[tilespmem:$0x1BC30] =	vst v0  }
0x47: {  	[tilespmem:$0x1A7A0] =	vst v0  }
0x48: {  	[tilespmem:$0x1AEA0] =	vst v0  }
0x49: {  	[tilespmem:$0x1B5A0] =	vst v0  }
0x4a: {  	[tilespmem:$0x1BCA0] =	vst v0  }
0x4b: {  	[tilespmem:$0x1A810] =	vst v0  }
0x4c: {  	[tilespmem:$0x1AF10] =	vst v0  }
0x4d: {  	[tilespmem:$0x1B610] =	vst v0  }
0x4e: {  	[tilespmem:$0x1BD10] =	vst v0  }
0x4f: {  	[tilespmem:$0x1A880] =	vst v0  }
0x50: {  	[tilespmem:$0x1AF80] =	vst v0  }
0x51: {  	[tilespmem:$0x1B680] =	vst v0  }
0x52: {  	[tilespmem:$0x1BD80] =	vst v0  }
0x53: {  	[tilespmem:$0x1A8F0] =	vst v0  }
0x54: {  	[tilespmem:$0x1AFF0] =	vst v0  }
0x55: {  	[tilespmem:$0x1B6F0] =	vst v0  }
0x56: {  	[tilespmem:$0x1BDF0] =	vst v0  }
0x57: {  	[tilespmem:$0x1A960] =	vst v0  }
0x58: {  	[tilespmem:$0x1B060] =	vst v0  }
0x59: {  	[tilespmem:$0x1B760] =	vst v0  }
0x5a: {  	[tilespmem:$0x1BE60] =	vst v0  }
0x5b: {  	[tilespmem:$0x1A9D0] =	vst v0  }
0x5c: {  	[tilespmem:$0x1B0D0] =	vst v0  }
0x5d: {  	[tilespmem:$0x1B7D0] =	vst v0  }
0x5e: {  	[tilespmem:$0x1BED0] =	vst v0  }
0x5f: {  	[tilespmem:$0x1AA40] =	vst v0  }
0x60: {  	[tilespmem:$0x1B140] =	vst v0  }
0x61: {  	[tilespmem:$0x1B840] =	vst v0  }
0x62: {  	[tilespmem:$0x1BF40] =	vst v0  }
0x63: {  	[tilespmem:$0x1AAB0] =	vst v0  }
0x64: {  	[tilespmem:$0x1B1B0] =	vst v0  }
0x65: {  	[tilespmem:$0x1B8B0] =	vst v0  }
0x66: {  	[tilespmem:$0x1BFB0] =	vst v0  }
0x67: {  	[tilespmem:$0x1AB20] =	vst v0  }
0x68: {  	[tilespmem:$0x1B220] =	vst v0  }
0x69: {  	[tilespmem:$0x1B920] =	vst v0  }
0x6a: {  	s16 =	simm.s32 $0x0;
	[tilespmem:$0x1C020] =	vst v0  }
.LBB2_2:
0x6b: {  	s1 =	smul.u32 $0x7D0, s16;
	_ =	sdelay $0x1  }
0x6c: {  	s1 =	sadd.s32 s10, s1  }
0x6d: {  	s5 =	rddreg [dreg:$0x4];
	s1 =	sshrl.u32 s1, $0x3  }
0x6e: {  	s15 =	simm.s32 $0x0;
	s21 =	simm.s32 $0x168F0;
	s20 =	sadd.s32 s5, s1  }
0x6f: {  	[tilespmem:s21], [sflag:$0x9] =	stream.linear.gather [hbm4b:s20+s15], $0x7D0, $0x38;
	[tilespmem:$0x1C030] =	vst v63  }
0x70: {  	_ =	swait.ge [sflag:s19], $0x7D0  }
0x71: {  	[sflag:s19] =	ssyncset.done $0x0  }
0x72: {  	s23 =	simm.s32 $0x170C0;
	s22 =	sadd.s32 s6, s1;
	[sflag:s19] =	ssyncadd.s32 $0xFFFFF830  }
0x73: {  	[tilespmem:s23], [sflag:$0x9] =	stream.linear.gather [hbm4b:s22+s15], $0x7D0, $0x38;
	[tilespmem:$0x1C030] =	vst v63  }
0x74: {  	_ =	swait.ge [sflag:s19], $0x7D0  }
0x75: {  	[sflag:s19] =	ssyncset.done $0x0  }
0x76: {  	[sflag:s19] =	ssyncadd.s32 $0xFFFFF830  }
0x77: {  	s20 =	rddreg [dreg:$0x1]  }
0x78: {  	s22 =	simm.s32 $0x17890;
	s21 =	sadd.s32 s20, s1  }
0x79: {  	[tilespmem:s22], [sflag:$0x9] =	stream.linear.gather [hbm4b:s21+s15], $0x7D0, $0x38;
	[tilespmem:$0x1C030] =	vst v63  }
0x7a: {  	_ =	swait.ge [sflag:s19], $0x7D0  }
0x7b: {  	[sflag:s19] =	ssyncset.done $0x0  }
0x7c: {  	s23 =	simm.s32 $0x18060;
	s1 =	sadd.s32 s7, s1;
	[sflag:s19] =	ssyncadd.s32 $0xFFFFF830  }
0x7d: {  	[tilespmem:s23], [sflag:$0x9] =	stream.linear.gather [hbm4b:s1+s15], $0x7D0, $0x38;
	[tilespmem:$0x1C030] =	vst v63  }
0x7e: {  	_ =	swait.ge [sflag:s19], $0x7D0  }
0x7f: {  	[sflag:s19] =	ssyncset.done $0x0  }
0x80: {  	[sflag:s19] =	ssyncadd.s32 $0xFFFFF830  }
0x81: {  	v2 =	vld [tilespmem:$0x168F0];
	_ =	sdelay $0x7  }
0x82: {  	[tilespmem:s24], [sflag:$0x1] =	stream.indirect_vreg.gather [hbm4b:s11+s15], $0x70, v2, vm0, $0xb8;
	[tilespmem:$0x1C030] =	vst v63  }
0x83: {  	v2 =	vld [tilespmem:$0x16900];
	_ =	sdelay $0x7  }
0x84: {  	[tilespmem:s26], [sflag:$0x2] =	stream.indirect_vreg.gather [hbm4b:s11+s15], $0x70, v2, vm0, $0xb8;
	[tilespmem:$0x1C030] =	vst v63  }
.LBB2_3:
0x85: {  	p1 =	seq.s32 s15, $0x0  }
0x86: {  	s1 =	simm.s32 @!p1 $0x5  }
0x87: {  	_ =	swait.ge @!p1 [sflag:s1], $0x700  }
0x88: {  	[sflag:s1] =	ssyncset.done @!p1 $0x0  }
0x89: {  	[sflag:s1] =	ssyncadd.s32 @!p1 $0xFFFFF900;
	s1 =	simm.s32 @!p1 $0x6  }
0x8a: {  	_ =	swait.ge @!p1 [sflag:s1], $0x700  }
0x8b: {  	[sflag:s1] =	ssyncset.done @!p1 $0x0  }
0x8c: {  	[sflag:s1] =	ssyncadd.s32 @!p1 $0xFFFFF900  }
0x8d: {  	_ =	swait.ge [sflag:s28], $0x700  }
0x8e: {  	[sflag:s28] =	ssyncset.done $0x0  }
0x8f: {  	s20 =	simm.s32 $0x2;
	[sflag:s28] =	ssyncadd.s32 $0xFFFFF900  }
0x90: {  	_ =	swait.ge [sflag:s20], $0x700  }
0x91: {  	[sflag:s20] =	ssyncset.done $0x0  }
0x92: {  	s1 =	sshll.u32 s15, $0x6;
	[sflag:s20] =	ssyncadd.s32 $0xFFFFF900  }
0x93: {  	v2 =	vld [tilespmem:s1+$0x16910];
	_ =	sdelay $0x7  }
0x94: {  	[tilespmem:s29], [sflag:$0x3] =	stream.indirect_vreg.gather [hbm4b:s11+s3], $0x70, v2, vm0, $0xb8;
	[tilespmem:$0x1C030] =	vst v63  }
0x95: {  	v2 =	vld [tilespmem:s1+$0x16920];
	_ =	sdelay $0x7  }
0x96: {  	[tilespmem:s30], [sflag:$0x4] =	stream.indirect_vreg.gather [hbm4b:s11+s3], $0x70, v2, vm0, $0xb8;
	[tilespmem:$0x1C030] =	vst v63  }
0x97: {  	v2 =	vld [tilespmem:s1+$0x17890];
	_ =	sdelay $0x1  }
0x98: {  	s21 =	simm.s32 $0x0;
	v3 =	vld [tilespmem:s1+$0x178A0]  }
0x99: {  	v4 =	vmov s21  }
0x9a: {  	v5 =	vand.u32 $0x78, v4  }
0x9b: {  	v4 =	vand.u32 $0x4, v4;
	v6 =	vadd.s32 v1, v5;
	v2 =	vmul.u32 $0x70, v2  }
0x9c: {  	v7 =	vor.u32 $0x1, v4;
	v13 =	vor.u32 v4, v6  }
0x9d: {  	v12 =	vor.u32 v7, v6;
	v3 =	vmul.u32 $0x70, v3;
	v6 =	vadd.s32 v2, v5  }
0x9e: {  	v8 =	vor.u32 v4, v6  }
0x9f: {  	v5 =	vadd.s32 v3, v5;
	v6 =	vor.u32 v7, v6  }
0xa0: {  	v4 =	vor.u32 v4, v5  }
0xa1: {  	v9 =	vld.idx.msk [tilespmem:v13+s24+$0x0], $0xffff;
	v5 =	vor.u32 v7, v5  }
0xa2: {  	v7 =	vld.idx.msk [tilespmem:v12+s24+$0x0], $0xffff  }
0xa3: {  	v10 =	vmov s20;
	v11 =	vld.idx.msk [tilespmem:v8+s18+$0x0], $0xffff  }
0xa4: {  	v8 =	vand.u32 $0x78, v10;
	v6 =	vld.idx.msk [tilespmem:v6+s18+$0x0], $0xffff  }
0xa5: {  	v10 =	vand.u32 $0x6, v10;
	v15 =	vld.idx.msk [tilespmem:v4+s18+$0x0], $0xffff;
	v14 =	vadd.s32 v2, v8  }
0xa6: {  	v17 =	vld.idx.msk [tilespmem:v5+s18+$0x0], $0xffff;
	v4 =	vor.u32 $0x1, v10;
	v5 =	vadd.s32 v3, v8;
	v18 =	vadd.s32 v1, v8  }
0xa7: {  	v19 =	vld.idx.msk [tilespmem:v13+s26+$0x0], $0xffff;
	v16 =	vor.u32 v10, v14;
	v14 =	vor.u32 v4, v14;
	v20 =	vor.u32 v10, v5  }
0xa8: {  	v21 =	vor.u32 v4, v5;
	v8 =	vor.u32 v10, v18;
	v10 =	vld.idx.msk [tilespmem:v12+s26+$0x0], $0xffff;
	v4 =	vor.u32 v4, v18  }
0xa9: {  	v18 =	vshll.u32 v11, $0x10;
	v11 =	vand.u32 $0xFFFF0000, v11;
	v22 =	vshll.u32 v6, $0x10  }
0xaa: {  	v5 =	vld [tilespmem:s1+$0x18060];
	v6 =	vand.u32 $0xFFFF0000, v6;
	v23 =	vshll.u32 v15, $0x10;
	v15 =	vand.u32 $0xFFFF0000, v15  }
0xab: {  	v24 =	vshll.u32 v17, $0x10;
	v18 =	vmul.f32 v18, v9;
	v11 =	vmul.f32 v11, v7  }
0xac: {  	v17 =	vand.u32 $0xFFFF0000, v17;
	v7 =	vmul.f32 v22, v7;
	v9 =	vmul.f32 v6, v9;
	v6 =	vld [tilespmem:s1+$0x18070]  }
0xad: {  	v16 =	vld.idx.msk [tilespmem:v16+s18+$0x0], $0xffff;
	v15 =	vmul.f32 v15, v10;
	v11 =	vadd.f32 v11, v18;
	v18 =	vmul.f32 v23, v19  }
0xae: {  	v7 =	vadd.f32 v9, v7;
	v9 =	vmul.f32 v24, v10;
	v10 =	vmul.f32 v17, v19  }
0xaf: {  	s23 =	simm.s32 $0x6;
	v17 =	vmul.f32 v11, v5;
	v11 =	vadd.f32 v15, v18  }
0xb0: {  	s5 =	simm.s32 $0x4;
	v18 =	vmov s23;
	v19 =	vmul.f32 v7, v5;
	v9 =	vadd.f32 v10, v9  }
0xb1: {  	v14 =	vld.idx.msk [tilespmem:v14+s18+$0x0], $0xffff;
	v10 =	vmov s5;
	v22 =	vand.u32 $0x78, v18;
	v18 =	vand.u32 $0x6, v18  }
0xb2: {  	v28 =	vld.idx.msk [tilespmem:v8+s24+$0x0], $0xffff;
	v15 =	vshll.u32 v16, $0x10;
	v23 =	vmul.f32 v11, v6;
	v11 =	vand.u32 $0x78, v10  }
0xb3: {  	v31 =	vld.idx.msk [tilespmem:v4+s24+$0x0], $0xffff;
	v24 =	vmul.f32 v9, v6;
	v9 =	vand.u32 $0x4, v10;
	v10 =	vadd.s32 v1, v11  }
0xb4: {  	v20 =	vld.idx.msk [tilespmem:v20+s18+$0x0], $0xffff;
	v25 =	vor.u32 $0x1, v18;
	v27 =	vor.u32 $0x1, v9;
	v26 =	vor.u32 v9, v10  }
0xb5: {  	v21 =	vld.idx.msk [tilespmem:v21+s18+$0x0], $0xffff;
	v29 =	vadd.s32 v2, v22;
	v30 =	vor.u32 v27, v10;
	v10 =	vadd.s32 v2, v11  }
0xb6: {  	v35 =	vld.idx.msk [tilespmem:v8+s26+$0x0], $0xffff;
	v32 =	vadd.s32 v3, v22;
	v22 =	vadd.s32 v1, v22;
	v33 =	vor.u32 v9, v10  }
0xb7: {  	v36 =	vld.idx.msk [tilespmem:v4+s26+$0x0], $0xffff;
	v16 =	vand.u32 $0xFFFF0000, v16;
	v11 =	vadd.s32 v3, v11;
	v10 =	vor.u32 v27, v10  }
0xb8: {  	v7 =	vld [tilespmem:s1+$0x170C0];
	v15 =	vmul.f32 v15, v28;
	v16 =	vmul.f32 v16, v31;
	v38 =	vor.u32 v9, v11  }
0xb9: {  	v34 =	vor.u32 v18, v29;
	v37 =	vor.u32 v18, v32;
	v11 =	vor.u32 v27, v11;
	v39 =	vld.idx.msk [tilespmem:v26+s24+$0x0], $0xffff  }
0xba: {  	v9 =	vor.u32 v18, v22;
	v27 =	vshll.u32 v14, $0x10;
	v15 =	vadd.f32 v16, v15;
	v18 =	vld.idx.msk [tilespmem:v30+s24+$0x0], $0xffff  }
0xbb: {  	v27 =	vmul.f32 v27, v31;
	v31 =	vshll.u32 v20, $0x10;
	v20 =	vand.u32 $0xFFFF0000, v20;
	v33 =	vld.idx.msk [tilespmem:v33+s18+$0x0], $0xffff  }
0xbc: {  	v14 =	vand.u32 $0xFFFF0000, v14;
	v31 =	vmul.f32 v31, v35;
	v20 =	vmul.f32 v20, v36;
	v40 =	vld.idx.msk [tilespmem:v10+s18+$0x0], $0xffff  }
0xbd: {  	v15 =	vmul.f32 v15, v5;
	v10 =	vmul.f32 v14, v28;
	v28 =	vld.idx.msk [tilespmem:v38+s18+$0x0], $0xffff  }
0xbe: {  	v14 =	vshll.u32 v21, $0x10;
	v21 =	vand.u32 $0xFFFF0000, v21;
	v16 =	vld.idx.msk [tilespmem:v11+s18+$0x0], $0xffff;
	v11 =	vor.u32 v25, v22  }
0xbf: {  	v22 =	vld.idx.msk [tilespmem:v26+s26+$0x0], $0xffff;
	v14 =	vmul.f32 v14, v36;
	v21 =	vmul.f32 v21, v35;
	v10 =	vadd.f32 v10, v27  }
0xc0: {  	s23 =	simm.s32 $0x8;
	v29 =	vor.u32 v25, v29;
	v32 =	vor.u32 v25, v32;
	v20 =	vadd.f32 v20, v31;
	v25 =	vld.idx.msk [tilespmem:v30+s26+$0x0], $0xffff  }
0xc1: {  	v21 =	vadd.f32 v21, v14;
	v27 =	vmul.f32 v10, v5;
	v10 =	vld [tilespmem:s1+$0x170D0];
	[tilespmem:v8+s31+$0x0] =	vst.idx.msk $0xffff, v15;
	v15 =	vmov s23  }
0xc2: {  	[tilespmem:v13+s31+$0x0] =	vst.idx.msk $0xffff, v17;
	v14 =	vshll.u32 v33, $0x10;
	v31 =	vand.u32 $0xFFFF0000, v33;
	v17 =	vshll.u32 v40, $0x10  }
0xc3: {  	v45 =	vand.u32 $0xFFFF0000, v40;
	v46 =	vshll.u32 v28, $0x10;
	v28 =	vand.u32 $0xFFFF0000, v28  }
0xc4: {  	[tilespmem:v12+s31+$0x0] =	vst.idx.msk $0xffff, v19;
	v19 =	vshll.u32 v16, $0x10;
	v14 =	vmul.f32 v14, v39;
	v31 =	vmul.f32 v31, v18  }
0xc5: {  	s22 =	simm.s32 $0xA;
	v17 =	vmul.f32 v17, v18;
	v18 =	vmul.f32 v45, v39;
	[tilespmem:v13+s0+$0x0] =	vst.idx.msk $0xffff, v23;
	v13 =	vand.u32 $0xFFFF0000, v16  }
0xc6: {  	v28 =	vmul.f32 v28, v25;
	v13 =	vmul.f32 v13, v22;
	[tilespmem:v12+s0+$0x0] =	vst.idx.msk $0xffff, v24;
	v12 =	vmov s22  }
0xc7: {  	v34 =	vld.idx.msk [tilespmem:v34+s18+$0x0], $0xffff;
	v14 =	vadd.f32 v31, v14;
	v31 =	vmul.f32 v46, v22;
	v16 =	vadd.f32 v18, v17  }
0xc8: {  	v51 =	vld.idx.msk [tilespmem:v9+s26+$0x0], $0xffff;
	v24 =	vand.u32 $0x78, v15;
	v15 =	vand.u32 $0x4, v15;
	v17 =	vmul.f32 v19, v25  }
0xc9: {  	v47 =	vld.idx.msk [tilespmem:v11+s24+$0x0], $0xffff;
	v14 =	vmul.f32 v14, v5;
	v18 =	vadd.f32 v28, v31;
	v16 =	vmul.f32 v16, v5  }
0xca: {  	[tilespmem:v4+s31+$0x0] =	vst.idx.msk $0xffff, v27;
	v13 =	vadd.f32 v13, v17;
	v17 =	vand.u32 $0x78, v12;
	v31 =	vadd.s32 v2, v24  }
0xcb: {  	v22 =	vld.idx.msk [tilespmem:v29+s18+$0x0], $0xffff;
	v29 =	vadd.s32 v2, v17;
	v48 =	vadd.s32 v3, v17;
	v49 =	vor.u32 v15, v31  }
0xcc: {  	v12 =	vand.u32 $0x6, v12;
	v17 =	vadd.s32 v1, v17;
	v18 =	vmul.f32 v18, v6;
	[tilespmem:v26+s31+$0x0] =	vst.idx.msk $0xffff, v14  }
0xcd: {  	v23 =	vld.idx.msk [tilespmem:v37+s18+$0x0], $0xffff;
	v25 =	vmul.f32 v13, v6;
	v13 =	vadd.s32 v1, v24;
	v50 =	vor.u32 v12, v29  }
0xce: {  	v19 =	vshll.u32 v34, $0x10;
	v24 =	vadd.s32 v3, v24;
	[tilespmem:v30+s31+$0x0] =	vst.idx.msk $0xffff, v16;
	v14 =	vor.u32 v15, v13  }
0xcf: {  	v28 =	vor.u32 $0x1, v12;
	v16 =	vld.idx.msk [tilespmem:v32+s18+$0x0], $0xffff;
	v54 =	vor.u32 v15, v24;
	[tilespmem:v26+s0+$0x0] =	vst.idx.msk $0xffff, v18;
	v18 =	vor.u32 $0x1, v15  }
0xd0: {  	v29 =	vor.u32 v28, v29;
	v53 =	vor.u32 v12, v48;
	v26 =	vld.idx.msk [tilespmem:v9+s24+$0x0], $0xffff;
	v13 =	vor.u32 v18, v13  }
0xd1: {  	v52 =	vld.idx.msk [tilespmem:v11+s26+$0x0], $0xffff;
	v33 =	vor.u32 v28, v48;
	v31 =	vor.u32 v18, v31;
	v18 =	vor.u32 v18, v24  }
0xd2: {  	v27 =	vshll.u32 v22, $0x10;
	v22 =	vand.u32 $0xFFFF0000, v22;
	v15 =	vor.u32 v12, v17;
	[tilespmem:v30+s0+$0x0] =	vst.idx.msk $0xffff, v25;
	v25 =	vld.idx.msk [tilespmem:v49+s18+$0x0], $0xffff  }
0xd3: {  	v12 =	vor.u32 v28, v17;
	v17 =	vand.u32 $0xFFFF0000, v34;
	v27 =	vmul.f32 v27, v47;
	v24 =	vld.idx.msk [tilespmem:v14+s24+$0x0], $0xffff  }
0xd4: {  	v30 =	vshll.u32 v23, $0x10;
	v17 =	vmul.f32 v17, v47;
	v55 =	vshll.u32 v16, $0x10;
	v56 =	vld.idx.msk [tilespmem:v54+s18+$0x0], $0xffff  }
0xd5: {  	v16 =	vand.u32 $0xFFFF0000, v16;
	v19 =	vmul.f32 v19, v26;
	v22 =	vmul.f32 v22, v26;
	v28 =	vld.idx.msk [tilespmem:v13+s24+$0x0], $0xffff  }
0xd6: {  	v23 =	vand.u32 $0xFFFF0000, v23;
	v57 =	vmul.f32 v16, v51;
	v26 =	vld.idx.msk [tilespmem:v18+s18+$0x0], $0xffff;
	v18 =	vmul.f32 v30, v51  }
0xd7: {  	v31 =	vld.idx.msk [tilespmem:v31+s18+$0x0], $0xffff;
	v17 =	vadd.f32 v17, v19;
	v19 =	vmul.f32 v23, v52;
	v22 =	vadd.f32 v22, v27  }
0xd8: {  	v30 =	vmul.f32 v55, v52;
	v58 =	vld.idx.msk [tilespmem:v13+s26+$0x0], $0xffff;
	v27 =	vmul.f32 v20, v6  }
0xd9: {  	v23 =	vld.idx.msk [tilespmem:v14+s26+$0x0], $0xffff;
	v59 =	vmul.f32 v17, v5;
	v16 =	vadd.f32 v19, v18;
	v20 =	vmul.f32 v22, v5  }
0xda: {  	v19 =	vld.idx.msk [tilespmem:v50+s18+$0x0], $0xffff;
	v17 =	vadd.f32 v57, v30;
	v18 =	vmul.f32 v21, v6;
	v30 =	vshll.u32 v25, $0x10  }
0xdb: {  	v25 =	vand.u32 $0xFFFF0000, v25;
	v22 =	vld.idx.msk [tilespmem:v29+s18+$0x0], $0xffff;
	v35 =	vand.u32 $0xFFFF0000, v56;
	v30 =	vmul.f32 v30, v24  }
0xdc: {  	v21 =	vld.idx.msk [tilespmem:v53+s18+$0x0], $0xffff;
	v60 =	vshll.u32 v31, $0x10;
	v29 =	vand.u32 $0xFFFF0000, v31;
	v31 =	vshll.u32 v56, $0x10  }
0xdd: {  	[tilespmem:v9+s31+$0x0] =	vst.idx.msk $0xffff, v59;
	v25 =	vmul.f32 v25, v28;
	v61 =	vshll.u32 v26, $0x10;
	v62 =	vand.u32 $0xFFFF0000, v26;
	v26 =	vld.idx.msk [tilespmem:v12+s24+$0x0], $0xffff  }
0xde: {  	[tilespmem:v11+s31+$0x0] =	vst.idx.msk $0xffff, v20;
	v20 =	vld.idx.msk [tilespmem:v33+s18+$0x0], $0xffff;
	v28 =	vmul.f32 v60, v28;
	v29 =	vmul.f32 v29, v24  }
0xdf: {  	v35 =	vmul.f32 v35, v58;
	v24 =	vld.idx.msk [tilespmem:v15+s24+$0x0], $0xffff;
	v63 =	vmul.f32 v31, v23;
	v25 =	vadd.f32 v25, v30  }
0xe0: {  	s21 =	sor.u32 $0x20, s1;
	v31 =	vmul.f32 v61, v58;
	v32 =	vmul.f32 v62, v23;
	v23 =	vld.idx.msk [tilespmem:v15+s26+$0x0], $0xffff;
	v30 =	vadd.f32 v29, v28  }
0xe1: {  	s20 =	sor.u32 $0x30, s1;
	s23 =	simm.s32 $0xE;
	s22 =	simm.s32 $0x4;
	v33 =	vadd.f32 v35, v63;
	v28 =	vshll.u32 v19, $0x10;
	v29 =	vmul.f32 v25, v5;
	v25 =	vld.idx.msk [tilespmem:v12+s26+$0x0], $0xffff  }
.LBB2_4:
0xe2: {  	s5 =	sadd.s32 $0xFFFFFFFE, s23;
	v34 =	vmov s23;
	v30 =	vmul.f32 v30, v5;
	v31 =	vadd.f32 v32, v31;
	[tilespmem:v8+s0+$0x0] =	vst.idx.msk $0xffff, v27;
	v8 =	vmovc v9  }
0xe3: {  	v9 =	vmovc v15;
	v27 =	vmov s5;
	v32 =	vand.u32 $0x78, v34;
	v33 =	vmul.f32 v33, v6;
	[tilespmem:v14+s31+$0x0] =	vst.idx.msk $0xffff, v29  }
0xe4: {  	v29 =	vand.u32 $0x6, v34;
	v15 =	vand.u32 $0x78, v27;
	v31 =	vmul.f32 v31, v6;
	[tilespmem:v13+s31+$0x0] =	vst.idx.msk $0xffff, v30  }
0xe5: {  	v27 =	vand.u32 $0x4, v27;
	v34 =	vor.u32 $0x1, v29;
	v30 =	vadd.s32 v1, v15;
	[tilespmem:v14+s0+$0x0] =	vst.idx.msk $0xffff, v33  }
0xe6: {  	v35 =	vadd.s32 v2, v32;
	v33 =	vor.u32 $0x1, v27;
	v14 =	vor.u32 v27, v30;
	[tilespmem:v13+s0+$0x0] =	vst.idx.msk $0xffff, v31  }
0xe7: {  	v13 =	vor.u32 v33, v30;
	v30 =	vadd.s32 v2, v15;
	v31 =	vadd.s32 v3, v32  }
0xe8: {  	v37 =	vor.u32 v29, v35;
	v35 =	vor.u32 v34, v35;
	v36 =	vor.u32 v27, v30  }
0xe9: {  	s22 =	sadd.s32 $0x2, s22;
	v15 =	vadd.s32 v3, v15;
	v30 =	vor.u32 v33, v30;
	v38 =	vor.u32 v29, v31  }
0xea: {  	p2 =	slt.u32 s22, $0x30;
	v32 =	vadd.s32 v1, v32;
	v27 =	vor.u32 v27, v15;
	v31 =	vor.u32 v34, v31  }
0xeb: {  	v33 =	vor.u32 v33, v15;
	v15 =	vor.u32 v29, v32;
	v29 =	vor.u32 v34, v32;
	v39 =	vld.idx.msk [tilespmem:v14+s24+$0x0], $0xffff  }
0xec: {  	v19 =	vand.u32 $0xFFFF0000, v19;
	v34 =	vshll.u32 v22, $0x10;
	v22 =	vand.u32 $0xFFFF0000, v22;
	v32 =	vld.idx.msk [tilespmem:v13+s24+$0x0], $0xffff;
	[tilespmem:v4+s0+$0x0] =	vst.idx.msk $0xffff, v18;
	v4 =	vmovc v11  }
0xed: {  	v40 =	vshll.u32 v20, $0x10;
	v18 =	vshll.u32 v21, $0x10;
	v21 =	vand.u32 $0xFFFF0000, v21;
	v11 =	vmovc v12;
	v12 =	vmovc v29;
	v36 =	vld.idx.msk [tilespmem:v36+s18+$0x0], $0xffff  }
0xee: {  	v20 =	vand.u32 $0xFFFF0000, v20;
	v28 =	vmul.f32 v28, v24;
	v19 =	vmul.f32 v19, v26;
	v29 =	vld.idx.msk [tilespmem:v30+s18+$0x0], $0xffff  }
0xef: {  	v26 =	vmul.f32 v34, v26;
	v22 =	vmul.f32 v22, v24;
	v30 =	vld.idx.msk [tilespmem:v27+s18+$0x0], $0xffff  }
0xf0: {  	v19 =	vadd.f32 v19, v28;
	v18 =	vmul.f32 v18, v23;
	v21 =	vmul.f32 v21, v25;
	v24 =	vld.idx.msk [tilespmem:v33+s18+$0x0], $0xffff  }
0xf1: {  	v20 =	vmul.f32 v20, v23;
	v22 =	vadd.f32 v22, v26;
	v25 =	vmul.f32 v40, v25;
	v28 =	vld.idx.msk [tilespmem:v14+s26+$0x0], $0xffff  }
0xf2: {  	v26 =	vmul.f32 v19, v5;
	v27 =	vmul.f32 v16, v6;
	v16 =	vadd.f32 v21, v18;
	v23 =	vld.idx.msk [tilespmem:v13+s26+$0x0], $0xffff  }
0xf3: {  	v18 =	vmul.f32 v17, v6;
	v17 =	vadd.f32 v20, v25;
	v33 =	vmul.f32 v22, v5;
	v19 =	vld.idx.msk [tilespmem:v37+s18+$0x0], $0xffff  }
0xf4: {  	v20 =	vshll.u32 v36, $0x10;
	v25 =	vand.u32 $0xFFFF0000, v36;
	v34 =	vshll.u32 v29, $0x10;
	v22 =	vld.idx.msk [tilespmem:v35+s18+$0x0], $0xffff;
	[tilespmem:v9+s31+$0x0] =	vst.idx.msk $0xffff, v26  }
0xf5: {  	v26 =	vand.u32 $0xFFFF0000, v29;
	v29 =	vshll.u32 v30, $0x10;
	v30 =	vand.u32 $0xFFFF0000, v30;
	v21 =	vld.idx.msk [tilespmem:v38+s18+$0x0], $0xffff;
	[tilespmem:v11+s31+$0x0] =	vst.idx.msk $0xffff, v33  }
.Ltmp0:
0xf6: {  	v25 =	vmul.f32 v25, v32;
	v33 =	vmul.f32 v20, v39;
	v35 =	vshll.u32 v24, $0x10;
	v20 =	vld.idx.msk [tilespmem:v31+s18+$0x0], $0xffff;
	(pc) =	sbr.rel @p2 .LBB2_4-.Ltmp0, $4  }
0xf7: {  	v31 =	vmul.f32 v34, v32;
	v32 =	vmul.f32 v26, v39;
	v34 =	vand.u32 $0xFFFF0000, v24;
	v24 =	vld.idx.msk [tilespmem:v15+s24+$0x0], $0xffff  }
0xf8: {  	v25 =	vadd.f32 v25, v33;
	v33 =	vmul.f32 v29, v28;
	v36 =	vmul.f32 v30, v23;
	v26 =	vld.idx.msk [tilespmem:v12+s24+$0x0], $0xffff  }
0xf9: {  	v30 =	vadd.f32 v32, v31;
	v31 =	vmul.f32 v35, v23;
	v32 =	vmul.f32 v34, v28;
	v23 =	vld.idx.msk [tilespmem:v15+s26+$0x0], $0xffff  }
0xfa: {  	s23 =	sadd.s32 $0x4, s23;
	v28 =	vshll.u32 v19, $0x10;
	v29 =	vmul.f32 v25, v5;
	v33 =	vadd.f32 v36, v33;
	v25 =	vld.idx.msk [tilespmem:v12+s26+$0x0], $0xffff  }
0xfb: {  	_ =	sdelay $0x3  }
0xfc: {  	v2 =	vadd.f32 v32, v31;
	v3 =	vmul.f32 v30, v5;
	[tilespmem:v8+s0+$0x0] =	vst.idx.msk $0xffff, v27;
	v8 =	vand.u32 $0xFFFF0000, v19  }
0xfd: {  	v19 =	vshll.u32 v22, $0x10;
	v22 =	vand.u32 $0xFFFF0000, v22;
	v30 =	vmul.f32 v33, v6  }
0xfe: {  	[tilespmem:v14+s31+$0x0] =	vst.idx.msk $0xffff, v29;
	v27 =	vmul.f32 v28, v24;
	v22 =	vmul.f32 v22, v24  }
0xff: {  	v2 =	vmul.f32 v2, v6;
	v8 =	vmul.f32 v8, v26;
	[tilespmem:v13+s31+$0x0] =	vst.idx.msk $0xffff, v3;
	v3 =	vshll.u32 v21, $0x10  }
0x100: {  	v19 =	vmul.f32 v19, v26;
	[tilespmem:v14+s0+$0x0] =	vst.idx.msk $0xffff, v30;
	v14 =	vand.u32 $0xFFFF0000, v21;
	v21 =	vshll.u32 v20, $0x10  }
0x101: {  	v3 =	vmul.f32 v3, v23;
	v8 =	vadd.f32 v8, v27;
	v14 =	vmul.f32 v14, v25  }
0x102: {  	v19 =	vadd.f32 v22, v19;
	[tilespmem:v13+s0+$0x0] =	vst.idx.msk $0xffff, v2;
	v2 =	vand.u32 $0xFFFF0000, v20;
	v13 =	vmul.f32 v21, v25  }
0x103: {  	v2 =	vmul.f32 v2, v23;
	v8 =	vmul.f32 v8, v5  }
0x104: {  	[tilespmem:v4+s0+$0x0] =	vst.idx.msk $0xffff, v18;
	v4 =	vmul.f32 v19, v5;
	v5 =	vmul.f32 v16, v6  }
0x105: {  	v3 =	vadd.f32 v14, v3;
	[tilespmem:v15+s31+$0x0] =	vst.idx.msk $0xffff, v8  }
0x106: {  	v2 =	vadd.f32 v2, v13;
	v8 =	vmul.f32 v17, v6;
	[tilespmem:v9+s0+$0x0] =	vst.idx.msk $0xffff, v5  }
0x107: {  	v3 =	vmul.f32 v3, v6;
	[tilespmem:v12+s31+$0x0] =	vst.idx.msk $0xffff, v4  }
0x108: {  	v2 =	vmul.f32 v2, v6;
	[tilespmem:v11+s0+$0x0] =	vst.idx.msk $0xffff, v8  }
0x109: {  	[tilespmem:v15+s0+$0x0] =	vst.idx.msk $0xffff, v3  }
0x10a: {  	[tilespmem:v12+s0+$0x0] =	vst.idx.msk $0xffff, v2  }
0x10b: {  	[spmem:s2] =	stream.indirect_vreg.scatter.add.f32 [tilespmem:s31], [sflag:$0x5], $0x70, v7, vm0, $0xb8;
	[tilespmem:$0x1C030] =	vst v63  }
0x10c: {  	s5 =	simm.s32 @!p1 $0x7  }
0x10d: {  	[spmem:s2] =	stream.indirect_vreg.scatter.add.f32 [tilespmem:s0], [sflag:$0x6], $0x70, v10, vm0, $0xb8;
	[tilespmem:$0x1C030] =	vst v63  }
0x10e: {  	_ =	swait.ge @!p1 [sflag:s5], $0x700  }
0x10f: {  	[sflag:s5] =	ssyncset.done @!p1 $0x0  }
0x110: {  	[sflag:s5] =	ssyncadd.s32 @!p1 $0xFFFFF900;
	s5 =	simm.s32 @!p1 $0x8  }
0x111: {  	_ =	swait.ge @!p1 [sflag:s5], $0x700  }
0x112: {  	[sflag:s5] =	ssyncset.done @!p1 $0x0  }
0x113: {  	[sflag:s5] =	ssyncadd.s32 @!p1 $0xFFFFF900  }
0x114: {  	_ =	swait.ge [sflag:s4], $0x700  }
0x115: {  	[sflag:s4] =	ssyncset.done $0x0  }
0x116: {  	[sflag:s4] =	ssyncadd.s32 $0xFFFFF900  }
0x117: {  	_ =	swait.ge [sflag:s9], $0x700  }
0x118: {  	[sflag:s9] =	ssyncset.done $0x0  }
0x119: {  	[sflag:s9] =	ssyncadd.s32 $0xFFFFF900  }
0x11a: {  	v2 =	vld [tilespmem:s1+$0x16930];
	_ =	sdelay $0x6  }
0x11b: {  	p1 =	seq.s32 s15, $0x1E  }
0x11c: {  	[tilespmem:s24], [sflag:$0x1] =	stream.indirect_vreg.gather [hbm4b:s11+s3], $0x70, v2, vm0, $0xb8;
	[tilespmem:$0x1C030] =	vst v63  }
0x11d: {  	v2 =	vld @!p1 [tilespmem:s1+$0x16940];
	_ =	sdelay $0x6  }
0x11e: {  	vm1 =	vmmov @!p1 $0xffff;
	s5 =	simm.s32 @!p1 $0x18F30;
	s1 =	simm.s32 @!p1 $0x0  }
0x11f: {  	[tilespmem:s5], [sflag:$0x2] =	stream.indirect_vreg.gather @!p1 [hbm4b:s11+s1], $0x70, v2, vm1, $0xb8;
	[tilespmem:$0x1C030] =	vst v63  }
0x120: {  	v2 =	vld [tilespmem:s21+$0x17890];
	_ =	sdelay $0x1  }
0x121: {  	s23 =	simm.s32 $0x0;
	v3 =	vld [tilespmem:s20+$0x17890]  }
0x122: {  	v4 =	vmov s23  }
0x123: {  	v5 =	vand.u32 $0x78, v4  }
0x124: {  	v4 =	vand.u32 $0x4, v4;
	v6 =	vadd.s32 v1, v5;
	v2 =	vmul.u32 $0x70, v2  }
0x125: {  	v13 =	vor.u32 v4, v6;
	v7 =	vor.u32 $0x1, v4  }
0x126: {  	v12 =	vor.u32 v7, v6;
	v3 =	vmul.u32 $0x70, v3;
	v6 =	vadd.s32 v2, v5  }
0x127: {  	v8 =	vor.u32 v4, v6  }
0x128: {  	v5 =	vadd.s32 v3, v5;
	v6 =	vor.u32 v7, v6  }
0x129: {  	v4 =	vor.u32 v4, v5  }
0x12a: {  	v9 =	vld.idx.msk [tilespmem:v13+s29+$0x0], $0xffff;
	v5 =	vor.u32 v7, v5  }
0x12b: {  	s5 =	simm.s32 $0x2;
	v7 =	vld.idx.msk [tilespmem:v12+s29+$0x0], $0xffff  }
0x12c: {  	v10 =	vmov s5;
	v11 =	vld.idx.msk [tilespmem:v8+s18+$0x0], $0xffff  }
0x12d: {  	v8 =	vand.u32 $0x78, v10;
	v6 =	vld.idx.msk [tilespmem:v6+s18+$0x0], $0xffff  }
0x12e: {  	v10 =	vand.u32 $0x6, v10;
	v15 =	vld.idx.msk [tilespmem:v4+s18+$0x0], $0xffff;
	v14 =	vadd.s32 v2, v8  }
0x12f: {  	v17 =	vld.idx.msk [tilespmem:v5+s18+$0x0], $0xffff;
	v4 =	vor.u32 $0x1, v10;
	v5 =	vadd.s32 v3, v8;
	v18 =	vadd.s32 v1, v8  }
0x130: {  	v19 =	vld.idx.msk [tilespmem:v13+s30+$0x0], $0xffff;
	v16 =	vor.u32 v10, v14;
	v14 =	vor.u32 v4, v14;
	v20 =	vor.u32 v10, v5  }
0x131: {  	v21 =	vor.u32 v4, v5;
	v8 =	vor.u32 v10, v18;
	v10 =	vld.idx.msk [tilespmem:v12+s30+$0x0], $0xffff;
	v4 =	vor.u32 v4, v18  }
0x132: {  	v18 =	vshll.u32 v11, $0x10;
	v11 =	vand.u32 $0xFFFF0000, v11;
	v22 =	vshll.u32 v6, $0x10  }
0x133: {  	v5 =	vld [tilespmem:s21+$0x18060];
	v6 =	vand.u32 $0xFFFF0000, v6;
	v23 =	vshll.u32 v15, $0x10;
	v15 =	vand.u32 $0xFFFF0000, v15  }
0x134: {  	v24 =	vshll.u32 v17, $0x10;
	v18 =	vmul.f32 v18, v9;
	v11 =	vmul.f32 v11, v7  }
0x135: {  	v17 =	vand.u32 $0xFFFF0000, v17;
	v7 =	vmul.f32 v22, v7;
	v9 =	vmul.f32 v6, v9;
	v6 =	vld [tilespmem:s20+$0x18060]  }
0x136: {  	v16 =	vld.idx.msk [tilespmem:v16+s18+$0x0], $0xffff;
	v15 =	vmul.f32 v15, v10;
	v11 =	vadd.f32 v11, v18;
	v18 =	vmul.f32 v23, v19  }
0x137: {  	v7 =	vadd.f32 v9, v7;
	v9 =	vmul.f32 v24, v10;
	v10 =	vmul.f32 v17, v19  }
0x138: {  	s22 =	simm.s32 $0x6;
	v17 =	vmul.f32 v11, v5;
	v11 =	vadd.f32 v15, v18  }
0x139: {  	s23 =	simm.s32 $0x4;
	v18 =	vmov s22;
	v19 =	vmul.f32 v7, v5;
	v9 =	vadd.f32 v10, v9  }
0x13a: {  	v14 =	vld.idx.msk [tilespmem:v14+s18+$0x0], $0xffff;
	v10 =	vmov s23;
	v22 =	vand.u32 $0x78, v18;
	v18 =	vand.u32 $0x6, v18  }
0x13b: {  	v28 =	vld.idx.msk [tilespmem:v8+s29+$0x0], $0xffff;
	v15 =	vshll.u32 v16, $0x10;
	v23 =	vmul.f32 v11, v6;
	v11 =	vand.u32 $0x78, v10  }
0x13c: {  	v31 =	vld.idx.msk [tilespmem:v4+s29+$0x0], $0xffff;
	v24 =	vmul.f32 v9, v6;
	v9 =	vand.u32 $0x4, v10;
	v10 =	vadd.s32 v1, v11  }
0x13d: {  	v20 =	vld.idx.msk [tilespmem:v20+s18+$0x0], $0xffff;
	v25 =	vor.u32 $0x1, v18;
	v27 =	vor.u32 $0x1, v9;
	v26 =	vor.u32 v9, v10  }
0x13e: {  	v21 =	vld.idx.msk [tilespmem:v21+s18+$0x0], $0xffff;
	v29 =	vadd.s32 v2, v22;
	v30 =	vor.u32 v27, v10;
	v10 =	vadd.s32 v2, v11  }
0x13f: {  	v35 =	vld.idx.msk [tilespmem:v8+s30+$0x0], $0xffff;
	v43 =	vadd.s32 v3, v22;
	v22 =	vadd.s32 v1, v22;
	v44 =	vor.u32 v9, v10  }
0x140: {  	v36 =	vld.idx.msk [tilespmem:v4+s30+$0x0], $0xffff;
	v16 =	vand.u32 $0xFFFF0000, v16;
	v11 =	vadd.s32 v3, v11;
	v10 =	vor.u32 v27, v10  }
0x141: {  	v7 =	vld [tilespmem:s21+$0x170C0];
	v15 =	vmul.f32 v15, v28;
	v16 =	vmul.f32 v16, v31;
	v38 =	vor.u32 v9, v11  }
0x142: {  	v34 =	vor.u32 v18, v29;
	v37 =	vor.u32 v18, v43;
	v11 =	vor.u32 v27, v11;
	v39 =	vld.idx.msk [tilespmem:v26+s29+$0x0], $0xffff  }
0x143: {  	v9 =	vor.u32 v18, v22;
	v27 =	vshll.u32 v14, $0x10;
	v15 =	vadd.f32 v16, v15;
	v18 =	vld.idx.msk [tilespmem:v30+s29+$0x0], $0xffff  }
0x144: {  	v27 =	vmul.f32 v27, v31;
	v31 =	vshll.u32 v20, $0x10;
	v20 =	vand.u32 $0xFFFF0000, v20;
	v33 =	vld.idx.msk [tilespmem:v44+s18+$0x0], $0xffff  }
0x145: {  	v14 =	vand.u32 $0xFFFF0000, v14;
	v31 =	vmul.f32 v31, v35;
	v20 =	vmul.f32 v20, v36;
	v40 =	vld.idx.msk [tilespmem:v10+s18+$0x0], $0xffff  }
0x146: {  	v15 =	vmul.f32 v15, v5;
	v10 =	vmul.f32 v14, v28;
	v28 =	vld.idx.msk [tilespmem:v38+s18+$0x0], $0xffff  }
0x147: {  	v14 =	vshll.u32 v21, $0x10;
	v21 =	vand.u32 $0xFFFF0000, v21;
	v16 =	vld.idx.msk [tilespmem:v11+s18+$0x0], $0xffff;
	v11 =	vor.u32 v25, v22  }
0x148: {  	v22 =	vld.idx.msk [tilespmem:v26+s30+$0x0], $0xffff;
	v14 =	vmul.f32 v14, v36;
	v21 =	vmul.f32 v21, v35;
	v10 =	vadd.f32 v10, v27  }
0x149: {  	s23 =	simm.s32 $0x8;
	v29 =	vor.u32 v25, v29;
	v32 =	vor.u32 v25, v43;
	v20 =	vadd.f32 v20, v31;
	v25 =	vld.idx.msk [tilespmem:v30+s30+$0x0], $0xffff  }
0x14a: {  	v21 =	vadd.f32 v21, v14;
	v27 =	vmul.f32 v10, v5;
	v10 =	vld [tilespmem:s20+$0x170C0];
	[tilespmem:v8+s12+$0x0] =	vst.idx.msk $0xffff, v15;
	v15 =	vmov s23  }
0x14b: {  	[tilespmem:v13+s12+$0x0] =	vst.idx.msk $0xffff, v17;
	v14 =	vshll.u32 v33, $0x10;
	v31 =	vand.u32 $0xFFFF0000, v33;
	v17 =	vshll.u32 v40, $0x10  }
0x14c: {  	v45 =	vand.u32 $0xFFFF0000, v40;
	v46 =	vshll.u32 v28, $0x10;
	v28 =	vand.u32 $0xFFFF0000, v28  }
0x14d: {  	[tilespmem:v12+s12+$0x0] =	vst.idx.msk $0xffff, v19;
	v19 =	vshll.u32 v16, $0x10;
	v14 =	vmul.f32 v14, v39;
	v31 =	vmul.f32 v31, v18  }
0x14e: {  	s22 =	simm.s32 $0xA;
	v17 =	vmul.f32 v17, v18;
	v18 =	vmul.f32 v45, v39;
	[tilespmem:v13+s13+$0x0] =	vst.idx.msk $0xffff, v23;
	v13 =	vand.u32 $0xFFFF0000, v16  }
0x14f: {  	v28 =	vmul.f32 v28, v25;
	v13 =	vmul.f32 v13, v22;
	[tilespmem:v12+s13+$0x0] =	vst.idx.msk $0xffff, v24;
	v12 =	vmov s22  }
0x150: {  	v34 =	vld.idx.msk [tilespmem:v34+s18+$0x0], $0xffff;
	v14 =	vadd.f32 v31, v14;
	v31 =	vmul.f32 v46, v22;
	v16 =	vadd.f32 v18, v17  }
0x151: {  	v51 =	vld.idx.msk [tilespmem:v9+s30+$0x0], $0xffff;
	v24 =	vand.u32 $0x78, v15;
	v15 =	vand.u32 $0x4, v15;
	v17 =	vmul.f32 v19, v25  }
0x152: {  	v47 =	vld.idx.msk [tilespmem:v11+s29+$0x0], $0xffff;
	v14 =	vmul.f32 v14, v5;
	v18 =	vadd.f32 v28, v31;
	v16 =	vmul.f32 v16, v5  }
0x153: {  	[tilespmem:v4+s12+$0x0] =	vst.idx.msk $0xffff, v27;
	v13 =	vadd.f32 v13, v17;
	v17 =	vand.u32 $0x78, v12;
	v31 =	vadd.s32 v2, v24  }
0x154: {  	v22 =	vld.idx.msk [tilespmem:v29+s18+$0x0], $0xffff;
	v29 =	vadd.s32 v2, v17;
	v48 =	vadd.s32 v3, v17;
	v49 =	vor.u32 v15, v31  }
0x155: {  	v12 =	vand.u32 $0x6, v12;
	v17 =	vadd.s32 v1, v17;
	v18 =	vmul.f32 v18, v6;
	[tilespmem:v26+s12+$0x0] =	vst.idx.msk $0xffff, v14  }
0x156: {  	v23 =	vld.idx.msk [tilespmem:v37+s18+$0x0], $0xffff;
	v25 =	vmul.f32 v13, v6;
	v13 =	vadd.s32 v1, v24;
	v50 =	vor.u32 v12, v29  }
0x157: {  	v19 =	vshll.u32 v34, $0x10;
	v24 =	vadd.s32 v3, v24;
	[tilespmem:v30+s12+$0x0] =	vst.idx.msk $0xffff, v16;
	v14 =	vor.u32 v15, v13  }
0x158: {  	v28 =	vor.u32 $0x1, v12;
	v16 =	vld.idx.msk [tilespmem:v32+s18+$0x0], $0xffff;
	v54 =	vor.u32 v15, v24;
	[tilespmem:v26+s13+$0x0] =	vst.idx.msk $0xffff, v18;
	v18 =	vor.u32 $0x1, v15  }
0x159: {  	v29 =	vor.u32 v28, v29;
	v53 =	vor.u32 v12, v48;
	v26 =	vld.idx.msk [tilespmem:v9+s29+$0x0], $0xffff;
	v13 =	vor.u32 v18, v13  }
0x15a: {  	v52 =	vld.idx.msk [tilespmem:v11+s30+$0x0], $0xffff;
	v33 =	vor.u32 v28, v48;
	v31 =	vor.u32 v18, v31;
	v18 =	vor.u32 v18, v24  }
0x15b: {  	v27 =	vshll.u32 v22, $0x10;
	v22 =	vand.u32 $0xFFFF0000, v22;
	v15 =	vor.u32 v12, v17;
	[tilespmem:v30+s13+$0x0] =	vst.idx.msk $0xffff, v25;
	v25 =	vld.idx.msk [tilespmem:v49+s18+$0x0], $0xffff  }
0x15c: {  	v12 =	vor.u32 v28, v17;
	v17 =	vand.u32 $0xFFFF0000, v34;
	v27 =	vmul.f32 v27, v47;
	v24 =	vld.idx.msk [tilespmem:v14+s29+$0x0], $0xffff  }
0x15d: {  	v30 =	vshll.u32 v23, $0x10;
	v17 =	vmul.f32 v17, v47;
	v55 =	vshll.u32 v16, $0x10;
	v56 =	vld.idx.msk [tilespmem:v54+s18+$0x0], $0xffff  }
0x15e: {  	v16 =	vand.u32 $0xFFFF0000, v16;
	v19 =	vmul.f32 v19, v26;
	v22 =	vmul.f32 v22, v26;
	v28 =	vld.idx.msk [tilespmem:v13+s29+$0x0], $0xffff  }
0x15f: {  	v23 =	vand.u32 $0xFFFF0000, v23;
	v57 =	vmul.f32 v16, v51;
	v26 =	vld.idx.msk [tilespmem:v18+s18+$0x0], $0xffff;
	v18 =	vmul.f32 v30, v51  }
0x160: {  	v31 =	vld.idx.msk [tilespmem:v31+s18+$0x0], $0xffff;
	v17 =	vadd.f32 v17, v19;
	v19 =	vmul.f32 v23, v52;
	v22 =	vadd.f32 v22, v27  }
0x161: {  	v30 =	vmul.f32 v55, v52;
	v58 =	vld.idx.msk [tilespmem:v13+s30+$0x0], $0xffff;
	v27 =	vmul.f32 v20, v6  }
0x162: {  	v23 =	vld.idx.msk [tilespmem:v14+s30+$0x0], $0xffff;
	v59 =	vmul.f32 v17, v5;
	v16 =	vadd.f32 v19, v18;
	v20 =	vmul.f32 v22, v5  }
0x163: {  	v19 =	vld.idx.msk [tilespmem:v50+s18+$0x0], $0xffff;
	v17 =	vadd.f32 v57, v30;
	v18 =	vmul.f32 v21, v6;
	v30 =	vshll.u32 v25, $0x10  }
0x164: {  	v25 =	vand.u32 $0xFFFF0000, v25;
	v22 =	vld.idx.msk [tilespmem:v29+s18+$0x0], $0xffff;
	v35 =	vand.u32 $0xFFFF0000, v56;
	v30 =	vmul.f32 v30, v24  }
0x165: {  	v21 =	vld.idx.msk [tilespmem:v53+s18+$0x0], $0xffff;
	v60 =	vshll.u32 v31, $0x10;
	v29 =	vand.u32 $0xFFFF0000, v31;
	v31 =	vshll.u32 v56, $0x10  }
0x166: {  	[tilespmem:v9+s12+$0x0] =	vst.idx.msk $0xffff, v59;
	v25 =	vmul.f32 v25, v28;
	v61 =	vshll.u32 v26, $0x10;
	v62 =	vand.u32 $0xFFFF0000, v26;
	v26 =	vld.idx.msk [tilespmem:v12+s29+$0x0], $0xffff  }
0x167: {  	[tilespmem:v11+s12+$0x0] =	vst.idx.msk $0xffff, v20;
	v20 =	vld.idx.msk [tilespmem:v33+s18+$0x0], $0xffff;
	v28 =	vmul.f32 v60, v28;
	v29 =	vmul.f32 v29, v24  }
0x168: {  	v35 =	vmul.f32 v35, v58;
	v24 =	vld.idx.msk [tilespmem:v15+s29+$0x0], $0xffff;
	v63 =	vmul.f32 v31, v23;
	v25 =	vadd.f32 v25, v30  }
0x169: {  	v31 =	vmul.f32 v61, v58;
	v32 =	vmul.f32 v62, v23;
	v23 =	vld.idx.msk [tilespmem:v15+s30+$0x0], $0xffff;
	v30 =	vadd.f32 v29, v28  }
0x16a: {  	s1 =	simm.s32 $0x4;
	s20 =	simm.s32 $0xE;
	v33 =	vadd.f32 v35, v63;
	v28 =	vshll.u32 v19, $0x10;
	v29 =	vmul.f32 v25, v5;
	v25 =	vld.idx.msk [tilespmem:v12+s30+$0x0], $0xffff  }
.LBB2_6:
0x16b: {  	s5 =	sadd.s32 $0xFFFFFFFE, s20;
	v34 =	vmov s20;
	v30 =	vmul.f32 v30, v5;
	v31 =	vadd.f32 v32, v31;
	[tilespmem:v8+s13+$0x0] =	vst.idx.msk $0xffff, v27;
	v8 =	vmovc v9  }
0x16c: {  	v9 =	vmovc v15;
	v27 =	vmov s5;
	v32 =	vand.u32 $0x78, v34;
	v33 =	vmul.f32 v33, v6;
	[tilespmem:v14+s12+$0x0] =	vst.idx.msk $0xffff, v29  }
0x16d: {  	v29 =	vand.u32 $0x6, v34;
	v15 =	vand.u32 $0x78, v27;
	v31 =	vmul.f32 v31, v6;
	[tilespmem:v13+s12+$0x0] =	vst.idx.msk $0xffff, v30  }
0x16e: {  	v27 =	vand.u32 $0x4, v27;
	v34 =	vor.u32 $0x1, v29;
	v30 =	vadd.s32 v1, v15;
	[tilespmem:v14+s13+$0x0] =	vst.idx.msk $0xffff, v33  }
0x16f: {  	v35 =	vadd.s32 v2, v32;
	v33 =	vor.u32 $0x1, v27;
	v14 =	vor.u32 v27, v30;
	[tilespmem:v13+s13+$0x0] =	vst.idx.msk $0xffff, v31  }
0x170: {  	v13 =	vor.u32 v33, v30;
	v30 =	vadd.s32 v2, v15;
	v31 =	vadd.s32 v3, v32  }
0x171: {  	v37 =	vor.u32 v29, v35;
	v35 =	vor.u32 v34, v35;
	v36 =	vor.u32 v27, v30  }
0x172: {  	s1 =	sadd.s32 $0x2, s1;
	v15 =	vadd.s32 v3, v15;
	v30 =	vor.u32 v33, v30;
	v38 =	vor.u32 v29, v31  }
0x173: {  	p1 =	slt.u32 s1, $0x30;
	v32 =	vadd.s32 v1, v32;
	v27 =	vor.u32 v27, v15;
	v31 =	vor.u32 v34, v31  }
0x174: {  	v33 =	vor.u32 v33, v15;
	v15 =	vor.u32 v29, v32;
	v29 =	vor.u32 v34, v32;
	v39 =	vld.idx.msk [tilespmem:v14+s29+$0x0], $0xffff  }
0x175: {  	v19 =	vand.u32 $0xFFFF0000, v19;
	v34 =	vshll.u32 v22, $0x10;
	v22 =	vand.u32 $0xFFFF0000, v22;
	v32 =	vld.idx.msk [tilespmem:v13+s29+$0x0], $0xffff;
	[tilespmem:v4+s13+$0x0] =	vst.idx.msk $0xffff, v18;
	v4 =	vmovc v11  }
0x176: {  	v40 =	vshll.u32 v20, $0x10;
	v18 =	vshll.u32 v21, $0x10;
	v21 =	vand.u32 $0xFFFF0000, v21;
	v11 =	vmovc v12;
	v12 =	vmovc v29;
	v36 =	vld.idx.msk [tilespmem:v36+s18+$0x0], $0xffff  }
0x177: {  	v20 =	vand.u32 $0xFFFF0000, v20;
	v28 =	vmul.f32 v28, v24;
	v19 =	vmul.f32 v19, v26;
	v29 =	vld.idx.msk [tilespmem:v30+s18+$0x0], $0xffff  }
0x178: {  	v26 =	vmul.f32 v34, v26;
	v22 =	vmul.f32 v22, v24;
	v30 =	vld.idx.msk [tilespmem:v27+s18+$0x0], $0xffff  }
0x179: {  	v19 =	vadd.f32 v19, v28;
	v18 =	vmul.f32 v18, v23;
	v21 =	vmul.f32 v21, v25;
	v24 =	vld.idx.msk [tilespmem:v33+s18+$0x0], $0xffff  }
0x17a: {  	v20 =	vmul.f32 v20, v23;
	v22 =	vadd.f32 v22, v26;
	v25 =	vmul.f32 v40, v25;
	v28 =	vld.idx.msk [tilespmem:v14+s30+$0x0], $0xffff  }
0x17b: {  	v26 =	vmul.f32 v19, v5;
	v27 =	vmul.f32 v16, v6;
	v16 =	vadd.f32 v21, v18;
	v23 =	vld.idx.msk [tilespmem:v13+s30+$0x0], $0xffff  }
0x17c: {  	v18 =	vmul.f32 v17, v6;
	v17 =	vadd.f32 v20, v25;
	v33 =	vmul.f32 v22, v5;
	v19 =	vld.idx.msk [tilespmem:v37+s18+$0x0], $0xffff  }
0x17d: {  	v20 =	vshll.u32 v36, $0x10;
	v25 =	vand.u32 $0xFFFF0000, v36;
	v34 =	vshll.u32 v29, $0x10;
	v22 =	vld.idx.msk [tilespmem:v35+s18+$0x0], $0xffff;
	[tilespmem:v9+s12+$0x0] =	vst.idx.msk $0xffff, v26  }
0x17e: {  	v26 =	vand.u32 $0xFFFF0000, v29;
	v29 =	vshll.u32 v30, $0x10;
	v30 =	vand.u32 $0xFFFF0000, v30;
	v21 =	vld.idx.msk [tilespmem:v38+s18+$0x0], $0xffff;
	[tilespmem:v11+s12+$0x0] =	vst.idx.msk $0xffff, v33  }
.Ltmp1:
0x17f: {  	v25 =	vmul.f32 v25, v32;
	v33 =	vmul.f32 v20, v39;
	v35 =	vshll.u32 v24, $0x10;
	v20 =	vld.idx.msk [tilespmem:v31+s18+$0x0], $0xffff;
	(pc) =	sbr.rel @p1 .LBB2_6-.Ltmp1, $4  }
0x180: {  	v31 =	vmul.f32 v34, v32;
	v32 =	vmul.f32 v26, v39;
	v34 =	vand.u32 $0xFFFF0000, v24;
	v24 =	vld.idx.msk [tilespmem:v15+s29+$0x0], $0xffff  }
0x181: {  	v25 =	vadd.f32 v25, v33;
	v33 =	vmul.f32 v29, v28;
	v36 =	vmul.f32 v30, v23;
	v26 =	vld.idx.msk [tilespmem:v12+s29+$0x0], $0xffff  }
0x182: {  	v30 =	vadd.f32 v32, v31;
	v31 =	vmul.f32 v35, v23;
	v32 =	vmul.f32 v34, v28;
	v23 =	vld.idx.msk [tilespmem:v15+s30+$0x0], $0xffff  }
0x183: {  	s20 =	sadd.s32 $0x4, s20;
	v28 =	vshll.u32 v19, $0x10;
	v29 =	vmul.f32 v25, v5;
	v33 =	vadd.f32 v36, v33;
	v25 =	vld.idx.msk [tilespmem:v12+s30+$0x0], $0xffff  }
0x184: {  	_ =	sdelay $0x2  }
0x185: {  	v2 =	vadd.f32 v32, v31;
	v3 =	vmul.f32 v30, v5  }
0x186: {  	[tilespmem:v8+s13+$0x0] =	vst.idx.msk $0xffff, v27;
	v54 =	vand.u32 $0xFFFF0000, v19;
	v55 =	vshll.u32 v22, $0x10;
	v62 =	vmul.f32 v16, v6  }
0x187: {  	v56 =	vand.u32 $0xFFFF0000, v22;
	v63 =	vmul.f32 v17, v6;
	v53 =	vmul.f32 v33, v6;
	[tilespmem:v14+s12+$0x0] =	vst.idx.msk $0xffff, v29  }
0x188: {  	v58 =	vand.u32 $0xFFFF0000, v21;
	v57 =	vmul.f32 v28, v24;
	v22 =	vmul.f32 v56, v24;
	[tilespmem:v4+s13+$0x0] =	vst.idx.msk $0xffff, v18  }
0x189: {  	v2 =	vmul.f32 v2, v6;
	v8 =	vmul.f32 v54, v26;
	[tilespmem:v13+s12+$0x0] =	vst.idx.msk $0xffff, v3;
	v3 =	vshll.u32 v21, $0x10  }
0x18a: {  	v59 =	vshll.u32 v20, $0x10;
	v19 =	vmul.f32 v55, v26;
	[tilespmem:v14+s13+$0x0] =	vst.idx.msk $0xffff, v53;
	v3 =	vmul.f32 v3, v23  }
0x18b: {  	v8 =	vadd.f32 v8, v57;
	v14 =	vmul.f32 v58, v25;
	[tilespmem:v13+s13+$0x0] =	vst.idx.msk $0xffff, v2;
	v2 =	vand.u32 $0xFFFF0000, v20  }
0x18c: {  	v19 =	vadd.f32 v22, v19;
	v60 =	vmul.f32 v59, v25;
	v2 =	vmul.f32 v2, v23  }
0x18d: {  	[tilespmem:v9+s13+$0x0] =	vst.idx.msk $0xffff, v62;
	v8 =	vmul.f32 v8, v5;
	v3 =	vadd.f32 v14, v3  }
0x18e: {  	[tilespmem:v11+s13+$0x0] =	vst.idx.msk $0xffff, v63;
	v61 =	vmul.f32 v19, v5;
	v2 =	vadd.f32 v2, v60  }
0x18f: {  	s15 =	sadd.s32 $0x1, s15;
	[tilespmem:v15+s12+$0x0] =	vst.idx.msk $0xffff, v8;
	v3 =	vmul.f32 v3, v6  }
0x190: {  	p1 =	sne.s32 s15, $0x1F;
	[tilespmem:v12+s12+$0x0] =	vst.idx.msk $0xffff, v61;
	v2 =	vmul.f32 v2, v6  }
.Ltmp2:
0x191: {  	[tilespmem:v15+s13+$0x0] =	vst.idx.msk $0xffff, v3;
	(pc) =	sbr.rel @p1 .LBB2_3-.Ltmp2, $4  }
0x192: {  	[tilespmem:v12+s13+$0x0] =	vst.idx.msk $0xffff, v2  }
0x193: {  	[spmem:s2] =	stream.indirect_vreg.scatter.add.f32 [tilespmem:s12], [sflag:$0x7], $0x70, v7, vm0, $0xb8;
	[tilespmem:$0x1C030] =	vst v63  }
0x194: {  	_ = 	snop  }
0x195: {  	[spmem:s2] =	stream.indirect_vreg.scatter.add.f32 [tilespmem:s13], [sflag:$0x8], $0x70, v10, vm0, $0xb8;
	[tilespmem:$0x1C030] =	vst v63  }
0x196: {  	_ =	swait.ge [sflag:s14], $0x700  }
0x197: {  	[sflag:s14] =	ssyncset.done $0x0  }
0x198: {  	[sflag:s14] =	ssyncadd.s32 $0xFFFFF900  }
0x199: {  	_ =	swait.ge [sflag:s28], $0x700  }
0x19a: {  	[sflag:s28] =	ssyncset.done $0x0  }
0x19b: {  	[sflag:s28] =	ssyncadd.s32 $0xFFFFF900  }
0x19c: {  	s15 =	simm.s32 $0x6;
	v2 =	vld [tilespmem:$0x18050]  }
0x19d: {  	v4 =	vmov s15  }
0x19e: {  	s5 =	simm.s32 $0x2;
	v8 =	vand.u32 $0xF8, v4  }
0x19f: {  	s23 =	simm.s32 $0x0;
	v3 =	vmov s5;
	v4 =	vand.u32 $0x6, v4;
	v10 =	vadd.s32 v1, v8  }
0x1a0: {  	v7 =	vmov s23;
	v12 =	vor.u32 $0x1, v4;
	v13 =	vor.u32 v4, v10  }
0x1a1: {  	s20 =	simm.s32 $0x4;
	v11 =	vand.u32 $0x78, v7;
	v17 =	vor.u32 v12, v10;
	v2 =	vmul.u32 $0x70, v2  }
0x1a2: {  	v6 =	vmov s20;
	v7 =	vand.u32 $0x6, v7;
	v28 =	vadd.s32 v1, v11  }
0x1a3: {  	v8 =	vadd.s32 v2, v8;
	v10 =	vadd.s32 v2, v11;
	v11 =	vor.u32 v7, v28  }
0x1a4: {  	s1 =	simm.s32 $0x8;
	v9 =	vand.u32 $0xF8, v3;
	v15 =	vand.u32 $0x6, v3;
	v3 =	vld [tilespmem:$0x17880];
	v14 =	vor.u32 v4, v8  }
0x1a5: {  	v5 =	vmov s1;
	v16 =	vand.u32 $0xF8, v6;
	v21 =	vld.idx.msk [tilespmem:v13+s24+$0x0], $0xffff;
	v8 =	vor.u32 v12, v8  }
0x1a6: {  	v6 =	vand.u32 $0x6, v6;
	v18 =	vor.u32 $0x1, v7;
	v30 =	vld.idx.msk [tilespmem:v17+s24+$0x0], $0xffff;
	v19 =	vor.u32 v7, v10  }
0x1a7: {  	v20 =	vand.u32 $0x6, v5;
	v25 =	vadd.s32 v2, v16;
	v4 =	vld [tilespmem:$0x18820];
	v10 =	vor.u32 v18, v10  }
0x1a8: {  	v12 =	vand.u32 $0xF8, v5;
	v5 =	vadd.s32 v2, v9;
	v29 =	vor.u32 v6, v25;
	v51 =	vld.idx.msk [tilespmem:v11+s24+$0x0], $0xffff  }
0x1a9: {  	v22 =	vor.u32 $0x1, v15;
	v24 =	vor.u32 v15, v5;
	v14 =	vld.idx.msk [tilespmem:v14+s18+$0x0], $0xffff  }
0x1aa: {  	v23 =	vor.u32 $0x1, v6;
	v26 =	vor.u32 $0x1, v20;
	v27 =	vor.u32 v22, v5;
	v8 =	vld.idx.msk [tilespmem:v8+s18+$0x0], $0xffff  }
0x1ab: {  	v16 =	vadd.s32 v1, v16;
	v25 =	vor.u32 v23, v25;
	v9 =	vadd.s32 v1, v9;
	v19 =	vld.idx.msk [tilespmem:v19+s18+$0x0], $0xffff  }
0x1ac: {  	v5 =	vadd.s32 v2, v12;
	v32 =	vadd.s32 v1, v12;
	v12 =	vor.u32 v18, v28;
	v33 =	vld.idx.msk [tilespmem:v10+s18+$0x0], $0xffff  }
0x1ad: {  	v7 =	vor.u32 v6, v16;
	v10 =	vor.u32 v15, v9;
	v9 =	vor.u32 v22, v9;
	v22 =	vld.idx.msk [tilespmem:v29+s18+$0x0], $0xffff  }
0x1ae: {  	v31 =	vor.u32 v20, v5;
	v34 =	vor.u32 v26, v5;
	v5 =	vor.u32 v23, v16;
	v15 =	vld.idx.msk [tilespmem:v24+s18+$0x0], $0xffff  }
0x1af: {  	v16 =	vld.idx.msk [tilespmem:v27+s18+$0x0], $0xffff;
	v6 =	vshll.u32 v14, $0x10;
	v14 =	vand.u32 $0xFFFF0000, v14;
	v18 =	vshll.u32 v8, $0x10  }
0x1b0: {  	v25 =	vld.idx.msk [tilespmem:v25+s18+$0x0], $0xffff;
	v23 =	vand.u32 $0xFFFF0000, v8;
	v8 =	vor.u32 v20, v32;
	v49 =	vmul.f32 v6, v21  }
0x1b1: {  	v54 =	vld.idx.msk [tilespmem:v12+s24+$0x0], $0xffff;
	v52 =	vand.u32 $0xFFFF0000, v33;
	v14 =	vmul.f32 v14, v30;
	v18 =	vmul.f32 v18, v30  }
0x1b2: {  	v57 =	vld.idx.msk [tilespmem:v7+s24+$0x0], $0xffff;
	v20 =	vmul.f32 v23, v21;
	v6 =	vor.u32 v26, v32;
	v23 =	vshll.u32 v19, $0x10  }
0x1b3: {  	v50 =	vld.idx.msk [tilespmem:v34+s18+$0x0], $0xffff;
	v19 =	vand.u32 $0xFFFF0000, v19;
	v53 =	vshll.u32 v15, $0x10;
	v14 =	vadd.f32 v14, v49  }
0x1b4: {  	v56 =	vld.idx.msk [tilespmem:v10+s24+$0x0], $0xffff;
	v15 =	vand.u32 $0xFFFF0000, v15;
	v55 =	vshll.u32 v16, $0x10;
	v26 =	vmul.f32 v52, v51  }
0x1b5: {  	v21 =	vld.idx.msk [tilespmem:v31+s18+$0x0], $0xffff;
	v16 =	vand.u32 $0xFFFF0000, v16;
	v23 =	vmul.f32 v23, v51;
	v14 =	vmul.f32 v14, v4  }
0x1b6: {  	v59 =	vld.idx.msk [tilespmem:v5+s24+$0x0], $0xffff;
	v19 =	vmul.f32 v19, v54;
	v18 =	vadd.f32 v20, v18;
	v20 =	vshll.u32 v33, $0x10  }
0x1b7: {  	v20 =	vmul.f32 v20, v54;
	[tilespmem:v13+s31+$0x0] =	vst.idx.msk $0xffff, v14;
	v13 =	vshll.u32 v22, $0x10;
	v14 =	vand.u32 $0xFFFF0000, v22;
	v22 =	vld.idx.msk [tilespmem:v9+s24+$0x0], $0xffff  }
0x1b8: {  	v60 =	vshll.u32 v50, $0x10;
	v24 =	vand.u32 $0xFFFF0000, v50;
	v23 =	vadd.f32 v19, v23;
	v61 =	vld.idx.msk [tilespmem:v8+s24+$0x0], $0xffff  }
0x1b9: {  	v18 =	vmul.f32 v18, v4;
	v28 =	vmul.f32 v53, v56;
	v62 =	vld.idx.msk [tilespmem:v6+s24+$0x0], $0xffff;
	v20 =	vadd.f32 v26, v20  }
0x1ba: {  	v31 =	vmul.f32 v16, v56;
	v58 =	vshll.u32 v21, $0x10;
	v13 =	vmul.f32 v13, v57  }
0x1bb: {  	[tilespmem:v17+s31+$0x0] =	vst.idx.msk $0xffff, v18;
	v18 =	vand.u32 $0xFFFF0000, v25;
	v14 =	vmul.f32 v14, v59;
	v20 =	vmul.f32 v20, v4  }
0x1bc: {  	v17 =	vshll.u32 v25, $0x10;
	v25 =	vmul.f32 v18, v57;
	v15 =	vmul.f32 v15, v22  }
0x1bd: {  	v21 =	vand.u32 $0xFFFF0000, v21;
	v63 =	vmul.f32 v17, v59;
	v19 =	vmul.f32 v55, v22  }
0x1be: {  	v17 =	vmul.f32 v58, v61;
	v21 =	vmul.f32 v21, v62;
	v16 =	vadd.f32 v15, v28  }
0x1bf: {  	v18 =	vadd.f32 v31, v19;
	v15 =	vmul.f32 v24, v61;
	v19 =	vmul.f32 v60, v62  }
0x1c0: {  	s1 =	simm.s32 $0x0;
	s15 =	simm.s32 $0x12;
	v13 =	vadd.f32 v14, v13;
	v14 =	vadd.f32 v25, v63;
	v22 =	vmul.f32 v23, v4  }
.LBB2_9:
0x1c1: {  	s5 =	sadd.s32 $0xFFFFFFFA, s15;
	s20 =	sadd.s32 $0xFFFFFFFC, s15;
	s21 =	sadd.s32 $0xFFFFFFFE, s15;
	v23 =	vmov s15;
	v17 =	vadd.f32 v21, v17;
	v15 =	vadd.f32 v15, v19  }
0x1c2: {  	s22 =	sadd.s32 $0xFFFFFFF8, s15;
	v19 =	vmov s5;
	v21 =	vmov s20;
	v24 =	vmov s21;
	[tilespmem:v11+s31+$0x0] =	vst.idx.msk $0xffff, v22  }
0x1c3: {  	v11 =	vmov s22;
	v22 =	vand.u32 $0xF8, v19;
	v25 =	vand.u32 $0xF8, v24;
	[tilespmem:v12+s31+$0x0] =	vst.idx.msk $0xffff, v20  }
0x1c4: {  	s1 =	sadd.s32 $0x5, s1;
	v12 =	vand.u32 $0x78, v11;
	v20 =	vand.u32 $0x6, v24;
	v24 =	vadd.s32 v1, v25  }
0x1c5: {  	p1 =	slt.u32 s1, $0x2D;
	v11 =	vand.u32 $0x6, v11;
	v25 =	vadd.s32 v2, v25;
	v26 =	vor.u32 v20, v24  }
0x1c6: {  	v19 =	vand.u32 $0x6, v19;
	v27 =	vor.u32 $0x1, v20;
	v20 =	vor.u32 v20, v25  }
0x1c7: {  	v28 =	vand.u32 $0xF8, v21;
	v21 =	vand.u32 $0x6, v21;
	v25 =	vor.u32 v27, v25  }
0x1c8: {  	v24 =	vor.u32 v27, v24;
	v27 =	vand.u32 $0xF8, v23;
	v23 =	vand.u32 $0x6, v23  }
0x1c9: {  	v29 =	vor.u32 $0x1, v11;
	v30 =	vadd.s32 v2, v12;
	v31 =	vor.u32 $0x1, v19  }
0x1ca: {  	v32 =	vadd.s32 v2, v22;
	v33 =	vor.u32 $0x1, v21;
	v34 =	vadd.s32 v2, v28;
	v35 =	vld.idx.msk [tilespmem:v26+s24+$0x0], $0xffff  }
0x1cb: {  	v36 =	vor.u32 v11, v30;
	v37 =	vor.u32 $0x1, v23;
	v38 =	vadd.s32 v2, v27;
	v20 =	vld.idx.msk [tilespmem:v20+s18+$0x0], $0xffff  }
0x1cc: {  	v30 =	vor.u32 v29, v30;
	v39 =	vor.u32 v19, v32;
	v32 =	vor.u32 v31, v32;
	v25 =	vld.idx.msk [tilespmem:v25+s18+$0x0], $0xffff  }
0x1cd: {  	v12 =	vadd.s32 v1, v12;
	v40 =	vor.u32 v21, v34;
	v34 =	vor.u32 v33, v34;
	v41 =	vld.idx.msk [tilespmem:v24+s24+$0x0], $0xffff  }
0x1ce: {  	v22 =	vadd.s32 v1, v22;
	v28 =	vadd.s32 v1, v28;
	v42 =	vor.u32 v23, v38  }
0x1cf: {  	v11 =	vor.u32 v11, v12;
	v27 =	vadd.s32 v1, v27;
	v38 =	vor.u32 v37, v38  }
0x1d0: {  	v12 =	vor.u32 v29, v12;
	v19 =	vor.u32 v19, v22;
	v22 =	vor.u32 v31, v22;
	v29 =	vld.idx.msk [tilespmem:v36+s18+$0x0], $0xffff  }
0x1d1: {  	v21 =	vor.u32 v21, v28;
	v28 =	vor.u32 v33, v28;
	v23 =	vor.u32 v23, v27;
	v30 =	vld.idx.msk [tilespmem:v30+s18+$0x0], $0xffff  }
0x1d2: {  	v33 =	vshll.u32 v20, $0x10;
	v20 =	vand.u32 $0xFFFF0000, v20;
	v36 =	vshll.u32 v25, $0x10;
	v31 =	vld.idx.msk [tilespmem:v39+s18+$0x0], $0xffff  }
0x1d3: {  	v25 =	vand.u32 $0xFFFF0000, v25;
	v33 =	vmul.f32 v33, v35;
	v20 =	vmul.f32 v20, v41;
	v32 =	vld.idx.msk [tilespmem:v32+s18+$0x0], $0xffff  }
0x1d4: {  	v27 =	vor.u32 v37, v27;
	v36 =	vmul.f32 v36, v41;
	v25 =	vmul.f32 v25, v35;
	v39 =	vld.idx.msk [tilespmem:v40+s18+$0x0], $0xffff  }
0x1d5: {  	v16 =	vmul.f32 v16, v4;
	v18 =	vmul.f32 v18, v4;
	v20 =	vadd.f32 v20, v33;
	v34 =	vld.idx.msk [tilespmem:v34+s18+$0x0], $0xffff  }
0x1d6: {  	v25 =	vadd.f32 v25, v36;
	v33 =	vshll.u32 v29, $0x10;
	v29 =	vand.u32 $0xFFFF0000, v29;
	v35 =	vld.idx.msk [tilespmem:v42+s18+$0x0], $0xffff  }
0x1d7: {  	v36 =	vshll.u32 v30, $0x10;
	v30 =	vand.u32 $0xFFFF0000, v30;
	v20 =	vmul.f32 v20, v4;
	v37 =	vld.idx.msk [tilespmem:v38+s18+$0x0], $0xffff;
	[tilespmem:v10+s31+$0x0] =	vst.idx.msk $0xffff, v16  }
0x1d8: {  	v38 =	vshll.u32 v31, $0x10;
	v31 =	vand.u32 $0xFFFF0000, v31;
	v10 =	vmul.f32 v25, v4;
	v16 =	vld.idx.msk [tilespmem:v11+s24+$0x0], $0xffff;
	[tilespmem:v9+s31+$0x0] =	vst.idx.msk $0xffff, v18  }
0x1d9: {  	v25 =	vshll.u32 v32, $0x10;
	v32 =	vand.u32 $0xFFFF0000, v32;
	v9 =	vmul.f32 v13, v4;
	v18 =	vld.idx.msk [tilespmem:v12+s24+$0x0], $0xffff;
	[tilespmem:v26+s31+$0x0] =	vst.idx.msk $0xffff, v20  }
0x1da: {  	v41 =	vmul.f32 v14, v4;
	v20 =	vshll.u32 v39, $0x10;
	v26 =	vand.u32 $0xFFFF0000, v39;
	v13 =	vld.idx.msk [tilespmem:v19+s24+$0x0], $0xffff;
	[tilespmem:v24+s31+$0x0] =	vst.idx.msk $0xffff, v10  }
0x1db: {  	v24 =	vshll.u32 v34, $0x10;
	v34 =	vand.u32 $0xFFFF0000, v34;
	v14 =	vld.idx.msk [tilespmem:v22+s24+$0x0], $0xffff;
	[tilespmem:v7+s31+$0x0] =	vst.idx.msk $0xffff, v9;
	v7 =	vmul.f32 v17, v4  }
0x1dc: {  	v39 =	vshll.u32 v35, $0x10;
	v35 =	vand.u32 $0xFFFF0000, v35;
	v17 =	vld.idx.msk [tilespmem:v21+s24+$0x0], $0xffff;
	[tilespmem:v5+s31+$0x0] =	vst.idx.msk $0xffff, v41;
	v41 =	vmul.f32 v15, v4  }
0x1dd: {  	v10 =	vmovc v19;
	v40 =	vshll.u32 v37, $0x10;
	v37 =	vand.u32 $0xFFFF0000, v37;
	v9 =	vmov v22;
	v15 =	vld.idx.msk [tilespmem:v28+s24+$0x0], $0xffff;
	[tilespmem:v8+s31+$0x0] =	vst.idx.msk $0xffff, v7  }
0x1de: {  	v19 =	vmul.f32 v33, v16;
	v16 =	vmul.f32 v30, v16;
	v22 =	vld.idx.msk [tilespmem:v23+s24+$0x0], $0xffff;
	[tilespmem:v6+s31+$0x0] =	vst.idx.msk $0xffff, v41  }
0x1df: {  	v5 =	vmovc v28;
	v29 =	vmul.f32 v29, v18;
	v18 =	vmul.f32 v36, v18;
	v30 =	vld.idx.msk [tilespmem:v27+s24+$0x0], $0xffff;
	v7 =	vmov v21  }
0x1e0: {  	v8 =	vmovc v23;
	v6 =	vmov v27;
	v21 =	vmul.f32 v38, v13;
	v13 =	vmul.f32 v32, v13  }
0x1e1: {  	v23 =	vadd.f32 v29, v19;
	v19 =	vmul.f32 v31, v14;
	v14 =	vmul.f32 v25, v14  }
.Ltmp3:
0x1e2: {  	v25 =	vadd.f32 v16, v18;
	v20 =	vmul.f32 v20, v17;
	v27 =	vmul.f32 v34, v17;
	(pc) =	sbr.rel @p1 .LBB2_9-.Ltmp3, $4  }
0x1e3: {  	v16 =	vadd.f32 v19, v21;
	v19 =	vmul.f32 v26, v15;
	v24 =	vmul.f32 v24, v15  }
0x1e4: {  	v18 =	vadd.f32 v13, v14;
	v17 =	vmul.f32 v39, v22;
	v15 =	vmul.f32 v37, v22  }
0x1e5: {  	v13 =	vadd.f32 v19, v20;
	v21 =	vmul.f32 v35, v30;
	v19 =	vmul.f32 v40, v30  }
0x1e6: {  	s15 =	sadd.s32 $0xA, s15;
	v22 =	vmul.f32 v23, v4;
	v20 =	vmul.f32 v25, v4;
	v14 =	vadd.f32 v27, v24  }
0x1e7: {  	_ =	sdelay $0x3  }
0x1e8: {  	v2 =	vmul.f32 v16, v4;
	[tilespmem:v11+s31+$0x0] =	vst.idx.msk $0xffff, v22  }
0x1e9: {  	v59 =	vmul.f32 v18, v4;
	[tilespmem:v12+s31+$0x0] =	vst.idx.msk $0xffff, v20  }
0x1ea: {  	v60 =	vadd.f32 v21, v17;
	[tilespmem:v10+s31+$0x0] =	vst.idx.msk $0xffff, v2;
	v2 =	vmul.f32 v13, v4  }
0x1eb: {  	v61 =	vadd.f32 v15, v19;
	v62 =	vmul.f32 v14, v4;
	[tilespmem:v9+s31+$0x0] =	vst.idx.msk $0xffff, v59  }
0x1ec: {  	[tilespmem:v7+s31+$0x0] =	vst.idx.msk $0xffff, v2;
	v2 =	vmul.f32 v60, v4  }
0x1ed: {  	v63 =	vmul.f32 v61, v4;
	[tilespmem:v5+s31+$0x0] =	vst.idx.msk $0xffff, v62  }
0x1ee: {  	[tilespmem:v8+s31+$0x0] =	vst.idx.msk $0xffff, v2  }
0x1ef: {  	[tilespmem:v6+s31+$0x0] =	vst.idx.msk $0xffff, v63  }
0x1f0: {  	[spmem:s2] =	stream.indirect_vreg.scatter.add.f32 [tilespmem:s31], [sflag:$0x5], $0x70, v3, vm0, $0xb8;
	[tilespmem:$0x1C030] =	vst v63  }
0x1f1: {  	_ =	swait.ge [sflag:s14], $0x700  }
0x1f2: {  	[sflag:s14] =	ssyncset.done $0x0  }
0x1f3: {  	[sflag:s14] =	ssyncadd.s32 $0xFFFFF900  }
0x1f4: {  	_ =	swait.ge [sflag:s17], $0x700  }
0x1f5: {  	[sflag:s17] =	ssyncset.done $0x0  }
0x1f6: {  	s16 =	sadd.s32 $0x1, s16;
	[sflag:s17] =	ssyncadd.s32 $0xFFFFF900  }
0x1f7: {  	p1 =	sne.s32 s16, $0x5;
	_ =	swait.ge [sflag:s25], $0x700  }
.Ltmp4:
0x1f8: {  	[sflag:s25] =	ssyncset.done $0x0;
	(pc) =	sbr.rel @p1 .LBB2_2-.Ltmp4, $4  }
0x1f9: {  	[sflag:s25] =	ssyncadd.s32 $0xFFFFF900  }
0x1fa: {  	_ =	swait.ge [sflag:s8], $0x700  }
0x1fb: {  	[sflag:s8] =	ssyncset.done $0x0  }
0x1fc: {  	[sflag:s8] =	ssyncadd.s32 $0xFFFFF900  }
0x1fd: {  	[bflag:$0x0] =	sbarrier.arrive $0xFFFF  }
0x1fe: {  	s5 =	rddreg [dreg:$0x8]  }
0x1ff: {  	s1 =	simm.s32 @p0 $0x1FC9;
	s15 =	rddreg [dreg:$0xa]  }
0x200: {  	[hbm:s5], [sflag:s1] =	dma.local @p0 [spmem:s15], $0x1C70  }
0x201: {  	s1 =	simm.s32 @p0 $0x9  }
0x202: {  	_ =	swait.ge @p0 [sflag:s1], $0x1C70  }
0x203: {  	s16 =	rddreg [dreg:$0xb]  }
0x204: {  	[sflag:s1] =	ssyncset.done @p0 $0x0;
	s5 =	rddreg [dreg:$0xd]  }
0x205: {  	[sflag:s1] =	ssyncadd.s32 @p0 $0xFFFFE390;
	s1 =	rddreg [dreg:$0x7]  }
0x206: {  	[hbm:s1], [sflag:s16] =	dma.local @!p0 [spmem:s5], $0x2290  }
0x207: {  	s1 =	simm.s32 @!p0 $0x9  }
0x208: {  	_ =	swait.ge @!p0 [sflag:s1], $0x2290  }
0x209: {  	s20 =	rddreg [dreg:$0xe]  }
0x20a: {  	s23 =	rddreg [dreg:$0x9];
	s20 =	sadd.s32 $0x1, s20  }
0x20b: {  	p1 =	sne.s32 s20, s23  }
.Ltmp5:
0x20c: {  	_ = 	snop;
	(pc) =	sbr.rel @p1 .LBB2_1-.Ltmp5, $3  }
0x20d: {  	_ =	sdelay $0x1  }
0x20e: {  	[sflag:s1] =	ssyncset.done @!p0 $0x0  }
0x20f: {  	[sflag:s1] =	ssyncadd.s32 @!p0 $0xFFFFDD70  }
0x210: {  	_ =	sfence.sel $0x180000  }
0x211: {  	[bflag:$0x0] =	sbarrier.arrive $0xFFFF  }
0x212: {  	_ =	strace $0x90000047  }
0x213: {  	s0 =	stileid.u32;
	[bflag:$0x2] =	sbarrier.arrive $0xFFFF  }
0x214: {  	p0 =	sne.s32 s0, $0x0;
	s0 =	rddreg [dreg:$0x3]  }
0x215: {  	s0 =	sadd.s32 @!p0 $0x100000, s0  }
0x216: {  	[sflag:s0] =	ssyncadd.tile.s32 @!p0 $0x1;
	_ =	shalt  }
.Lfunc_end2:
_tile_overlayer_lowered:
.L_overlay_start_2:
0x217: {  	(tag) =	ssettag $0x2  }
0x218: {  	s0 =	rddreg [dreg:$0x0];
	s2 =	stileid.u32  }
0x219: {  	s1 =	rddreg [dreg:$0x1];
	p0 =	sne.s32 s2, $0x0  }
0x21a: {  	s3 =	rddreg [dreg:$0x2];
	[bflag:$0x3] =	sbarrier.arrive $0xFFFF;
	s2 =	simm.s32 @!p0 $0x1C09  }
0x21b: {  	[timem:s3], [sflag:s2] =	dma.local @!p0 [hbm:s0], s1  }
0x21c: {  	s0 =	simm.s32 @!p0 $0x9  }
0x21d: {  	_ =	swait.ge @!p0 [sflag:s0], s1  }
0x21e: {  	s1 =	ssub.s32 @!p0 $0x0, s1;
	[sflag:s0] =	ssyncset.done @!p0 $0x0  }
0x21f: {  	[sflag:s0] =	ssyncadd.s32 @!p0 s1  }
0x220: {  	[bflag:$0x3] =	sbarrier.arrive $0xFFFF  }
0x221: {  	_ =	shalt  }

</sc_bundles>
